<compile_context>
chip_gen: v7x
topology: tpu7x:2x2x1
jax: 0.10.2.dev20260603
libtpu: 0.0.44.dev20260713+nightly
codegen_flags: <defaults>
</compile_context>

<pallas_src>
import functools

import jax
import jax.numpy as jnp
from jax import lax
from jax.experimental import pallas as pl
from jax.experimental.pallas import tpu as pltpu
from jax.experimental.pallas import tpu_sc as plsc

F32 = jnp.float32
BF16 = jnp.bfloat16

NC, NS = 2, 16
NW = NC * NS
DN = 16
G = 8


def _sc_mesh():
    return plsc.VectorSubcoreMesh(core_axis_name="c", subcore_axis_name="s",
                                  num_cores=NC, num_subcores=NS)


def _gather_rows(table, idx, chunk=5000):
    M = idx.shape[0]
    b_w = M // NW
    n_chunks = b_w // chunk

    @functools.partial(
        pl.kernel,
        out_type=jax.ShapeDtypeStruct((M, DN), F32),
        mesh=_sc_mesh(),
        scratch_types=[pltpu.VMEM((chunk,), jnp.int32),
                       pltpu.VMEM((chunk, DN), F32),
                       pltpu.SemaphoreType.DMA],
        compiler_params=pltpu.CompilerParams(use_tc_tiling_on_sc=False),
    )
    def k(table_hbm, idx_hbm, out_hbm, idx_v, rows_v, sem):
        wid = lax.axis_index("c") * NS + lax.axis_index("s")
        base = wid * b_w

        def body(i, carry):
            off = base + i * chunk
            pltpu.sync_copy(idx_hbm.at[pl.ds(off, chunk)], idx_v)
            pltpu.async_copy(table_hbm.at[idx_v], rows_v, sem).wait()
            pltpu.sync_copy(rows_v, out_hbm.at[pl.ds(off, chunk)])
            return carry

        lax.fori_loop(0, n_chunks, body, 0)

    return k(table, idx)


def _segment_sum(e, dst, n_pad, chunk=1000):
    M = e.shape[0]
    b_w = M // NW
    n_chunks = b_w // chunk
    rpt = n_pad // NS
    zeros = jnp.zeros((rpt, DN), F32)

    @functools.partial(
        pl.kernel,
        out_type=jax.ShapeDtypeStruct((NC * n_pad, DN), F32),
        mesh=_sc_mesh(),
        scratch_types=[pltpu.VMEM((chunk,), jnp.int32),
                       pltpu.VMEM((chunk, DN), F32),
                       pltpu.VMEM_SHARED((n_pad, DN), F32),
                       pltpu.SemaphoreType.DMA],
        compiler_params=pltpu.CompilerParams(use_tc_tiling_on_sc=False),
    )
    def k(e_hbm, dst_hbm, z_hbm, out_hbm, idx_v, rows_v, acc_sh, sem):
        c = lax.axis_index("c")
        s = lax.axis_index("s")
        pltpu.sync_copy(z_hbm, acc_sh.at[pl.ds(s * rpt, rpt)])
        plsc.subcore_barrier()
        base = (c * NS + s) * b_w

        def body(i, carry):
            off = base + i * chunk
            pltpu.sync_copy(dst_hbm.at[pl.ds(off, chunk)], idx_v)
            pltpu.sync_copy(e_hbm.at[pl.ds(off, chunk)], rows_v)
            pltpu.sync_copy(rows_v, acc_sh.at[idx_v], add=True)
            return carry

        lax.fori_loop(0, n_chunks, body, 0)
        plsc.subcore_barrier()
        pltpu.sync_copy(acc_sh.at[pl.ds(s * rpt, rpt)],
                        out_hbm.at[pl.ds(c * n_pad + s * rpt, rpt)])

    return k(e, dst, zeros)


BRP = 2000


def _edge_mlp(mp, pieces, b1, hidden, out_wt, out_b, final=None,
              narrow=False):
    grid = mp // BRP
    in_specs = []
    operands = []
    for arr, off, _ in pieces:
        in_specs.append(pl.BlockSpec((BRP, 128), lambda i, o=off: (i + o, 0)))
        operands.append(arr)

    def whole(a):
        in_specs.append(pl.BlockSpec(a.shape, lambda i: (0, 0)))
        operands.append(a)

    for _, _, w in pieces:
        whole(w)
    whole(b1)
    for w, b in hidden:
        whole(w)
        whole(b)
    whole(out_wt)
    whole(out_b)

    n_p = len(pieces)
    n_h = len(hidden)

    def body(*refs):
        xs = refs[:n_p]
        wps = refs[n_p:2 * n_p]
        k = 2 * n_p
        b1r = refs[k]
        k += 1
        hs = []
        for _ in range(n_h):
            hs.append((refs[k], refs[k + 1]))
            k += 2
        owr, obr = refs[k], refs[k + 1]
        out_refs = refs[k + 2:]
        acc = None
        for xr, wr in zip(xs, wps):
            t = jnp.dot(xr[...].astype(BF16), wr[...],
                        preferred_element_type=F32)
            acc = t if acc is None else acc + t
        h = jnp.maximum(acc + b1r[...], 0.0)
        for wr2, br2 in hs:
            h = jnp.maximum(
                jnp.dot(h.astype(BF16), wr2[...],
                        preferred_element_type=F32) + br2[...], 0.0)
        o = jnp.dot(h.astype(BF16), owr[...],
                    preferred_element_type=F32) + obr[...]
        if final == "sigmoid":
            o = jax.nn.sigmoid(o)
        out_refs[0][...] = o
        if narrow:
            out_refs[1][...] = jnp.concatenate(
                [o[:, DN * j:DN * j + 1] for j in range(G)], axis=1)

    out_specs = [pl.BlockSpec((BRP, 128), lambda i: (i, 0))]
    out_shape = [jax.ShapeDtypeStruct((mp, 128), F32)]
    if narrow:
        out_specs.append(pl.BlockSpec((BRP, G), lambda i: (i, 0)))
        out_shape.append(jax.ShapeDtypeStruct((mp, G), F32))

    res = pl.pallas_call(
        body,
        grid=(grid,),
        in_specs=in_specs,
        out_specs=out_specs,
        out_shape=out_shape,
    )(*operands)
    return res if narrow else res[0]



def _fused_mid(mp, gp0, gp1, e1, eap, sets):
    grid = mp // BRP
    OB = mp // BRP

    arrays = [gp1, gp1, e1, eap, gp0, gp0]
    offs = [0, OB, 0, 0, 0, OB]
    in_specs = [pl.BlockSpec((BRP, 128), lambda i, o=o: (i + o, 0))
                for o in offs]
    operands = list(arrays)

    flat_w = []

    def whole(a):
        in_specs.append(pl.BlockSpec(a.shape, lambda i: (0, 0)))
        operands.append(a)
        flat_w.append(a)

    layout = []
    for name in ("w2", "wh", "c1"):
        st = sets[name]
        start = len(flat_w)
        for wp in st["wps"]:
            whole(wp)
        whole(st["b1"])
        for w, b in st["hidden"]:
            whole(w)
            whole(b)
        whole(st["out"][0])
        whole(st["out"][1])
        layout.append((start, len(st["wps"]), len(st["hidden"])))

    def chain(refs, xbfs, lay, final=None):
        start, npc, nh = lay
        k = 6 + start
        acc = None
        for j in range(npc):
            t = jnp.dot(xbfs[j], refs[k + j][...],
                        preferred_element_type=F32)
            acc = t if acc is None else acc + t
        k += npc
        h = jnp.maximum(acc + refs[k][...], 0.0)
        k += 1
        for _ in range(nh):
            h = jnp.maximum(
                jnp.dot(h.astype(BF16), refs[k][...],
                        preferred_element_type=F32) + refs[k + 1][...], 0.0)
            k += 2
        o = jnp.dot(h.astype(BF16), refs[k][...],
                    preferred_element_type=F32) + refs[k + 1][...]
        if final == "sigmoid":
            o = jax.nn.sigmoid(o)
        return o

    def body(*refs):
        out_ec1, out_ewn = refs[-2], refs[-1]
        g1a = refs[0][...].astype(BF16)
        g1b = refs[1][...].astype(BF16)
        e1v = refs[2][...].astype(BF16)
        eav = refs[3][...].astype(BF16)
        g0a = refs[4][...].astype(BF16)
        g0b = refs[5][...].astype(BF16)
        e2 = chain(refs, [g1a, g1b, e1v], layout[0]).astype(BF16)
        ew = chain(refs, [eav, e1v, e2], layout[1], final="sigmoid")
        ec1 = chain(refs, [g0a, g0b, ew.astype(BF16), eav, e1v, e2],
                    layout[2])
        out_ec1[...] = ec1
        out_ewn[...] = jnp.concatenate(
            [ew[:, DN * j:DN * j + 1] for j in range(G)], axis=1)

    return pl.pallas_call(
        body,
        grid=(grid,),
        in_specs=in_specs,
        out_specs=[pl.BlockSpec((BRP, 128), lambda i: (i, 0)),
                   pl.BlockSpec((BRP, G), lambda i: (i, 0))],
        out_shape=[jax.ShapeDtypeStruct((mp, 128), F32),
                   jax.ShapeDtypeStruct((mp, G), F32)],
    )(*operands)


def _node_mlp(n_out, br, pieces, b1, hidden, out_wt, out_b, final=None):
    grid = n_out // br
    in_specs = []
    operands = []
    for arr, blk_off, _ in pieces:
        in_specs.append(pl.BlockSpec((br, arr.shape[1]),
                                     lambda i, o=blk_off: (i + o, 0)))
        operands.append(arr)

    def whole(a):
        in_specs.append(pl.BlockSpec(a.shape, lambda i: (0, 0)))
        operands.append(a)

    for _, _, wp in pieces:
        whole(wp)
    whole(b1)
    for w, b in hidden:
        whole(w)
        whole(b)
    whole(out_wt)
    whole(out_b)

    n_p = len(pieces)
    n_h = len(hidden)
    out_width = out_wt.shape[1]

    def body(*refs):
        xs = refs[:n_p]
        wps = refs[n_p:2 * n_p]
        k = 2 * n_p
        b1r = refs[k]
        k += 1
        hs = []
        for _ in range(n_h):
            hs.append((refs[k], refs[k + 1]))
            k += 2
        owr, obr = refs[k], refs[k + 1]
        out_ref = refs[k + 2]
        acc = None
        for xr, wr in zip(xs, wps):
            t = jnp.dot(xr[...].astype(BF16), wr[...],
                        preferred_element_type=F32)
            acc = t if acc is None else acc + t
        h = jnp.maximum(acc + b1r[...], 0.0)
        for wr2, br2 in hs:
            h = jnp.maximum(
                jnp.dot(h.astype(BF16), wr2[...],
                        preferred_element_type=F32) + br2[...], 0.0)
        o = jnp.dot(h.astype(BF16), owr[...],
                    preferred_element_type=F32) + obr[...]
        if final == "sigmoid":
            o = jax.nn.sigmoid(o)
        out_ref[...] = o

    return pl.pallas_call(
        body,
        grid=(grid,),
        in_specs=in_specs,
        out_specs=pl.BlockSpec((br, out_width), lambda i: (i, 0)),
        out_shape=jax.ShapeDtypeStruct((n_out, out_width), F32),
    )(*operands)


def _repack_ea(ea, n_edges):
    mp = n_edges // G
    grid = mp // BRP
    gblk = mp // BRP

    def body(*refs):
        out_ref = refs[G]
        z = jnp.zeros((BRP, DN - 4), F32)
        out_ref[...] = jnp.concatenate(
            [jnp.concatenate([refs[g][...], z], axis=1) for g in range(G)],
            axis=1)

    return pl.pallas_call(
        body,
        grid=(grid,),
        in_specs=[pl.BlockSpec((BRP, 4), lambda i, g=g: (i + g * gblk, 0))
                  for g in range(G)],
        out_specs=pl.BlockSpec((BRP, 128), lambda i: (i, 0)),
        out_shape=jax.ShapeDtypeStruct((mp, 128), F32),
    )(*([ea] * G))


def _pad_rows(wt, rows):
    return jnp.pad(wt, ((0, rows - wt.shape[0]), (0, 0)))


def _pad_cols(wt, cols):
    return jnp.pad(wt, ((0, 0), (0, cols - wt.shape[1])))


def _bd(w):
    return jnp.kron(jnp.eye(G, dtype=w.dtype), w)


def kernel(x, edge_index, edge_attr, params):
    n_nodes = x.shape[0]
    n_edges = edge_index.shape[1]
    n_pad = ((n_nodes + NS * 8 - 1) // (NS * 8)) * (NS * 8)
    me = n_edges // G
    mg = 2 * n_edges // G
    OB = (n_edges // G) // BRP

    dst = edge_index[1].astype(jnp.int32)
    src = edge_index[0].astype(jnp.int32)
    idx_cat = jnp.concatenate([dst, src])
    idx_p = jnp.transpose(idx_cat.reshape(G, mg)).reshape(2 * n_edges)
    dst_p = jnp.transpose(dst.reshape(G, n_edges // G)).reshape(n_edges)

    xp = jnp.zeros((n_pad, DN), F32).at[:n_nodes, :3].set(x)
    eap = _repack_ea(edge_attr.astype(F32), n_edges)

    BR_N = n_pad // 16

    def bf(w):
        return w.astype(BF16)

    def rel_first_gather_w(W1t, h):
        Wd = _pad_rows(W1t[0:3], DN)
        Ws = _pad_rows(W1t[3:6], DN)
        WA = jnp.zeros((128, G * h), F32)
        WB = jnp.zeros((128, G * h), F32)
        for a in range(4):
            WA = WA.at[DN * a:DN * a + DN, 2 * a * h:(2 * a + 1) * h].set(Wd)
            WA = WA.at[64 + DN * a:64 + DN * a + DN,
                       2 * a * h:(2 * a + 1) * h].set(Ws)
            WB = WB.at[DN * a:DN * a + DN,
                       (2 * a + 1) * h:(2 * a + 2) * h].set(Wd)
            WB = WB.at[64 + DN * a:64 + DN * a + DN,
                       (2 * a + 1) * h:(2 * a + 2) * h].set(Ws)
        return WA, WB

    def rel_call(p, e_pieces, gpk):
        (W1, b1), (W2, b2), (W3, b3), (W4, b4) = p
        h = W1.shape[0]
        W1t = W1.T
        WA, WB = rel_first_gather_w(W1t, h)
        pieces = [(gpk, 0, bf(WA)), (gpk, OB, bf(WB))]
        col = 6
        for arr, d in e_pieces:
            wp = _pad_rows(W1t[col:col + d], DN)
            col += d
            pieces.append((arr, 0, bf(_bd(wp))))
        hidden = [(bf(_bd(W2.T)), jnp.tile(b2[None, :], (1, G))),
                  (bf(_bd(W3.T)), jnp.tile(b3[None, :], (1, G)))]
        owt = bf(_bd(_pad_cols(W4.T, DN)))
        ob = jnp.tile(_pad_cols(b4[None, :], DN), (1, G))
        return _edge_mlp(me, pieces, jnp.tile(b1[None, :], (1, G)),
                         hidden, owt, ob)

    def obj_call(p, xtab, agg):
        (W1, b1), (W2, b2), (W3, b3), (W4, b4) = p
        W1t = W1.T
        eo = W1t.shape[0] - 3
        wx = bf(_pad_rows(W1t[0:3], DN))
        wa = bf(_pad_rows(W1t[3:3 + eo], DN))
        pieces = [(xtab, 0, wx), (agg, 0, wa), (agg, n_pad // BR_N, wa)]
        hidden = [(bf(W2.T), b2[None, :]), (bf(W3.T), b3[None, :])]
        return _node_mlp(n_pad, BR_N, pieces, b1[None, :], hidden,
                         bf(_pad_cols(W4.T, DN)), _pad_cols(b4[None, :], DN))

    def nhead_call(p, tabs, final):
        (W1, b1), (W2, b2), (W3, b3), (W4, b4) = p
        W1t = W1.T
        pieces = [(tab, 0, bf(_pad_rows(W1t[3 * i:3 * i + 3], DN)))
                  for i, tab in enumerate(tabs)]
        hidden = [(bf(W2.T), b2[None, :]), (bf(W3.T), b3[None, :])]
        return _node_mlp(n_pad, BR_N, pieces, b1[None, :], hidden,
                         bf(W4.T), b4[None, :], final=final)

    g0 = _gather_rows(xp, idx_p)
    gp0 = g0.reshape(mg, 128)
    e1 = rel_call(params['in_w1']['rel'], [(eap, 4)], gp0)
    a1 = _segment_sum(e1.reshape(n_edges, DN), dst_p, n_pad)
    x1 = obj_call(params['in_w1']['obj'], xp, a1)

    g1 = _gather_rows(x1, idx_p)
    gp1 = g1.reshape(mg, 128)

    def rel_wset(p, e_dims, with_gather=True):
        (W1, b1), (W2, b2), (W3, b3), (W4, b4) = p
        h = W1.shape[0]
        W1t = W1.T
        wps = []
        col = 0
        if with_gather:
            WA, WB = rel_first_gather_w(W1t, h)
            wps += [bf(WA), bf(WB)]
            col = 6
        for d in e_dims:
            wps.append(bf(_bd(_pad_rows(W1t[col:col + d], DN))))
            col += d
        return {
            "wps": wps,
            "b1": jnp.tile(b1[None, :], (1, G)),
            "hidden": [(bf(_bd(W2.T)), jnp.tile(b2[None, :], (1, G))),
                       (bf(_bd(W3.T)), jnp.tile(b3[None, :], (1, G)))],
            "out": (bf(_bd(_pad_cols(W4.T, DN))),
                    jnp.tile(_pad_cols(b4[None, :], DN), (1, G))),
        }

    sets = {
        "w2": rel_wset(params['in_w2']['rel'], [4]),
        "wh": rel_wset(params['W'], [4, 4, 4], with_gather=False),
        "c1": rel_wset(params['in_c1']['rel'], [1, 4, 4, 4]),
    }
    ec1, ewn = _fused_mid(me, gp0, gp1, e1, eap, sets)
    ac1 = _segment_sum(ec1.reshape(n_edges, DN), dst_p, n_pad)
    xc1 = obj_call(params['in_c1']['obj'], xp, ac1)

    gc2 = _gather_rows(xc1, idx_p)
    gpc2 = gc2.reshape(mg, 128)
    ec2 = rel_call(params['in_c2']['rel'], [(ec1, 8)], gpc2)
    ac2 = _segment_sum(ec2.reshape(n_edges, DN), dst_p, n_pad)
    xc2 = obj_call(params['in_c2']['obj'], xc1, ac2)

    gc3 = _gather_rows(xc2, idx_p)
    gpc3 = gc3.reshape(mg, 128)
    ec3 = rel_call(params['in_c3']['rel'], [(ec2, 8)], gpc3)
    ac3 = _segment_sum(ec3.reshape(n_edges, DN), dst_p, n_pad)
    xc3 = obj_call(params['in_c3']['obj'], xc2, ac3)

    tabs = [xp, xc1, xc2, xc3]
    beta = nhead_call(params['B'], tabs, "sigmoid")
    xc = nhead_call(params['X'], tabs, None)

    ew = jnp.transpose(ewn).reshape(n_edges, 1)
    return ew, xc[:n_nodes], beta[:n_nodes]

# --- scband reference (transcript-rebuilt; emitter-appended) ---
"""Pipeline reference for scband-tcn-52785148068308 (READ-ONLY COPY).

The authoritative reference and input builder live on the scoring server;
editing this copy changes nothing except your own understanding.
"""

import jax, jax.numpy as jnp
import numpy as np
import math

N_NODES = 50000
N_EDGES = 800000


def _init_mlp(key, sizes):
    params = []
    for i in range(len(sizes) - 1):
        key, k1, k2 = jax.random.split(key, 3)
        fin = sizes[i]
        bound = 1.0 / math.sqrt(fin)
        W = jax.random.uniform(k1, (sizes[i + 1], fin), minval=-bound, maxval=bound, dtype=jnp.float32)
        b = jax.random.uniform(k2, (sizes[i + 1],), minval=-bound, maxval=bound, dtype=jnp.float32)
        params.append((W, b))
    return params


def _mlp(params, x):
    n = len(params)
    for i, (W, b) in enumerate(params):
        x = x @ W.T + b
        if i < n - 1:
            x = jax.nn.relu(x)
    return x


def _in_apply(p, x, edge_index, edge_attr, n_nodes):
    # Interaction Network (flow source_to_target, aggr='add'):
    # relational model on [x_i (dst), x_j (src), edge_attr] -> new edge features,
    # scatter-add messages onto dst nodes, object model on [x, aggr].
    src = edge_index[0]
    dst = edge_index[1]
    m = jnp.concatenate([x[dst], x[src], edge_attr], axis=1)
    e_new = _mlp(p['rel'], m)
    aggr = jax.ops.segment_sum(e_new, dst, num_segments=n_nodes)
    x_new = _mlp(p['obj'], jnp.concatenate([x, aggr], axis=1))
    return x_new, e_new


def _init_in(key, ni, ei, no, eo, h):
    k1, k2 = jax.random.split(key)
    return {'rel': _init_mlp(k1, [2 * ni + ei, h, h, h, eo]),
            'obj': _init_mlp(k2, [ni + eo, h, h, h, no])}


def setup_inputs(seed: int = 0):
    key = jax.random.key(seed)
    ks = jax.random.split(key, 12)
    x = jax.random.normal(ks[0], (N_NODES, 3), dtype=jnp.float32)
    edge_index = jax.random.randint(ks[1], (2, N_EDGES), 0, N_NODES)
    edge_attr = jax.random.normal(ks[10], (N_EDGES, 4), dtype=jnp.float32)
    params = {
        'in_w1': _init_in(ks[2], 3, 4, 3, 4, 80),
        'in_w2': _init_in(ks[3], 3, 4, 3, 4, 80),
        'in_c1': _init_in(ks[4], 3, 13, 3, 8, 50),
        'in_c2': _init_in(ks[5], 3, 8, 3, 8, 50),
        'in_c3': _init_in(ks[6], 3, 8, 3, 8, 50),
        'W': _init_mlp(ks[7], [12, 80, 80, 80, 1]),
        'B': _init_mlp(ks[8], [12, 80, 80, 80, 1]),
        'X': _init_mlp(ks[9], [12, 80, 80, 80, 8]),
    }
    return {'x': x, 'edge_index': edge_index, 'edge_attr': edge_attr, 'params': params}


def reference(x, edge_index, edge_attr, params):
    n_nodes = x.shape[0]
    x1, e1 = _in_apply(params['in_w1'], x, edge_index, edge_attr, n_nodes)
    x2, e2 = _in_apply(params['in_w2'], x1, edge_index, e1, n_nodes)
    initial_edge_attr = jnp.concatenate([edge_attr, e1, e2], axis=1)
    edge_weights = jax.nn.sigmoid(_mlp(params['W'], initial_edge_attr))
    edge_attr_w = jnp.concatenate([edge_weights, initial_edge_attr], axis=1)
    xc1, ec1 = _in_apply(params['in_c1'], x, edge_index, edge_attr_w, n_nodes)
    xc2, ec2 = _in_apply(params['in_c2'], xc1, edge_index, ec1, n_nodes)
    xc3, ec3 = _in_apply(params['in_c3'], xc2, edge_index, ec2, n_nodes)
    all_xc = jnp.concatenate([x, xc1, xc2, xc3], axis=1)
    beta = jax.nn.sigmoid(_mlp(params['B'], all_xc))
    xc = _mlp(params['X'], all_xc)
    return (edge_weights, xc, beta)

if __name__ == "__main__":
    import jax
    _d = setup_inputs()
    print(jax.jit(kernel)(*tuple(_d.values())))

</pallas_src>

<mosaic_0001>
#map = affine_map<(d0, d1) -> (0, 0)>
#map1 = affine_map<(d0, d1) -> (0)>
module attributes {stable_mosaic.version = 14 : i64} {
  func.func @k(%arg0: i32, %arg1: i32, %arg2: memref<800000x16xf32, #tpu.memory_space<hbm>>, %arg3: memref<800000xi32, #tpu.memory_space<hbm>>, %arg4: memref<3128x16xf32, #tpu.memory_space<hbm>>, %arg5: memref<100096x16xf32, #tpu.memory_space<hbm>>, %arg6: memref<1000xi32, #tpu.memory_space<vmem>>, %arg7: memref<1000x16xf32, #tpu.memory_space<vmem>>, %arg8: memref<50048x16xf32, #tpu.memory_space<vmem_shared>>, %arg9: memref<!tpu.dma_semaphore, #tpu.memory_space<semaphore_mem>>) attributes {dimension_semantics = [#tpu.dimension_semantics<core_parallel>, #tpu.dimension_semantics<subcore_parallel>], iteration_bounds = array<i64: 2, 16>, scalar_prefetch = 0 : i64, scratch_operands = 4 : i64, tpu.core_type = #tpu.core_type<sc_vector_subcore>, window_params = [{transform_indices = #map}, {transform_indices = #map1}, {transform_indices = #map}, {transform_indices = #map}]} {
    %mul3A = arith.constant 3128 : i32
    %mul3A_0 = arith.muli %arg1, %mul3A : i32
    "tpu.region"() ({
      %run_scoped3A = tpu.sem_alloc : memref<!tpu.dma_semaphore, #tpu.memory_space<semaphore_mem>>
      %dma_start3A = arith.constant 0 : i32
      %dma_start3A_18 = tpu.memref_slice %arg8[%mul3A_0, %dma_start3A] : memref<50048x16xf32, #tpu.memory_space<vmem_shared>> -> memref<3128x16xf32, #tpu.memory_space<vmem_shared>>
      tpu.enqueue_dma source(%arg4 : memref<3128x16xf32, #tpu.memory_space<hbm>>) target(%dma_start3A_18 : memref<3128x16xf32, #tpu.memory_space<vmem_shared>>) target_semaphore(%run_scoped3A : memref<!tpu.dma_semaphore, #tpu.memory_space<semaphore_mem>>)
      %dma_wait3A = arith.constant 0 : i32
      %dma_wait3A_19 = tpu.memref_slice %arg8[%mul3A_0, %dma_wait3A] : memref<50048x16xf32, #tpu.memory_space<vmem_shared>> -> memref<3128x16xf32, #tpu.memory_space<vmem_shared>>
      tpu.wait_dma2 semaphore(%run_scoped3A : memref<!tpu.dma_semaphore, #tpu.memory_space<semaphore_mem>>) src(%arg4 : memref<3128x16xf32, #tpu.memory_space<hbm>>) dst(%dma_wait3A_19 : memref<3128x16xf32, #tpu.memory_space<vmem_shared>>)
      tpu.yield
    }) : () -> ()
    %barrier3A = arith.constant 0 : index
    tpu.barrier barrier_id(%barrier3A)
    %mul3A_1 = arith.constant 16 : i32
    %mul3A_2 = arith.muli %arg0, %mul3A_1 : i32
    %add3A = arith.addi %mul3A_2, %arg1 : i32
    %mul3A_3 = arith.constant 25000 : i32
    %mul3A_4 = arith.muli %add3A, %mul3A_3 : i32
    %scan3A = arith.constant 0 : i32
    %scan3A_5 = arith.constant 0 : i32
    %scan3A_6 = arith.constant 25 : i32
    %scan3A_7 = arith.addi %scan3A_5, %scan3A_6 : i32
    %scan3A_8 = arith.constant 1 : i32
    scf.for %scan3A_18 = %scan3A_5 to %scan3A_7 step %scan3A_8  : i32 {
      %mul3A_19 = arith.constant 1000 : i32
      %mul3A_20 = arith.muli %scan3A_18, %mul3A_19 : i32
      %add3A_21 = arith.addi %mul3A_4, %mul3A_20 : i32
      "tpu.region"() ({
        %run_scoped3A = tpu.sem_alloc : memref<!tpu.dma_semaphore, #tpu.memory_space<semaphore_mem>>
        %dma_start3A = tpu.memref_slice %arg3[%add3A_21] : memref<800000xi32, #tpu.memory_space<hbm>> -> memref<1000xi32, #tpu.memory_space<hbm>>
        %dma_start3A_22 = tpu.memref_slice %arg3[%add3A_21] : memref<800000xi32, #tpu.memory_space<hbm>> -> memref<1000xi32, #tpu.memory_space<hbm>>
        tpu.enqueue_dma source(%dma_start3A_22 : memref<1000xi32, #tpu.memory_space<hbm>>) target(%arg6 : memref<1000xi32, #tpu.memory_space<vmem>>) target_semaphore(%run_scoped3A : memref<!tpu.dma_semaphore, #tpu.memory_space<semaphore_mem>>)
        %dma_wait3A = tpu.memref_slice %arg3[%add3A_21] : memref<800000xi32, #tpu.memory_space<hbm>> -> memref<1000xi32, #tpu.memory_space<hbm>>
        %dma_wait3A_23 = tpu.memref_slice %arg3[%add3A_21] : memref<800000xi32, #tpu.memory_space<hbm>> -> memref<1000xi32, #tpu.memory_space<hbm>>
        tpu.wait_dma2 semaphore(%run_scoped3A : memref<!tpu.dma_semaphore, #tpu.memory_space<semaphore_mem>>) src(%dma_wait3A_23 : memref<1000xi32, #tpu.memory_space<hbm>>) dst(%arg6 : memref<1000xi32, #tpu.memory_space<vmem>>)
        tpu.yield
      }) : () -> ()
      "tpu.region"() ({
        %run_scoped3A = tpu.sem_alloc : memref<!tpu.dma_semaphore, #tpu.memory_space<semaphore_mem>>
        %dma_start3A = arith.constant 0 : i32
        %dma_start3A_22 = tpu.memref_slice %arg2[%add3A_21, %dma_start3A] : memref<800000x16xf32, #tpu.memory_space<hbm>> -> memref<1000x16xf32, #tpu.memory_space<hbm>>
        %dma_start3A_23 = arith.constant 0 : i32
        %dma_start3A_24 = tpu.memref_slice %arg2[%add3A_21, %dma_start3A_23] : memref<800000x16xf32, #tpu.memory_space<hbm>> -> memref<1000x16xf32, #tpu.memory_space<hbm>>
        tpu.enqueue_dma source(%dma_start3A_24 : memref<1000x16xf32, #tpu.memory_space<hbm>>) target(%arg7 : memref<1000x16xf32, #tpu.memory_space<vmem>>) target_semaphore(%run_scoped3A : memref<!tpu.dma_semaphore, #tpu.memory_space<semaphore_mem>>)
        %dma_wait3A = arith.constant 0 : i32
        %dma_wait3A_25 = tpu.memref_slice %arg2[%add3A_21, %dma_wait3A] : memref<800000x16xf32, #tpu.memory_space<hbm>> -> memref<1000x16xf32, #tpu.memory_space<hbm>>
        %dma_wait3A_26 = arith.constant 0 : i32
        %dma_wait3A_27 = tpu.memref_slice %arg2[%add3A_21, %dma_wait3A_26] : memref<800000x16xf32, #tpu.memory_space<hbm>> -> memref<1000x16xf32, #tpu.memory_space<hbm>>
        tpu.wait_dma2 semaphore(%run_scoped3A : memref<!tpu.dma_semaphore, #tpu.memory_space<semaphore_mem>>) src(%dma_wait3A_27 : memref<1000x16xf32, #tpu.memory_space<hbm>>) dst(%arg7 : memref<1000x16xf32, #tpu.memory_space<vmem>>)
        tpu.yield
      }) : () -> ()
      "tpu.region"() ({
        %run_scoped3A = tpu.sem_alloc : memref<!tpu.dma_semaphore, #tpu.memory_space<semaphore_mem>>
        %dma_start3A = arith.constant 0 : i32
        %dma_start3A_22 = arith.constant 0 : i32
        %dma_start3A_23 = tpu.memref_slice %arg8[%dma_start3A, %dma_start3A_22] : memref<50048x16xf32, #tpu.memory_space<vmem_shared>> -> memref<50048x16xf32, #tpu.memory_space<vmem_shared>>
        tpu.enqueue_indirect_dma source(%arg7 : memref<1000x16xf32, #tpu.memory_space<vmem>>) target(%dma_start3A_23 : memref<50048x16xf32, #tpu.memory_space<vmem_shared>>) offsets(%arg6 : memref<1000xi32, #tpu.memory_space<vmem>>) semaphore(%run_scoped3A : memref<!tpu.dma_semaphore, #tpu.memory_space<semaphore_mem>>) {add = true}
        %dma_wait3A = arith.constant 0 : i32
        %dma_wait3A_24 = arith.constant 0 : i32
        %dma_wait3A_25 = tpu.memref_slice %arg8[%dma_wait3A, %dma_wait3A_24] : memref<50048x16xf32, #tpu.memory_space<vmem_shared>> -> memref<50048x16xf32, #tpu.memory_space<vmem_shared>>
        tpu.wait_indirect_dma semaphore(%run_scoped3A : memref<!tpu.dma_semaphore, #tpu.memory_space<semaphore_mem>>) src(%arg7 : memref<1000x16xf32, #tpu.memory_space<vmem>>) dst(%dma_wait3A_25 : memref<50048x16xf32, #tpu.memory_space<vmem_shared>>)
        tpu.yield
      }) : () -> ()
    }
    %scan3A_9 = arith.constant 25 : i32
    %barrier3A_10 = arith.constant 0 : index
    tpu.barrier barrier_id(%barrier3A_10)
    %mul3A_11 = arith.constant 3128 : i32
    %mul3A_12 = arith.muli %arg1, %mul3A_11 : i32
    %mul3A_13 = arith.constant 50048 : i32
    %mul3A_14 = arith.muli %arg0, %mul3A_13 : i32
    %mul3A_15 = arith.constant 3128 : i32
    %mul3A_16 = arith.muli %arg1, %mul3A_15 : i32
    %add3A_17 = arith.addi %mul3A_14, %mul3A_16 : i32
    "tpu.region"() ({
      %run_scoped3A = tpu.sem_alloc : memref<!tpu.dma_semaphore, #tpu.memory_space<semaphore_mem>>
      %dma_start3A = arith.constant 0 : i32
      %dma_start3A_18 = tpu.memref_slice %arg5[%add3A_17, %dma_start3A] : memref<100096x16xf32, #tpu.memory_space<hbm>> -> memref<3128x16xf32, #tpu.memory_space<hbm>>
      %dma_start3A_19 = arith.constant 0 : i32
      %dma_start3A_20 = tpu.memref_slice %arg8[%mul3A_12, %dma_start3A_19] : memref<50048x16xf32, #tpu.memory_space<vmem_shared>> -> memref<3128x16xf32, #tpu.memory_space<vmem_shared>>
      tpu.enqueue_dma source(%dma_start3A_20 : memref<3128x16xf32, #tpu.memory_space<vmem_shared>>) target(%dma_start3A_18 : memref<3128x16xf32, #tpu.memory_space<hbm>>) target_semaphore(%run_scoped3A : memref<!tpu.dma_semaphore, #tpu.memory_space<semaphore_mem>>)
      %dma_wait3A = arith.constant 0 : i32
      %dma_wait3A_21 = tpu.memref_slice %arg5[%add3A_17, %dma_wait3A] : memref<100096x16xf32, #tpu.memory_space<hbm>> -> memref<3128x16xf32, #tpu.memory_space<hbm>>
      %dma_wait3A_22 = arith.constant 0 : i32
      %dma_wait3A_23 = tpu.memref_slice %arg8[%mul3A_12, %dma_wait3A_22] : memref<50048x16xf32, #tpu.memory_space<vmem_shared>> -> memref<3128x16xf32, #tpu.memory_space<vmem_shared>>
      tpu.wait_dma2 semaphore(%run_scoped3A : memref<!tpu.dma_semaphore, #tpu.memory_space<semaphore_mem>>) src(%dma_wait3A_23 : memref<3128x16xf32, #tpu.memory_space<vmem_shared>>) dst(%dma_wait3A_21 : memref<3128x16xf32, #tpu.memory_space<hbm>>)
      tpu.yield
    }) : () -> ()
    return
  }
}

#map = affine_map<(d0, d1) -> (0, 0)>
#map1 = affine_map<(d0, d1) -> (0)>
module attributes {stable_mosaic.version = 14 : i64} {
  func.func @k(%arg0: i32, %arg1: i32, %arg2: memref<50048x16xf32, #tpu.memory_space<hbm>>, %arg3: memref<1600000xi32, #tpu.memory_space<hbm>>, %arg4: memref<1600000x16xf32, #tpu.memory_space<hbm>>, %arg5: memref<5000xi32, #tpu.memory_space<vmem>>, %arg6: memref<5000x16xf32, #tpu.memory_space<vmem>>, %arg7: memref<!tpu.dma_semaphore, #tpu.memory_space<semaphore_mem>>) attributes {dimension_semantics = [#tpu.dimension_semantics<core_parallel>, #tpu.dimension_semantics<subcore_parallel>], iteration_bounds = array<i64: 2, 16>, scalar_prefetch = 0 : i64, scratch_operands = 3 : i64, tpu.core_type = #tpu.core_type<sc_vector_subcore>, window_params = [{transform_indices = #map}, {transform_indices = #map1}, {transform_indices = #map}]} {
    %mul3A = arith.constant 16 : i32
    %mul3A_0 = arith.muli %arg0, %mul3A : i32
    %add3A = arith.addi %mul3A_0, %arg1 : i32
    %mul3A_1 = arith.constant 50000 : i32
    %mul3A_2 = arith.muli %add3A, %mul3A_1 : i32
    %scan3A = arith.constant 0 : i32
    %scan3A_3 = arith.constant 0 : i32
    %scan3A_4 = arith.constant 10 : i32
    %scan3A_5 = arith.addi %scan3A_3, %scan3A_4 : i32
    %scan3A_6 = arith.constant 1 : i32
    scf.for %scan3A_8 = %scan3A_3 to %scan3A_5 step %scan3A_6  : i32 {
      %mul3A_9 = arith.constant 5000 : i32
      %mul3A_10 = arith.muli %scan3A_8, %mul3A_9 : i32
      %add3A_11 = arith.addi %mul3A_2, %mul3A_10 : i32
      "tpu.region"() ({
        %run_scoped3A = tpu.sem_alloc : memref<!tpu.dma_semaphore, #tpu.memory_space<semaphore_mem>>
        %dma_start3A_16 = tpu.memref_slice %arg3[%add3A_11] : memref<1600000xi32, #tpu.memory_space<hbm>> -> memref<5000xi32, #tpu.memory_space<hbm>>
        %dma_start3A_17 = tpu.memref_slice %arg3[%add3A_11] : memref<1600000xi32, #tpu.memory_space<hbm>> -> memref<5000xi32, #tpu.memory_space<hbm>>
        tpu.enqueue_dma source(%dma_start3A_17 : memref<5000xi32, #tpu.memory_space<hbm>>) target(%arg5 : memref<5000xi32, #tpu.memory_space<vmem>>) target_semaphore(%run_scoped3A : memref<!tpu.dma_semaphore, #tpu.memory_space<semaphore_mem>>)
        %dma_wait3A_18 = tpu.memref_slice %arg3[%add3A_11] : memref<1600000xi32, #tpu.memory_space<hbm>> -> memref<5000xi32, #tpu.memory_space<hbm>>
        %dma_wait3A_19 = tpu.memref_slice %arg3[%add3A_11] : memref<1600000xi32, #tpu.memory_space<hbm>> -> memref<5000xi32, #tpu.memory_space<hbm>>
        tpu.wait_dma2 semaphore(%run_scoped3A : memref<!tpu.dma_semaphore, #tpu.memory_space<semaphore_mem>>) src(%dma_wait3A_19 : memref<5000xi32, #tpu.memory_space<hbm>>) dst(%arg5 : memref<5000xi32, #tpu.memory_space<vmem>>)
        tpu.yield
      }) : () -> ()
      %dma_start3A = arith.constant 0 : i32
      %dma_start3A_12 = arith.constant 0 : i32
      %dma_start3A_13 = tpu.memref_slice %arg2[%dma_start3A, %dma_start3A_12] : memref<50048x16xf32, #tpu.memory_space<hbm>> -> memref<50048x16xf32, #tpu.memory_space<hbm>>
      tpu.enqueue_indirect_dma source(%dma_start3A_13 : memref<50048x16xf32, #tpu.memory_space<hbm>>) target(%arg6 : memref<5000x16xf32, #tpu.memory_space<vmem>>) offsets(%arg5 : memref<5000xi32, #tpu.memory_space<vmem>>) semaphore(%arg7 : memref<!tpu.dma_semaphore, #tpu.memory_space<semaphore_mem>>)
      %dma_wait3A = arith.constant 0 : i32
      %dma_wait3A_14 = arith.constant 0 : i32
      %dma_wait3A_15 = tpu.memref_slice %arg2[%dma_wait3A, %dma_wait3A_14] : memref<50048x16xf32, #tpu.memory_space<hbm>> -> memref<50048x16xf32, #tpu.memory_space<hbm>>
      tpu.wait_indirect_dma semaphore(%arg7 : memref<!tpu.dma_semaphore, #tpu.memory_space<semaphore_mem>>) src(%dma_wait3A_15 : memref<50048x16xf32, #tpu.memory_space<hbm>>) dst(%arg6 : memref<5000x16xf32, #tpu.memory_space<vmem>>)
      "tpu.region"() ({
        %run_scoped3A = tpu.sem_alloc : memref<!tpu.dma_semaphore, #tpu.memory_space<semaphore_mem>>
        %dma_start3A_16 = arith.constant 0 : i32
        %dma_start3A_17 = tpu.memref_slice %arg4[%add3A_11, %dma_start3A_16] : memref<1600000x16xf32, #tpu.memory_space<hbm>> -> memref<5000x16xf32, #tpu.memory_space<hbm>>
        %dma_start3A_18 = arith.constant 0 : i32
        %dma_start3A_19 = tpu.memref_slice %arg4[%add3A_11, %dma_start3A_18] : memref<1600000x16xf32, #tpu.memory_space<hbm>> -> memref<5000x16xf32, #tpu.memory_space<hbm>>
        tpu.enqueue_dma source(%arg6 : memref<5000x16xf32, #tpu.memory_space<vmem>>) target(%dma_start3A_19 : memref<5000x16xf32, #tpu.memory_space<hbm>>) target_semaphore(%run_scoped3A : memref<!tpu.dma_semaphore, #tpu.memory_space<semaphore_mem>>)
        %dma_wait3A_20 = arith.constant 0 : i32
        %dma_wait3A_21 = tpu.memref_slice %arg4[%add3A_11, %dma_wait3A_20] : memref<1600000x16xf32, #tpu.memory_space<hbm>> -> memref<5000x16xf32, #tpu.memory_space<hbm>>
        %dma_wait3A_22 = arith.constant 0 : i32
        %dma_wait3A_23 = tpu.memref_slice %arg4[%add3A_11, %dma_wait3A_22] : memref<1600000x16xf32, #tpu.memory_space<hbm>> -> memref<5000x16xf32, #tpu.memory_space<hbm>>
        tpu.wait_dma2 semaphore(%run_scoped3A : memref<!tpu.dma_semaphore, #tpu.memory_space<semaphore_mem>>) src(%arg6 : memref<5000x16xf32, #tpu.memory_space<vmem>>) dst(%dma_wait3A_23 : memref<5000x16xf32, #tpu.memory_space<hbm>>)
        tpu.yield
      }) : () -> ()
    }
    %scan3A_7 = arith.constant 10 : i32
    return
  }
}

#map = affine_map<(d0, d1) -> (0, 0)>
#map1 = affine_map<(d0, d1) -> (0)>
module attributes {stable_mosaic.version = 14 : i64} {
  func.func @k(%arg0: i32, %arg1: i32, %arg2: memref<50048x16xf32, #tpu.memory_space<hbm>>, %arg3: memref<1600000xi32, #tpu.memory_space<hbm>>, %arg4: memref<1600000x16xf32, #tpu.memory_space<hbm>>, %arg5: memref<5000xi32, #tpu.memory_space<vmem>>, %arg6: memref<5000x16xf32, #tpu.memory_space<vmem>>, %arg7: memref<!tpu.dma_semaphore, #tpu.memory_space<semaphore_mem>>) attributes {dimension_semantics = [#tpu.dimension_semantics<core_parallel>, #tpu.dimension_semantics<subcore_parallel>], iteration_bounds = array<i64: 2, 16>, scalar_prefetch = 0 : i64, scratch_operands = 3 : i64, tpu.core_type = #tpu.core_type<sc_vector_subcore>, window_params = [{transform_indices = #map}, {transform_indices = #map1}, {transform_indices = #map}]} {
    %mul3A = arith.constant 16 : i32
    %mul3A_0 = arith.muli %arg0, %mul3A : i32
    %add3A = arith.addi %mul3A_0, %arg1 : i32
    %mul3A_1 = arith.constant 50000 : i32
    %mul3A_2 = arith.muli %add3A, %mul3A_1 : i32
    %scan3A = arith.constant 0 : i32
    %scan3A_3 = arith.constant 0 : i32
    %scan3A_4 = arith.constant 10 : i32
    %scan3A_5 = arith.addi %scan3A_3, %scan3A_4 : i32
    %scan3A_6 = arith.constant 1 : i32
    scf.for %scan3A_8 = %scan3A_3 to %scan3A_5 step %scan3A_6  : i32 {
      %mul3A_9 = arith.constant 5000 : i32
      %mul3A_10 = arith.muli %scan3A_8, %mul3A_9 : i32
      %add3A_11 = arith.addi %mul3A_2, %mul3A_10 : i32
      "tpu.region"() ({
        %run_scoped3A = tpu.sem_alloc : memref<!tpu.dma_semaphore, #tpu.memory_space<semaphore_mem>>
        %dma_start3A_16 = tpu.memref_slice %arg3[%add3A_11] : memref<1600000xi32, #tpu.memory_space<hbm>> -> memref<5000xi32, #tpu.memory_space<hbm>>
        %dma_start3A_17 = tpu.memref_slice %arg3[%add3A_11] : memref<1600000xi32, #tpu.memory_space<hbm>> -> memref<5000xi32, #tpu.memory_space<hbm>>
        tpu.enqueue_dma source(%dma_start3A_17 : memref<5000xi32, #tpu.memory_space<hbm>>) target(%arg5 : memref<5000xi32, #tpu.memory_space<vmem>>) target_semaphore(%run_scoped3A : memref<!tpu.dma_semaphore, #tpu.memory_space<semaphore_mem>>)
        %dma_wait3A_18 = tpu.memref_slice %arg3[%add3A_11] : memref<1600000xi32, #tpu.memory_space<hbm>> -> memref<5000xi32, #tpu.memory_space<hbm>>
        %dma_wait3A_19 = tpu.memref_slice %arg3[%add3A_11] : memref<1600000xi32, #tpu.memory_space<hbm>> -> memref<5000xi32, #tpu.memory_space<hbm>>
        tpu.wait_dma2 semaphore(%run_scoped3A : memref<!tpu.dma_semaphore, #tpu.memory_space<semaphore_mem>>) src(%dma_wait3A_19 : memref<5000xi32, #tpu.memory_space<hbm>>) dst(%arg5 : memref<5000xi32, #tpu.memory_space<vmem>>)
        tpu.yield
      }) : () -> ()
      %dma_start3A = arith.constant 0 : i32
      %dma_start3A_12 = arith.constant 0 : i32
      %dma_start3A_13 = tpu.memref_slice %arg2[%dma_start3A, %dma_start3A_12] : memref<50048x16xf32, #tpu.memory_space<hbm>> -> memref<50048x16xf32, #tpu.memory_space<hbm>>
      tpu.enqueue_indirect_dma source(%dma_start3A_13 : memref<50048x16xf32, #tpu.memory_space<hbm>>) target(%arg6 : memref<5000x16xf32, #tpu.memory_space<vmem>>) offsets(%arg5 : memref<5000xi32, #tpu.memory_space<vmem>>) semaphore(%arg7 : memref<!tpu.dma_semaphore, #tpu.memory_space<semaphore_mem>>)
      %dma_wait3A = arith.constant 0 : i32
      %dma_wait3A_14 = arith.constant 0 : i32
      %dma_wait3A_15 = tpu.memref_slice %arg2[%dma_wait3A, %dma_wait3A_14] : memref<50048x16xf32, #tpu.memory_space<hbm>> -> memref<50048x16xf32, #tpu.memory_space<hbm>>
      tpu.wait_indirect_dma semaphore(%arg7 : memref<!tpu.dma_semaphore, #tpu.memory_space<semaphore_mem>>) src(%dma_wait3A_15 : memref<50048x16xf32, #tpu.memory_space<hbm>>) dst(%arg6 : memref<5000x16xf32, #tpu.memory_space<vmem>>)
      "tpu.region"() ({
        %run_scoped3A = tpu.sem_alloc : memref<!tpu.dma_semaphore, #tpu.memory_space<semaphore_mem>>
        %dma_start3A_16 = arith.constant 0 : i32
        %dma_start3A_17 = tpu.memref_slice %arg4[%add3A_11, %dma_start3A_16] : memref<1600000x16xf32, #tpu.memory_space<hbm>> -> memref<5000x16xf32, #tpu.memory_space<hbm>>
        %dma_start3A_18 = arith.constant 0 : i32
        %dma_start3A_19 = tpu.memref_slice %arg4[%add3A_11, %dma_start3A_18] : memref<1600000x16xf32, #tpu.memory_space<hbm>> -> memref<5000x16xf32, #tpu.memory_space<hbm>>
        tpu.enqueue_dma source(%arg6 : memref<5000x16xf32, #tpu.memory_space<vmem>>) target(%dma_start3A_19 : memref<5000x16xf32, #tpu.memory_space<hbm>>) target_semaphore(%run_scoped3A : memref<!tpu.dma_semaphore, #tpu.memory_space<semaphore_mem>>)
        %dma_wait3A_20 = arith.constant 0 : i32
        %dma_wait3A_21 = tpu.memref_slice %arg4[%add3A_11, %dma_wait3A_20] : memref<1600000x16xf32, #tpu.memory_space<hbm>> -> memref<5000x16xf32, #tpu.memory_space<hbm>>
        %dma_wait3A_22 = arith.constant 0 : i32
        %dma_wait3A_23 = tpu.memref_slice %arg4[%add3A_11, %dma_wait3A_22] : memref<1600000x16xf32, #tpu.memory_space<hbm>> -> memref<5000x16xf32, #tpu.memory_space<hbm>>
        tpu.wait_dma2 semaphore(%run_scoped3A : memref<!tpu.dma_semaphore, #tpu.memory_space<semaphore_mem>>) src(%arg6 : memref<5000x16xf32, #tpu.memory_space<vmem>>) dst(%dma_wait3A_23 : memref<5000x16xf32, #tpu.memory_space<hbm>>)
        tpu.yield
      }) : () -> ()
    }
    %scan3A_7 = arith.constant 10 : i32
    return
  }
}

#map = affine_map<(d0, d1) -> (0, 0)>
#map1 = affine_map<(d0, d1) -> (0)>
module attributes {stable_mosaic.version = 14 : i64} {
  func.func @k(%arg0: i32, %arg1: i32, %arg2: memref<800000x16xf32, #tpu.memory_space<hbm>>, %arg3: memref<800000xi32, #tpu.memory_space<hbm>>, %arg4: memref<3128x16xf32, #tpu.memory_space<hbm>>, %arg5: memref<100096x16xf32, #tpu.memory_space<hbm>>, %arg6: memref<1000xi32, #tpu.memory_space<vmem>>, %arg7: memref<1000x16xf32, #tpu.memory_space<vmem>>, %arg8: memref<50048x16xf32, #tpu.memory_space<vmem_shared>>, %arg9: memref<!tpu.dma_semaphore, #tpu.memory_space<semaphore_mem>>) attributes {dimension_semantics = [#tpu.dimension_semantics<core_parallel>, #tpu.dimension_semantics<subcore_parallel>], iteration_bounds = array<i64: 2, 16>, scalar_prefetch = 0 : i64, scratch_operands = 4 : i64, tpu.core_type = #tpu.core_type<sc_vector_subcore>, window_params = [{transform_indices = #map}, {transform_indices = #map1}, {transform_indices = #map}, {transform_indices = #map}]} {
    %mul3A = arith.constant 3128 : i32
    %mul3A_0 = arith.muli %arg1, %mul3A : i32
    "tpu.region"() ({
      %run_scoped3A = tpu.sem_alloc : memref<!tpu.dma_semaphore, #tpu.memory_space<semaphore_mem>>
      %dma_start3A = arith.constant 0 : i32
      %dma_start3A_18 = tpu.memref_slice %arg8[%mul3A_0, %dma_start3A] : memref<50048x16xf32, #tpu.memory_space<vmem_shared>> -> memref<3128x16xf32, #tpu.memory_space<vmem_shared>>
      tpu.enqueue_dma source(%arg4 : memref<3128x16xf32, #tpu.memory_space<hbm>>) target(%dma_start3A_18 : memref<3128x16xf32, #tpu.memory_space<vmem_shared>>) target_semaphore(%run_scoped3A : memref<!tpu.dma_semaphore, #tpu.memory_space<semaphore_mem>>)
      %dma_wait3A = arith.constant 0 : i32
      %dma_wait3A_19 = tpu.memref_slice %arg8[%mul3A_0, %dma_wait3A] : memref<50048x16xf32, #tpu.memory_space<vmem_shared>> -> memref<3128x16xf32, #tpu.memory_space<vmem_shared>>
      tpu.wait_dma2 semaphore(%run_scoped3A : memref<!tpu.dma_semaphore, #tpu.memory_space<semaphore_mem>>) src(%arg4 : memref<3128x16xf32, #tpu.memory_space<hbm>>) dst(%dma_wait3A_19 : memref<3128x16xf32, #tpu.memory_space<vmem_shared>>)
      tpu.yield
    }) : () -> ()
    %barrier3A = arith.constant 0 : index
    tpu.barrier barrier_id(%barrier3A)
    %mul3A_1 = arith.constant 16 : i32
    %mul3A_2 = arith.muli %arg0, %mul3A_1 : i32
    %add3A = arith.addi %mul3A_2, %arg1 : i32
    %mul3A_3 = arith.constant 25000 : i32
    %mul3A_4 = arith.muli %add3A, %mul3A_3 : i32
    %scan3A = arith.constant 0 : i32
    %scan3A_5 = arith.constant 0 : i32
    %scan3A_6 = arith.constant 25 : i32
    %scan3A_7 = arith.addi %scan3A_5, %scan3A_6 : i32
    %scan3A_8 = arith.constant 1 : i32
    scf.for %scan3A_18 = %scan3A_5 to %scan3A_7 step %scan3A_8  : i32 {
      %mul3A_19 = arith.constant 1000 : i32
      %mul3A_20 = arith.muli %scan3A_18, %mul3A_19 : i32
      %add3A_21 = arith.addi %mul3A_4, %mul3A_20 : i32
      "tpu.region"() ({
        %run_scoped3A = tpu.sem_alloc : memref<!tpu.dma_semaphore, #tpu.memory_space<semaphore_mem>>
        %dma_start3A = tpu.memref_slice %arg3[%add3A_21] : memref<800000xi32, #tpu.memory_space<hbm>> -> memref<1000xi32, #tpu.memory_space<hbm>>
        %dma_start3A_22 = tpu.memref_slice %arg3[%add3A_21] : memref<800000xi32, #tpu.memory_space<hbm>> -> memref<1000xi32, #tpu.memory_space<hbm>>
        tpu.enqueue_dma source(%dma_start3A_22 : memref<1000xi32, #tpu.memory_space<hbm>>) target(%arg6 : memref<1000xi32, #tpu.memory_space<vmem>>) target_semaphore(%run_scoped3A : memref<!tpu.dma_semaphore, #tpu.memory_space<semaphore_mem>>)
        %dma_wait3A = tpu.memref_slice %arg3[%add3A_21] : memref<800000xi32, #tpu.memory_space<hbm>> -> memref<1000xi32, #tpu.memory_space<hbm>>
        %dma_wait3A_23 = tpu.memref_slice %arg3[%add3A_21] : memref<800000xi32, #tpu.memory_space<hbm>> -> memref<1000xi32, #tpu.memory_space<hbm>>
        tpu.wait_dma2 semaphore(%run_scoped3A : memref<!tpu.dma_semaphore, #tpu.memory_space<semaphore_mem>>) src(%dma_wait3A_23 : memref<1000xi32, #tpu.memory_space<hbm>>) dst(%arg6 : memref<1000xi32, #tpu.memory_space<vmem>>)
        tpu.yield
      }) : () -> ()
      "tpu.region"() ({
        %run_scoped3A = tpu.sem_alloc : memref<!tpu.dma_semaphore, #tpu.memory_space<semaphore_mem>>
        %dma_start3A = arith.constant 0 : i32
        %dma_start3A_22 = tpu.memref_slice %arg2[%add3A_21, %dma_start3A] : memref<800000x16xf32, #tpu.memory_space<hbm>> -> memref<1000x16xf32, #tpu.memory_space<hbm>>
        %dma_start3A_23 = arith.constant 0 : i32
        %dma_start3A_24 = tpu.memref_slice %arg2[%add3A_21, %dma_start3A_23] : memref<800000x16xf32, #tpu.memory_space<hbm>> -> memref<1000x16xf32, #tpu.memory_space<hbm>>
        tpu.enqueue_dma source(%dma_start3A_24 : memref<1000x16xf32, #tpu.memory_space<hbm>>) target(%arg7 : memref<1000x16xf32, #tpu.memory_space<vmem>>) target_semaphore(%run_scoped3A : memref<!tpu.dma_semaphore, #tpu.memory_space<semaphore_mem>>)
        %dma_wait3A = arith.constant 0 : i32
        %dma_wait3A_25 = tpu.memref_slice %arg2[%add3A_21, %dma_wait3A] : memref<800000x16xf32, #tpu.memory_space<hbm>> -> memref<1000x16xf32, #tpu.memory_space<hbm>>
        %dma_wait3A_26 = arith.constant 0 : i32
        %dma_wait3A_27 = tpu.memref_slice %arg2[%add3A_21, %dma_wait3A_26] : memref<800000x16xf32, #tpu.memory_space<hbm>> -> memref<1000x16xf32, #tpu.memory_space<hbm>>
        tpu.wait_dma2 semaphore(%run_scoped3A : memref<!tpu.dma_semaphore, #tpu.memory_space<semaphore_mem>>) src(%dma_wait3A_27 : memref<1000x16xf32, #tpu.memory_space<hbm>>) dst(%arg7 : memref<1000x16xf32, #tpu.memory_space<vmem>>)
        tpu.yield
      }) : () -> ()
      "tpu.region"() ({
        %run_scoped3A = tpu.sem_alloc : memref<!tpu.dma_semaphore, #tpu.memory_space<semaphore_mem>>
        %dma_start3A = arith.constant 0 : i32
        %dma_start3A_22 = arith.constant 0 : i32
        %dma_start3A_23 = tpu.memref_slice %arg8[%dma_start3A, %dma_start3A_22] : memref<50048x16xf32, #tpu.memory_space<vmem_shared>> -> memref<50048x16xf32, #tpu.memory_space<vmem_shared>>
        tpu.enqueue_indirect_dma source(%arg7 : memref<1000x16xf32, #tpu.memory_space<vmem>>) target(%dma_start3A_23 : memref<50048x16xf32, #tpu.memory_space<vmem_shared>>) offsets(%arg6 : memref<1000xi32, #tpu.memory_space<vmem>>) semaphore(%run_scoped3A : memref<!tpu.dma_semaphore, #tpu.memory_space<semaphore_mem>>) {add = true}
        %dma_wait3A = arith.constant 0 : i32
        %dma_wait3A_24 = arith.constant 0 : i32
        %dma_wait3A_25 = tpu.memref_slice %arg8[%dma_wait3A, %dma_wait3A_24] : memref<50048x16xf32, #tpu.memory_space<vmem_shared>> -> memref<50048x16xf32, #tpu.memory_space<vmem_shared>>
        tpu.wait_indirect_dma semaphore(%run_scoped3A : memref<!tpu.dma_semaphore, #tpu.memory_space<semaphore_mem>>) src(%arg7 : memref<1000x16xf32, #tpu.memory_space<vmem>>) dst(%dma_wait3A_25 : memref<50048x16xf32, #tpu.memory_space<vmem_shared>>)
        tpu.yield
      }) : () -> ()
    }
    %scan3A_9 = arith.constant 25 : i32
    %barrier3A_10 = arith.constant 0 : index
    tpu.barrier barrier_id(%barrier3A_10)
    %mul3A_11 = arith.constant 3128 : i32
    %mul3A_12 = arith.muli %arg1, %mul3A_11 : i32
    %mul3A_13 = arith.constant 50048 : i32
    %mul3A_14 = arith.muli %arg0, %mul3A_13 : i32
    %mul3A_15 = arith.constant 3128 : i32
    %mul3A_16 = arith.muli %arg1, %mul3A_15 : i32
    %add3A_17 = arith.addi %mul3A_14, %mul3A_16 : i32
    "tpu.region"() ({
      %run_scoped3A = tpu.sem_alloc : memref<!tpu.dma_semaphore, #tpu.memory_space<semaphore_mem>>
      %dma_start3A = arith.constant 0 : i32
      %dma_start3A_18 = tpu.memref_slice %arg5[%add3A_17, %dma_start3A] : memref<100096x16xf32, #tpu.memory_space<hbm>> -> memref<3128x16xf32, #tpu.memory_space<hbm>>
      %dma_start3A_19 = arith.constant 0 : i32
      %dma_start3A_20 = tpu.memref_slice %arg8[%mul3A_12, %dma_start3A_19] : memref<50048x16xf32, #tpu.memory_space<vmem_shared>> -> memref<3128x16xf32, #tpu.memory_space<vmem_shared>>
      tpu.enqueue_dma source(%dma_start3A_20 : memref<3128x16xf32, #tpu.memory_space<vmem_shared>>) target(%dma_start3A_18 : memref<3128x16xf32, #tpu.memory_space<hbm>>) target_semaphore(%run_scoped3A : memref<!tpu.dma_semaphore, #tpu.memory_space<semaphore_mem>>)
      %dma_wait3A = arith.constant 0 : i32
      %dma_wait3A_21 = tpu.memref_slice %arg5[%add3A_17, %dma_wait3A] : memref<100096x16xf32, #tpu.memory_space<hbm>> -> memref<3128x16xf32, #tpu.memory_space<hbm>>
      %dma_wait3A_22 = arith.constant 0 : i32
      %dma_wait3A_23 = tpu.memref_slice %arg8[%mul3A_12, %dma_wait3A_22] : memref<50048x16xf32, #tpu.memory_space<vmem_shared>> -> memref<3128x16xf32, #tpu.memory_space<vmem_shared>>
      tpu.wait_dma2 semaphore(%run_scoped3A : memref<!tpu.dma_semaphore, #tpu.memory_space<semaphore_mem>>) src(%dma_wait3A_23 : memref<3128x16xf32, #tpu.memory_space<vmem_shared>>) dst(%dma_wait3A_21 : memref<3128x16xf32, #tpu.memory_space<hbm>>)
      tpu.yield
    }) : () -> ()
    return
  }
}

#map = affine_map<(d0, d1) -> (0, 0)>
#map1 = affine_map<(d0, d1) -> (0)>
module attributes {stable_mosaic.version = 14 : i64} {
  func.func @k(%arg0: i32, %arg1: i32, %arg2: memref<50048x16xf32, #tpu.memory_space<hbm>>, %arg3: memref<1600000xi32, #tpu.memory_space<hbm>>, %arg4: memref<1600000x16xf32, #tpu.memory_space<hbm>>, %arg5: memref<5000xi32, #tpu.memory_space<vmem>>, %arg6: memref<5000x16xf32, #tpu.memory_space<vmem>>, %arg7: memref<!tpu.dma_semaphore, #tpu.memory_space<semaphore_mem>>) attributes {dimension_semantics = [#tpu.dimension_semantics<core_parallel>, #tpu.dimension_semantics<subcore_parallel>], iteration_bounds = array<i64: 2, 16>, scalar_prefetch = 0 : i64, scratch_operands = 3 : i64, tpu.core_type = #tpu.core_type<sc_vector_subcore>, window_params = [{transform_indices = #map}, {transform_indices = #map1}, {transform_indices = #map}]} {
    %mul3A = arith.constant 16 : i32
    %mul3A_0 = arith.muli %arg0, %mul3A : i32
    %add3A = arith.addi %mul3A_0, %arg1 : i32
    %mul3A_1 = arith.constant 50000 : i32
    %mul3A_2 = arith.muli %add3A, %mul3A_1 : i32
    %scan3A = arith.constant 0 : i32
    %scan3A_3 = arith.constant 0 : i32
    %scan3A_4 = arith.constant 10 : i32
    %scan3A_5 = arith.addi %scan3A_3, %scan3A_4 : i32
    %scan3A_6 = arith.constant 1 : i32
    scf.for %scan3A_8 = %scan3A_3 to %scan3A_5 step %scan3A_6  : i32 {
      %mul3A_9 = arith.constant 5000 : i32
      %mul3A_10 = arith.muli %scan3A_8, %mul3A_9 : i32
      %add3A_11 = arith.addi %mul3A_2, %mul3A_10 : i32
      "tpu.region"() ({
        %run_scoped3A = tpu.sem_alloc : memref<!tpu.dma_semaphore, #tpu.memory_space<semaphore_mem>>
        %dma_start3A_16 = tpu.memref_slice %arg3[%add3A_11] : memref<1600000xi32, #tpu.memory_space<hbm>> -> memref<5000xi32, #tpu.memory_space<hbm>>
        %dma_start3A_17 = tpu.memref_slice %arg3[%add3A_11] : memref<1600000xi32, #tpu.memory_space<hbm>> -> memref<5000xi32, #tpu.memory_space<hbm>>
        tpu.enqueue_dma source(%dma_start3A_17 : memref<5000xi32, #tpu.memory_space<hbm>>) target(%arg5 : memref<5000xi32, #tpu.memory_space<vmem>>) target_semaphore(%run_scoped3A : memref<!tpu.dma_semaphore, #tpu.memory_space<semaphore_mem>>)
        %dma_wait3A_18 = tpu.memref_slice %arg3[%add3A_11] : memref<1600000xi32, #tpu.memory_space<hbm>> -> memref<5000xi32, #tpu.memory_space<hbm>>
        %dma_wait3A_19 = tpu.memref_slice %arg3[%add3A_11] : memref<1600000xi32, #tpu.memory_space<hbm>> -> memref<5000xi32, #tpu.memory_space<hbm>>
        tpu.wait_dma2 semaphore(%run_scoped3A : memref<!tpu.dma_semaphore, #tpu.memory_space<semaphore_mem>>) src(%dma_wait3A_19 : memref<5000xi32, #tpu.memory_space<hbm>>) dst(%arg5 : memref<5000xi32, #tpu.memory_space<vmem>>)
        tpu.yield
      }) : () -> ()
      %dma_start3A = arith.constant 0 : i32
      %dma_start3A_12 = arith.constant 0 : i32
      %dma_start3A_13 = tpu.memref_slice %arg2[%dma_start3A, %dma_start3A_12] : memref<50048x16xf32, #tpu.memory_space<hbm>> -> memref<50048x16xf32, #tpu.memory_space<hbm>>
      tpu.enqueue_indirect_dma source(%dma_start3A_13 : memref<50048x16xf32, #tpu.memory_space<hbm>>) target(%arg6 : memref<5000x16xf32, #tpu.memory_space<vmem>>) offsets(%arg5 : memref<5000xi32, #tpu.memory_space<vmem>>) semaphore(%arg7 : memref<!tpu.dma_semaphore, #tpu.memory_space<semaphore_mem>>)
      %dma_wait3A = arith.constant 0 : i32
      %dma_wait3A_14 = arith.constant 0 : i32
      %dma_wait3A_15 = tpu.memref_slice %arg2[%dma_wait3A, %dma_wait3A_14] : memref<50048x16xf32, #tpu.memory_space<hbm>> -> memref<50048x16xf32, #tpu.memory_space<hbm>>
      tpu.wait_indirect_dma semaphore(%arg7 : memref<!tpu.dma_semaphore, #tpu.memory_space<semaphore_mem>>) src(%dma_wait3A_15 : memref<50048x16xf32, #tpu.memory_space<hbm>>) dst(%arg6 : memref<5000x16xf32, #tpu.memory_space<vmem>>)
      "tpu.region"() ({
        %run_scoped3A = tpu.sem_alloc : memref<!tpu.dma_semaphore, #tpu.memory_space<semaphore_mem>>
        %dma_start3A_16 = arith.constant 0 : i32
        %dma_start3A_17 = tpu.memref_slice %arg4[%add3A_11, %dma_start3A_16] : memref<1600000x16xf32, #tpu.memory_space<hbm>> -> memref<5000x16xf32, #tpu.memory_space<hbm>>
        %dma_start3A_18 = arith.constant 0 : i32
        %dma_start3A_19 = tpu.memref_slice %arg4[%add3A_11, %dma_start3A_18] : memref<1600000x16xf32, #tpu.memory_space<hbm>> -> memref<5000x16xf32, #tpu.memory_space<hbm>>
        tpu.enqueue_dma source(%arg6 : memref<5000x16xf32, #tpu.memory_space<vmem>>) target(%dma_start3A_19 : memref<5000x16xf32, #tpu.memory_space<hbm>>) target_semaphore(%run_scoped3A : memref<!tpu.dma_semaphore, #tpu.memory_space<semaphore_mem>>)
        %dma_wait3A_20 = arith.constant 0 : i32
        %dma_wait3A_21 = tpu.memref_slice %arg4[%add3A_11, %dma_wait3A_20] : memref<1600000x16xf32, #tpu.memory_space<hbm>> -> memref<5000x16xf32, #tpu.memory_space<hbm>>
        %dma_wait3A_22 = arith.constant 0 : i32
        %dma_wait3A_23 = tpu.memref_slice %arg4[%add3A_11, %dma_wait3A_22] : memref<1600000x16xf32, #tpu.memory_space<hbm>> -> memref<5000x16xf32, #tpu.memory_space<hbm>>
        tpu.wait_dma2 semaphore(%run_scoped3A : memref<!tpu.dma_semaphore, #tpu.memory_space<semaphore_mem>>) src(%arg6 : memref<5000x16xf32, #tpu.memory_space<vmem>>) dst(%dma_wait3A_23 : memref<5000x16xf32, #tpu.memory_space<hbm>>)
        tpu.yield
      }) : () -> ()
    }
    %scan3A_7 = arith.constant 10 : i32
    return
  }
}

#map = affine_map<(d0, d1) -> (0, 0)>
#map1 = affine_map<(d0, d1) -> (0)>
module attributes {stable_mosaic.version = 14 : i64} {
  func.func @k(%arg0: i32, %arg1: i32, %arg2: memref<800000x16xf32, #tpu.memory_space<hbm>>, %arg3: memref<800000xi32, #tpu.memory_space<hbm>>, %arg4: memref<3128x16xf32, #tpu.memory_space<hbm>>, %arg5: memref<100096x16xf32, #tpu.memory_space<hbm>>, %arg6: memref<1000xi32, #tpu.memory_space<vmem>>, %arg7: memref<1000x16xf32, #tpu.memory_space<vmem>>, %arg8: memref<50048x16xf32, #tpu.memory_space<vmem_shared>>, %arg9: memref<!tpu.dma_semaphore, #tpu.memory_space<semaphore_mem>>) attributes {dimension_semantics = [#tpu.dimension_semantics<core_parallel>, #tpu.dimension_semantics<subcore_parallel>], iteration_bounds = array<i64: 2, 16>, scalar_prefetch = 0 : i64, scratch_operands = 4 : i64, tpu.core_type = #tpu.core_type<sc_vector_subcore>, window_params = [{transform_indices = #map}, {transform_indices = #map1}, {transform_indices = #map}, {transform_indices = #map}]} {
    %mul3A = arith.constant 3128 : i32
    %mul3A_0 = arith.muli %arg1, %mul3A : i32
    "tpu.region"() ({
      %run_scoped3A = tpu.sem_alloc : memref<!tpu.dma_semaphore, #tpu.memory_space<semaphore_mem>>
      %dma_start3A = arith.constant 0 : i32
      %dma_start3A_18 = tpu.memref_slice %arg8[%mul3A_0, %dma_start3A] : memref<50048x16xf32, #tpu.memory_space<vmem_shared>> -> memref<3128x16xf32, #tpu.memory_space<vmem_shared>>
      tpu.enqueue_dma source(%arg4 : memref<3128x16xf32, #tpu.memory_space<hbm>>) target(%dma_start3A_18 : memref<3128x16xf32, #tpu.memory_space<vmem_shared>>) target_semaphore(%run_scoped3A : memref<!tpu.dma_semaphore, #tpu.memory_space<semaphore_mem>>)
      %dma_wait3A = arith.constant 0 : i32
      %dma_wait3A_19 = tpu.memref_slice %arg8[%mul3A_0, %dma_wait3A] : memref<50048x16xf32, #tpu.memory_space<vmem_shared>> -> memref<3128x16xf32, #tpu.memory_space<vmem_shared>>
      tpu.wait_dma2 semaphore(%run_scoped3A : memref<!tpu.dma_semaphore, #tpu.memory_space<semaphore_mem>>) src(%arg4 : memref<3128x16xf32, #tpu.memory_space<hbm>>) dst(%dma_wait3A_19 : memref<3128x16xf32, #tpu.memory_space<vmem_shared>>)
      tpu.yield
    }) : () -> ()
    %barrier3A = arith.constant 0 : index
    tpu.barrier barrier_id(%barrier3A)
    %mul3A_1 = arith.constant 16 : i32
    %mul3A_2 = arith.muli %arg0, %mul3A_1 : i32
    %add3A = arith.addi %mul3A_2, %arg1 : i32
    %mul3A_3 = arith.constant 25000 : i32
    %mul3A_4 = arith.muli %add3A, %mul3A_3 : i32
    %scan3A = arith.constant 0 : i32
    %scan3A_5 = arith.constant 0 : i32
    %scan3A_6 = arith.constant 25 : i32
    %scan3A_7 = arith.addi %scan3A_5, %scan3A_6 : i32
    %scan3A_8 = arith.constant 1 : i32
    scf.for %scan3A_18 = %scan3A_5 to %scan3A_7 step %scan3A_8  : i32 {
      %mul3A_19 = arith.constant 1000 : i32
      %mul3A_20 = arith.muli %scan3A_18, %mul3A_19 : i32
      %add3A_21 = arith.addi %mul3A_4, %mul3A_20 : i32
      "tpu.region"() ({
        %run_scoped3A = tpu.sem_alloc : memref<!tpu.dma_semaphore, #tpu.memory_space<semaphore_mem>>
        %dma_start3A = tpu.memref_slice %arg3[%add3A_21] : memref<800000xi32, #tpu.memory_space<hbm>> -> memref<1000xi32, #tpu.memory_space<hbm>>
        %dma_start3A_22 = tpu.memref_slice %arg3[%add3A_21] : memref<800000xi32, #tpu.memory_space<hbm>> -> memref<1000xi32, #tpu.memory_space<hbm>>
        tpu.enqueue_dma source(%dma_start3A_22 : memref<1000xi32, #tpu.memory_space<hbm>>) target(%arg6 : memref<1000xi32, #tpu.memory_space<vmem>>) target_semaphore(%run_scoped3A : memref<!tpu.dma_semaphore, #tpu.memory_space<semaphore_mem>>)
        %dma_wait3A = tpu.memref_slice %arg3[%add3A_21] : memref<800000xi32, #tpu.memory_space<hbm>> -> memref<1000xi32, #tpu.memory_space<hbm>>
        %dma_wait3A_23 = tpu.memref_slice %arg3[%add3A_21] : memref<800000xi32, #tpu.memory_space<hbm>> -> memref<1000xi32, #tpu.memory_space<hbm>>
        tpu.wait_dma2 semaphore(%run_scoped3A : memref<!tpu.dma_semaphore, #tpu.memory_space<semaphore_mem>>) src(%dma_wait3A_23 : memref<1000xi32, #tpu.memory_space<hbm>>) dst(%arg6 : memref<1000xi32, #tpu.memory_space<vmem>>)
        tpu.yield
      }) : () -> ()
      "tpu.region"() ({
        %run_scoped3A = tpu.sem_alloc : memref<!tpu.dma_semaphore, #tpu.memory_space<semaphore_mem>>
        %dma_start3A = arith.constant 0 : i32
        %dma_start3A_22 = tpu.memref_slice %arg2[%add3A_21, %dma_start3A] : memref<800000x16xf32, #tpu.memory_space<hbm>> -> memref<1000x16xf32, #tpu.memory_space<hbm>>
        %dma_start3A_23 = arith.constant 0 : i32
        %dma_start3A_24 = tpu.memref_slice %arg2[%add3A_21, %dma_start3A_23] : memref<800000x16xf32, #tpu.memory_space<hbm>> -> memref<1000x16xf32, #tpu.memory_space<hbm>>
        tpu.enqueue_dma source(%dma_start3A_24 : memref<1000x16xf32, #tpu.memory_space<hbm>>) target(%arg7 : memref<1000x16xf32, #tpu.memory_space<vmem>>) target_semaphore(%run_scoped3A : memref<!tpu.dma_semaphore, #tpu.memory_space<semaphore_mem>>)
        %dma_wait3A = arith.constant 0 : i32
        %dma_wait3A_25 = tpu.memref_slice %arg2[%add3A_21, %dma_wait3A] : memref<800000x16xf32, #tpu.memory_space<hbm>> -> memref<1000x16xf32, #tpu.memory_space<hbm>>
        %dma_wait3A_26 = arith.constant 0 : i32
        %dma_wait3A_27 = tpu.memref_slice %arg2[%add3A_21, %dma_wait3A_26] : memref<800000x16xf32, #tpu.memory_space<hbm>> -> memref<1000x16xf32, #tpu.memory_space<hbm>>
        tpu.wait_dma2 semaphore(%run_scoped3A : memref<!tpu.dma_semaphore, #tpu.memory_space<semaphore_mem>>) src(%dma_wait3A_27 : memref<1000x16xf32, #tpu.memory_space<hbm>>) dst(%arg7 : memref<1000x16xf32, #tpu.memory_space<vmem>>)
        tpu.yield
      }) : () -> ()
      "tpu.region"() ({
        %run_scoped3A = tpu.sem_alloc : memref<!tpu.dma_semaphore, #tpu.memory_space<semaphore_mem>>
        %dma_start3A = arith.constant 0 : i32
        %dma_start3A_22 = arith.constant 0 : i32
        %dma_start3A_23 = tpu.memref_slice %arg8[%dma_start3A, %dma_start3A_22] : memref<50048x16xf32, #tpu.memory_space<vmem_shared>> -> memref<50048x16xf32, #tpu.memory_space<vmem_shared>>
        tpu.enqueue_indirect_dma source(%arg7 : memref<1000x16xf32, #tpu.memory_space<vmem>>) target(%dma_start3A_23 : memref<50048x16xf32, #tpu.memory_space<vmem_shared>>) offsets(%arg6 : memref<1000xi32, #tpu.memory_space<vmem>>) semaphore(%run_scoped3A : memref<!tpu.dma_semaphore, #tpu.memory_space<semaphore_mem>>) {add = true}
        %dma_wait3A = arith.constant 0 : i32
        %dma_wait3A_24 = arith.constant 0 : i32
        %dma_wait3A_25 = tpu.memref_slice %arg8[%dma_wait3A, %dma_wait3A_24] : memref<50048x16xf32, #tpu.memory_space<vmem_shared>> -> memref<50048x16xf32, #tpu.memory_space<vmem_shared>>
        tpu.wait_indirect_dma semaphore(%run_scoped3A : memref<!tpu.dma_semaphore, #tpu.memory_space<semaphore_mem>>) src(%arg7 : memref<1000x16xf32, #tpu.memory_space<vmem>>) dst(%dma_wait3A_25 : memref<50048x16xf32, #tpu.memory_space<vmem_shared>>)
        tpu.yield
      }) : () -> ()
    }
    %scan3A_9 = arith.constant 25 : i32
    %barrier3A_10 = arith.constant 0 : index
    tpu.barrier barrier_id(%barrier3A_10)
    %mul3A_11 = arith.constant 3128 : i32
    %mul3A_12 = arith.muli %arg1, %mul3A_11 : i32
    %mul3A_13 = arith.constant 50048 : i32
    %mul3A_14 = arith.muli %arg0, %mul3A_13 : i32
    %mul3A_15 = arith.constant 3128 : i32
    %mul3A_16 = arith.muli %arg1, %mul3A_15 : i32
    %add3A_17 = arith.addi %mul3A_14, %mul3A_16 : i32
    "tpu.region"() ({
      %run_scoped3A = tpu.sem_alloc : memref<!tpu.dma_semaphore, #tpu.memory_space<semaphore_mem>>
      %dma_start3A = arith.constant 0 : i32
      %dma_start3A_18 = tpu.memref_slice %arg5[%add3A_17, %dma_start3A] : memref<100096x16xf32, #tpu.memory_space<hbm>> -> memref<3128x16xf32, #tpu.memory_space<hbm>>
      %dma_start3A_19 = arith.constant 0 : i32
      %dma_start3A_20 = tpu.memref_slice %arg8[%mul3A_12, %dma_start3A_19] : memref<50048x16xf32, #tpu.memory_space<vmem_shared>> -> memref<3128x16xf32, #tpu.memory_space<vmem_shared>>
      tpu.enqueue_dma source(%dma_start3A_20 : memref<3128x16xf32, #tpu.memory_space<vmem_shared>>) target(%dma_start3A_18 : memref<3128x16xf32, #tpu.memory_space<hbm>>) target_semaphore(%run_scoped3A : memref<!tpu.dma_semaphore, #tpu.memory_space<semaphore_mem>>)
      %dma_wait3A = arith.constant 0 : i32
      %dma_wait3A_21 = tpu.memref_slice %arg5[%add3A_17, %dma_wait3A] : memref<100096x16xf32, #tpu.memory_space<hbm>> -> memref<3128x16xf32, #tpu.memory_space<hbm>>
      %dma_wait3A_22 = arith.constant 0 : i32
      %dma_wait3A_23 = tpu.memref_slice %arg8[%mul3A_12, %dma_wait3A_22] : memref<50048x16xf32, #tpu.memory_space<vmem_shared>> -> memref<3128x16xf32, #tpu.memory_space<vmem_shared>>
      tpu.wait_dma2 semaphore(%run_scoped3A : memref<!tpu.dma_semaphore, #tpu.memory_space<semaphore_mem>>) src(%dma_wait3A_23 : memref<3128x16xf32, #tpu.memory_space<vmem_shared>>) dst(%dma_wait3A_21 : memref<3128x16xf32, #tpu.memory_space<hbm>>)
      tpu.yield
    }) : () -> ()
    return
  }
}

#map = affine_map<(d0, d1) -> (0, 0)>
#map1 = affine_map<(d0, d1) -> (0)>
module attributes {stable_mosaic.version = 14 : i64} {
  func.func @k(%arg0: i32, %arg1: i32, %arg2: memref<50048x16xf32, #tpu.memory_space<hbm>>, %arg3: memref<1600000xi32, #tpu.memory_space<hbm>>, %arg4: memref<1600000x16xf32, #tpu.memory_space<hbm>>, %arg5: memref<5000xi32, #tpu.memory_space<vmem>>, %arg6: memref<5000x16xf32, #tpu.memory_space<vmem>>, %arg7: memref<!tpu.dma_semaphore, #tpu.memory_space<semaphore_mem>>) attributes {dimension_semantics = [#tpu.dimension_semantics<core_parallel>, #tpu.dimension_semantics<subcore_parallel>], iteration_bounds = array<i64: 2, 16>, scalar_prefetch = 0 : i64, scratch_operands = 3 : i64, tpu.core_type = #tpu.core_type<sc_vector_subcore>, window_params = [{transform_indices = #map}, {transform_indices = #map1}, {transform_indices = #map}]} {
    %mul3A = arith.constant 16 : i32
    %mul3A_0 = arith.muli %arg0, %mul3A : i32
    %add3A = arith.addi %mul3A_0, %arg1 : i32
    %mul3A_1 = arith.constant 50000 : i32
    %mul3A_2 = arith.muli %add3A, %mul3A_1 : i32
    %scan3A = arith.constant 0 : i32
    %scan3A_3 = arith.constant 0 : i32
    %scan3A_4 = arith.constant 10 : i32
    %scan3A_5 = arith.addi %scan3A_3, %scan3A_4 : i32
    %scan3A_6 = arith.constant 1 : i32
    scf.for %scan3A_8 = %scan3A_3 to %scan3A_5 step %scan3A_6  : i32 {
      %mul3A_9 = arith.constant 5000 : i32
      %mul3A_10 = arith.muli %scan3A_8, %mul3A_9 : i32
      %add3A_11 = arith.addi %mul3A_2, %mul3A_10 : i32
      "tpu.region"() ({
        %run_scoped3A = tpu.sem_alloc : memref<!tpu.dma_semaphore, #tpu.memory_space<semaphore_mem>>
        %dma_start3A_16 = tpu.memref_slice %arg3[%add3A_11] : memref<1600000xi32, #tpu.memory_space<hbm>> -> memref<5000xi32, #tpu.memory_space<hbm>>
        %dma_start3A_17 = tpu.memref_slice %arg3[%add3A_11] : memref<1600000xi32, #tpu.memory_space<hbm>> -> memref<5000xi32, #tpu.memory_space<hbm>>
        tpu.enqueue_dma source(%dma_start3A_17 : memref<5000xi32, #tpu.memory_space<hbm>>) target(%arg5 : memref<5000xi32, #tpu.memory_space<vmem>>) target_semaphore(%run_scoped3A : memref<!tpu.dma_semaphore, #tpu.memory_space<semaphore_mem>>)
        %dma_wait3A_18 = tpu.memref_slice %arg3[%add3A_11] : memref<1600000xi32, #tpu.memory_space<hbm>> -> memref<5000xi32, #tpu.memory_space<hbm>>
        %dma_wait3A_19 = tpu.memref_slice %arg3[%add3A_11] : memref<1600000xi32, #tpu.memory_space<hbm>> -> memref<5000xi32, #tpu.memory_space<hbm>>
        tpu.wait_dma2 semaphore(%run_scoped3A : memref<!tpu.dma_semaphore, #tpu.memory_space<semaphore_mem>>) src(%dma_wait3A_19 : memref<5000xi32, #tpu.memory_space<hbm>>) dst(%arg5 : memref<5000xi32, #tpu.memory_space<vmem>>)
        tpu.yield
      }) : () -> ()
      %dma_start3A = arith.constant 0 : i32
      %dma_start3A_12 = arith.constant 0 : i32
      %dma_start3A_13 = tpu.memref_slice %arg2[%dma_start3A, %dma_start3A_12] : memref<50048x16xf32, #tpu.memory_space<hbm>> -> memref<50048x16xf32, #tpu.memory_space<hbm>>
      tpu.enqueue_indirect_dma source(%dma_start3A_13 : memref<50048x16xf32, #tpu.memory_space<hbm>>) target(%arg6 : memref<5000x16xf32, #tpu.memory_space<vmem>>) offsets(%arg5 : memref<5000xi32, #tpu.memory_space<vmem>>) semaphore(%arg7 : memref<!tpu.dma_semaphore, #tpu.memory_space<semaphore_mem>>)
      %dma_wait3A = arith.constant 0 : i32
      %dma_wait3A_14 = arith.constant 0 : i32
      %dma_wait3A_15 = tpu.memref_slice %arg2[%dma_wait3A, %dma_wait3A_14] : memref<50048x16xf32, #tpu.memory_space<hbm>> -> memref<50048x16xf32, #tpu.memory_space<hbm>>
      tpu.wait_indirect_dma semaphore(%arg7 : memref<!tpu.dma_semaphore, #tpu.memory_space<semaphore_mem>>) src(%dma_wait3A_15 : memref<50048x16xf32, #tpu.memory_space<hbm>>) dst(%arg6 : memref<5000x16xf32, #tpu.memory_space<vmem>>)
      "tpu.region"() ({
        %run_scoped3A = tpu.sem_alloc : memref<!tpu.dma_semaphore, #tpu.memory_space<semaphore_mem>>
        %dma_start3A_16 = arith.constant 0 : i32
        %dma_start3A_17 = tpu.memref_slice %arg4[%add3A_11, %dma_start3A_16] : memref<1600000x16xf32, #tpu.memory_space<hbm>> -> memref<5000x16xf32, #tpu.memory_space<hbm>>
        %dma_start3A_18 = arith.constant 0 : i32
        %dma_start3A_19 = tpu.memref_slice %arg4[%add3A_11, %dma_start3A_18] : memref<1600000x16xf32, #tpu.memory_space<hbm>> -> memref<5000x16xf32, #tpu.memory_space<hbm>>
        tpu.enqueue_dma source(%arg6 : memref<5000x16xf32, #tpu.memory_space<vmem>>) target(%dma_start3A_19 : memref<5000x16xf32, #tpu.memory_space<hbm>>) target_semaphore(%run_scoped3A : memref<!tpu.dma_semaphore, #tpu.memory_space<semaphore_mem>>)
        %dma_wait3A_20 = arith.constant 0 : i32
        %dma_wait3A_21 = tpu.memref_slice %arg4[%add3A_11, %dma_wait3A_20] : memref<1600000x16xf32, #tpu.memory_space<hbm>> -> memref<5000x16xf32, #tpu.memory_space<hbm>>
        %dma_wait3A_22 = arith.constant 0 : i32
        %dma_wait3A_23 = tpu.memref_slice %arg4[%add3A_11, %dma_wait3A_22] : memref<1600000x16xf32, #tpu.memory_space<hbm>> -> memref<5000x16xf32, #tpu.memory_space<hbm>>
        tpu.wait_dma2 semaphore(%run_scoped3A : memref<!tpu.dma_semaphore, #tpu.memory_space<semaphore_mem>>) src(%arg6 : memref<5000x16xf32, #tpu.memory_space<vmem>>) dst(%dma_wait3A_23 : memref<5000x16xf32, #tpu.memory_space<hbm>>)
        tpu.yield
      }) : () -> ()
    }
    %scan3A_7 = arith.constant 10 : i32
    return
  }
}

#map = affine_map<(d0, d1) -> (0, 0)>
#map1 = affine_map<(d0, d1) -> (0)>
module attributes {stable_mosaic.version = 14 : i64} {
  func.func @k(%arg0: i32, %arg1: i32, %arg2: memref<800000x16xf32, #tpu.memory_space<hbm>>, %arg3: memref<800000xi32, #tpu.memory_space<hbm>>, %arg4: memref<3128x16xf32, #tpu.memory_space<hbm>>, %arg5: memref<100096x16xf32, #tpu.memory_space<hbm>>, %arg6: memref<1000xi32, #tpu.memory_space<vmem>>, %arg7: memref<1000x16xf32, #tpu.memory_space<vmem>>, %arg8: memref<50048x16xf32, #tpu.memory_space<vmem_shared>>, %arg9: memref<!tpu.dma_semaphore, #tpu.memory_space<semaphore_mem>>) attributes {dimension_semantics = [#tpu.dimension_semantics<core_parallel>, #tpu.dimension_semantics<subcore_parallel>], iteration_bounds = array<i64: 2, 16>, scalar_prefetch = 0 : i64, scratch_operands = 4 : i64, tpu.core_type = #tpu.core_type<sc_vector_subcore>, window_params = [{transform_indices = #map}, {transform_indices = #map1}, {transform_indices = #map}, {transform_indices = #map}]} {
    %mul3A = arith.constant 3128 : i32
    %mul3A_0 = arith.muli %arg1, %mul3A : i32
    "tpu.region"() ({
      %run_scoped3A = tpu.sem_alloc : memref<!tpu.dma_semaphore, #tpu.memory_space<semaphore_mem>>
      %dma_start3A = arith.constant 0 : i32
      %dma_start3A_18 = tpu.memref_slice %arg8[%mul3A_0, %dma_start3A] : memref<50048x16xf32, #tpu.memory_space<vmem_shared>> -> memref<3128x16xf32, #tpu.memory_space<vmem_shared>>
      tpu.enqueue_dma source(%arg4 : memref<3128x16xf32, #tpu.memory_space<hbm>>) target(%dma_start3A_18 : memref<3128x16xf32, #tpu.memory_space<vmem_shared>>) target_semaphore(%run_scoped3A : memref<!tpu.dma_semaphore, #tpu.memory_space<semaphore_mem>>)
      %dma_wait3A = arith.constant 0 : i32
      %dma_wait3A_19 = tpu.memref_slice %arg8[%mul3A_0, %dma_wait3A] : memref<50048x16xf32, #tpu.memory_space<vmem_shared>> -> memref<3128x16xf32, #tpu.memory_space<vmem_shared>>
      tpu.wait_dma2 semaphore(%run_scoped3A : memref<!tpu.dma_semaphore, #tpu.memory_space<semaphore_mem>>) src(%arg4 : memref<3128x16xf32, #tpu.memory_space<hbm>>) dst(%dma_wait3A_19 : memref<3128x16xf32, #tpu.memory_space<vmem_shared>>)
      tpu.yield
    }) : () -> ()
    %barrier3A = arith.constant 0 : index
    tpu.barrier barrier_id(%barrier3A)
    %mul3A_1 = arith.constant 16 : i32
    %mul3A_2 = arith.muli %arg0, %mul3A_1 : i32
    %add3A = arith.addi %mul3A_2, %arg1 : i32
    %mul3A_3 = arith.constant 25000 : i32
    %mul3A_4 = arith.muli %add3A, %mul3A_3 : i32
    %scan3A = arith.constant 0 : i32
    %scan3A_5 = arith.constant 0 : i32
    %scan3A_6 = arith.constant 25 : i32
    %scan3A_7 = arith.addi %scan3A_5, %scan3A_6 : i32
    %scan3A_8 = arith.constant 1 : i32
    scf.for %scan3A_18 = %scan3A_5 to %scan3A_7 step %scan3A_8  : i32 {
      %mul3A_19 = arith.constant 1000 : i32
      %mul3A_20 = arith.muli %scan3A_18, %mul3A_19 : i32
      %add3A_21 = arith.addi %mul3A_4, %mul3A_20 : i32
      "tpu.region"() ({
        %run_scoped3A = tpu.sem_alloc : memref<!tpu.dma_semaphore, #tpu.memory_space<semaphore_mem>>
        %dma_start3A = tpu.memref_slice %arg3[%add3A_21] : memref<800000xi32, #tpu.memory_space<hbm>> -> memref<1000xi32, #tpu.memory_space<hbm>>
        %dma_start3A_22 = tpu.memref_slice %arg3[%add3A_21] : memref<800000xi32, #tpu.memory_space<hbm>> -> memref<1000xi32, #tpu.memory_space<hbm>>
        tpu.enqueue_dma source(%dma_start3A_22 : memref<1000xi32, #tpu.memory_space<hbm>>) target(%arg6 : memref<1000xi32, #tpu.memory_space<vmem>>) target_semaphore(%run_scoped3A : memref<!tpu.dma_semaphore, #tpu.memory_space<semaphore_mem>>)
        %dma_wait3A = tpu.memref_slice %arg3[%add3A_21] : memref<800000xi32, #tpu.memory_space<hbm>> -> memref<1000xi32, #tpu.memory_space<hbm>>
        %dma_wait3A_23 = tpu.memref_slice %arg3[%add3A_21] : memref<800000xi32, #tpu.memory_space<hbm>> -> memref<1000xi32, #tpu.memory_space<hbm>>
        tpu.wait_dma2 semaphore(%run_scoped3A : memref<!tpu.dma_semaphore, #tpu.memory_space<semaphore_mem>>) src(%dma_wait3A_23 : memref<1000xi32, #tpu.memory_space<hbm>>) dst(%arg6 : memref<1000xi32, #tpu.memory_space<vmem>>)
        tpu.yield
      }) : () -> ()
      "tpu.region"() ({
        %run_scoped3A = tpu.sem_alloc : memref<!tpu.dma_semaphore, #tpu.memory_space<semaphore_mem>>
        %dma_start3A = arith.constant 0 : i32
        %dma_start3A_22 = tpu.memref_slice %arg2[%add3A_21, %dma_start3A] : memref<800000x16xf32, #tpu.memory_space<hbm>> -> memref<1000x16xf32, #tpu.memory_space<hbm>>
        %dma_start3A_23 = arith.constant 0 : i32
        %dma_start3A_24 = tpu.memref_slice %arg2[%add3A_21, %dma_start3A_23] : memref<800000x16xf32, #tpu.memory_space<hbm>> -> memref<1000x16xf32, #tpu.memory_space<hbm>>
        tpu.enqueue_dma source(%dma_start3A_24 : memref<1000x16xf32, #tpu.memory_space<hbm>>) target(%arg7 : memref<1000x16xf32, #tpu.memory_space<vmem>>) target_semaphore(%run_scoped3A : memref<!tpu.dma_semaphore, #tpu.memory_space<semaphore_mem>>)
        %dma_wait3A = arith.constant 0 : i32
        %dma_wait3A_25 = tpu.memref_slice %arg2[%add3A_21, %dma_wait3A] : memref<800000x16xf32, #tpu.memory_space<hbm>> -> memref<1000x16xf32, #tpu.memory_space<hbm>>
        %dma_wait3A_26 = arith.constant 0 : i32
        %dma_wait3A_27 = tpu.memref_slice %arg2[%add3A_21, %dma_wait3A_26] : memref<800000x16xf32, #tpu.memory_space<hbm>> -> memref<1000x16xf32, #tpu.memory_space<hbm>>
        tpu.wait_dma2 semaphore(%run_scoped3A : memref<!tpu.dma_semaphore, #tpu.memory_space<semaphore_mem>>) src(%dma_wait3A_27 : memref<1000x16xf32, #tpu.memory_space<hbm>>) dst(%arg7 : memref<1000x16xf32, #tpu.memory_space<vmem>>)
        tpu.yield
      }) : () -> ()
      "tpu.region"() ({
        %run_scoped3A = tpu.sem_alloc : memref<!tpu.dma_semaphore, #tpu.memory_space<semaphore_mem>>
        %dma_start3A = arith.constant 0 : i32
        %dma_start3A_22 = arith.constant 0 : i32
        %dma_start3A_23 = tpu.memref_slice %arg8[%dma_start3A, %dma_start3A_22] : memref<50048x16xf32, #tpu.memory_space<vmem_shared>> -> memref<50048x16xf32, #tpu.memory_space<vmem_shared>>
        tpu.enqueue_indirect_dma source(%arg7 : memref<1000x16xf32, #tpu.memory_space<vmem>>) target(%dma_start3A_23 : memref<50048x16xf32, #tpu.memory_space<vmem_shared>>) offsets(%arg6 : memref<1000xi32, #tpu.memory_space<vmem>>) semaphore(%run_scoped3A : memref<!tpu.dma_semaphore, #tpu.memory_space<semaphore_mem>>) {add = true}
        %dma_wait3A = arith.constant 0 : i32
        %dma_wait3A_24 = arith.constant 0 : i32
        %dma_wait3A_25 = tpu.memref_slice %arg8[%dma_wait3A, %dma_wait3A_24] : memref<50048x16xf32, #tpu.memory_space<vmem_shared>> -> memref<50048x16xf32, #tpu.memory_space<vmem_shared>>
        tpu.wait_indirect_dma semaphore(%run_scoped3A : memref<!tpu.dma_semaphore, #tpu.memory_space<semaphore_mem>>) src(%arg7 : memref<1000x16xf32, #tpu.memory_space<vmem>>) dst(%dma_wait3A_25 : memref<50048x16xf32, #tpu.memory_space<vmem_shared>>)
        tpu.yield
      }) : () -> ()
    }
    %scan3A_9 = arith.constant 25 : i32
    %barrier3A_10 = arith.constant 0 : index
    tpu.barrier barrier_id(%barrier3A_10)
    %mul3A_11 = arith.constant 3128 : i32
    %mul3A_12 = arith.muli %arg1, %mul3A_11 : i32
    %mul3A_13 = arith.constant 50048 : i32
    %mul3A_14 = arith.muli %arg0, %mul3A_13 : i32
    %mul3A_15 = arith.constant 3128 : i32
    %mul3A_16 = arith.muli %arg1, %mul3A_15 : i32
    %add3A_17 = arith.addi %mul3A_14, %mul3A_16 : i32
    "tpu.region"() ({
      %run_scoped3A = tpu.sem_alloc : memref<!tpu.dma_semaphore, #tpu.memory_space<semaphore_mem>>
      %dma_start3A = arith.constant 0 : i32
      %dma_start3A_18 = tpu.memref_slice %arg5[%add3A_17, %dma_start3A] : memref<100096x16xf32, #tpu.memory_space<hbm>> -> memref<3128x16xf32, #tpu.memory_space<hbm>>
      %dma_start3A_19 = arith.constant 0 : i32
      %dma_start3A_20 = tpu.memref_slice %arg8[%mul3A_12, %dma_start3A_19] : memref<50048x16xf32, #tpu.memory_space<vmem_shared>> -> memref<3128x16xf32, #tpu.memory_space<vmem_shared>>
      tpu.enqueue_dma source(%dma_start3A_20 : memref<3128x16xf32, #tpu.memory_space<vmem_shared>>) target(%dma_start3A_18 : memref<3128x16xf32, #tpu.memory_space<hbm>>) target_semaphore(%run_scoped3A : memref<!tpu.dma_semaphore, #tpu.memory_space<semaphore_mem>>)
      %dma_wait3A = arith.constant 0 : i32
      %dma_wait3A_21 = tpu.memref_slice %arg5[%add3A_17, %dma_wait3A] : memref<100096x16xf32, #tpu.memory_space<hbm>> -> memref<3128x16xf32, #tpu.memory_space<hbm>>
      %dma_wait3A_22 = arith.constant 0 : i32
      %dma_wait3A_23 = tpu.memref_slice %arg8[%mul3A_12, %dma_wait3A_22] : memref<50048x16xf32, #tpu.memory_space<vmem_shared>> -> memref<3128x16xf32, #tpu.memory_space<vmem_shared>>
      tpu.wait_dma2 semaphore(%run_scoped3A : memref<!tpu.dma_semaphore, #tpu.memory_space<semaphore_mem>>) src(%dma_wait3A_23 : memref<3128x16xf32, #tpu.memory_space<vmem_shared>>) dst(%dma_wait3A_21 : memref<3128x16xf32, #tpu.memory_space<hbm>>)
      tpu.yield
    }) : () -> ()
    return
  }
}

module attributes {stable_mosaic.version = 14 : i64} {
  func.func @body(%arg0: i32, %arg1: memref<2000x4xf32, #tpu.memory_space<vmem>>, %arg2: memref<2000x4xf32, #tpu.memory_space<vmem>>, %arg3: memref<2000x4xf32, #tpu.memory_space<vmem>>, %arg4: memref<2000x4xf32, #tpu.memory_space<vmem>>, %arg5: memref<2000x4xf32, #tpu.memory_space<vmem>>, %arg6: memref<2000x4xf32, #tpu.memory_space<vmem>>, %arg7: memref<2000x4xf32, #tpu.memory_space<vmem>>, %arg8: memref<2000x4xf32, #tpu.memory_space<vmem>>, %arg9: memref<2000x128xf32, #tpu.memory_space<vmem>>) attributes {dimension_semantics = [#tpu.dimension_semantics<arbitrary>], iteration_bounds = array<i64: 50>, scalar_prefetch = 0 : i64, scratch_operands = 0 : i64, tpu.core_type = #tpu.core_type<tc>, window_params = [{transform_indices = @transform_0, window_bounds = array<i64: 2000, 4>}, {transform_indices = @transform_1, window_bounds = array<i64: 2000, 4>}, {transform_indices = @transform_2, window_bounds = array<i64: 2000, 4>}, {transform_indices = @transform_3, window_bounds = array<i64: 2000, 4>}, {transform_indices = @transform_4, window_bounds = array<i64: 2000, 4>}, {transform_indices = @transform_5, window_bounds = array<i64: 2000, 4>}, {transform_indices = @transform_6, window_bounds = array<i64: 2000, 4>}, {transform_indices = @transform_7, window_bounds = array<i64: 2000, 4>}, {transform_indices = @transform_8, window_bounds = array<i64: 2000, 128>}]} {
    %broadcast_in_dim3A = arith.constant 0.000000e+00 : f32
    %broadcast_in_dim3A_0 = vector.broadcast %broadcast_in_dim3A : f32 to vector<2000x12xf32>
    %get3A = arith.constant 0 : index
    %get3A_1 = arith.constant 0 : index
    %get3A_2 = vector.load %arg1[%get3A, %get3A_1] : memref<2000x4xf32, #tpu.memory_space<vmem>>, vector<2000x4xf32>
    %concatenate3A = tpu.concatenate %get3A_2, %broadcast_in_dim3A_0 in 1 : vector<2000x4xf32>, vector<2000x12xf32> -> vector<2000x16xf32>
    %get3A_3 = arith.constant 0 : index
    %get3A_4 = arith.constant 0 : index
    %get3A_5 = vector.load %arg2[%get3A_3, %get3A_4] : memref<2000x4xf32, #tpu.memory_space<vmem>>, vector<2000x4xf32>
    %concatenate3A_6 = tpu.concatenate %get3A_5, %broadcast_in_dim3A_0 in 1 : vector<2000x4xf32>, vector<2000x12xf32> -> vector<2000x16xf32>
    %get3A_7 = arith.constant 0 : index
    %get3A_8 = arith.constant 0 : index
    %get3A_9 = vector.load %arg3[%get3A_7, %get3A_8] : memref<2000x4xf32, #tpu.memory_space<vmem>>, vector<2000x4xf32>
    %concatenate3A_10 = tpu.concatenate %get3A_9, %broadcast_in_dim3A_0 in 1 : vector<2000x4xf32>, vector<2000x12xf32> -> vector<2000x16xf32>
    %get3A_11 = arith.constant 0 : index
    %get3A_12 = arith.constant 0 : index
    %get3A_13 = vector.load %arg4[%get3A_11, %get3A_12] : memref<2000x4xf32, #tpu.memory_space<vmem>>, vector<2000x4xf32>
    %concatenate3A_14 = tpu.concatenate %get3A_13, %broadcast_in_dim3A_0 in 1 : vector<2000x4xf32>, vector<2000x12xf32> -> vector<2000x16xf32>
    %get3A_15 = arith.constant 0 : index
    %get3A_16 = arith.constant 0 : index
    %get3A_17 = vector.load %arg5[%get3A_15, %get3A_16] : memref<2000x4xf32, #tpu.memory_space<vmem>>, vector<2000x4xf32>
    %concatenate3A_18 = tpu.concatenate %get3A_17, %broadcast_in_dim3A_0 in 1 : vector<2000x4xf32>, vector<2000x12xf32> -> vector<2000x16xf32>
    %get3A_19 = arith.constant 0 : index
    %get3A_20 = arith.constant 0 : index
    %get3A_21 = vector.load %arg6[%get3A_19, %get3A_20] : memref<2000x4xf32, #tpu.memory_space<vmem>>, vector<2000x4xf32>
    %concatenate3A_22 = tpu.concatenate %get3A_21, %broadcast_in_dim3A_0 in 1 : vector<2000x4xf32>, vector<2000x12xf32> -> vector<2000x16xf32>
    %get3A_23 = arith.constant 0 : index
    %get3A_24 = arith.constant 0 : index
    %get3A_25 = vector.load %arg7[%get3A_23, %get3A_24] : memref<2000x4xf32, #tpu.memory_space<vmem>>, vector<2000x4xf32>
    %concatenate3A_26 = tpu.concatenate %get3A_25, %broadcast_in_dim3A_0 in 1 : vector<2000x4xf32>, vector<2000x12xf32> -> vector<2000x16xf32>
    %get3A_27 = arith.constant 0 : index
    %get3A_28 = arith.constant 0 : index
    %get3A_29 = vector.load %arg8[%get3A_27, %get3A_28] : memref<2000x4xf32, #tpu.memory_space<vmem>>, vector<2000x4xf32>
    %concatenate3A_30 = tpu.concatenate %get3A_29, %broadcast_in_dim3A_0 in 1 : vector<2000x4xf32>, vector<2000x12xf32> -> vector<2000x16xf32>
    %concatenate3A_31 = tpu.concatenate %concatenate3A, %concatenate3A_6, %concatenate3A_10, %concatenate3A_14, %concatenate3A_18, %concatenate3A_22, %concatenate3A_26, %concatenate3A_30 in 1 : vector<2000x16xf32>, vector<2000x16xf32>, vector<2000x16xf32>, vector<2000x16xf32>, vector<2000x16xf32>, vector<2000x16xf32>, vector<2000x16xf32>, vector<2000x16xf32> -> vector<2000x128xf32>
    %swap3A = arith.constant 0 : index
    %swap3A_32 = arith.constant 0 : index
    %swap3A_33 = vector.load %arg9[%swap3A, %swap3A_32] : memref<2000x128xf32, #tpu.memory_space<vmem>>, vector<2000x128xf32>
    tpu.vector_store %arg9[%swap3A, %swap3A_32], %concatenate3A_31 {strides = array<i32>} : memref<2000x128xf32, #tpu.memory_space<vmem>>, vector<2000x128xf32>,
    return
  }
  func.func @transform_0(%arg0: i32) -> (i32, i32) {
    %add3A = arith.constant 0 : i32
    %add3A_0 = arith.addi %arg0, %add3A : i32
    %c0_i32 = arith.constant 0 : i32
    %c0_i32_1 = arith.constant 0 : i32
    return %add3A_0, %c0_i32 : i32, i32
  }
  func.func @transform_1(%arg0: i32) -> (i32, i32) {
    %add3A = arith.constant 50 : i32
    %add3A_0 = arith.addi %arg0, %add3A : i32
    %c0_i32 = arith.constant 0 : i32
    %c0_i32_1 = arith.constant 0 : i32
    return %add3A_0, %c0_i32 : i32, i32
  }
  func.func @transform_2(%arg0: i32) -> (i32, i32) {
    %add3A = arith.constant 100 : i32
    %add3A_0 = arith.addi %arg0, %add3A : i32
    %c0_i32 = arith.constant 0 : i32
    %c0_i32_1 = arith.constant 0 : i32
    return %add3A_0, %c0_i32 : i32, i32
  }
  func.func @transform_3(%arg0: i32) -> (i32, i32) {
    %add3A = arith.constant 150 : i32
    %add3A_0 = arith.addi %arg0, %add3A : i32
    %c0_i32 = arith.constant 0 : i32
    %c0_i32_1 = arith.constant 0 : i32
    return %add3A_0, %c0_i32 : i32, i32
  }
  func.func @transform_4(%arg0: i32) -> (i32, i32) {
    %add3A = arith.constant 200 : i32
    %add3A_0 = arith.addi %arg0, %add3A : i32
    %c0_i32 = arith.constant 0 : i32
    %c0_i32_1 = arith.constant 0 : i32
    return %add3A_0, %c0_i32 : i32, i32
  }
  func.func @transform_5(%arg0: i32) -> (i32, i32) {
    %add3A = arith.constant 250 : i32
    %add3A_0 = arith.addi %arg0, %add3A : i32
    %c0_i32 = arith.constant 0 : i32
    %c0_i32_1 = arith.constant 0 : i32
    return %add3A_0, %c0_i32 : i32, i32
  }
  func.func @transform_6(%arg0: i32) -> (i32, i32) {
    %add3A = arith.constant 300 : i32
    %add3A_0 = arith.addi %arg0, %add3A : i32
    %c0_i32 = arith.constant 0 : i32
    %c0_i32_1 = arith.constant 0 : i32
    return %add3A_0, %c0_i32 : i32, i32
  }
  func.func @transform_7(%arg0: i32) -> (i32, i32) {
    %add3A = arith.constant 350 : i32
    %add3A_0 = arith.addi %arg0, %add3A : i32
    %c0_i32 = arith.constant 0 : i32
    %c0_i32_1 = arith.constant 0 : i32
    return %add3A_0, %c0_i32 : i32, i32
  }
  func.func @transform_8(%arg0: i32) -> (i32, i32) {
    %c0_i32 = arith.constant 0 : i32
    %c0_i32_0 = arith.constant 0 : i32
    return %arg0, %c0_i32 : i32, i32
  }
}

module attributes {stable_mosaic.version = 14 : i64} {
  func.func @body(%arg0: i32, %arg1: memref<2000x128xf32, #tpu.memory_space<vmem>>, %arg2: memref<2000x128xf32, #tpu.memory_space<vmem>>, %arg3: memref<2000x128xf32, #tpu.memory_space<vmem>>, %arg4: memref<128x640xbf16, #tpu.memory_space<vmem>>, %arg5: memref<128x640xbf16, #tpu.memory_space<vmem>>, %arg6: memref<128x640xbf16, #tpu.memory_space<vmem>>, %arg7: memref<1x640xf32, #tpu.memory_space<vmem>>, %arg8: memref<640x640xbf16, #tpu.memory_space<vmem>>, %arg9: memref<1x640xf32, #tpu.memory_space<vmem>>, %arg10: memref<640x640xbf16, #tpu.memory_space<vmem>>, %arg11: memref<1x640xf32, #tpu.memory_space<vmem>>, %arg12: memref<640x128xbf16, #tpu.memory_space<vmem>>, %arg13: memref<1x128xf32, #tpu.memory_space<vmem>>, %arg14: memref<2000x128xf32, #tpu.memory_space<vmem>>) attributes {dimension_semantics = [#tpu.dimension_semantics<arbitrary>], iteration_bounds = array<i64: 50>, scalar_prefetch = 0 : i64, scratch_operands = 0 : i64, tpu.core_type = #tpu.core_type<tc>, window_params = [{transform_indices = @transform_0, window_bounds = array<i64: 2000, 128>}, {transform_indices = @transform_1, window_bounds = array<i64: 2000, 128>}, {transform_indices = @transform_2, window_bounds = array<i64: 2000, 128>}, {pipeline_mode = #tpu.pipeline_mode<synchronous>, transform_indices = @transform_3, window_bounds = array<i64: 128, 640>}, {pipeline_mode = #tpu.pipeline_mode<synchronous>, transform_indices = @transform_4, window_bounds = array<i64: 128, 640>}, {pipeline_mode = #tpu.pipeline_mode<synchronous>, transform_indices = @transform_5, window_bounds = array<i64: 128, 640>}, {pipeline_mode = #tpu.pipeline_mode<synchronous>, transform_indices = @transform_6, window_bounds = array<i64: 1, 640>}, {pipeline_mode = #tpu.pipeline_mode<synchronous>, transform_indices = @transform_7, window_bounds = array<i64: 640, 640>}, {pipeline_mode = #tpu.pipeline_mode<synchronous>, transform_indices = @transform_8, window_bounds = array<i64: 1, 640>}, {pipeline_mode = #tpu.pipeline_mode<synchronous>, transform_indices = @transform_9, window_bounds = array<i64: 640, 640>}, {pipeline_mode = #tpu.pipeline_mode<synchronous>, transform_indices = @transform_10, window_bounds = array<i64: 1, 640>}, {pipeline_mode = #tpu.pipeline_mode<synchronous>, transform_indices = @transform_11, window_bounds = array<i64: 640, 128>}, {pipeline_mode = #tpu.pipeline_mode<synchronous>, transform_indices = @transform_12, window_bounds = array<i64: 1, 128>}, {transform_indices = @transform_13, window_bounds = array<i64: 2000, 128>}]} {
    %get3A = arith.constant 0 : index
    %get3A_0 = arith.constant 0 : index
    %get3A_1 = vector.load %arg1[%get3A, %get3A_0] : memref<2000x128xf32, #tpu.memory_space<vmem>>, vector<2000x128xf32>
    %convert_element_type3A = arith.truncf %get3A_1 : vector<2000x128xf32> to vector<2000x128xbf16>
    %get3A_2 = arith.constant 0 : index
    %get3A_3 = arith.constant 0 : index
    %get3A_4 = vector.load %arg4[%get3A_2, %get3A_3] : memref<128x640xbf16, #tpu.memory_space<vmem>>, vector<128x640xbf16>
    %dot_general3A = arith.constant dense<0.000000e+00> : vector<2000x640xf32>
    %dot_general3A_5 = tpu.matmul %convert_element_type3A, %get3A_4, %dot_general3A {dimension_numbers = #tpu.dot_dimension_numbers<[1], [0], [0], [1], [0, 0, 1, 1], [], []>, transpose_lhs_hint = false} : vector<2000x128xbf16>, vector<128x640xbf16>, vector<2000x640xf32> -> vector<2000x640xf32>
    %get3A_6 = arith.constant 0 : index
    %get3A_7 = arith.constant 0 : index
    %get3A_8 = vector.load %arg2[%get3A_6, %get3A_7] : memref<2000x128xf32, #tpu.memory_space<vmem>>, vector<2000x128xf32>
    %convert_element_type3A_9 = arith.truncf %get3A_8 : vector<2000x128xf32> to vector<2000x128xbf16>
    %get3A_10 = arith.constant 0 : index
    %get3A_11 = arith.constant 0 : index
    %get3A_12 = vector.load %arg5[%get3A_10, %get3A_11] : memref<128x640xbf16, #tpu.memory_space<vmem>>, vector<128x640xbf16>
    %dot_general3A_13 = arith.constant dense<0.000000e+00> : vector<2000x640xf32>
    %dot_general3A_14 = tpu.matmul %convert_element_type3A_9, %get3A_12, %dot_general3A_13 {dimension_numbers = #tpu.dot_dimension_numbers<[1], [0], [0], [1], [0, 0, 1, 1], [], []>, transpose_lhs_hint = false} : vector<2000x128xbf16>, vector<128x640xbf16>, vector<2000x640xf32> -> vector<2000x640xf32>
    %add3A = arith.addf %dot_general3A_5, %dot_general3A_14 : vector<2000x640xf32>
    %get3A_15 = arith.constant 0 : index
    %get3A_16 = arith.constant 0 : index
    %get3A_17 = vector.load %arg3[%get3A_15, %get3A_16] : memref<2000x128xf32, #tpu.memory_space<vmem>>, vector<2000x128xf32>
    %convert_element_type3A_18 = arith.truncf %get3A_17 : vector<2000x128xf32> to vector<2000x128xbf16>
    %get3A_19 = arith.constant 0 : index
    %get3A_20 = arith.constant 0 : index
    %get3A_21 = vector.load %arg6[%get3A_19, %get3A_20] : memref<128x640xbf16, #tpu.memory_space<vmem>>, vector<128x640xbf16>
    %dot_general3A_22 = arith.constant dense<0.000000e+00> : vector<2000x640xf32>
    %dot_general3A_23 = tpu.matmul %convert_element_type3A_18, %get3A_21, %dot_general3A_22 {dimension_numbers = #tpu.dot_dimension_numbers<[1], [0], [0], [1], [0, 0, 1, 1], [], []>, transpose_lhs_hint = false} : vector<2000x128xbf16>, vector<128x640xbf16>, vector<2000x640xf32> -> vector<2000x640xf32>
    %add3A_24 = arith.addf %add3A, %dot_general3A_23 : vector<2000x640xf32>
    %get3A_25 = arith.constant 0 : index
    %get3A_26 = arith.constant 0 : index
    %get3A_27 = vector.load %arg7[%get3A_25, %get3A_26] : memref<1x640xf32, #tpu.memory_space<vmem>>, vector<1x640xf32>
    %add3A_28 = vector.broadcast %get3A_27 : vector<1x640xf32> to vector<2000x640xf32>
    %add3A_29 = arith.addf %add3A_24, %add3A_28 : vector<2000x640xf32>
    %max3A = arith.constant 0.000000e+00 : f32
    %max3A_30 = vector.broadcast %max3A : f32 to vector<2000x640xf32>
    %max3A_31 = arith.maximumf %add3A_29, %max3A_30 : vector<2000x640xf32>
    %convert_element_type3A_32 = arith.truncf %max3A_31 : vector<2000x640xf32> to vector<2000x640xbf16>
    %get3A_33 = arith.constant 0 : index
    %get3A_34 = arith.constant 0 : index
    %get3A_35 = vector.load %arg8[%get3A_33, %get3A_34] : memref<640x640xbf16, #tpu.memory_space<vmem>>, vector<640x640xbf16>
    %dot_general3A_36 = arith.constant dense<0.000000e+00> : vector<2000x640xf32>
    %dot_general3A_37 = tpu.matmul %convert_element_type3A_32, %get3A_35, %dot_general3A_36 {dimension_numbers = #tpu.dot_dimension_numbers<[1], [0], [0], [1], [0, 0, 1, 1], [], []>, transpose_lhs_hint = false} : vector<2000x640xbf16>, vector<640x640xbf16>, vector<2000x640xf32> -> vector<2000x640xf32>
    %get3A_38 = arith.constant 0 : index
    %get3A_39 = arith.constant 0 : index
    %get3A_40 = vector.load %arg9[%get3A_38, %get3A_39] : memref<1x640xf32, #tpu.memory_space<vmem>>, vector<1x640xf32>
    %add3A_41 = vector.broadcast %get3A_40 : vector<1x640xf32> to vector<2000x640xf32>
    %add3A_42 = arith.addf %dot_general3A_37, %add3A_41 : vector<2000x640xf32>
    %max3A_43 = arith.constant 0.000000e+00 : f32
    %max3A_44 = vector.broadcast %max3A_43 : f32 to vector<2000x640xf32>
    %max3A_45 = arith.maximumf %add3A_42, %max3A_44 : vector<2000x640xf32>
    %convert_element_type3A_46 = arith.truncf %max3A_45 : vector<2000x640xf32> to vector<2000x640xbf16>
    %get3A_47 = arith.constant 0 : index
    %get3A_48 = arith.constant 0 : index
    %get3A_49 = vector.load %arg10[%get3A_47, %get3A_48] : memref<640x640xbf16, #tpu.memory_space<vmem>>, vector<640x640xbf16>
    %dot_general3A_50 = arith.constant dense<0.000000e+00> : vector<2000x640xf32>
    %dot_general3A_51 = tpu.matmul %convert_element_type3A_46, %get3A_49, %dot_general3A_50 {dimension_numbers = #tpu.dot_dimension_numbers<[1], [0], [0], [1], [0, 0, 1, 1], [], []>, transpose_lhs_hint = false} : vector<2000x640xbf16>, vector<640x640xbf16>, vector<2000x640xf32> -> vector<2000x640xf32>
    %get3A_52 = arith.constant 0 : index
    %get3A_53 = arith.constant 0 : index
    %get3A_54 = vector.load %arg11[%get3A_52, %get3A_53] : memref<1x640xf32, #tpu.memory_space<vmem>>, vector<1x640xf32>
    %add3A_55 = vector.broadcast %get3A_54 : vector<1x640xf32> to vector<2000x640xf32>
    %add3A_56 = arith.addf %dot_general3A_51, %add3A_55 : vector<2000x640xf32>
    %max3A_57 = arith.constant 0.000000e+00 : f32
    %max3A_58 = vector.broadcast %max3A_57 : f32 to vector<2000x640xf32>
    %max3A_59 = arith.maximumf %add3A_56, %max3A_58 : vector<2000x640xf32>
    %convert_element_type3A_60 = arith.truncf %max3A_59 : vector<2000x640xf32> to vector<2000x640xbf16>
    %get3A_61 = arith.constant 0 : index
    %get3A_62 = arith.constant 0 : index
    %get3A_63 = vector.load %arg12[%get3A_61, %get3A_62] : memref<640x128xbf16, #tpu.memory_space<vmem>>, vector<640x128xbf16>
    %dot_general3A_64 = arith.constant dense<0.000000e+00> : vector<2000x128xf32>
    %dot_general3A_65 = tpu.matmul %convert_element_type3A_60, %get3A_63, %dot_general3A_64 {dimension_numbers = #tpu.dot_dimension_numbers<[1], [0], [0], [1], [0, 0, 1, 1], [], []>, transpose_lhs_hint = false} : vector<2000x640xbf16>, vector<640x128xbf16>, vector<2000x128xf32> -> vector<2000x128xf32>
    %get3A_66 = arith.constant 0 : index
    %get3A_67 = arith.constant 0 : index
    %get3A_68 = vector.load %arg13[%get3A_66, %get3A_67] : memref<1x128xf32, #tpu.memory_space<vmem>>, vector<1x128xf32>
    %add3A_69 = vector.broadcast %get3A_68 : vector<1x128xf32> to vector<2000x128xf32>
    %add3A_70 = arith.addf %dot_general3A_65, %add3A_69 : vector<2000x128xf32>
    %swap3A = arith.constant 0 : index
    %swap3A_71 = arith.constant 0 : index
    %swap3A_72 = vector.load %arg14[%swap3A, %swap3A_71] : memref<2000x128xf32, #tpu.memory_space<vmem>>, vector<2000x128xf32>
    tpu.vector_store %arg14[%swap3A, %swap3A_71], %add3A_70 {strides = array<i32>} : memref<2000x128xf32, #tpu.memory_space<vmem>>, vector<2000x128xf32>,
    return
  }
  func.func @transform_0(%arg0: i32) -> (i32, i32) {
    %add3A = arith.constant 0 : i32
    %add3A_0 = arith.addi %arg0, %add3A : i32
    %c0_i32 = arith.constant 0 : i32
    %c0_i32_1 = arith.constant 0 : i32
    return %add3A_0, %c0_i32 : i32, i32
  }
  func.func @transform_1(%arg0: i32) -> (i32, i32) {
    %add3A = arith.constant 50 : i32
    %add3A_0 = arith.addi %arg0, %add3A : i32
    %c0_i32 = arith.constant 0 : i32
    %c0_i32_1 = arith.constant 0 : i32
    return %add3A_0, %c0_i32 : i32, i32
  }
  func.func @transform_2(%arg0: i32) -> (i32, i32) {
    %add3A = arith.constant 0 : i32
    %add3A_0 = arith.addi %arg0, %add3A : i32
    %c0_i32 = arith.constant 0 : i32
    %c0_i32_1 = arith.constant 0 : i32
    return %add3A_0, %c0_i32 : i32, i32
  }
  func.func @transform_3(%arg0: i32) -> (i32, i32) {
    %c0_i32 = arith.constant 0 : i32
    %c0_i32_0 = arith.constant 0 : i32
    %c0_i32_1 = arith.constant 0 : i32
    return %c0_i32, %c0_i32_0 : i32, i32
  }
  func.func @transform_4(%arg0: i32) -> (i32, i32) {
    %c0_i32 = arith.constant 0 : i32
    %c0_i32_0 = arith.constant 0 : i32
    %c0_i32_1 = arith.constant 0 : i32
    return %c0_i32, %c0_i32_0 : i32, i32
  }
  func.func @transform_5(%arg0: i32) -> (i32, i32) {
    %c0_i32 = arith.constant 0 : i32
    %c0_i32_0 = arith.constant 0 : i32
    %c0_i32_1 = arith.constant 0 : i32
    return %c0_i32, %c0_i32_0 : i32, i32
  }
  func.func @transform_6(%arg0: i32) -> (i32, i32) {
    %c0_i32 = arith.constant 0 : i32
    %c0_i32_0 = arith.constant 0 : i32
    %c0_i32_1 = arith.constant 0 : i32
    return %c0_i32, %c0_i32_0 : i32, i32
  }
  func.func @transform_7(%arg0: i32) -> (i32, i32) {
    %c0_i32 = arith.constant 0 : i32
    %c0_i32_0 = arith.constant 0 : i32
    %c0_i32_1 = arith.constant 0 : i32
    return %c0_i32, %c0_i32_0 : i32, i32
  }
  func.func @transform_8(%arg0: i32) -> (i32, i32) {
    %c0_i32 = arith.constant 0 : i32
    %c0_i32_0 = arith.constant 0 : i32
    %c0_i32_1 = arith.constant 0 : i32
    return %c0_i32, %c0_i32_0 : i32, i32
  }
  func.func @transform_9(%arg0: i32) -> (i32, i32) {
    %c0_i32 = arith.constant 0 : i32
    %c0_i32_0 = arith.constant 0 : i32
    %c0_i32_1 = arith.constant 0 : i32
    return %c0_i32, %c0_i32_0 : i32, i32
  }
  func.func @transform_10(%arg0: i32) -> (i32, i32) {
    %c0_i32 = arith.constant 0 : i32
    %c0_i32_0 = arith.constant 0 : i32
    %c0_i32_1 = arith.constant 0 : i32
    return %c0_i32, %c0_i32_0 : i32, i32
  }
  func.func @transform_11(%arg0: i32) -> (i32, i32) {
    %c0_i32 = arith.constant 0 : i32
    %c0_i32_0 = arith.constant 0 : i32
    %c0_i32_1 = arith.constant 0 : i32
    return %c0_i32, %c0_i32_0 : i32, i32
  }
  func.func @transform_12(%arg0: i32) -> (i32, i32) {
    %c0_i32 = arith.constant 0 : i32
    %c0_i32_0 = arith.constant 0 : i32
    %c0_i32_1 = arith.constant 0 : i32
    return %c0_i32, %c0_i32_0 : i32, i32
  }
  func.func @transform_13(%arg0: i32) -> (i32, i32) {
    %c0_i32 = arith.constant 0 : i32
    %c0_i32_0 = arith.constant 0 : i32
    return %arg0, %c0_i32 : i32, i32
  }
}

module attributes {stable_mosaic.version = 14 : i64} {
  func.func @body(%arg0: i32, %arg1: memref<3128x16xf32, #tpu.memory_space<vmem>>, %arg2: memref<3128x16xf32, #tpu.memory_space<vmem>>, %arg3: memref<3128x16xf32, #tpu.memory_space<vmem>>, %arg4: memref<16x80xbf16, #tpu.memory_space<vmem>>, %arg5: memref<16x80xbf16, #tpu.memory_space<vmem>>, %arg6: memref<16x80xbf16, #tpu.memory_space<vmem>>, %arg7: memref<1x80xf32, #tpu.memory_space<vmem>>, %arg8: memref<80x80xbf16, #tpu.memory_space<vmem>>, %arg9: memref<1x80xf32, #tpu.memory_space<vmem>>, %arg10: memref<80x80xbf16, #tpu.memory_space<vmem>>, %arg11: memref<1x80xf32, #tpu.memory_space<vmem>>, %arg12: memref<80x16xbf16, #tpu.memory_space<vmem>>, %arg13: memref<1x16xf32, #tpu.memory_space<vmem>>, %arg14: memref<3128x16xf32, #tpu.memory_space<vmem>>) attributes {dimension_semantics = [#tpu.dimension_semantics<arbitrary>], iteration_bounds = array<i64: 16>, scalar_prefetch = 0 : i64, scratch_operands = 0 : i64, tpu.core_type = #tpu.core_type<tc>, window_params = [{transform_indices = @transform_0, window_bounds = array<i64: 3128, 16>}, {transform_indices = @transform_1, window_bounds = array<i64: 3128, 16>}, {transform_indices = @transform_2, window_bounds = array<i64: 3128, 16>}, {pipeline_mode = #tpu.pipeline_mode<synchronous>, transform_indices = @transform_3, window_bounds = array<i64: 16, 80>}, {pipeline_mode = #tpu.pipeline_mode<synchronous>, transform_indices = @transform_4, window_bounds = array<i64: 16, 80>}, {pipeline_mode = #tpu.pipeline_mode<synchronous>, transform_indices = @transform_5, window_bounds = array<i64: 16, 80>}, {pipeline_mode = #tpu.pipeline_mode<synchronous>, transform_indices = @transform_6, window_bounds = array<i64: 1, 80>}, {pipeline_mode = #tpu.pipeline_mode<synchronous>, transform_indices = @transform_7, window_bounds = array<i64: 80, 80>}, {pipeline_mode = #tpu.pipeline_mode<synchronous>, transform_indices = @transform_8, window_bounds = array<i64: 1, 80>}, {pipeline_mode = #tpu.pipeline_mode<synchronous>, transform_indices = @transform_9, window_bounds = array<i64: 80, 80>}, {pipeline_mode = #tpu.pipeline_mode<synchronous>, transform_indices = @transform_10, window_bounds = array<i64: 1, 80>}, {pipeline_mode = #tpu.pipeline_mode<synchronous>, transform_indices = @transform_11, window_bounds = array<i64: 80, 16>}, {pipeline_mode = #tpu.pipeline_mode<synchronous>, transform_indices = @transform_12, window_bounds = array<i64: 1, 16>}, {transform_indices = @transform_13, window_bounds = array<i64: 3128, 16>}]} {
    %get3A = arith.constant 0 : index
    %get3A_0 = arith.constant 0 : index
    %get3A_1 = vector.load %arg1[%get3A, %get3A_0] : memref<3128x16xf32, #tpu.memory_space<vmem>>, vector<3128x16xf32>
    %convert_element_type3A = arith.truncf %get3A_1 : vector<3128x16xf32> to vector<3128x16xbf16>
    %get3A_2 = arith.constant 0 : index
    %get3A_3 = arith.constant 0 : index
    %get3A_4 = vector.load %arg4[%get3A_2, %get3A_3] : memref<16x80xbf16, #tpu.memory_space<vmem>>, vector<16x80xbf16>
    %dot_general3A = arith.constant dense<0.000000e+00> : vector<3128x80xf32>
    %dot_general3A_5 = tpu.matmul %convert_element_type3A, %get3A_4, %dot_general3A {dimension_numbers = #tpu.dot_dimension_numbers<[1], [0], [0], [1], [0, 0, 1, 1], [], []>, transpose_lhs_hint = false} : vector<3128x16xbf16>, vector<16x80xbf16>, vector<3128x80xf32> -> vector<3128x80xf32>
    %get3A_6 = arith.constant 0 : index
    %get3A_7 = arith.constant 0 : index
    %get3A_8 = vector.load %arg2[%get3A_6, %get3A_7] : memref<3128x16xf32, #tpu.memory_space<vmem>>, vector<3128x16xf32>
    %convert_element_type3A_9 = arith.truncf %get3A_8 : vector<3128x16xf32> to vector<3128x16xbf16>
    %get3A_10 = arith.constant 0 : index
    %get3A_11 = arith.constant 0 : index
    %get3A_12 = vector.load %arg5[%get3A_10, %get3A_11] : memref<16x80xbf16, #tpu.memory_space<vmem>>, vector<16x80xbf16>
    %dot_general3A_13 = arith.constant dense<0.000000e+00> : vector<3128x80xf32>
    %dot_general3A_14 = tpu.matmul %convert_element_type3A_9, %get3A_12, %dot_general3A_13 {dimension_numbers = #tpu.dot_dimension_numbers<[1], [0], [0], [1], [0, 0, 1, 1], [], []>, transpose_lhs_hint = false} : vector<3128x16xbf16>, vector<16x80xbf16>, vector<3128x80xf32> -> vector<3128x80xf32>
    %add3A = arith.addf %dot_general3A_5, %dot_general3A_14 : vector<3128x80xf32>
    %get3A_15 = arith.constant 0 : index
    %get3A_16 = arith.constant 0 : index
    %get3A_17 = vector.load %arg3[%get3A_15, %get3A_16] : memref<3128x16xf32, #tpu.memory_space<vmem>>, vector<3128x16xf32>
    %convert_element_type3A_18 = arith.truncf %get3A_17 : vector<3128x16xf32> to vector<3128x16xbf16>
    %get3A_19 = arith.constant 0 : index
    %get3A_20 = arith.constant 0 : index
    %get3A_21 = vector.load %arg6[%get3A_19, %get3A_20] : memref<16x80xbf16, #tpu.memory_space<vmem>>, vector<16x80xbf16>
    %dot_general3A_22 = arith.constant dense<0.000000e+00> : vector<3128x80xf32>
    %dot_general3A_23 = tpu.matmul %convert_element_type3A_18, %get3A_21, %dot_general3A_22 {dimension_numbers = #tpu.dot_dimension_numbers<[1], [0], [0], [1], [0, 0, 1, 1], [], []>, transpose_lhs_hint = false} : vector<3128x16xbf16>, vector<16x80xbf16>, vector<3128x80xf32> -> vector<3128x80xf32>
    %add3A_24 = arith.addf %add3A, %dot_general3A_23 : vector<3128x80xf32>
    %get3A_25 = arith.constant 0 : index
    %get3A_26 = arith.constant 0 : index
    %get3A_27 = vector.load %arg7[%get3A_25, %get3A_26] : memref<1x80xf32, #tpu.memory_space<vmem>>, vector<1x80xf32>
    %add3A_28 = vector.broadcast %get3A_27 : vector<1x80xf32> to vector<3128x80xf32>
    %add3A_29 = arith.addf %add3A_24, %add3A_28 : vector<3128x80xf32>
    %max3A = arith.constant 0.000000e+00 : f32
    %max3A_30 = vector.broadcast %max3A : f32 to vector<3128x80xf32>
    %max3A_31 = arith.maximumf %add3A_29, %max3A_30 : vector<3128x80xf32>
    %convert_element_type3A_32 = arith.truncf %max3A_31 : vector<3128x80xf32> to vector<3128x80xbf16>
    %get3A_33 = arith.constant 0 : index
    %get3A_34 = arith.constant 0 : index
    %get3A_35 = vector.load %arg8[%get3A_33, %get3A_34] : memref<80x80xbf16, #tpu.memory_space<vmem>>, vector<80x80xbf16>
    %dot_general3A_36 = arith.constant dense<0.000000e+00> : vector<3128x80xf32>
    %dot_general3A_37 = tpu.matmul %convert_element_type3A_32, %get3A_35, %dot_general3A_36 {dimension_numbers = #tpu.dot_dimension_numbers<[1], [0], [0], [1], [0, 0, 1, 1], [], []>, transpose_lhs_hint = false} : vector<3128x80xbf16>, vector<80x80xbf16>, vector<3128x80xf32> -> vector<3128x80xf32>
    %get3A_38 = arith.constant 0 : index
    %get3A_39 = arith.constant 0 : index
    %get3A_40 = vector.load %arg9[%get3A_38, %get3A_39] : memref<1x80xf32, #tpu.memory_space<vmem>>, vector<1x80xf32>
    %add3A_41 = vector.broadcast %get3A_40 : vector<1x80xf32> to vector<3128x80xf32>
    %add3A_42 = arith.addf %dot_general3A_37, %add3A_41 : vector<3128x80xf32>
    %max3A_43 = arith.constant 0.000000e+00 : f32
    %max3A_44 = vector.broadcast %max3A_43 : f32 to vector<3128x80xf32>
    %max3A_45 = arith.maximumf %add3A_42, %max3A_44 : vector<3128x80xf32>
    %convert_element_type3A_46 = arith.truncf %max3A_45 : vector<3128x80xf32> to vector<3128x80xbf16>
    %get3A_47 = arith.constant 0 : index
    %get3A_48 = arith.constant 0 : index
    %get3A_49 = vector.load %arg10[%get3A_47, %get3A_48] : memref<80x80xbf16, #tpu.memory_space<vmem>>, vector<80x80xbf16>
    %dot_general3A_50 = arith.constant dense<0.000000e+00> : vector<3128x80xf32>
    %dot_general3A_51 = tpu.matmul %convert_element_type3A_46, %get3A_49, %dot_general3A_50 {dimension_numbers = #tpu.dot_dimension_numbers<[1], [0], [0], [1], [0, 0, 1, 1], [], []>, transpose_lhs_hint = false} : vector<3128x80xbf16>, vector<80x80xbf16>, vector<3128x80xf32> -> vector<3128x80xf32>
    %get3A_52 = arith.constant 0 : index
    %get3A_53 = arith.constant 0 : index
    %get3A_54 = vector.load %arg11[%get3A_52, %get3A_53] : memref<1x80xf32, #tpu.memory_space<vmem>>, vector<1x80xf32>
    %add3A_55 = vector.broadcast %get3A_54 : vector<1x80xf32> to vector<3128x80xf32>
    %add3A_56 = arith.addf %dot_general3A_51, %add3A_55 : vector<3128x80xf32>
    %max3A_57 = arith.constant 0.000000e+00 : f32
    %max3A_58 = vector.broadcast %max3A_57 : f32 to vector<3128x80xf32>
    %max3A_59 = arith.maximumf %add3A_56, %max3A_58 : vector<3128x80xf32>
    %convert_element_type3A_60 = arith.truncf %max3A_59 : vector<3128x80xf32> to vector<3128x80xbf16>
    %get3A_61 = arith.constant 0 : index
    %get3A_62 = arith.constant 0 : index
    %get3A_63 = vector.load %arg12[%get3A_61, %get3A_62] : memref<80x16xbf16, #tpu.memory_space<vmem>>, vector<80x16xbf16>
    %dot_general3A_64 = arith.constant dense<0.000000e+00> : vector<3128x16xf32>
    %dot_general3A_65 = tpu.matmul %convert_element_type3A_60, %get3A_63, %dot_general3A_64 {dimension_numbers = #tpu.dot_dimension_numbers<[1], [0], [0], [1], [0, 0, 1, 1], [], []>, transpose_lhs_hint = false} : vector<3128x80xbf16>, vector<80x16xbf16>, vector<3128x16xf32> -> vector<3128x16xf32>
    %get3A_66 = arith.constant 0 : index
    %get3A_67 = arith.constant 0 : index
    %get3A_68 = vector.load %arg13[%get3A_66, %get3A_67] : memref<1x16xf32, #tpu.memory_space<vmem>>, vector<1x16xf32>
    %add3A_69 = vector.broadcast %get3A_68 : vector<1x16xf32> to vector<3128x16xf32>
    %add3A_70 = arith.addf %dot_general3A_65, %add3A_69 : vector<3128x16xf32>
    %swap3A = arith.constant 0 : index
    %swap3A_71 = arith.constant 0 : index
    %swap3A_72 = vector.load %arg14[%swap3A, %swap3A_71] : memref<3128x16xf32, #tpu.memory_space<vmem>>, vector<3128x16xf32>
    tpu.vector_store %arg14[%swap3A, %swap3A_71], %add3A_70 {strides = array<i32>} : memref<3128x16xf32, #tpu.memory_space<vmem>>, vector<3128x16xf32>,
    return
  }
  func.func @transform_0(%arg0: i32) -> (i32, i32) {
    %add3A = arith.constant 0 : i32
    %add3A_0 = arith.addi %arg0, %add3A : i32
    %c0_i32 = arith.constant 0 : i32
    %c0_i32_1 = arith.constant 0 : i32
    return %add3A_0, %c0_i32 : i32, i32
  }
  func.func @transform_1(%arg0: i32) -> (i32, i32) {
    %add3A = arith.constant 0 : i32
    %add3A_0 = arith.addi %arg0, %add3A : i32
    %c0_i32 = arith.constant 0 : i32
    %c0_i32_1 = arith.constant 0 : i32
    return %add3A_0, %c0_i32 : i32, i32
  }
  func.func @transform_2(%arg0: i32) -> (i32, i32) {
    %add3A = arith.constant 16 : i32
    %add3A_0 = arith.addi %arg0, %add3A : i32
    %c0_i32 = arith.constant 0 : i32
    %c0_i32_1 = arith.constant 0 : i32
    return %add3A_0, %c0_i32 : i32, i32
  }
  func.func @transform_3(%arg0: i32) -> (i32, i32) {
    %c0_i32 = arith.constant 0 : i32
    %c0_i32_0 = arith.constant 0 : i32
    %c0_i32_1 = arith.constant 0 : i32
    return %c0_i32, %c0_i32_0 : i32, i32
  }
  func.func @transform_4(%arg0: i32) -> (i32, i32) {
    %c0_i32 = arith.constant 0 : i32
    %c0_i32_0 = arith.constant 0 : i32
    %c0_i32_1 = arith.constant 0 : i32
    return %c0_i32, %c0_i32_0 : i32, i32
  }
  func.func @transform_5(%arg0: i32) -> (i32, i32) {
    %c0_i32 = arith.constant 0 : i32
    %c0_i32_0 = arith.constant 0 : i32
    %c0_i32_1 = arith.constant 0 : i32
    return %c0_i32, %c0_i32_0 : i32, i32
  }
  func.func @transform_6(%arg0: i32) -> (i32, i32) {
    %c0_i32 = arith.constant 0 : i32
    %c0_i32_0 = arith.constant 0 : i32
    %c0_i32_1 = arith.constant 0 : i32
    return %c0_i32, %c0_i32_0 : i32, i32
  }
  func.func @transform_7(%arg0: i32) -> (i32, i32) {
    %c0_i32 = arith.constant 0 : i32
    %c0_i32_0 = arith.constant 0 : i32
    %c0_i32_1 = arith.constant 0 : i32
    return %c0_i32, %c0_i32_0 : i32, i32
  }
  func.func @transform_8(%arg0: i32) -> (i32, i32) {
    %c0_i32 = arith.constant 0 : i32
    %c0_i32_0 = arith.constant 0 : i32
    %c0_i32_1 = arith.constant 0 : i32
    return %c0_i32, %c0_i32_0 : i32, i32
  }
  func.func @transform_9(%arg0: i32) -> (i32, i32) {
    %c0_i32 = arith.constant 0 : i32
    %c0_i32_0 = arith.constant 0 : i32
    %c0_i32_1 = arith.constant 0 : i32
    return %c0_i32, %c0_i32_0 : i32, i32
  }
  func.func @transform_10(%arg0: i32) -> (i32, i32) {
    %c0_i32 = arith.constant 0 : i32
    %c0_i32_0 = arith.constant 0 : i32
    %c0_i32_1 = arith.constant 0 : i32
    return %c0_i32, %c0_i32_0 : i32, i32
  }
  func.func @transform_11(%arg0: i32) -> (i32, i32) {
    %c0_i32 = arith.constant 0 : i32
    %c0_i32_0 = arith.constant 0 : i32
    %c0_i32_1 = arith.constant 0 : i32
    return %c0_i32, %c0_i32_0 : i32, i32
  }
  func.func @transform_12(%arg0: i32) -> (i32, i32) {
    %c0_i32 = arith.constant 0 : i32
    %c0_i32_0 = arith.constant 0 : i32
    %c0_i32_1 = arith.constant 0 : i32
    return %c0_i32, %c0_i32_0 : i32, i32
  }
  func.func @transform_13(%arg0: i32) -> (i32, i32) {
    %c0_i32 = arith.constant 0 : i32
    %c0_i32_0 = arith.constant 0 : i32
    return %arg0, %c0_i32 : i32, i32
  }
}

module attributes {stable_mosaic.version = 14 : i64} {
  func.func @body(%arg0: i32, %arg1: memref<2000x128xf32, #tpu.memory_space<vmem>>, %arg2: memref<2000x128xf32, #tpu.memory_space<vmem>>, %arg3: memref<2000x128xf32, #tpu.memory_space<vmem>>, %arg4: memref<2000x128xf32, #tpu.memory_space<vmem>>, %arg5: memref<2000x128xf32, #tpu.memory_space<vmem>>, %arg6: memref<2000x128xf32, #tpu.memory_space<vmem>>, %arg7: memref<128x640xbf16, #tpu.memory_space<vmem>>, %arg8: memref<128x640xbf16, #tpu.memory_space<vmem>>, %arg9: memref<128x640xbf16, #tpu.memory_space<vmem>>, %arg10: memref<1x640xf32, #tpu.memory_space<vmem>>, %arg11: memref<640x640xbf16, #tpu.memory_space<vmem>>, %arg12: memref<1x640xf32, #tpu.memory_space<vmem>>, %arg13: memref<640x640xbf16, #tpu.memory_space<vmem>>, %arg14: memref<1x640xf32, #tpu.memory_space<vmem>>, %arg15: memref<640x128xbf16, #tpu.memory_space<vmem>>, %arg16: memref<1x128xf32, #tpu.memory_space<vmem>>, %arg17: memref<128x640xbf16, #tpu.memory_space<vmem>>, %arg18: memref<128x640xbf16, #tpu.memory_space<vmem>>, %arg19: memref<128x640xbf16, #tpu.memory_space<vmem>>, %arg20: memref<1x640xf32, #tpu.memory_space<vmem>>, %arg21: memref<640x640xbf16, #tpu.memory_space<vmem>>, %arg22: memref<1x640xf32, #tpu.memory_space<vmem>>, %arg23: memref<640x640xbf16, #tpu.memory_space<vmem>>, %arg24: memref<1x640xf32, #tpu.memory_space<vmem>>, %arg25: memref<640x128xbf16, #tpu.memory_space<vmem>>, %arg26: memref<1x128xf32, #tpu.memory_space<vmem>>, %arg27: memref<128x400xbf16, #tpu.memory_space<vmem>>, %arg28: memref<128x400xbf16, #tpu.memory_space<vmem>>, %arg29: memref<128x400xbf16, #tpu.memory_space<vmem>>, %arg30: memref<128x400xbf16, #tpu.memory_space<vmem>>, %arg31: memref<128x400xbf16, #tpu.memory_space<vmem>>, %arg32: memref<128x400xbf16, #tpu.memory_space<vmem>>, %arg33: memref<1x400xf32, #tpu.memory_space<vmem>>, %arg34: memref<400x400xbf16, #tpu.memory_space<vmem>>, %arg35: memref<1x400xf32, #tpu.memory_space<vmem>>, %arg36: memref<400x400xbf16, #tpu.memory_space<vmem>>, %arg37: memref<1x400xf32, #tpu.memory_space<vmem>>, %arg38: memref<400x128xbf16, #tpu.memory_space<vmem>>, %arg39: memref<1x128xf32, #tpu.memory_space<vmem>>, %arg40: memref<2000x128xf32, #tpu.memory_space<vmem>>, %arg41: memref<2000x8xf32, #tpu.memory_space<vmem>>) attributes {dimension_semantics = [#tpu.dimension_semantics<arbitrary>], iteration_bounds = array<i64: 50>, scalar_prefetch = 0 : i64, scratch_operands = 0 : i64, tpu.core_type = #tpu.core_type<tc>, window_params = [{transform_indices = @transform_0, window_bounds = array<i64: 2000, 128>}, {transform_indices = @transform_1, window_bounds = array<i64: 2000, 128>}, {transform_indices = @transform_2, window_bounds = array<i64: 2000, 128>}, {transform_indices = @transform_3, window_bounds = array<i64: 2000, 128>}, {transform_indices = @transform_4, window_bounds = array<i64: 2000, 128>}, {transform_indices = @transform_5, window_bounds = array<i64: 2000, 128>}, {pipeline_mode = #tpu.pipeline_mode<synchronous>, transform_indices = @transform_6, window_bounds = array<i64: 128, 640>}, {pipeline_mode = #tpu.pipeline_mode<synchronous>, transform_indices = @transform_7, window_bounds = array<i64: 128, 640>}, {pipeline_mode = #tpu.pipeline_mode<synchronous>, transform_indices = @transform_8, window_bounds = array<i64: 128, 640>}, {pipeline_mode = #tpu.pipeline_mode<synchronous>, transform_indices = @transform_9, window_bounds = array<i64: 1, 640>}, {pipeline_mode = #tpu.pipeline_mode<synchronous>, transform_indices = @transform_10, window_bounds = array<i64: 640, 640>}, {pipeline_mode = #tpu.pipeline_mode<synchronous>, transform_indices = @transform_11, window_bounds = array<i64: 1, 640>}, {pipeline_mode = #tpu.pipeline_mode<synchronous>, transform_indices = @transform_12, window_bounds = array<i64: 640, 640>}, {pipeline_mode = #tpu.pipeline_mode<synchronous>, transform_indices = @transform_13, window_bounds = array<i64: 1, 640>}, {pipeline_mode = #tpu.pipeline_mode<synchronous>, transform_indices = @transform_14, window_bounds = array<i64: 640, 128>}, {pipeline_mode = #tpu.pipeline_mode<synchronous>, transform_indices = @transform_15, window_bounds = array<i64: 1, 128>}, {pipeline_mode = #tpu.pipeline_mode<synchronous>, transform_indices = @transform_16, window_bounds = array<i64: 128, 640>}, {pipeline_mode = #tpu.pipeline_mode<synchronous>, transform_indices = @transform_17, window_bounds = array<i64: 128, 640>}, {pipeline_mode = #tpu.pipeline_mode<synchronous>, transform_indices = @transform_18, window_bounds = array<i64: 128, 640>}, {pipeline_mode = #tpu.pipeline_mode<synchronous>, transform_indices = @transform_19, window_bounds = array<i64: 1, 640>}, {pipeline_mode = #tpu.pipeline_mode<synchronous>, transform_indices = @transform_20, window_bounds = array<i64: 640, 640>}, {pipeline_mode = #tpu.pipeline_mode<synchronous>, transform_indices = @transform_21, window_bounds = array<i64: 1, 640>}, {pipeline_mode = #tpu.pipeline_mode<synchronous>, transform_indices = @transform_22, window_bounds = array<i64: 640, 640>}, {pipeline_mode = #tpu.pipeline_mode<synchronous>, transform_indices = @transform_23, window_bounds = array<i64: 1, 640>}, {pipeline_mode = #tpu.pipeline_mode<synchronous>, transform_indices = @transform_24, window_bounds = array<i64: 640, 128>}, {pipeline_mode = #tpu.pipeline_mode<synchronous>, transform_indices = @transform_25, window_bounds = array<i64: 1, 128>}, {pipeline_mode = #tpu.pipeline_mode<synchronous>, transform_indices = @transform_26, window_bounds = array<i64: 128, 400>}, {pipeline_mode = #tpu.pipeline_mode<synchronous>, transform_indices = @transform_27, window_bounds = array<i64: 128, 400>}, {pipeline_mode = #tpu.pipeline_mode<synchronous>, transform_indices = @transform_28, window_bounds = array<i64: 128, 400>}, {pipeline_mode = #tpu.pipeline_mode<synchronous>, transform_indices = @transform_29, window_bounds = array<i64: 128, 400>}, {pipeline_mode = #tpu.pipeline_mode<synchronous>, transform_indices = @transform_30, window_bounds = array<i64: 128, 400>}, {pipeline_mode = #tpu.pipeline_mode<synchronous>, transform_indices = @transform_31, window_bounds = array<i64: 128, 400>}, {pipeline_mode = #tpu.pipeline_mode<synchronous>, transform_indices = @transform_32, window_bounds = array<i64: 1, 400>}, {pipeline_mode = #tpu.pipeline_mode<synchronous>, transform_indices = @transform_33, window_bounds = array<i64: 400, 400>}, {pipeline_mode = #tpu.pipeline_mode<synchronous>, transform_indices = @transform_34, window_bounds = array<i64: 1, 400>}, {pipeline_mode = #tpu.pipeline_mode<synchronous>, transform_indices = @transform_35, window_bounds = array<i64: 400, 400>}, {pipeline_mode = #tpu.pipeline_mode<synchronous>, transform_indices = @transform_36, window_bounds = array<i64: 1, 400>}, {pipeline_mode = #tpu.pipeline_mode<synchronous>, transform_indices = @transform_37, window_bounds = array<i64: 400, 128>}, {pipeline_mode = #tpu.pipeline_mode<synchronous>, transform_indices = @transform_38, window_bounds = array<i64: 1, 128>}, {transform_indices = @transform_39, window_bounds = array<i64: 2000, 128>}, {transform_indices = @transform_40, window_bounds = array<i64: 2000, 8>}]} {
    %get3A = arith.constant 0 : index
    %get3A_0 = arith.constant 0 : index
    %get3A_1 = vector.load %arg1[%get3A, %get3A_0] : memref<2000x128xf32, #tpu.memory_space<vmem>>, vector<2000x128xf32>
    %convert_element_type3A = arith.truncf %get3A_1 : vector<2000x128xf32> to vector<2000x128xbf16>
    %get3A_2 = arith.constant 0 : index
    %get3A_3 = arith.constant 0 : index
    %get3A_4 = vector.load %arg2[%get3A_2, %get3A_3] : memref<2000x128xf32, #tpu.memory_space<vmem>>, vector<2000x128xf32>
    %convert_element_type3A_5 = arith.truncf %get3A_4 : vector<2000x128xf32> to vector<2000x128xbf16>
    %get3A_6 = arith.constant 0 : index
    %get3A_7 = arith.constant 0 : index
    %get3A_8 = vector.load %arg3[%get3A_6, %get3A_7] : memref<2000x128xf32, #tpu.memory_space<vmem>>, vector<2000x128xf32>
    %convert_element_type3A_9 = arith.truncf %get3A_8 : vector<2000x128xf32> to vector<2000x128xbf16>
    %get3A_10 = arith.constant 0 : index
    %get3A_11 = arith.constant 0 : index
    %get3A_12 = vector.load %arg4[%get3A_10, %get3A_11] : memref<2000x128xf32, #tpu.memory_space<vmem>>, vector<2000x128xf32>
    %convert_element_type3A_13 = arith.truncf %get3A_12 : vector<2000x128xf32> to vector<2000x128xbf16>
    %get3A_14 = arith.constant 0 : index
    %get3A_15 = arith.constant 0 : index
    %get3A_16 = vector.load %arg5[%get3A_14, %get3A_15] : memref<2000x128xf32, #tpu.memory_space<vmem>>, vector<2000x128xf32>
    %convert_element_type3A_17 = arith.truncf %get3A_16 : vector<2000x128xf32> to vector<2000x128xbf16>
    %get3A_18 = arith.constant 0 : index
    %get3A_19 = arith.constant 0 : index
    %get3A_20 = vector.load %arg6[%get3A_18, %get3A_19] : memref<2000x128xf32, #tpu.memory_space<vmem>>, vector<2000x128xf32>
    %convert_element_type3A_21 = arith.truncf %get3A_20 : vector<2000x128xf32> to vector<2000x128xbf16>
    %get3A_22 = arith.constant 0 : index
    %get3A_23 = arith.constant 0 : index
    %get3A_24 = vector.load %arg7[%get3A_22, %get3A_23] : memref<128x640xbf16, #tpu.memory_space<vmem>>, vector<128x640xbf16>
    %dot_general3A = arith.constant dense<0.000000e+00> : vector<2000x640xf32>
    %dot_general3A_25 = tpu.matmul %convert_element_type3A, %get3A_24, %dot_general3A {dimension_numbers = #tpu.dot_dimension_numbers<[1], [0], [0], [1], [0, 0, 1, 1], [], []>, transpose_lhs_hint = false} : vector<2000x128xbf16>, vector<128x640xbf16>, vector<2000x640xf32> -> vector<2000x640xf32>
    %get3A_26 = arith.constant 0 : index
    %get3A_27 = arith.constant 0 : index
    %get3A_28 = vector.load %arg8[%get3A_26, %get3A_27] : memref<128x640xbf16, #tpu.memory_space<vmem>>, vector<128x640xbf16>
    %dot_general3A_29 = arith.constant dense<0.000000e+00> : vector<2000x640xf32>
    %dot_general3A_30 = tpu.matmul %convert_element_type3A_5, %get3A_28, %dot_general3A_29 {dimension_numbers = #tpu.dot_dimension_numbers<[1], [0], [0], [1], [0, 0, 1, 1], [], []>, transpose_lhs_hint = false} : vector<2000x128xbf16>, vector<128x640xbf16>, vector<2000x640xf32> -> vector<2000x640xf32>
    %add3A = arith.addf %dot_general3A_25, %dot_general3A_30 : vector<2000x640xf32>
    %get3A_31 = arith.constant 0 : index
    %get3A_32 = arith.constant 0 : index
    %get3A_33 = vector.load %arg9[%get3A_31, %get3A_32] : memref<128x640xbf16, #tpu.memory_space<vmem>>, vector<128x640xbf16>
    %dot_general3A_34 = arith.constant dense<0.000000e+00> : vector<2000x640xf32>
    %dot_general3A_35 = tpu.matmul %convert_element_type3A_9, %get3A_33, %dot_general3A_34 {dimension_numbers = #tpu.dot_dimension_numbers<[1], [0], [0], [1], [0, 0, 1, 1], [], []>, transpose_lhs_hint = false} : vector<2000x128xbf16>, vector<128x640xbf16>, vector<2000x640xf32> -> vector<2000x640xf32>
    %add3A_36 = arith.addf %add3A, %dot_general3A_35 : vector<2000x640xf32>
    %get3A_37 = arith.constant 0 : index
    %get3A_38 = arith.constant 0 : index
    %get3A_39 = vector.load %arg10[%get3A_37, %get3A_38] : memref<1x640xf32, #tpu.memory_space<vmem>>, vector<1x640xf32>
    %add3A_40 = vector.broadcast %get3A_39 : vector<1x640xf32> to vector<2000x640xf32>
    %add3A_41 = arith.addf %add3A_36, %add3A_40 : vector<2000x640xf32>
    %max3A = arith.constant 0.000000e+00 : f32
    %max3A_42 = vector.broadcast %max3A : f32 to vector<2000x640xf32>
    %max3A_43 = arith.maximumf %add3A_41, %max3A_42 : vector<2000x640xf32>
    %convert_element_type3A_44 = arith.truncf %max3A_43 : vector<2000x640xf32> to vector<2000x640xbf16>
    %get3A_45 = arith.constant 0 : index
    %get3A_46 = arith.constant 0 : index
    %get3A_47 = vector.load %arg11[%get3A_45, %get3A_46] : memref<640x640xbf16, #tpu.memory_space<vmem>>, vector<640x640xbf16>
    %dot_general3A_48 = arith.constant dense<0.000000e+00> : vector<2000x640xf32>
    %dot_general3A_49 = tpu.matmul %convert_element_type3A_44, %get3A_47, %dot_general3A_48 {dimension_numbers = #tpu.dot_dimension_numbers<[1], [0], [0], [1], [0, 0, 1, 1], [], []>, transpose_lhs_hint = false} : vector<2000x640xbf16>, vector<640x640xbf16>, vector<2000x640xf32> -> vector<2000x640xf32>
    %get3A_50 = arith.constant 0 : index
    %get3A_51 = arith.constant 0 : index
    %get3A_52 = vector.load %arg12[%get3A_50, %get3A_51] : memref<1x640xf32, #tpu.memory_space<vmem>>, vector<1x640xf32>
    %add3A_53 = vector.broadcast %get3A_52 : vector<1x640xf32> to vector<2000x640xf32>
    %add3A_54 = arith.addf %dot_general3A_49, %add3A_53 : vector<2000x640xf32>
    %max3A_55 = arith.constant 0.000000e+00 : f32
    %max3A_56 = vector.broadcast %max3A_55 : f32 to vector<2000x640xf32>
    %max3A_57 = arith.maximumf %add3A_54, %max3A_56 : vector<2000x640xf32>
    %convert_element_type3A_58 = arith.truncf %max3A_57 : vector<2000x640xf32> to vector<2000x640xbf16>
    %get3A_59 = arith.constant 0 : index
    %get3A_60 = arith.constant 0 : index
    %get3A_61 = vector.load %arg13[%get3A_59, %get3A_60] : memref<640x640xbf16, #tpu.memory_space<vmem>>, vector<640x640xbf16>
    %dot_general3A_62 = arith.constant dense<0.000000e+00> : vector<2000x640xf32>
    %dot_general3A_63 = tpu.matmul %convert_element_type3A_58, %get3A_61, %dot_general3A_62 {dimension_numbers = #tpu.dot_dimension_numbers<[1], [0], [0], [1], [0, 0, 1, 1], [], []>, transpose_lhs_hint = false} : vector<2000x640xbf16>, vector<640x640xbf16>, vector<2000x640xf32> -> vector<2000x640xf32>
    %get3A_64 = arith.constant 0 : index
    %get3A_65 = arith.constant 0 : index
    %get3A_66 = vector.load %arg14[%get3A_64, %get3A_65] : memref<1x640xf32, #tpu.memory_space<vmem>>, vector<1x640xf32>
    %add3A_67 = vector.broadcast %get3A_66 : vector<1x640xf32> to vector<2000x640xf32>
    %add3A_68 = arith.addf %dot_general3A_63, %add3A_67 : vector<2000x640xf32>
    %max3A_69 = arith.constant 0.000000e+00 : f32
    %max3A_70 = vector.broadcast %max3A_69 : f32 to vector<2000x640xf32>
    %max3A_71 = arith.maximumf %add3A_68, %max3A_70 : vector<2000x640xf32>
    %convert_element_type3A_72 = arith.truncf %max3A_71 : vector<2000x640xf32> to vector<2000x640xbf16>
    %get3A_73 = arith.constant 0 : index
    %get3A_74 = arith.constant 0 : index
    %get3A_75 = vector.load %arg15[%get3A_73, %get3A_74] : memref<640x128xbf16, #tpu.memory_space<vmem>>, vector<640x128xbf16>
    %dot_general3A_76 = arith.constant dense<0.000000e+00> : vector<2000x128xf32>
    %dot_general3A_77 = tpu.matmul %convert_element_type3A_72, %get3A_75, %dot_general3A_76 {dimension_numbers = #tpu.dot_dimension_numbers<[1], [0], [0], [1], [0, 0, 1, 1], [], []>, transpose_lhs_hint = false} : vector<2000x640xbf16>, vector<640x128xbf16>, vector<2000x128xf32> -> vector<2000x128xf32>
    %get3A_78 = arith.constant 0 : index
    %get3A_79 = arith.constant 0 : index
    %get3A_80 = vector.load %arg16[%get3A_78, %get3A_79] : memref<1x128xf32, #tpu.memory_space<vmem>>, vector<1x128xf32>
    %add3A_81 = vector.broadcast %get3A_80 : vector<1x128xf32> to vector<2000x128xf32>
    %add3A_82 = arith.addf %dot_general3A_77, %add3A_81 : vector<2000x128xf32>
    %convert_element_type3A_83 = arith.truncf %add3A_82 : vector<2000x128xf32> to vector<2000x128xbf16>
    %get3A_84 = arith.constant 0 : index
    %get3A_85 = arith.constant 0 : index
    %get3A_86 = vector.load %arg17[%get3A_84, %get3A_85] : memref<128x640xbf16, #tpu.memory_space<vmem>>, vector<128x640xbf16>
    %dot_general3A_87 = arith.constant dense<0.000000e+00> : vector<2000x640xf32>
    %dot_general3A_88 = tpu.matmul %convert_element_type3A_13, %get3A_86, %dot_general3A_87 {dimension_numbers = #tpu.dot_dimension_numbers<[1], [0], [0], [1], [0, 0, 1, 1], [], []>, transpose_lhs_hint = false} : vector<2000x128xbf16>, vector<128x640xbf16>, vector<2000x640xf32> -> vector<2000x640xf32>
    %get3A_89 = arith.constant 0 : index
    %get3A_90 = arith.constant 0 : index
    %get3A_91 = vector.load %arg18[%get3A_89, %get3A_90] : memref<128x640xbf16, #tpu.memory_space<vmem>>, vector<128x640xbf16>
    %dot_general3A_92 = arith.constant dense<0.000000e+00> : vector<2000x640xf32>
    %dot_general3A_93 = tpu.matmul %convert_element_type3A_9, %get3A_91, %dot_general3A_92 {dimension_numbers = #tpu.dot_dimension_numbers<[1], [0], [0], [1], [0, 0, 1, 1], [], []>, transpose_lhs_hint = false} : vector<2000x128xbf16>, vector<128x640xbf16>, vector<2000x640xf32> -> vector<2000x640xf32>
    %add3A_94 = arith.addf %dot_general3A_88, %dot_general3A_93 : vector<2000x640xf32>
    %get3A_95 = arith.constant 0 : index
    %get3A_96 = arith.constant 0 : index
    %get3A_97 = vector.load %arg19[%get3A_95, %get3A_96] : memref<128x640xbf16, #tpu.memory_space<vmem>>, vector<128x640xbf16>
    %dot_general3A_98 = arith.constant dense<0.000000e+00> : vector<2000x640xf32>
    %dot_general3A_99 = tpu.matmul %convert_element_type3A_83, %get3A_97, %dot_general3A_98 {dimension_numbers = #tpu.dot_dimension_numbers<[1], [0], [0], [1], [0, 0, 1, 1], [], []>, transpose_lhs_hint = false} : vector<2000x128xbf16>, vector<128x640xbf16>, vector<2000x640xf32> -> vector<2000x640xf32>
    %add3A_100 = arith.addf %add3A_94, %dot_general3A_99 : vector<2000x640xf32>
    %get3A_101 = arith.constant 0 : index
    %get3A_102 = arith.constant 0 : index
    %get3A_103 = vector.load %arg20[%get3A_101, %get3A_102] : memref<1x640xf32, #tpu.memory_space<vmem>>, vector<1x640xf32>
    %add3A_104 = vector.broadcast %get3A_103 : vector<1x640xf32> to vector<2000x640xf32>
    %add3A_105 = arith.addf %add3A_100, %add3A_104 : vector<2000x640xf32>
    %max3A_106 = arith.constant 0.000000e+00 : f32
    %max3A_107 = vector.broadcast %max3A_106 : f32 to vector<2000x640xf32>
    %max3A_108 = arith.maximumf %add3A_105, %max3A_107 : vector<2000x640xf32>
    %convert_element_type3A_109 = arith.truncf %max3A_108 : vector<2000x640xf32> to vector<2000x640xbf16>
    %get3A_110 = arith.constant 0 : index
    %get3A_111 = arith.constant 0 : index
    %get3A_112 = vector.load %arg21[%get3A_110, %get3A_111] : memref<640x640xbf16, #tpu.memory_space<vmem>>, vector<640x640xbf16>
    %dot_general3A_113 = arith.constant dense<0.000000e+00> : vector<2000x640xf32>
    %dot_general3A_114 = tpu.matmul %convert_element_type3A_109, %get3A_112, %dot_general3A_113 {dimension_numbers = #tpu.dot_dimension_numbers<[1], [0], [0], [1], [0, 0, 1, 1], [], []>, transpose_lhs_hint = false} : vector<2000x640xbf16>, vector<640x640xbf16>, vector<2000x640xf32> -> vector<2000x640xf32>
    %get3A_115 = arith.constant 0 : index
    %get3A_116 = arith.constant 0 : index
    %get3A_117 = vector.load %arg22[%get3A_115, %get3A_116] : memref<1x640xf32, #tpu.memory_space<vmem>>, vector<1x640xf32>
    %add3A_118 = vector.broadcast %get3A_117 : vector<1x640xf32> to vector<2000x640xf32>
    %add3A_119 = arith.addf %dot_general3A_114, %add3A_118 : vector<2000x640xf32>
    %max3A_120 = arith.constant 0.000000e+00 : f32
    %max3A_121 = vector.broadcast %max3A_120 : f32 to vector<2000x640xf32>
    %max3A_122 = arith.maximumf %add3A_119, %max3A_121 : vector<2000x640xf32>
    %convert_element_type3A_123 = arith.truncf %max3A_122 : vector<2000x640xf32> to vector<2000x640xbf16>
    %get3A_124 = arith.constant 0 : index
    %get3A_125 = arith.constant 0 : index
    %get3A_126 = vector.load %arg23[%get3A_124, %get3A_125] : memref<640x640xbf16, #tpu.memory_space<vmem>>, vector<640x640xbf16>
    %dot_general3A_127 = arith.constant dense<0.000000e+00> : vector<2000x640xf32>
    %dot_general3A_128 = tpu.matmul %convert_element_type3A_123, %get3A_126, %dot_general3A_127 {dimension_numbers = #tpu.dot_dimension_numbers<[1], [0], [0], [1], [0, 0, 1, 1], [], []>, transpose_lhs_hint = false} : vector<2000x640xbf16>, vector<640x640xbf16>, vector<2000x640xf32> -> vector<2000x640xf32>
    %get3A_129 = arith.constant 0 : index
    %get3A_130 = arith.constant 0 : index
    %get3A_131 = vector.load %arg24[%get3A_129, %get3A_130] : memref<1x640xf32, #tpu.memory_space<vmem>>, vector<1x640xf32>
    %add3A_132 = vector.broadcast %get3A_131 : vector<1x640xf32> to vector<2000x640xf32>
    %add3A_133 = arith.addf %dot_general3A_128, %add3A_132 : vector<2000x640xf32>
    %max3A_134 = arith.constant 0.000000e+00 : f32
    %max3A_135 = vector.broadcast %max3A_134 : f32 to vector<2000x640xf32>
    %max3A_136 = arith.maximumf %add3A_133, %max3A_135 : vector<2000x640xf32>
    %convert_element_type3A_137 = arith.truncf %max3A_136 : vector<2000x640xf32> to vector<2000x640xbf16>
    %get3A_138 = arith.constant 0 : index
    %get3A_139 = arith.constant 0 : index
    %get3A_140 = vector.load %arg25[%get3A_138, %get3A_139] : memref<640x128xbf16, #tpu.memory_space<vmem>>, vector<640x128xbf16>
    %dot_general3A_141 = arith.constant dense<0.000000e+00> : vector<2000x128xf32>
    %dot_general3A_142 = tpu.matmul %convert_element_type3A_137, %get3A_140, %dot_general3A_141 {dimension_numbers = #tpu.dot_dimension_numbers<[1], [0], [0], [1], [0, 0, 1, 1], [], []>, transpose_lhs_hint = false} : vector<2000x640xbf16>, vector<640x128xbf16>, vector<2000x128xf32> -> vector<2000x128xf32>
    %get3A_143 = arith.constant 0 : index
    %get3A_144 = arith.constant 0 : index
    %get3A_145 = vector.load %arg26[%get3A_143, %get3A_144] : memref<1x128xf32, #tpu.memory_space<vmem>>, vector<1x128xf32>
    %add3A_146 = vector.broadcast %get3A_145 : vector<1x128xf32> to vector<2000x128xf32>
    %add3A_147 = arith.addf %dot_general3A_142, %add3A_146 : vector<2000x128xf32>
    %logistic3A = arith.negf %add3A_147 : vector<2000x128xf32>
    %logistic3A_148 = math.exp %logistic3A : vector<2000x128xf32>
    %logistic3A_149 = arith.constant 1.000000e+00 : f32
    %logistic3A_150 = vector.broadcast %logistic3A_149 : f32 to vector<2000x128xf32>
    %logistic3A_151 = arith.addf %logistic3A_150, %logistic3A_148 : vector<2000x128xf32>
    %logistic3A_152 = arith.divf %logistic3A_150, %logistic3A_151 : vector<2000x128xf32>
    %convert_element_type3A_153 = arith.truncf %logistic3A_152 : vector<2000x128xf32> to vector<2000x128xbf16>
    %get3A_154 = arith.constant 0 : index
    %get3A_155 = arith.constant 0 : index
    %get3A_156 = vector.load %arg27[%get3A_154, %get3A_155] : memref<128x400xbf16, #tpu.memory_space<vmem>>, vector<128x400xbf16>
    %dot_general3A_157 = arith.constant dense<0.000000e+00> : vector<2000x400xf32>
    %dot_general3A_158 = tpu.matmul %convert_element_type3A_17, %get3A_156, %dot_general3A_157 {dimension_numbers = #tpu.dot_dimension_numbers<[1], [0], [0], [1], [0, 0, 1, 1], [], []>, transpose_lhs_hint = false} : vector<2000x128xbf16>, vector<128x400xbf16>, vector<2000x400xf32> -> vector<2000x400xf32>
    %get3A_159 = arith.constant 0 : index
    %get3A_160 = arith.constant 0 : index
    %get3A_161 = vector.load %arg28[%get3A_159, %get3A_160] : memref<128x400xbf16, #tpu.memory_space<vmem>>, vector<128x400xbf16>
    %dot_general3A_162 = arith.constant dense<0.000000e+00> : vector<2000x400xf32>
    %dot_general3A_163 = tpu.matmul %convert_element_type3A_21, %get3A_161, %dot_general3A_162 {dimension_numbers = #tpu.dot_dimension_numbers<[1], [0], [0], [1], [0, 0, 1, 1], [], []>, transpose_lhs_hint = false} : vector<2000x128xbf16>, vector<128x400xbf16>, vector<2000x400xf32> -> vector<2000x400xf32>
    %add3A_164 = arith.addf %dot_general3A_158, %dot_general3A_163 : vector<2000x400xf32>
    %get3A_165 = arith.constant 0 : index
    %get3A_166 = arith.constant 0 : index
    %get3A_167 = vector.load %arg29[%get3A_165, %get3A_166] : memref<128x400xbf16, #tpu.memory_space<vmem>>, vector<128x400xbf16>
    %dot_general3A_168 = arith.constant dense<0.000000e+00> : vector<2000x400xf32>
    %dot_general3A_169 = tpu.matmul %convert_element_type3A_153, %get3A_167, %dot_general3A_168 {dimension_numbers = #tpu.dot_dimension_numbers<[1], [0], [0], [1], [0, 0, 1, 1], [], []>, transpose_lhs_hint = false} : vector<2000x128xbf16>, vector<128x400xbf16>, vector<2000x400xf32> -> vector<2000x400xf32>
    %add3A_170 = arith.addf %add3A_164, %dot_general3A_169 : vector<2000x400xf32>
    %get3A_171 = arith.constant 0 : index
    %get3A_172 = arith.constant 0 : index
    %get3A_173 = vector.load %arg30[%get3A_171, %get3A_172] : memref<128x400xbf16, #tpu.memory_space<vmem>>, vector<128x400xbf16>
    %dot_general3A_174 = arith.constant dense<0.000000e+00> : vector<2000x400xf32>
    %dot_general3A_175 = tpu.matmul %convert_element_type3A_13, %get3A_173, %dot_general3A_174 {dimension_numbers = #tpu.dot_dimension_numbers<[1], [0], [0], [1], [0, 0, 1, 1], [], []>, transpose_lhs_hint = false} : vector<2000x128xbf16>, vector<128x400xbf16>, vector<2000x400xf32> -> vector<2000x400xf32>
    %add3A_176 = arith.addf %add3A_170, %dot_general3A_175 : vector<2000x400xf32>
    %get3A_177 = arith.constant 0 : index
    %get3A_178 = arith.constant 0 : index
    %get3A_179 = vector.load %arg31[%get3A_177, %get3A_178] : memref<128x400xbf16, #tpu.memory_space<vmem>>, vector<128x400xbf16>
    %dot_general3A_180 = arith.constant dense<0.000000e+00> : vector<2000x400xf32>
    %dot_general3A_181 = tpu.matmul %convert_element_type3A_9, %get3A_179, %dot_general3A_180 {dimension_numbers = #tpu.dot_dimension_numbers<[1], [0], [0], [1], [0, 0, 1, 1], [], []>, transpose_lhs_hint = false} : vector<2000x128xbf16>, vector<128x400xbf16>, vector<2000x400xf32> -> vector<2000x400xf32>
    %add3A_182 = arith.addf %add3A_176, %dot_general3A_181 : vector<2000x400xf32>
    %get3A_183 = arith.constant 0 : index
    %get3A_184 = arith.constant 0 : index
    %get3A_185 = vector.load %arg32[%get3A_183, %get3A_184] : memref<128x400xbf16, #tpu.memory_space<vmem>>, vector<128x400xbf16>
    %dot_general3A_186 = arith.constant dense<0.000000e+00> : vector<2000x400xf32>
    %dot_general3A_187 = tpu.matmul %convert_element_type3A_83, %get3A_185, %dot_general3A_186 {dimension_numbers = #tpu.dot_dimension_numbers<[1], [0], [0], [1], [0, 0, 1, 1], [], []>, transpose_lhs_hint = false} : vector<2000x128xbf16>, vector<128x400xbf16>, vector<2000x400xf32> -> vector<2000x400xf32>
    %add3A_188 = arith.addf %add3A_182, %dot_general3A_187 : vector<2000x400xf32>
    %get3A_189 = arith.constant 0 : index
    %get3A_190 = arith.constant 0 : index
    %get3A_191 = vector.load %arg33[%get3A_189, %get3A_190] : memref<1x400xf32, #tpu.memory_space<vmem>>, vector<1x400xf32>
    %add3A_192 = vector.broadcast %get3A_191 : vector<1x400xf32> to vector<2000x400xf32>
    %add3A_193 = arith.addf %add3A_188, %add3A_192 : vector<2000x400xf32>
    %max3A_194 = arith.constant 0.000000e+00 : f32
    %max3A_195 = vector.broadcast %max3A_194 : f32 to vector<2000x400xf32>
    %max3A_196 = arith.maximumf %add3A_193, %max3A_195 : vector<2000x400xf32>
    %convert_element_type3A_197 = arith.truncf %max3A_196 : vector<2000x400xf32> to vector<2000x400xbf16>
    %get3A_198 = arith.constant 0 : index
    %get3A_199 = arith.constant 0 : index
    %get3A_200 = vector.load %arg34[%get3A_198, %get3A_199] : memref<400x400xbf16, #tpu.memory_space<vmem>>, vector<400x400xbf16>
    %dot_general3A_201 = arith.constant dense<0.000000e+00> : vector<2000x400xf32>
    %dot_general3A_202 = tpu.matmul %convert_element_type3A_197, %get3A_200, %dot_general3A_201 {dimension_numbers = #tpu.dot_dimension_numbers<[1], [0], [0], [1], [0, 0, 1, 1], [], []>, transpose_lhs_hint = false} : vector<2000x400xbf16>, vector<400x400xbf16>, vector<2000x400xf32> -> vector<2000x400xf32>
    %get3A_203 = arith.constant 0 : index
    %get3A_204 = arith.constant 0 : index
    %get3A_205 = vector.load %arg35[%get3A_203, %get3A_204] : memref<1x400xf32, #tpu.memory_space<vmem>>, vector<1x400xf32>
    %add3A_206 = vector.broadcast %get3A_205 : vector<1x400xf32> to vector<2000x400xf32>
    %add3A_207 = arith.addf %dot_general3A_202, %add3A_206 : vector<2000x400xf32>
    %max3A_208 = arith.constant 0.000000e+00 : f32
    %max3A_209 = vector.broadcast %max3A_208 : f32 to vector<2000x400xf32>
    %max3A_210 = arith.maximumf %add3A_207, %max3A_209 : vector<2000x400xf32>
    %convert_element_type3A_211 = arith.truncf %max3A_210 : vector<2000x400xf32> to vector<2000x400xbf16>
    %get3A_212 = arith.constant 0 : index
    %get3A_213 = arith.constant 0 : index
    %get3A_214 = vector.load %arg36[%get3A_212, %get3A_213] : memref<400x400xbf16, #tpu.memory_space<vmem>>, vector<400x400xbf16>
    %dot_general3A_215 = arith.constant dense<0.000000e+00> : vector<2000x400xf32>
    %dot_general3A_216 = tpu.matmul %convert_element_type3A_211, %get3A_214, %dot_general3A_215 {dimension_numbers = #tpu.dot_dimension_numbers<[1], [0], [0], [1], [0, 0, 1, 1], [], []>, transpose_lhs_hint = false} : vector<2000x400xbf16>, vector<400x400xbf16>, vector<2000x400xf32> -> vector<2000x400xf32>
    %get3A_217 = arith.constant 0 : index
    %get3A_218 = arith.constant 0 : index
    %get3A_219 = vector.load %arg37[%get3A_217, %get3A_218] : memref<1x400xf32, #tpu.memory_space<vmem>>, vector<1x400xf32>
    %add3A_220 = vector.broadcast %get3A_219 : vector<1x400xf32> to vector<2000x400xf32>
    %add3A_221 = arith.addf %dot_general3A_216, %add3A_220 : vector<2000x400xf32>
    %max3A_222 = arith.constant 0.000000e+00 : f32
    %max3A_223 = vector.broadcast %max3A_222 : f32 to vector<2000x400xf32>
    %max3A_224 = arith.maximumf %add3A_221, %max3A_223 : vector<2000x400xf32>
    %convert_element_type3A_225 = arith.truncf %max3A_224 : vector<2000x400xf32> to vector<2000x400xbf16>
    %get3A_226 = arith.constant 0 : index
    %get3A_227 = arith.constant 0 : index
    %get3A_228 = vector.load %arg38[%get3A_226, %get3A_227] : memref<400x128xbf16, #tpu.memory_space<vmem>>, vector<400x128xbf16>
    %dot_general3A_229 = arith.constant dense<0.000000e+00> : vector<2000x128xf32>
    %dot_general3A_230 = tpu.matmul %convert_element_type3A_225, %get3A_228, %dot_general3A_229 {dimension_numbers = #tpu.dot_dimension_numbers<[1], [0], [0], [1], [0, 0, 1, 1], [], []>, transpose_lhs_hint = false} : vector<2000x400xbf16>, vector<400x128xbf16>, vector<2000x128xf32> -> vector<2000x128xf32>
    %get3A_231 = arith.constant 0 : index
    %get3A_232 = arith.constant 0 : index
    %get3A_233 = vector.load %arg39[%get3A_231, %get3A_232] : memref<1x128xf32, #tpu.memory_space<vmem>>, vector<1x128xf32>
    %add3A_234 = vector.broadcast %get3A_233 : vector<1x128xf32> to vector<2000x128xf32>
    %add3A_235 = arith.addf %dot_general3A_230, %add3A_234 : vector<2000x128xf32>
    %swap3A = arith.constant 0 : index
    %swap3A_236 = arith.constant 0 : index
    %swap3A_237 = vector.load %arg40[%swap3A, %swap3A_236] : memref<2000x128xf32, #tpu.memory_space<vmem>>, vector<2000x128xf32>
    tpu.vector_store %arg40[%swap3A, %swap3A_236], %add3A_235 {strides = array<i32>} : memref<2000x128xf32, #tpu.memory_space<vmem>>, vector<2000x128xf32>,
    %slice3A = vector.extract_strided_slice %logistic3A_152 {offsets = [0, 0], sizes = [2000, 1], strides = [1, 1]} : vector<2000x128xf32> to vector<2000x1xf32>
    %slice3A_238 = vector.extract_strided_slice %logistic3A_152 {offsets = [0, 16], sizes = [2000, 1], strides = [1, 1]} : vector<2000x128xf32> to vector<2000x1xf32>
    %slice3A_239 = vector.extract_strided_slice %logistic3A_152 {offsets = [0, 32], sizes = [2000, 1], strides = [1, 1]} : vector<2000x128xf32> to vector<2000x1xf32>
    %slice3A_240 = vector.extract_strided_slice %logistic3A_152 {offsets = [0, 48], sizes = [2000, 1], strides = [1, 1]} : vector<2000x128xf32> to vector<2000x1xf32>
    %slice3A_241 = vector.extract_strided_slice %logistic3A_152 {offsets = [0, 64], sizes = [2000, 1], strides = [1, 1]} : vector<2000x128xf32> to vector<2000x1xf32>
    %slice3A_242 = vector.extract_strided_slice %logistic3A_152 {offsets = [0, 80], sizes = [2000, 1], strides = [1, 1]} : vector<2000x128xf32> to vector<2000x1xf32>
    %slice3A_243 = vector.extract_strided_slice %logistic3A_152 {offsets = [0, 96], sizes = [2000, 1], strides = [1, 1]} : vector<2000x128xf32> to vector<2000x1xf32>
    %slice3A_244 = vector.extract_strided_slice %logistic3A_152 {offsets = [0, 112], sizes = [2000, 1], strides = [1, 1]} : vector<2000x128xf32> to vector<2000x1xf32>
    %concatenate3A = tpu.concatenate %slice3A, %slice3A_238, %slice3A_239, %slice3A_240, %slice3A_241, %slice3A_242, %slice3A_243, %slice3A_244 in 1 : vector<2000x1xf32>, vector<2000x1xf32>, vector<2000x1xf32>, vector<2000x1xf32>, vector<2000x1xf32>, vector<2000x1xf32>, vector<2000x1xf32>, vector<2000x1xf32> -> vector<2000x8xf32>
    %swap3A_245 = arith.constant 0 : index
    %swap3A_246 = arith.constant 0 : index
    %swap3A_247 = vector.load %arg41[%swap3A_245, %swap3A_246] : memref<2000x8xf32, #tpu.memory_space<vmem>>, vector<2000x8xf32>
    tpu.vector_store %arg41[%swap3A_245, %swap3A_246], %concatenate3A {strides = array<i32>} : memref<2000x8xf32, #tpu.memory_space<vmem>>, vector<2000x8xf32>,
    return
  }
  func.func @transform_0(%arg0: i32) -> (i32, i32) {
    %add3A = arith.constant 0 : i32
    %add3A_0 = arith.addi %arg0, %add3A : i32
    %c0_i32 = arith.constant 0 : i32
    %c0_i32_1 = arith.constant 0 : i32
    return %add3A_0, %c0_i32 : i32, i32
  }
  func.func @transform_1(%arg0: i32) -> (i32, i32) {
    %add3A = arith.constant 50 : i32
    %add3A_0 = arith.addi %arg0, %add3A : i32
    %c0_i32 = arith.constant 0 : i32
    %c0_i32_1 = arith.constant 0 : i32
    return %add3A_0, %c0_i32 : i32, i32
  }
  func.func @transform_2(%arg0: i32) -> (i32, i32) {
    %add3A = arith.constant 0 : i32
    %add3A_0 = arith.addi %arg0, %add3A : i32
    %c0_i32 = arith.constant 0 : i32
    %c0_i32_1 = arith.constant 0 : i32
    return %add3A_0, %c0_i32 : i32, i32
  }
  func.func @transform_3(%arg0: i32) -> (i32, i32) {
    %add3A = arith.constant 0 : i32
    %add3A_0 = arith.addi %arg0, %add3A : i32
    %c0_i32 = arith.constant 0 : i32
    %c0_i32_1 = arith.constant 0 : i32
    return %add3A_0, %c0_i32 : i32, i32
  }
  func.func @transform_4(%arg0: i32) -> (i32, i32) {
    %add3A = arith.constant 0 : i32
    %add3A_0 = arith.addi %arg0, %add3A : i32
    %c0_i32 = arith.constant 0 : i32
    %c0_i32_1 = arith.constant 0 : i32
    return %add3A_0, %c0_i32 : i32, i32
  }
  func.func @transform_5(%arg0: i32) -> (i32, i32) {
    %add3A = arith.constant 50 : i32
    %add3A_0 = arith.addi %arg0, %add3A : i32
    %c0_i32 = arith.constant 0 : i32
    %c0_i32_1 = arith.constant 0 : i32
    return %add3A_0, %c0_i32 : i32, i32
  }
  func.func @transform_6(%arg0: i32) -> (i32, i32) {
    %c0_i32 = arith.constant 0 : i32
    %c0_i32_0 = arith.constant 0 : i32
    %c0_i32_1 = arith.constant 0 : i32
    return %c0_i32, %c0_i32_0 : i32, i32
  }
  func.func @transform_7(%arg0: i32) -> (i32, i32) {
    %c0_i32 = arith.constant 0 : i32
    %c0_i32_0 = arith.constant 0 : i32
    %c0_i32_1 = arith.constant 0 : i32
    return %c0_i32, %c0_i32_0 : i32, i32
  }
  func.func @transform_8(%arg0: i32) -> (i32, i32) {
    %c0_i32 = arith.constant 0 : i32
    %c0_i32_0 = arith.constant 0 : i32
    %c0_i32_1 = arith.constant 0 : i32
    return %c0_i32, %c0_i32_0 : i32, i32
  }
  func.func @transform_9(%arg0: i32) -> (i32, i32) {
    %c0_i32 = arith.constant 0 : i32
    %c0_i32_0 = arith.constant 0 : i32
    %c0_i32_1 = arith.constant 0 : i32
    return %c0_i32, %c0_i32_0 : i32, i32
  }
  func.func @transform_10(%arg0: i32) -> (i32, i32) {
    %c0_i32 = arith.constant 0 : i32
    %c0_i32_0 = arith.constant 0 : i32
    %c0_i32_1 = arith.constant 0 : i32
    return %c0_i32, %c0_i32_0 : i32, i32
  }
  func.func @transform_11(%arg0: i32) -> (i32, i32) {
    %c0_i32 = arith.constant 0 : i32
    %c0_i32_0 = arith.constant 0 : i32
    %c0_i32_1 = arith.constant 0 : i32
    return %c0_i32, %c0_i32_0 : i32, i32
  }
  func.func @transform_12(%arg0: i32) -> (i32, i32) {
    %c0_i32 = arith.constant 0 : i32
    %c0_i32_0 = arith.constant 0 : i32
    %c0_i32_1 = arith.constant 0 : i32
    return %c0_i32, %c0_i32_0 : i32, i32
  }
  func.func @transform_13(%arg0: i32) -> (i32, i32) {
    %c0_i32 = arith.constant 0 : i32
    %c0_i32_0 = arith.constant 0 : i32
    %c0_i32_1 = arith.constant 0 : i32
    return %c0_i32, %c0_i32_0 : i32, i32
  }
  func.func @transform_14(%arg0: i32) -> (i32, i32) {
    %c0_i32 = arith.constant 0 : i32
    %c0_i32_0 = arith.constant 0 : i32
    %c0_i32_1 = arith.constant 0 : i32
    return %c0_i32, %c0_i32_0 : i32, i32
  }
  func.func @transform_15(%arg0: i32) -> (i32, i32) {
    %c0_i32 = arith.constant 0 : i32
    %c0_i32_0 = arith.constant 0 : i32
    %c0_i32_1 = arith.constant 0 : i32
    return %c0_i32, %c0_i32_0 : i32, i32
  }
  func.func @transform_16(%arg0: i32) -> (i32, i32) {
    %c0_i32 = arith.constant 0 : i32
    %c0_i32_0 = arith.constant 0 : i32
    %c0_i32_1 = arith.constant 0 : i32
    return %c0_i32, %c0_i32_0 : i32, i32
  }
  func.func @transform_17(%arg0: i32) -> (i32, i32) {
    %c0_i32 = arith.constant 0 : i32
    %c0_i32_0 = arith.constant 0 : i32
    %c0_i32_1 = arith.constant 0 : i32
    return %c0_i32, %c0_i32_0 : i32, i32
  }
  func.func @transform_18(%arg0: i32) -> (i32, i32) {
    %c0_i32 = arith.constant 0 : i32
    %c0_i32_0 = arith.constant 0 : i32
    %c0_i32_1 = arith.constant 0 : i32
    return %c0_i32, %c0_i32_0 : i32, i32
  }
  func.func @transform_19(%arg0: i32) -> (i32, i32) {
    %c0_i32 = arith.constant 0 : i32
    %c0_i32_0 = arith.constant 0 : i32
    %c0_i32_1 = arith.constant 0 : i32
    return %c0_i32, %c0_i32_0 : i32, i32
  }
  func.func @transform_20(%arg0: i32) -> (i32, i32) {
    %c0_i32 = arith.constant 0 : i32
    %c0_i32_0 = arith.constant 0 : i32
    %c0_i32_1 = arith.constant 0 : i32
    return %c0_i32, %c0_i32_0 : i32, i32
  }
  func.func @transform_21(%arg0: i32) -> (i32, i32) {
    %c0_i32 = arith.constant 0 : i32
    %c0_i32_0 = arith.constant 0 : i32
    %c0_i32_1 = arith.constant 0 : i32
    return %c0_i32, %c0_i32_0 : i32, i32
  }
  func.func @transform_22(%arg0: i32) -> (i32, i32) {
    %c0_i32 = arith.constant 0 : i32
    %c0_i32_0 = arith.constant 0 : i32
    %c0_i32_1 = arith.constant 0 : i32
    return %c0_i32, %c0_i32_0 : i32, i32
  }
  func.func @transform_23(%arg0: i32) -> (i32, i32) {
    %c0_i32 = arith.constant 0 : i32
    %c0_i32_0 = arith.constant 0 : i32
    %c0_i32_1 = arith.constant 0 : i32
    return %c0_i32, %c0_i32_0 : i32, i32
  }
  func.func @transform_24(%arg0: i32) -> (i32, i32) {
    %c0_i32 = arith.constant 0 : i32
    %c0_i32_0 = arith.constant 0 : i32
    %c0_i32_1 = arith.constant 0 : i32
    return %c0_i32, %c0_i32_0 : i32, i32
  }
  func.func @transform_25(%arg0: i32) -> (i32, i32) {
    %c0_i32 = arith.constant 0 : i32
    %c0_i32_0 = arith.constant 0 : i32
    %c0_i32_1 = arith.constant 0 : i32
    return %c0_i32, %c0_i32_0 : i32, i32
  }
  func.func @transform_26(%arg0: i32) -> (i32, i32) {
    %c0_i32 = arith.constant 0 : i32
    %c0_i32_0 = arith.constant 0 : i32
    %c0_i32_1 = arith.constant 0 : i32
    return %c0_i32, %c0_i32_0 : i32, i32
  }
  func.func @transform_27(%arg0: i32) -> (i32, i32) {
    %c0_i32 = arith.constant 0 : i32
    %c0_i32_0 = arith.constant 0 : i32
    %c0_i32_1 = arith.constant 0 : i32
    return %c0_i32, %c0_i32_0 : i32, i32
  }
  func.func @transform_28(%arg0: i32) -> (i32, i32) {
    %c0_i32 = arith.constant 0 : i32
    %c0_i32_0 = arith.constant 0 : i32
    %c0_i32_1 = arith.constant 0 : i32
    return %c0_i32, %c0_i32_0 : i32, i32
  }
  func.func @transform_29(%arg0: i32) -> (i32, i32) {
    %c0_i32 = arith.constant 0 : i32
    %c0_i32_0 = arith.constant 0 : i32
    %c0_i32_1 = arith.constant 0 : i32
    return %c0_i32, %c0_i32_0 : i32, i32
  }
  func.func @transform_30(%arg0: i32) -> (i32, i32) {
    %c0_i32 = arith.constant 0 : i32
    %c0_i32_0 = arith.constant 0 : i32
    %c0_i32_1 = arith.constant 0 : i32
    return %c0_i32, %c0_i32_0 : i32, i32
  }
  func.func @transform_31(%arg0: i32) -> (i32, i32) {
    %c0_i32 = arith.constant 0 : i32
    %c0_i32_0 = arith.constant 0 : i32
    %c0_i32_1 = arith.constant 0 : i32
    return %c0_i32, %c0_i32_0 : i32, i32
  }
  func.func @transform_32(%arg0: i32) -> (i32, i32) {
    %c0_i32 = arith.constant 0 : i32
    %c0_i32_0 = arith.constant 0 : i32
    %c0_i32_1 = arith.constant 0 : i32
    return %c0_i32, %c0_i32_0 : i32, i32
  }
  func.func @transform_33(%arg0: i32) -> (i32, i32) {
    %c0_i32 = arith.constant 0 : i32
    %c0_i32_0 = arith.constant 0 : i32
    %c0_i32_1 = arith.constant 0 : i32
    return %c0_i32, %c0_i32_0 : i32, i32
  }
  func.func @transform_34(%arg0: i32) -> (i32, i32) {
    %c0_i32 = arith.constant 0 : i32
    %c0_i32_0 = arith.constant 0 : i32
    %c0_i32_1 = arith.constant 0 : i32
    return %c0_i32, %c0_i32_0 : i32, i32
  }
  func.func @transform_35(%arg0: i32) -> (i32, i32) {
    %c0_i32 = arith.constant 0 : i32
    %c0_i32_0 = arith.constant 0 : i32
    %c0_i32_1 = arith.constant 0 : i32
    return %c0_i32, %c0_i32_0 : i32, i32
  }
  func.func @transform_36(%arg0: i32) -> (i32, i32) {
    %c0_i32 = arith.constant 0 : i32
    %c0_i32_0 = arith.constant 0 : i32
    %c0_i32_1 = arith.constant 0 : i32
    return %c0_i32, %c0_i32_0 : i32, i32
  }
  func.func @transform_37(%arg0: i32) -> (i32, i32) {
    %c0_i32 = arith.constant 0 : i32
    %c0_i32_0 = arith.constant 0 : i32
    %c0_i32_1 = arith.constant 0 : i32
    return %c0_i32, %c0_i32_0 : i32, i32
  }
  func.func @transform_38(%arg0: i32) -> (i32, i32) {
    %c0_i32 = arith.constant 0 : i32
    %c0_i32_0 = arith.constant 0 : i32
    %c0_i32_1 = arith.constant 0 : i32
    return %c0_i32, %c0_i32_0 : i32, i32
  }
  func.func @transform_39(%arg0: i32) -> (i32, i32) {
    %c0_i32 = arith.constant 0 : i32
    %c0_i32_0 = arith.constant 0 : i32
    return %arg0, %c0_i32 : i32, i32
  }
  func.func @transform_40(%arg0: i32) -> (i32, i32) {
    %c0_i32 = arith.constant 0 : i32
    %c0_i32_0 = arith.constant 0 : i32
    return %arg0, %c0_i32 : i32, i32
  }
}

module attributes {stable_mosaic.version = 14 : i64} {
  func.func @body(%arg0: i32, %arg1: memref<3128x16xf32, #tpu.memory_space<vmem>>, %arg2: memref<3128x16xf32, #tpu.memory_space<vmem>>, %arg3: memref<3128x16xf32, #tpu.memory_space<vmem>>, %arg4: memref<16x50xbf16, #tpu.memory_space<vmem>>, %arg5: memref<16x50xbf16, #tpu.memory_space<vmem>>, %arg6: memref<16x50xbf16, #tpu.memory_space<vmem>>, %arg7: memref<1x50xf32, #tpu.memory_space<vmem>>, %arg8: memref<50x50xbf16, #tpu.memory_space<vmem>>, %arg9: memref<1x50xf32, #tpu.memory_space<vmem>>, %arg10: memref<50x50xbf16, #tpu.memory_space<vmem>>, %arg11: memref<1x50xf32, #tpu.memory_space<vmem>>, %arg12: memref<50x16xbf16, #tpu.memory_space<vmem>>, %arg13: memref<1x16xf32, #tpu.memory_space<vmem>>, %arg14: memref<3128x16xf32, #tpu.memory_space<vmem>>) attributes {dimension_semantics = [#tpu.dimension_semantics<arbitrary>], iteration_bounds = array<i64: 16>, scalar_prefetch = 0 : i64, scratch_operands = 0 : i64, tpu.core_type = #tpu.core_type<tc>, window_params = [{transform_indices = @transform_0, window_bounds = array<i64: 3128, 16>}, {transform_indices = @transform_1, window_bounds = array<i64: 3128, 16>}, {transform_indices = @transform_2, window_bounds = array<i64: 3128, 16>}, {pipeline_mode = #tpu.pipeline_mode<synchronous>, transform_indices = @transform_3, window_bounds = array<i64: 16, 50>}, {pipeline_mode = #tpu.pipeline_mode<synchronous>, transform_indices = @transform_4, window_bounds = array<i64: 16, 50>}, {pipeline_mode = #tpu.pipeline_mode<synchronous>, transform_indices = @transform_5, window_bounds = array<i64: 16, 50>}, {pipeline_mode = #tpu.pipeline_mode<synchronous>, transform_indices = @transform_6, window_bounds = array<i64: 1, 50>}, {pipeline_mode = #tpu.pipeline_mode<synchronous>, transform_indices = @transform_7, window_bounds = array<i64: 50, 50>}, {pipeline_mode = #tpu.pipeline_mode<synchronous>, transform_indices = @transform_8, window_bounds = array<i64: 1, 50>}, {pipeline_mode = #tpu.pipeline_mode<synchronous>, transform_indices = @transform_9, window_bounds = array<i64: 50, 50>}, {pipeline_mode = #tpu.pipeline_mode<synchronous>, transform_indices = @transform_10, window_bounds = array<i64: 1, 50>}, {pipeline_mode = #tpu.pipeline_mode<synchronous>, transform_indices = @transform_11, window_bounds = array<i64: 50, 16>}, {pipeline_mode = #tpu.pipeline_mode<synchronous>, transform_indices = @transform_12, window_bounds = array<i64: 1, 16>}, {transform_indices = @transform_13, window_bounds = array<i64: 3128, 16>}]} {
    %get3A = arith.constant 0 : index
    %get3A_0 = arith.constant 0 : index
    %get3A_1 = vector.load %arg1[%get3A, %get3A_0] : memref<3128x16xf32, #tpu.memory_space<vmem>>, vector<3128x16xf32>
    %convert_element_type3A = arith.truncf %get3A_1 : vector<3128x16xf32> to vector<3128x16xbf16>
    %get3A_2 = arith.constant 0 : index
    %get3A_3 = arith.constant 0 : index
    %get3A_4 = vector.load %arg4[%get3A_2, %get3A_3] : memref<16x50xbf16, #tpu.memory_space<vmem>>, vector<16x50xbf16>
    %dot_general3A = arith.constant dense<0.000000e+00> : vector<3128x50xf32>
    %dot_general3A_5 = tpu.matmul %convert_element_type3A, %get3A_4, %dot_general3A {dimension_numbers = #tpu.dot_dimension_numbers<[1], [0], [0], [1], [0, 0, 1, 1], [], []>, transpose_lhs_hint = false} : vector<3128x16xbf16>, vector<16x50xbf16>, vector<3128x50xf32> -> vector<3128x50xf32>
    %get3A_6 = arith.constant 0 : index
    %get3A_7 = arith.constant 0 : index
    %get3A_8 = vector.load %arg2[%get3A_6, %get3A_7] : memref<3128x16xf32, #tpu.memory_space<vmem>>, vector<3128x16xf32>
    %convert_element_type3A_9 = arith.truncf %get3A_8 : vector<3128x16xf32> to vector<3128x16xbf16>
    %get3A_10 = arith.constant 0 : index
    %get3A_11 = arith.constant 0 : index
    %get3A_12 = vector.load %arg5[%get3A_10, %get3A_11] : memref<16x50xbf16, #tpu.memory_space<vmem>>, vector<16x50xbf16>
    %dot_general3A_13 = arith.constant dense<0.000000e+00> : vector<3128x50xf32>
    %dot_general3A_14 = tpu.matmul %convert_element_type3A_9, %get3A_12, %dot_general3A_13 {dimension_numbers = #tpu.dot_dimension_numbers<[1], [0], [0], [1], [0, 0, 1, 1], [], []>, transpose_lhs_hint = false} : vector<3128x16xbf16>, vector<16x50xbf16>, vector<3128x50xf32> -> vector<3128x50xf32>
    %add3A = arith.addf %dot_general3A_5, %dot_general3A_14 : vector<3128x50xf32>
    %get3A_15 = arith.constant 0 : index
    %get3A_16 = arith.constant 0 : index
    %get3A_17 = vector.load %arg3[%get3A_15, %get3A_16] : memref<3128x16xf32, #tpu.memory_space<vmem>>, vector<3128x16xf32>
    %convert_element_type3A_18 = arith.truncf %get3A_17 : vector<3128x16xf32> to vector<3128x16xbf16>
    %get3A_19 = arith.constant 0 : index
    %get3A_20 = arith.constant 0 : index
    %get3A_21 = vector.load %arg6[%get3A_19, %get3A_20] : memref<16x50xbf16, #tpu.memory_space<vmem>>, vector<16x50xbf16>
    %dot_general3A_22 = arith.constant dense<0.000000e+00> : vector<3128x50xf32>
    %dot_general3A_23 = tpu.matmul %convert_element_type3A_18, %get3A_21, %dot_general3A_22 {dimension_numbers = #tpu.dot_dimension_numbers<[1], [0], [0], [1], [0, 0, 1, 1], [], []>, transpose_lhs_hint = false} : vector<3128x16xbf16>, vector<16x50xbf16>, vector<3128x50xf32> -> vector<3128x50xf32>
    %add3A_24 = arith.addf %add3A, %dot_general3A_23 : vector<3128x50xf32>
    %get3A_25 = arith.constant 0 : index
    %get3A_26 = arith.constant 0 : index
    %get3A_27 = vector.load %arg7[%get3A_25, %get3A_26] : memref<1x50xf32, #tpu.memory_space<vmem>>, vector<1x50xf32>
    %add3A_28 = vector.broadcast %get3A_27 : vector<1x50xf32> to vector<3128x50xf32>
    %add3A_29 = arith.addf %add3A_24, %add3A_28 : vector<3128x50xf32>
    %max3A = arith.constant 0.000000e+00 : f32
    %max3A_30 = vector.broadcast %max3A : f32 to vector<3128x50xf32>
    %max3A_31 = arith.maximumf %add3A_29, %max3A_30 : vector<3128x50xf32>
    %convert_element_type3A_32 = arith.truncf %max3A_31 : vector<3128x50xf32> to vector<3128x50xbf16>
    %get3A_33 = arith.constant 0 : index
    %get3A_34 = arith.constant 0 : index
    %get3A_35 = vector.load %arg8[%get3A_33, %get3A_34] : memref<50x50xbf16, #tpu.memory_space<vmem>>, vector<50x50xbf16>
    %dot_general3A_36 = arith.constant dense<0.000000e+00> : vector<3128x50xf32>
    %dot_general3A_37 = tpu.matmul %convert_element_type3A_32, %get3A_35, %dot_general3A_36 {dimension_numbers = #tpu.dot_dimension_numbers<[1], [0], [0], [1], [0, 0, 1, 1], [], []>, transpose_lhs_hint = false} : vector<3128x50xbf16>, vector<50x50xbf16>, vector<3128x50xf32> -> vector<3128x50xf32>
    %get3A_38 = arith.constant 0 : index
    %get3A_39 = arith.constant 0 : index
    %get3A_40 = vector.load %arg9[%get3A_38, %get3A_39] : memref<1x50xf32, #tpu.memory_space<vmem>>, vector<1x50xf32>
    %add3A_41 = vector.broadcast %get3A_40 : vector<1x50xf32> to vector<3128x50xf32>
    %add3A_42 = arith.addf %dot_general3A_37, %add3A_41 : vector<3128x50xf32>
    %max3A_43 = arith.constant 0.000000e+00 : f32
    %max3A_44 = vector.broadcast %max3A_43 : f32 to vector<3128x50xf32>
    %max3A_45 = arith.maximumf %add3A_42, %max3A_44 : vector<3128x50xf32>
    %convert_element_type3A_46 = arith.truncf %max3A_45 : vector<3128x50xf32> to vector<3128x50xbf16>
    %get3A_47 = arith.constant 0 : index
    %get3A_48 = arith.constant 0 : index
    %get3A_49 = vector.load %arg10[%get3A_47, %get3A_48] : memref<50x50xbf16, #tpu.memory_space<vmem>>, vector<50x50xbf16>
    %dot_general3A_50 = arith.constant dense<0.000000e+00> : vector<3128x50xf32>
    %dot_general3A_51 = tpu.matmul %convert_element_type3A_46, %get3A_49, %dot_general3A_50 {dimension_numbers = #tpu.dot_dimension_numbers<[1], [0], [0], [1], [0, 0, 1, 1], [], []>, transpose_lhs_hint = false} : vector<3128x50xbf16>, vector<50x50xbf16>, vector<3128x50xf32> -> vector<3128x50xf32>
    %get3A_52 = arith.constant 0 : index
    %get3A_53 = arith.constant 0 : index
    %get3A_54 = vector.load %arg11[%get3A_52, %get3A_53] : memref<1x50xf32, #tpu.memory_space<vmem>>, vector<1x50xf32>
    %add3A_55 = vector.broadcast %get3A_54 : vector<1x50xf32> to vector<3128x50xf32>
    %add3A_56 = arith.addf %dot_general3A_51, %add3A_55 : vector<3128x50xf32>
    %max3A_57 = arith.constant 0.000000e+00 : f32
    %max3A_58 = vector.broadcast %max3A_57 : f32 to vector<3128x50xf32>
    %max3A_59 = arith.maximumf %add3A_56, %max3A_58 : vector<3128x50xf32>
    %convert_element_type3A_60 = arith.truncf %max3A_59 : vector<3128x50xf32> to vector<3128x50xbf16>
    %get3A_61 = arith.constant 0 : index
    %get3A_62 = arith.constant 0 : index
    %get3A_63 = vector.load %arg12[%get3A_61, %get3A_62] : memref<50x16xbf16, #tpu.memory_space<vmem>>, vector<50x16xbf16>
    %dot_general3A_64 = arith.constant dense<0.000000e+00> : vector<3128x16xf32>
    %dot_general3A_65 = tpu.matmul %convert_element_type3A_60, %get3A_63, %dot_general3A_64 {dimension_numbers = #tpu.dot_dimension_numbers<[1], [0], [0], [1], [0, 0, 1, 1], [], []>, transpose_lhs_hint = false} : vector<3128x50xbf16>, vector<50x16xbf16>, vector<3128x16xf32> -> vector<3128x16xf32>
    %get3A_66 = arith.constant 0 : index
    %get3A_67 = arith.constant 0 : index
    %get3A_68 = vector.load %arg13[%get3A_66, %get3A_67] : memref<1x16xf32, #tpu.memory_space<vmem>>, vector<1x16xf32>
    %add3A_69 = vector.broadcast %get3A_68 : vector<1x16xf32> to vector<3128x16xf32>
    %add3A_70 = arith.addf %dot_general3A_65, %add3A_69 : vector<3128x16xf32>
    %swap3A = arith.constant 0 : index
    %swap3A_71 = arith.constant 0 : index
    %swap3A_72 = vector.load %arg14[%swap3A, %swap3A_71] : memref<3128x16xf32, #tpu.memory_space<vmem>>, vector<3128x16xf32>
    tpu.vector_store %arg14[%swap3A, %swap3A_71], %add3A_70 {strides = array<i32>} : memref<3128x16xf32, #tpu.memory_space<vmem>>, vector<3128x16xf32>,
    return
  }
  func.func @transform_0(%arg0: i32) -> (i32, i32) {
    %add3A = arith.constant 0 : i32
    %add3A_0 = arith.addi %arg0, %add3A : i32
    %c0_i32 = arith.constant 0 : i32
    %c0_i32_1 = arith.constant 0 : i32
    return %add3A_0, %c0_i32 : i32, i32
  }
  func.func @transform_1(%arg0: i32) -> (i32, i32) {
    %add3A = arith.constant 0 : i32
    %add3A_0 = arith.addi %arg0, %add3A : i32
    %c0_i32 = arith.constant 0 : i32
    %c0_i32_1 = arith.constant 0 : i32
    return %add3A_0, %c0_i32 : i32, i32
  }
  func.func @transform_2(%arg0: i32) -> (i32, i32) {
    %add3A = arith.constant 16 : i32
    %add3A_0 = arith.addi %arg0, %add3A : i32
    %c0_i32 = arith.constant 0 : i32
    %c0_i32_1 = arith.constant 0 : i32
    return %add3A_0, %c0_i32 : i32, i32
  }
  func.func @transform_3(%arg0: i32) -> (i32, i32) {
    %c0_i32 = arith.constant 0 : i32
    %c0_i32_0 = arith.constant 0 : i32
    %c0_i32_1 = arith.constant 0 : i32
    return %c0_i32, %c0_i32_0 : i32, i32
  }
  func.func @transform_4(%arg0: i32) -> (i32, i32) {
    %c0_i32 = arith.constant 0 : i32
    %c0_i32_0 = arith.constant 0 : i32
    %c0_i32_1 = arith.constant 0 : i32
    return %c0_i32, %c0_i32_0 : i32, i32
  }
  func.func @transform_5(%arg0: i32) -> (i32, i32) {
    %c0_i32 = arith.constant 0 : i32
    %c0_i32_0 = arith.constant 0 : i32
    %c0_i32_1 = arith.constant 0 : i32
    return %c0_i32, %c0_i32_0 : i32, i32
  }
  func.func @transform_6(%arg0: i32) -> (i32, i32) {
    %c0_i32 = arith.constant 0 : i32
    %c0_i32_0 = arith.constant 0 : i32
    %c0_i32_1 = arith.constant 0 : i32
    return %c0_i32, %c0_i32_0 : i32, i32
  }
  func.func @transform_7(%arg0: i32) -> (i32, i32) {
    %c0_i32 = arith.constant 0 : i32
    %c0_i32_0 = arith.constant 0 : i32
    %c0_i32_1 = arith.constant 0 : i32
    return %c0_i32, %c0_i32_0 : i32, i32
  }
  func.func @transform_8(%arg0: i32) -> (i32, i32) {
    %c0_i32 = arith.constant 0 : i32
    %c0_i32_0 = arith.constant 0 : i32
    %c0_i32_1 = arith.constant 0 : i32
    return %c0_i32, %c0_i32_0 : i32, i32
  }
  func.func @transform_9(%arg0: i32) -> (i32, i32) {
    %c0_i32 = arith.constant 0 : i32
    %c0_i32_0 = arith.constant 0 : i32
    %c0_i32_1 = arith.constant 0 : i32
    return %c0_i32, %c0_i32_0 : i32, i32
  }
  func.func @transform_10(%arg0: i32) -> (i32, i32) {
    %c0_i32 = arith.constant 0 : i32
    %c0_i32_0 = arith.constant 0 : i32
    %c0_i32_1 = arith.constant 0 : i32
    return %c0_i32, %c0_i32_0 : i32, i32
  }
  func.func @transform_11(%arg0: i32) -> (i32, i32) {
    %c0_i32 = arith.constant 0 : i32
    %c0_i32_0 = arith.constant 0 : i32
    %c0_i32_1 = arith.constant 0 : i32
    return %c0_i32, %c0_i32_0 : i32, i32
  }
  func.func @transform_12(%arg0: i32) -> (i32, i32) {
    %c0_i32 = arith.constant 0 : i32
    %c0_i32_0 = arith.constant 0 : i32
    %c0_i32_1 = arith.constant 0 : i32
    return %c0_i32, %c0_i32_0 : i32, i32
  }
  func.func @transform_13(%arg0: i32) -> (i32, i32) {
    %c0_i32 = arith.constant 0 : i32
    %c0_i32_0 = arith.constant 0 : i32
    return %arg0, %c0_i32 : i32, i32
  }
}

module attributes {stable_mosaic.version = 14 : i64} {
  func.func @body(%arg0: i32, %arg1: memref<2000x128xf32, #tpu.memory_space<vmem>>, %arg2: memref<2000x128xf32, #tpu.memory_space<vmem>>, %arg3: memref<2000x128xf32, #tpu.memory_space<vmem>>, %arg4: memref<128x400xbf16, #tpu.memory_space<vmem>>, %arg5: memref<128x400xbf16, #tpu.memory_space<vmem>>, %arg6: memref<128x400xbf16, #tpu.memory_space<vmem>>, %arg7: memref<1x400xf32, #tpu.memory_space<vmem>>, %arg8: memref<400x400xbf16, #tpu.memory_space<vmem>>, %arg9: memref<1x400xf32, #tpu.memory_space<vmem>>, %arg10: memref<400x400xbf16, #tpu.memory_space<vmem>>, %arg11: memref<1x400xf32, #tpu.memory_space<vmem>>, %arg12: memref<400x128xbf16, #tpu.memory_space<vmem>>, %arg13: memref<1x128xf32, #tpu.memory_space<vmem>>, %arg14: memref<2000x128xf32, #tpu.memory_space<vmem>>) attributes {dimension_semantics = [#tpu.dimension_semantics<arbitrary>], iteration_bounds = array<i64: 50>, scalar_prefetch = 0 : i64, scratch_operands = 0 : i64, tpu.core_type = #tpu.core_type<tc>, window_params = [{transform_indices = @transform_0, window_bounds = array<i64: 2000, 128>}, {transform_indices = @transform_1, window_bounds = array<i64: 2000, 128>}, {transform_indices = @transform_2, window_bounds = array<i64: 2000, 128>}, {pipeline_mode = #tpu.pipeline_mode<synchronous>, transform_indices = @transform_3, window_bounds = array<i64: 128, 400>}, {pipeline_mode = #tpu.pipeline_mode<synchronous>, transform_indices = @transform_4, window_bounds = array<i64: 128, 400>}, {pipeline_mode = #tpu.pipeline_mode<synchronous>, transform_indices = @transform_5, window_bounds = array<i64: 128, 400>}, {pipeline_mode = #tpu.pipeline_mode<synchronous>, transform_indices = @transform_6, window_bounds = array<i64: 1, 400>}, {pipeline_mode = #tpu.pipeline_mode<synchronous>, transform_indices = @transform_7, window_bounds = array<i64: 400, 400>}, {pipeline_mode = #tpu.pipeline_mode<synchronous>, transform_indices = @transform_8, window_bounds = array<i64: 1, 400>}, {pipeline_mode = #tpu.pipeline_mode<synchronous>, transform_indices = @transform_9, window_bounds = array<i64: 400, 400>}, {pipeline_mode = #tpu.pipeline_mode<synchronous>, transform_indices = @transform_10, window_bounds = array<i64: 1, 400>}, {pipeline_mode = #tpu.pipeline_mode<synchronous>, transform_indices = @transform_11, window_bounds = array<i64: 400, 128>}, {pipeline_mode = #tpu.pipeline_mode<synchronous>, transform_indices = @transform_12, window_bounds = array<i64: 1, 128>}, {transform_indices = @transform_13, window_bounds = array<i64: 2000, 128>}]} {
    %get3A = arith.constant 0 : index
    %get3A_0 = arith.constant 0 : index
    %get3A_1 = vector.load %arg1[%get3A, %get3A_0] : memref<2000x128xf32, #tpu.memory_space<vmem>>, vector<2000x128xf32>
    %convert_element_type3A = arith.truncf %get3A_1 : vector<2000x128xf32> to vector<2000x128xbf16>
    %get3A_2 = arith.constant 0 : index
    %get3A_3 = arith.constant 0 : index
    %get3A_4 = vector.load %arg4[%get3A_2, %get3A_3] : memref<128x400xbf16, #tpu.memory_space<vmem>>, vector<128x400xbf16>
    %dot_general3A = arith.constant dense<0.000000e+00> : vector<2000x400xf32>
    %dot_general3A_5 = tpu.matmul %convert_element_type3A, %get3A_4, %dot_general3A {dimension_numbers = #tpu.dot_dimension_numbers<[1], [0], [0], [1], [0, 0, 1, 1], [], []>, transpose_lhs_hint = false} : vector<2000x128xbf16>, vector<128x400xbf16>, vector<2000x400xf32> -> vector<2000x400xf32>
    %get3A_6 = arith.constant 0 : index
    %get3A_7 = arith.constant 0 : index
    %get3A_8 = vector.load %arg2[%get3A_6, %get3A_7] : memref<2000x128xf32, #tpu.memory_space<vmem>>, vector<2000x128xf32>
    %convert_element_type3A_9 = arith.truncf %get3A_8 : vector<2000x128xf32> to vector<2000x128xbf16>
    %get3A_10 = arith.constant 0 : index
    %get3A_11 = arith.constant 0 : index
    %get3A_12 = vector.load %arg5[%get3A_10, %get3A_11] : memref<128x400xbf16, #tpu.memory_space<vmem>>, vector<128x400xbf16>
    %dot_general3A_13 = arith.constant dense<0.000000e+00> : vector<2000x400xf32>
    %dot_general3A_14 = tpu.matmul %convert_element_type3A_9, %get3A_12, %dot_general3A_13 {dimension_numbers = #tpu.dot_dimension_numbers<[1], [0], [0], [1], [0, 0, 1, 1], [], []>, transpose_lhs_hint = false} : vector<2000x128xbf16>, vector<128x400xbf16>, vector<2000x400xf32> -> vector<2000x400xf32>
    %add3A = arith.addf %dot_general3A_5, %dot_general3A_14 : vector<2000x400xf32>
    %get3A_15 = arith.constant 0 : index
    %get3A_16 = arith.constant 0 : index
    %get3A_17 = vector.load %arg3[%get3A_15, %get3A_16] : memref<2000x128xf32, #tpu.memory_space<vmem>>, vector<2000x128xf32>
    %convert_element_type3A_18 = arith.truncf %get3A_17 : vector<2000x128xf32> to vector<2000x128xbf16>
    %get3A_19 = arith.constant 0 : index
    %get3A_20 = arith.constant 0 : index
    %get3A_21 = vector.load %arg6[%get3A_19, %get3A_20] : memref<128x400xbf16, #tpu.memory_space<vmem>>, vector<128x400xbf16>
    %dot_general3A_22 = arith.constant dense<0.000000e+00> : vector<2000x400xf32>
    %dot_general3A_23 = tpu.matmul %convert_element_type3A_18, %get3A_21, %dot_general3A_22 {dimension_numbers = #tpu.dot_dimension_numbers<[1], [0], [0], [1], [0, 0, 1, 1], [], []>, transpose_lhs_hint = false} : vector<2000x128xbf16>, vector<128x400xbf16>, vector<2000x400xf32> -> vector<2000x400xf32>
    %add3A_24 = arith.addf %add3A, %dot_general3A_23 : vector<2000x400xf32>
    %get3A_25 = arith.constant 0 : index
    %get3A_26 = arith.constant 0 : index
    %get3A_27 = vector.load %arg7[%get3A_25, %get3A_26] : memref<1x400xf32, #tpu.memory_space<vmem>>, vector<1x400xf32>
    %add3A_28 = vector.broadcast %get3A_27 : vector<1x400xf32> to vector<2000x400xf32>
    %add3A_29 = arith.addf %add3A_24, %add3A_28 : vector<2000x400xf32>
    %max3A = arith.constant 0.000000e+00 : f32
    %max3A_30 = vector.broadcast %max3A : f32 to vector<2000x400xf32>
    %max3A_31 = arith.maximumf %add3A_29, %max3A_30 : vector<2000x400xf32>
    %convert_element_type3A_32 = arith.truncf %max3A_31 : vector<2000x400xf32> to vector<2000x400xbf16>
    %get3A_33 = arith.constant 0 : index
    %get3A_34 = arith.constant 0 : index
    %get3A_35 = vector.load %arg8[%get3A_33, %get3A_34] : memref<400x400xbf16, #tpu.memory_space<vmem>>, vector<400x400xbf16>
    %dot_general3A_36 = arith.constant dense<0.000000e+00> : vector<2000x400xf32>
    %dot_general3A_37 = tpu.matmul %convert_element_type3A_32, %get3A_35, %dot_general3A_36 {dimension_numbers = #tpu.dot_dimension_numbers<[1], [0], [0], [1], [0, 0, 1, 1], [], []>, transpose_lhs_hint = false} : vector<2000x400xbf16>, vector<400x400xbf16>, vector<2000x400xf32> -> vector<2000x400xf32>
    %get3A_38 = arith.constant 0 : index
    %get3A_39 = arith.constant 0 : index
    %get3A_40 = vector.load %arg9[%get3A_38, %get3A_39] : memref<1x400xf32, #tpu.memory_space<vmem>>, vector<1x400xf32>
    %add3A_41 = vector.broadcast %get3A_40 : vector<1x400xf32> to vector<2000x400xf32>
    %add3A_42 = arith.addf %dot_general3A_37, %add3A_41 : vector<2000x400xf32>
    %max3A_43 = arith.constant 0.000000e+00 : f32
    %max3A_44 = vector.broadcast %max3A_43 : f32 to vector<2000x400xf32>
    %max3A_45 = arith.maximumf %add3A_42, %max3A_44 : vector<2000x400xf32>
    %convert_element_type3A_46 = arith.truncf %max3A_45 : vector<2000x400xf32> to vector<2000x400xbf16>
    %get3A_47 = arith.constant 0 : index
    %get3A_48 = arith.constant 0 : index
    %get3A_49 = vector.load %arg10[%get3A_47, %get3A_48] : memref<400x400xbf16, #tpu.memory_space<vmem>>, vector<400x400xbf16>
    %dot_general3A_50 = arith.constant dense<0.000000e+00> : vector<2000x400xf32>
    %dot_general3A_51 = tpu.matmul %convert_element_type3A_46, %get3A_49, %dot_general3A_50 {dimension_numbers = #tpu.dot_dimension_numbers<[1], [0], [0], [1], [0, 0, 1, 1], [], []>, transpose_lhs_hint = false} : vector<2000x400xbf16>, vector<400x400xbf16>, vector<2000x400xf32> -> vector<2000x400xf32>
    %get3A_52 = arith.constant 0 : index
    %get3A_53 = arith.constant 0 : index
    %get3A_54 = vector.load %arg11[%get3A_52, %get3A_53] : memref<1x400xf32, #tpu.memory_space<vmem>>, vector<1x400xf32>
    %add3A_55 = vector.broadcast %get3A_54 : vector<1x400xf32> to vector<2000x400xf32>
    %add3A_56 = arith.addf %dot_general3A_51, %add3A_55 : vector<2000x400xf32>
    %max3A_57 = arith.constant 0.000000e+00 : f32
    %max3A_58 = vector.broadcast %max3A_57 : f32 to vector<2000x400xf32>
    %max3A_59 = arith.maximumf %add3A_56, %max3A_58 : vector<2000x400xf32>
    %convert_element_type3A_60 = arith.truncf %max3A_59 : vector<2000x400xf32> to vector<2000x400xbf16>
    %get3A_61 = arith.constant 0 : index
    %get3A_62 = arith.constant 0 : index
    %get3A_63 = vector.load %arg12[%get3A_61, %get3A_62] : memref<400x128xbf16, #tpu.memory_space<vmem>>, vector<400x128xbf16>
    %dot_general3A_64 = arith.constant dense<0.000000e+00> : vector<2000x128xf32>
    %dot_general3A_65 = tpu.matmul %convert_element_type3A_60, %get3A_63, %dot_general3A_64 {dimension_numbers = #tpu.dot_dimension_numbers<[1], [0], [0], [1], [0, 0, 1, 1], [], []>, transpose_lhs_hint = false} : vector<2000x400xbf16>, vector<400x128xbf16>, vector<2000x128xf32> -> vector<2000x128xf32>
    %get3A_66 = arith.constant 0 : index
    %get3A_67 = arith.constant 0 : index
    %get3A_68 = vector.load %arg13[%get3A_66, %get3A_67] : memref<1x128xf32, #tpu.memory_space<vmem>>, vector<1x128xf32>
    %add3A_69 = vector.broadcast %get3A_68 : vector<1x128xf32> to vector<2000x128xf32>
    %add3A_70 = arith.addf %dot_general3A_65, %add3A_69 : vector<2000x128xf32>
    %swap3A = arith.constant 0 : index
    %swap3A_71 = arith.constant 0 : index
    %swap3A_72 = vector.load %arg14[%swap3A, %swap3A_71] : memref<2000x128xf32, #tpu.memory_space<vmem>>, vector<2000x128xf32>
    tpu.vector_store %arg14[%swap3A, %swap3A_71], %add3A_70 {strides = array<i32>} : memref<2000x128xf32, #tpu.memory_space<vmem>>, vector<2000x128xf32>,
    return
  }
  func.func @transform_0(%arg0: i32) -> (i32, i32) {
    %add3A = arith.constant 0 : i32
    %add3A_0 = arith.addi %arg0, %add3A : i32
    %c0_i32 = arith.constant 0 : i32
    %c0_i32_1 = arith.constant 0 : i32
    return %add3A_0, %c0_i32 : i32, i32
  }
  func.func @transform_1(%arg0: i32) -> (i32, i32) {
    %add3A = arith.constant 50 : i32
    %add3A_0 = arith.addi %arg0, %add3A : i32
    %c0_i32 = arith.constant 0 : i32
    %c0_i32_1 = arith.constant 0 : i32
    return %add3A_0, %c0_i32 : i32, i32
  }
  func.func @transform_2(%arg0: i32) -> (i32, i32) {
    %add3A = arith.constant 0 : i32
    %add3A_0 = arith.addi %arg0, %add3A : i32
    %c0_i32 = arith.constant 0 : i32
    %c0_i32_1 = arith.constant 0 : i32
    return %add3A_0, %c0_i32 : i32, i32
  }
  func.func @transform_3(%arg0: i32) -> (i32, i32) {
    %c0_i32 = arith.constant 0 : i32
    %c0_i32_0 = arith.constant 0 : i32
    %c0_i32_1 = arith.constant 0 : i32
    return %c0_i32, %c0_i32_0 : i32, i32
  }
  func.func @transform_4(%arg0: i32) -> (i32, i32) {
    %c0_i32 = arith.constant 0 : i32
    %c0_i32_0 = arith.constant 0 : i32
    %c0_i32_1 = arith.constant 0 : i32
    return %c0_i32, %c0_i32_0 : i32, i32
  }
  func.func @transform_5(%arg0: i32) -> (i32, i32) {
    %c0_i32 = arith.constant 0 : i32
    %c0_i32_0 = arith.constant 0 : i32
    %c0_i32_1 = arith.constant 0 : i32
    return %c0_i32, %c0_i32_0 : i32, i32
  }
  func.func @transform_6(%arg0: i32) -> (i32, i32) {
    %c0_i32 = arith.constant 0 : i32
    %c0_i32_0 = arith.constant 0 : i32
    %c0_i32_1 = arith.constant 0 : i32
    return %c0_i32, %c0_i32_0 : i32, i32
  }
  func.func @transform_7(%arg0: i32) -> (i32, i32) {
    %c0_i32 = arith.constant 0 : i32
    %c0_i32_0 = arith.constant 0 : i32
    %c0_i32_1 = arith.constant 0 : i32
    return %c0_i32, %c0_i32_0 : i32, i32
  }
  func.func @transform_8(%arg0: i32) -> (i32, i32) {
    %c0_i32 = arith.constant 0 : i32
    %c0_i32_0 = arith.constant 0 : i32
    %c0_i32_1 = arith.constant 0 : i32
    return %c0_i32, %c0_i32_0 : i32, i32
  }
  func.func @transform_9(%arg0: i32) -> (i32, i32) {
    %c0_i32 = arith.constant 0 : i32
    %c0_i32_0 = arith.constant 0 : i32
    %c0_i32_1 = arith.constant 0 : i32
    return %c0_i32, %c0_i32_0 : i32, i32
  }
  func.func @transform_10(%arg0: i32) -> (i32, i32) {
    %c0_i32 = arith.constant 0 : i32
    %c0_i32_0 = arith.constant 0 : i32
    %c0_i32_1 = arith.constant 0 : i32
    return %c0_i32, %c0_i32_0 : i32, i32
  }
  func.func @transform_11(%arg0: i32) -> (i32, i32) {
    %c0_i32 = arith.constant 0 : i32
    %c0_i32_0 = arith.constant 0 : i32
    %c0_i32_1 = arith.constant 0 : i32
    return %c0_i32, %c0_i32_0 : i32, i32
  }
  func.func @transform_12(%arg0: i32) -> (i32, i32) {
    %c0_i32 = arith.constant 0 : i32
    %c0_i32_0 = arith.constant 0 : i32
    %c0_i32_1 = arith.constant 0 : i32
    return %c0_i32, %c0_i32_0 : i32, i32
  }
  func.func @transform_13(%arg0: i32) -> (i32, i32) {
    %c0_i32 = arith.constant 0 : i32
    %c0_i32_0 = arith.constant 0 : i32
    return %arg0, %c0_i32 : i32, i32
  }
}

module attributes {stable_mosaic.version = 14 : i64} {
  func.func @body(%arg0: i32, %arg1: memref<3128x16xf32, #tpu.memory_space<vmem>>, %arg2: memref<3128x16xf32, #tpu.memory_space<vmem>>, %arg3: memref<3128x16xf32, #tpu.memory_space<vmem>>, %arg4: memref<3128x16xf32, #tpu.memory_space<vmem>>, %arg5: memref<16x80xbf16, #tpu.memory_space<vmem>>, %arg6: memref<16x80xbf16, #tpu.memory_space<vmem>>, %arg7: memref<16x80xbf16, #tpu.memory_space<vmem>>, %arg8: memref<16x80xbf16, #tpu.memory_space<vmem>>, %arg9: memref<1x80xf32, #tpu.memory_space<vmem>>, %arg10: memref<80x80xbf16, #tpu.memory_space<vmem>>, %arg11: memref<1x80xf32, #tpu.memory_space<vmem>>, %arg12: memref<80x80xbf16, #tpu.memory_space<vmem>>, %arg13: memref<1x80xf32, #tpu.memory_space<vmem>>, %arg14: memref<80x8xbf16, #tpu.memory_space<vmem>>, %arg15: memref<1x8xf32, #tpu.memory_space<vmem>>, %arg16: memref<3128x8xf32, #tpu.memory_space<vmem>>) attributes {dimension_semantics = [#tpu.dimension_semantics<arbitrary>], iteration_bounds = array<i64: 16>, scalar_prefetch = 0 : i64, scratch_operands = 0 : i64, tpu.core_type = #tpu.core_type<tc>, window_params = [{transform_indices = @transform_0, window_bounds = array<i64: 3128, 16>}, {transform_indices = @transform_1, window_bounds = array<i64: 3128, 16>}, {transform_indices = @transform_2, window_bounds = array<i64: 3128, 16>}, {transform_indices = @transform_3, window_bounds = array<i64: 3128, 16>}, {pipeline_mode = #tpu.pipeline_mode<synchronous>, transform_indices = @transform_4, window_bounds = array<i64: 16, 80>}, {pipeline_mode = #tpu.pipeline_mode<synchronous>, transform_indices = @transform_5, window_bounds = array<i64: 16, 80>}, {pipeline_mode = #tpu.pipeline_mode<synchronous>, transform_indices = @transform_6, window_bounds = array<i64: 16, 80>}, {pipeline_mode = #tpu.pipeline_mode<synchronous>, transform_indices = @transform_7, window_bounds = array<i64: 16, 80>}, {pipeline_mode = #tpu.pipeline_mode<synchronous>, transform_indices = @transform_8, window_bounds = array<i64: 1, 80>}, {pipeline_mode = #tpu.pipeline_mode<synchronous>, transform_indices = @transform_9, window_bounds = array<i64: 80, 80>}, {pipeline_mode = #tpu.pipeline_mode<synchronous>, transform_indices = @transform_10, window_bounds = array<i64: 1, 80>}, {pipeline_mode = #tpu.pipeline_mode<synchronous>, transform_indices = @transform_11, window_bounds = array<i64: 80, 80>}, {pipeline_mode = #tpu.pipeline_mode<synchronous>, transform_indices = @transform_12, window_bounds = array<i64: 1, 80>}, {pipeline_mode = #tpu.pipeline_mode<synchronous>, transform_indices = @transform_13, window_bounds = array<i64: 80, 8>}, {pipeline_mode = #tpu.pipeline_mode<synchronous>, transform_indices = @transform_14, window_bounds = array<i64: 1, 8>}, {transform_indices = @transform_15, window_bounds = array<i64: 3128, 8>}]} {
    %get3A = arith.constant 0 : index
    %get3A_0 = arith.constant 0 : index
    %get3A_1 = vector.load %arg1[%get3A, %get3A_0] : memref<3128x16xf32, #tpu.memory_space<vmem>>, vector<3128x16xf32>
    %convert_element_type3A = arith.truncf %get3A_1 : vector<3128x16xf32> to vector<3128x16xbf16>
    %get3A_2 = arith.constant 0 : index
    %get3A_3 = arith.constant 0 : index
    %get3A_4 = vector.load %arg5[%get3A_2, %get3A_3] : memref<16x80xbf16, #tpu.memory_space<vmem>>, vector<16x80xbf16>
    %dot_general3A = arith.constant dense<0.000000e+00> : vector<3128x80xf32>
    %dot_general3A_5 = tpu.matmul %convert_element_type3A, %get3A_4, %dot_general3A {dimension_numbers = #tpu.dot_dimension_numbers<[1], [0], [0], [1], [0, 0, 1, 1], [], []>, transpose_lhs_hint = false} : vector<3128x16xbf16>, vector<16x80xbf16>, vector<3128x80xf32> -> vector<3128x80xf32>
    %get3A_6 = arith.constant 0 : index
    %get3A_7 = arith.constant 0 : index
    %get3A_8 = vector.load %arg2[%get3A_6, %get3A_7] : memref<3128x16xf32, #tpu.memory_space<vmem>>, vector<3128x16xf32>
    %convert_element_type3A_9 = arith.truncf %get3A_8 : vector<3128x16xf32> to vector<3128x16xbf16>
    %get3A_10 = arith.constant 0 : index
    %get3A_11 = arith.constant 0 : index
    %get3A_12 = vector.load %arg6[%get3A_10, %get3A_11] : memref<16x80xbf16, #tpu.memory_space<vmem>>, vector<16x80xbf16>
    %dot_general3A_13 = arith.constant dense<0.000000e+00> : vector<3128x80xf32>
    %dot_general3A_14 = tpu.matmul %convert_element_type3A_9, %get3A_12, %dot_general3A_13 {dimension_numbers = #tpu.dot_dimension_numbers<[1], [0], [0], [1], [0, 0, 1, 1], [], []>, transpose_lhs_hint = false} : vector<3128x16xbf16>, vector<16x80xbf16>, vector<3128x80xf32> -> vector<3128x80xf32>
    %add3A = arith.addf %dot_general3A_5, %dot_general3A_14 : vector<3128x80xf32>
    %get3A_15 = arith.constant 0 : index
    %get3A_16 = arith.constant 0 : index
    %get3A_17 = vector.load %arg3[%get3A_15, %get3A_16] : memref<3128x16xf32, #tpu.memory_space<vmem>>, vector<3128x16xf32>
    %convert_element_type3A_18 = arith.truncf %get3A_17 : vector<3128x16xf32> to vector<3128x16xbf16>
    %get3A_19 = arith.constant 0 : index
    %get3A_20 = arith.constant 0 : index
    %get3A_21 = vector.load %arg7[%get3A_19, %get3A_20] : memref<16x80xbf16, #tpu.memory_space<vmem>>, vector<16x80xbf16>
    %dot_general3A_22 = arith.constant dense<0.000000e+00> : vector<3128x80xf32>
    %dot_general3A_23 = tpu.matmul %convert_element_type3A_18, %get3A_21, %dot_general3A_22 {dimension_numbers = #tpu.dot_dimension_numbers<[1], [0], [0], [1], [0, 0, 1, 1], [], []>, transpose_lhs_hint = false} : vector<3128x16xbf16>, vector<16x80xbf16>, vector<3128x80xf32> -> vector<3128x80xf32>
    %add3A_24 = arith.addf %add3A, %dot_general3A_23 : vector<3128x80xf32>
    %get3A_25 = arith.constant 0 : index
    %get3A_26 = arith.constant 0 : index
    %get3A_27 = vector.load %arg4[%get3A_25, %get3A_26] : memref<3128x16xf32, #tpu.memory_space<vmem>>, vector<3128x16xf32>
    %convert_element_type3A_28 = arith.truncf %get3A_27 : vector<3128x16xf32> to vector<3128x16xbf16>
    %get3A_29 = arith.constant 0 : index
    %get3A_30 = arith.constant 0 : index
    %get3A_31 = vector.load %arg8[%get3A_29, %get3A_30] : memref<16x80xbf16, #tpu.memory_space<vmem>>, vector<16x80xbf16>
    %dot_general3A_32 = arith.constant dense<0.000000e+00> : vector<3128x80xf32>
    %dot_general3A_33 = tpu.matmul %convert_element_type3A_28, %get3A_31, %dot_general3A_32 {dimension_numbers = #tpu.dot_dimension_numbers<[1], [0], [0], [1], [0, 0, 1, 1], [], []>, transpose_lhs_hint = false} : vector<3128x16xbf16>, vector<16x80xbf16>, vector<3128x80xf32> -> vector<3128x80xf32>
    %add3A_34 = arith.addf %add3A_24, %dot_general3A_33 : vector<3128x80xf32>
    %get3A_35 = arith.constant 0 : index
    %get3A_36 = arith.constant 0 : index
    %get3A_37 = vector.load %arg9[%get3A_35, %get3A_36] : memref<1x80xf32, #tpu.memory_space<vmem>>, vector<1x80xf32>
    %add3A_38 = vector.broadcast %get3A_37 : vector<1x80xf32> to vector<3128x80xf32>
    %add3A_39 = arith.addf %add3A_34, %add3A_38 : vector<3128x80xf32>
    %max3A = arith.constant 0.000000e+00 : f32
    %max3A_40 = vector.broadcast %max3A : f32 to vector<3128x80xf32>
    %max3A_41 = arith.maximumf %add3A_39, %max3A_40 : vector<3128x80xf32>
    %convert_element_type3A_42 = arith.truncf %max3A_41 : vector<3128x80xf32> to vector<3128x80xbf16>
    %get3A_43 = arith.constant 0 : index
    %get3A_44 = arith.constant 0 : index
    %get3A_45 = vector.load %arg10[%get3A_43, %get3A_44] : memref<80x80xbf16, #tpu.memory_space<vmem>>, vector<80x80xbf16>
    %dot_general3A_46 = arith.constant dense<0.000000e+00> : vector<3128x80xf32>
    %dot_general3A_47 = tpu.matmul %convert_element_type3A_42, %get3A_45, %dot_general3A_46 {dimension_numbers = #tpu.dot_dimension_numbers<[1], [0], [0], [1], [0, 0, 1, 1], [], []>, transpose_lhs_hint = false} : vector<3128x80xbf16>, vector<80x80xbf16>, vector<3128x80xf32> -> vector<3128x80xf32>
    %get3A_48 = arith.constant 0 : index
    %get3A_49 = arith.constant 0 : index
    %get3A_50 = vector.load %arg11[%get3A_48, %get3A_49] : memref<1x80xf32, #tpu.memory_space<vmem>>, vector<1x80xf32>
    %add3A_51 = vector.broadcast %get3A_50 : vector<1x80xf32> to vector<3128x80xf32>
    %add3A_52 = arith.addf %dot_general3A_47, %add3A_51 : vector<3128x80xf32>
    %max3A_53 = arith.constant 0.000000e+00 : f32
    %max3A_54 = vector.broadcast %max3A_53 : f32 to vector<3128x80xf32>
    %max3A_55 = arith.maximumf %add3A_52, %max3A_54 : vector<3128x80xf32>
    %convert_element_type3A_56 = arith.truncf %max3A_55 : vector<3128x80xf32> to vector<3128x80xbf16>
    %get3A_57 = arith.constant 0 : index
    %get3A_58 = arith.constant 0 : index
    %get3A_59 = vector.load %arg12[%get3A_57, %get3A_58] : memref<80x80xbf16, #tpu.memory_space<vmem>>, vector<80x80xbf16>
    %dot_general3A_60 = arith.constant dense<0.000000e+00> : vector<3128x80xf32>
    %dot_general3A_61 = tpu.matmul %convert_element_type3A_56, %get3A_59, %dot_general3A_60 {dimension_numbers = #tpu.dot_dimension_numbers<[1], [0], [0], [1], [0, 0, 1, 1], [], []>, transpose_lhs_hint = false} : vector<3128x80xbf16>, vector<80x80xbf16>, vector<3128x80xf32> -> vector<3128x80xf32>
    %get3A_62 = arith.constant 0 : index
    %get3A_63 = arith.constant 0 : index
    %get3A_64 = vector.load %arg13[%get3A_62, %get3A_63] : memref<1x80xf32, #tpu.memory_space<vmem>>, vector<1x80xf32>
    %add3A_65 = vector.broadcast %get3A_64 : vector<1x80xf32> to vector<3128x80xf32>
    %add3A_66 = arith.addf %dot_general3A_61, %add3A_65 : vector<3128x80xf32>
    %max3A_67 = arith.constant 0.000000e+00 : f32
    %max3A_68 = vector.broadcast %max3A_67 : f32 to vector<3128x80xf32>
    %max3A_69 = arith.maximumf %add3A_66, %max3A_68 : vector<3128x80xf32>
    %convert_element_type3A_70 = arith.truncf %max3A_69 : vector<3128x80xf32> to vector<3128x80xbf16>
    %get3A_71 = arith.constant 0 : index
    %get3A_72 = arith.constant 0 : index
    %get3A_73 = vector.load %arg14[%get3A_71, %get3A_72] : memref<80x8xbf16, #tpu.memory_space<vmem>>, vector<80x8xbf16>
    %dot_general3A_74 = arith.constant dense<0.000000e+00> : vector<3128x8xf32>
    %dot_general3A_75 = tpu.matmul %convert_element_type3A_70, %get3A_73, %dot_general3A_74 {dimension_numbers = #tpu.dot_dimension_numbers<[1], [0], [0], [1], [0, 0, 1, 1], [], []>, transpose_lhs_hint = false} : vector<3128x80xbf16>, vector<80x8xbf16>, vector<3128x8xf32> -> vector<3128x8xf32>
    %get3A_76 = arith.constant 0 : index
    %get3A_77 = arith.constant 0 : index
    %get3A_78 = vector.load %arg15[%get3A_76, %get3A_77] : memref<1x8xf32, #tpu.memory_space<vmem>>, vector<1x8xf32>
    %add3A_79 = vector.broadcast %get3A_78 : vector<1x8xf32> to vector<3128x8xf32>
    %add3A_80 = arith.addf %dot_general3A_75, %add3A_79 : vector<3128x8xf32>
    %swap3A = arith.constant 0 : index
    %swap3A_81 = arith.constant 0 : index
    %swap3A_82 = vector.load %arg16[%swap3A, %swap3A_81] : memref<3128x8xf32, #tpu.memory_space<vmem>>, vector<3128x8xf32>
    tpu.vector_store %arg16[%swap3A, %swap3A_81], %add3A_80 {strides = array<i32>} : memref<3128x8xf32, #tpu.memory_space<vmem>>, vector<3128x8xf32>,
    return
  }
  func.func @transform_0(%arg0: i32) -> (i32, i32) {
    %add3A = arith.constant 0 : i32
    %add3A_0 = arith.addi %arg0, %add3A : i32
    %c0_i32 = arith.constant 0 : i32
    %c0_i32_1 = arith.constant 0 : i32
    return %add3A_0, %c0_i32 : i32, i32
  }
  func.func @transform_1(%arg0: i32) -> (i32, i32) {
    %add3A = arith.constant 0 : i32
    %add3A_0 = arith.addi %arg0, %add3A : i32
    %c0_i32 = arith.constant 0 : i32
    %c0_i32_1 = arith.constant 0 : i32
    return %add3A_0, %c0_i32 : i32, i32
  }
  func.func @transform_2(%arg0: i32) -> (i32, i32) {
    %add3A = arith.constant 0 : i32
    %add3A_0 = arith.addi %arg0, %add3A : i32
    %c0_i32 = arith.constant 0 : i32
    %c0_i32_1 = arith.constant 0 : i32
    return %add3A_0, %c0_i32 : i32, i32
  }
  func.func @transform_3(%arg0: i32) -> (i32, i32) {
    %add3A = arith.constant 0 : i32
    %add3A_0 = arith.addi %arg0, %add3A : i32
    %c0_i32 = arith.constant 0 : i32
    %c0_i32_1 = arith.constant 0 : i32
    return %add3A_0, %c0_i32 : i32, i32
  }
  func.func @transform_4(%arg0: i32) -> (i32, i32) {
    %c0_i32 = arith.constant 0 : i32
    %c0_i32_0 = arith.constant 0 : i32
    %c0_i32_1 = arith.constant 0 : i32
    return %c0_i32, %c0_i32_0 : i32, i32
  }
  func.func @transform_5(%arg0: i32) -> (i32, i32) {
    %c0_i32 = arith.constant 0 : i32
    %c0_i32_0 = arith.constant 0 : i32
    %c0_i32_1 = arith.constant 0 : i32
    return %c0_i32, %c0_i32_0 : i32, i32
  }
  func.func @transform_6(%arg0: i32) -> (i32, i32) {
    %c0_i32 = arith.constant 0 : i32
    %c0_i32_0 = arith.constant 0 : i32
    %c0_i32_1 = arith.constant 0 : i32
    return %c0_i32, %c0_i32_0 : i32, i32
  }
  func.func @transform_7(%arg0: i32) -> (i32, i32) {
    %c0_i32 = arith.constant 0 : i32
    %c0_i32_0 = arith.constant 0 : i32
    %c0_i32_1 = arith.constant 0 : i32
    return %c0_i32, %c0_i32_0 : i32, i32
  }
  func.func @transform_8(%arg0: i32) -> (i32, i32) {
    %c0_i32 = arith.constant 0 : i32
    %c0_i32_0 = arith.constant 0 : i32
    %c0_i32_1 = arith.constant 0 : i32
    return %c0_i32, %c0_i32_0 : i32, i32
  }
  func.func @transform_9(%arg0: i32) -> (i32, i32) {
    %c0_i32 = arith.constant 0 : i32
    %c0_i32_0 = arith.constant 0 : i32
    %c0_i32_1 = arith.constant 0 : i32
    return %c0_i32, %c0_i32_0 : i32, i32
  }
  func.func @transform_10(%arg0: i32) -> (i32, i32) {
    %c0_i32 = arith.constant 0 : i32
    %c0_i32_0 = arith.constant 0 : i32
    %c0_i32_1 = arith.constant 0 : i32
    return %c0_i32, %c0_i32_0 : i32, i32
  }
  func.func @transform_11(%arg0: i32) -> (i32, i32) {
    %c0_i32 = arith.constant 0 : i32
    %c0_i32_0 = arith.constant 0 : i32
    %c0_i32_1 = arith.constant 0 : i32
    return %c0_i32, %c0_i32_0 : i32, i32
  }
  func.func @transform_12(%arg0: i32) -> (i32, i32) {
    %c0_i32 = arith.constant 0 : i32
    %c0_i32_0 = arith.constant 0 : i32
    %c0_i32_1 = arith.constant 0 : i32
    return %c0_i32, %c0_i32_0 : i32, i32
  }
  func.func @transform_13(%arg0: i32) -> (i32, i32) {
    %c0_i32 = arith.constant 0 : i32
    %c0_i32_0 = arith.constant 0 : i32
    %c0_i32_1 = arith.constant 0 : i32
    return %c0_i32, %c0_i32_0 : i32, i32
  }
  func.func @transform_14(%arg0: i32) -> (i32, i32) {
    %c0_i32 = arith.constant 0 : i32
    %c0_i32_0 = arith.constant 0 : i32
    %c0_i32_1 = arith.constant 0 : i32
    return %c0_i32, %c0_i32_0 : i32, i32
  }
  func.func @transform_15(%arg0: i32) -> (i32, i32) {
    %c0_i32 = arith.constant 0 : i32
    %c0_i32_0 = arith.constant 0 : i32
    return %arg0, %c0_i32 : i32, i32
  }
}

module attributes {stable_mosaic.version = 14 : i64} {
  func.func @body(%arg0: i32, %arg1: memref<3128x16xf32, #tpu.memory_space<vmem>>, %arg2: memref<3128x16xf32, #tpu.memory_space<vmem>>, %arg3: memref<3128x16xf32, #tpu.memory_space<vmem>>, %arg4: memref<3128x16xf32, #tpu.memory_space<vmem>>, %arg5: memref<16x80xbf16, #tpu.memory_space<vmem>>, %arg6: memref<16x80xbf16, #tpu.memory_space<vmem>>, %arg7: memref<16x80xbf16, #tpu.memory_space<vmem>>, %arg8: memref<16x80xbf16, #tpu.memory_space<vmem>>, %arg9: memref<1x80xf32, #tpu.memory_space<vmem>>, %arg10: memref<80x80xbf16, #tpu.memory_space<vmem>>, %arg11: memref<1x80xf32, #tpu.memory_space<vmem>>, %arg12: memref<80x80xbf16, #tpu.memory_space<vmem>>, %arg13: memref<1x80xf32, #tpu.memory_space<vmem>>, %arg14: memref<80x1xbf16, #tpu.memory_space<vmem>>, %arg15: memref<1x1xf32, #tpu.memory_space<vmem>>, %arg16: memref<3128x1xf32, #tpu.memory_space<vmem>>) attributes {dimension_semantics = [#tpu.dimension_semantics<arbitrary>], iteration_bounds = array<i64: 16>, scalar_prefetch = 0 : i64, scratch_operands = 0 : i64, tpu.core_type = #tpu.core_type<tc>, window_params = [{transform_indices = @transform_0, window_bounds = array<i64: 3128, 16>}, {transform_indices = @transform_1, window_bounds = array<i64: 3128, 16>}, {transform_indices = @transform_2, window_bounds = array<i64: 3128, 16>}, {transform_indices = @transform_3, window_bounds = array<i64: 3128, 16>}, {pipeline_mode = #tpu.pipeline_mode<synchronous>, transform_indices = @transform_4, window_bounds = array<i64: 16, 80>}, {pipeline_mode = #tpu.pipeline_mode<synchronous>, transform_indices = @transform_5, window_bounds = array<i64: 16, 80>}, {pipeline_mode = #tpu.pipeline_mode<synchronous>, transform_indices = @transform_6, window_bounds = array<i64: 16, 80>}, {pipeline_mode = #tpu.pipeline_mode<synchronous>, transform_indices = @transform_7, window_bounds = array<i64: 16, 80>}, {pipeline_mode = #tpu.pipeline_mode<synchronous>, transform_indices = @transform_8, window_bounds = array<i64: 1, 80>}, {pipeline_mode = #tpu.pipeline_mode<synchronous>, transform_indices = @transform_9, window_bounds = array<i64: 80, 80>}, {pipeline_mode = #tpu.pipeline_mode<synchronous>, transform_indices = @transform_10, window_bounds = array<i64: 1, 80>}, {pipeline_mode = #tpu.pipeline_mode<synchronous>, transform_indices = @transform_11, window_bounds = array<i64: 80, 80>}, {pipeline_mode = #tpu.pipeline_mode<synchronous>, transform_indices = @transform_12, window_bounds = array<i64: 1, 80>}, {pipeline_mode = #tpu.pipeline_mode<synchronous>, transform_indices = @transform_13, window_bounds = array<i64: 80, 1>}, {pipeline_mode = #tpu.pipeline_mode<synchronous>, transform_indices = @transform_14, window_bounds = array<i64: 1, 1>}, {transform_indices = @transform_15, window_bounds = array<i64: 3128, 1>}]} {
    %get3A = arith.constant 0 : index
    %get3A_0 = arith.constant 0 : index
    %get3A_1 = vector.load %arg1[%get3A, %get3A_0] : memref<3128x16xf32, #tpu.memory_space<vmem>>, vector<3128x16xf32>
    %convert_element_type3A = arith.truncf %get3A_1 : vector<3128x16xf32> to vector<3128x16xbf16>
    %get3A_2 = arith.constant 0 : index
    %get3A_3 = arith.constant 0 : index
    %get3A_4 = vector.load %arg5[%get3A_2, %get3A_3] : memref<16x80xbf16, #tpu.memory_space<vmem>>, vector<16x80xbf16>
    %dot_general3A = arith.constant dense<0.000000e+00> : vector<3128x80xf32>
    %dot_general3A_5 = tpu.matmul %convert_element_type3A, %get3A_4, %dot_general3A {dimension_numbers = #tpu.dot_dimension_numbers<[1], [0], [0], [1], [0, 0, 1, 1], [], []>, transpose_lhs_hint = false} : vector<3128x16xbf16>, vector<16x80xbf16>, vector<3128x80xf32> -> vector<3128x80xf32>
    %get3A_6 = arith.constant 0 : index
    %get3A_7 = arith.constant 0 : index
    %get3A_8 = vector.load %arg2[%get3A_6, %get3A_7] : memref<3128x16xf32, #tpu.memory_space<vmem>>, vector<3128x16xf32>
    %convert_element_type3A_9 = arith.truncf %get3A_8 : vector<3128x16xf32> to vector<3128x16xbf16>
    %get3A_10 = arith.constant 0 : index
    %get3A_11 = arith.constant 0 : index
    %get3A_12 = vector.load %arg6[%get3A_10, %get3A_11] : memref<16x80xbf16, #tpu.memory_space<vmem>>, vector<16x80xbf16>
    %dot_general3A_13 = arith.constant dense<0.000000e+00> : vector<3128x80xf32>
    %dot_general3A_14 = tpu.matmul %convert_element_type3A_9, %get3A_12, %dot_general3A_13 {dimension_numbers = #tpu.dot_dimension_numbers<[1], [0], [0], [1], [0, 0, 1, 1], [], []>, transpose_lhs_hint = false} : vector<3128x16xbf16>, vector<16x80xbf16>, vector<3128x80xf32> -> vector<3128x80xf32>
    %add3A = arith.addf %dot_general3A_5, %dot_general3A_14 : vector<3128x80xf32>
    %get3A_15 = arith.constant 0 : index
    %get3A_16 = arith.constant 0 : index
    %get3A_17 = vector.load %arg3[%get3A_15, %get3A_16] : memref<3128x16xf32, #tpu.memory_space<vmem>>, vector<3128x16xf32>
    %convert_element_type3A_18 = arith.truncf %get3A_17 : vector<3128x16xf32> to vector<3128x16xbf16>
    %get3A_19 = arith.constant 0 : index
    %get3A_20 = arith.constant 0 : index
    %get3A_21 = vector.load %arg7[%get3A_19, %get3A_20] : memref<16x80xbf16, #tpu.memory_space<vmem>>, vector<16x80xbf16>
    %dot_general3A_22 = arith.constant dense<0.000000e+00> : vector<3128x80xf32>
    %dot_general3A_23 = tpu.matmul %convert_element_type3A_18, %get3A_21, %dot_general3A_22 {dimension_numbers = #tpu.dot_dimension_numbers<[1], [0], [0], [1], [0, 0, 1, 1], [], []>, transpose_lhs_hint = false} : vector<3128x16xbf16>, vector<16x80xbf16>, vector<3128x80xf32> -> vector<3128x80xf32>
    %add3A_24 = arith.addf %add3A, %dot_general3A_23 : vector<3128x80xf32>
    %get3A_25 = arith.constant 0 : index
    %get3A_26 = arith.constant 0 : index
    %get3A_27 = vector.load %arg4[%get3A_25, %get3A_26] : memref<3128x16xf32, #tpu.memory_space<vmem>>, vector<3128x16xf32>
    %convert_element_type3A_28 = arith.truncf %get3A_27 : vector<3128x16xf32> to vector<3128x16xbf16>
    %get3A_29 = arith.constant 0 : index
    %get3A_30 = arith.constant 0 : index
    %get3A_31 = vector.load %arg8[%get3A_29, %get3A_30] : memref<16x80xbf16, #tpu.memory_space<vmem>>, vector<16x80xbf16>
    %dot_general3A_32 = arith.constant dense<0.000000e+00> : vector<3128x80xf32>
    %dot_general3A_33 = tpu.matmul %convert_element_type3A_28, %get3A_31, %dot_general3A_32 {dimension_numbers = #tpu.dot_dimension_numbers<[1], [0], [0], [1], [0, 0, 1, 1], [], []>, transpose_lhs_hint = false} : vector<3128x16xbf16>, vector<16x80xbf16>, vector<3128x80xf32> -> vector<3128x80xf32>
    %add3A_34 = arith.addf %add3A_24, %dot_general3A_33 : vector<3128x80xf32>
    %get3A_35 = arith.constant 0 : index
    %get3A_36 = arith.constant 0 : index
    %get3A_37 = vector.load %arg9[%get3A_35, %get3A_36] : memref<1x80xf32, #tpu.memory_space<vmem>>, vector<1x80xf32>
    %add3A_38 = vector.broadcast %get3A_37 : vector<1x80xf32> to vector<3128x80xf32>
    %add3A_39 = arith.addf %add3A_34, %add3A_38 : vector<3128x80xf32>
    %max3A = arith.constant 0.000000e+00 : f32
    %max3A_40 = vector.broadcast %max3A : f32 to vector<3128x80xf32>
    %max3A_41 = arith.maximumf %add3A_39, %max3A_40 : vector<3128x80xf32>
    %convert_element_type3A_42 = arith.truncf %max3A_41 : vector<3128x80xf32> to vector<3128x80xbf16>
    %get3A_43 = arith.constant 0 : index
    %get3A_44 = arith.constant 0 : index
    %get3A_45 = vector.load %arg10[%get3A_43, %get3A_44] : memref<80x80xbf16, #tpu.memory_space<vmem>>, vector<80x80xbf16>
    %dot_general3A_46 = arith.constant dense<0.000000e+00> : vector<3128x80xf32>
    %dot_general3A_47 = tpu.matmul %convert_element_type3A_42, %get3A_45, %dot_general3A_46 {dimension_numbers = #tpu.dot_dimension_numbers<[1], [0], [0], [1], [0, 0, 1, 1], [], []>, transpose_lhs_hint = false} : vector<3128x80xbf16>, vector<80x80xbf16>, vector<3128x80xf32> -> vector<3128x80xf32>
    %get3A_48 = arith.constant 0 : index
    %get3A_49 = arith.constant 0 : index
    %get3A_50 = vector.load %arg11[%get3A_48, %get3A_49] : memref<1x80xf32, #tpu.memory_space<vmem>>, vector<1x80xf32>
    %add3A_51 = vector.broadcast %get3A_50 : vector<1x80xf32> to vector<3128x80xf32>
    %add3A_52 = arith.addf %dot_general3A_47, %add3A_51 : vector<3128x80xf32>
    %max3A_53 = arith.constant 0.000000e+00 : f32
    %max3A_54 = vector.broadcast %max3A_53 : f32 to vector<3128x80xf32>
    %max3A_55 = arith.maximumf %add3A_52, %max3A_54 : vector<3128x80xf32>
    %convert_element_type3A_56 = arith.truncf %max3A_55 : vector<3128x80xf32> to vector<3128x80xbf16>
    %get3A_57 = arith.constant 0 : index
    %get3A_58 = arith.constant 0 : index
    %get3A_59 = vector.load %arg12[%get3A_57, %get3A_58] : memref<80x80xbf16, #tpu.memory_space<vmem>>, vector<80x80xbf16>
    %dot_general3A_60 = arith.constant dense<0.000000e+00> : vector<3128x80xf32>
    %dot_general3A_61 = tpu.matmul %convert_element_type3A_56, %get3A_59, %dot_general3A_60 {dimension_numbers = #tpu.dot_dimension_numbers<[1], [0], [0], [1], [0, 0, 1, 1], [], []>, transpose_lhs_hint = false} : vector<3128x80xbf16>, vector<80x80xbf16>, vector<3128x80xf32> -> vector<3128x80xf32>
    %get3A_62 = arith.constant 0 : index
    %get3A_63 = arith.constant 0 : index
    %get3A_64 = vector.load %arg13[%get3A_62, %get3A_63] : memref<1x80xf32, #tpu.memory_space<vmem>>, vector<1x80xf32>
    %add3A_65 = vector.broadcast %get3A_64 : vector<1x80xf32> to vector<3128x80xf32>
    %add3A_66 = arith.addf %dot_general3A_61, %add3A_65 : vector<3128x80xf32>
    %max3A_67 = arith.constant 0.000000e+00 : f32
    %max3A_68 = vector.broadcast %max3A_67 : f32 to vector<3128x80xf32>
    %max3A_69 = arith.maximumf %add3A_66, %max3A_68 : vector<3128x80xf32>
    %convert_element_type3A_70 = arith.truncf %max3A_69 : vector<3128x80xf32> to vector<3128x80xbf16>
    %get3A_71 = arith.constant 0 : index
    %get3A_72 = arith.constant 0 : index
    %get3A_73 = vector.load %arg14[%get3A_71, %get3A_72] : memref<80x1xbf16, #tpu.memory_space<vmem>>, vector<80x1xbf16>
    %dot_general3A_74 = arith.constant dense<0.000000e+00> : vector<3128x1xf32>
    %dot_general3A_75 = tpu.matmul %convert_element_type3A_70, %get3A_73, %dot_general3A_74 {dimension_numbers = #tpu.dot_dimension_numbers<[1], [0], [0], [1], [0, 0, 1, 1], [], []>, transpose_lhs_hint = false} : vector<3128x80xbf16>, vector<80x1xbf16>, vector<3128x1xf32> -> vector<3128x1xf32>
    %get3A_76 = arith.constant 0 : index
    %get3A_77 = arith.constant 0 : index
    %get3A_78 = vector.load %arg15[%get3A_76, %get3A_77] : memref<1x1xf32, #tpu.memory_space<vmem>>, vector<1x1xf32>
    %add3A_79 = vector.broadcast %get3A_78 : vector<1x1xf32> to vector<3128x1xf32>
    %add3A_80 = arith.addf %dot_general3A_75, %add3A_79 : vector<3128x1xf32>
    %logistic3A = arith.negf %add3A_80 : vector<3128x1xf32>
    %logistic3A_81 = math.exp %logistic3A : vector<3128x1xf32>
    %logistic3A_82 = arith.constant 1.000000e+00 : f32
    %logistic3A_83 = vector.broadcast %logistic3A_82 : f32 to vector<3128x1xf32>
    %logistic3A_84 = arith.addf %logistic3A_83, %logistic3A_81 : vector<3128x1xf32>
    %logistic3A_85 = arith.divf %logistic3A_83, %logistic3A_84 : vector<3128x1xf32>
    %swap3A = arith.constant 0 : index
    %swap3A_86 = arith.constant 0 : index
    %swap3A_87 = vector.load %arg16[%swap3A, %swap3A_86] : memref<3128x1xf32, #tpu.memory_space<vmem>>, vector<3128x1xf32>
    tpu.vector_store %arg16[%swap3A, %swap3A_86], %logistic3A_85 {strides = array<i32>} : memref<3128x1xf32, #tpu.memory_space<vmem>>, vector<3128x1xf32>,
    return
  }
  func.func @transform_0(%arg0: i32) -> (i32, i32) {
    %add3A = arith.constant 0 : i32
    %add3A_0 = arith.addi %arg0, %add3A : i32
    %c0_i32 = arith.constant 0 : i32
    %c0_i32_1 = arith.constant 0 : i32
    return %add3A_0, %c0_i32 : i32, i32
  }
  func.func @transform_1(%arg0: i32) -> (i32, i32) {
    %add3A = arith.constant 0 : i32
    %add3A_0 = arith.addi %arg0, %add3A : i32
    %c0_i32 = arith.constant 0 : i32
    %c0_i32_1 = arith.constant 0 : i32
    return %add3A_0, %c0_i32 : i32, i32
  }
  func.func @transform_2(%arg0: i32) -> (i32, i32) {
    %add3A = arith.constant 0 : i32
    %add3A_0 = arith.addi %arg0, %add3A : i32
    %c0_i32 = arith.constant 0 : i32
    %c0_i32_1 = arith.constant 0 : i32
    return %add3A_0, %c0_i32 : i32, i32
  }
  func.func @transform_3(%arg0: i32) -> (i32, i32) {
    %add3A = arith.constant 0 : i32
    %add3A_0 = arith.addi %arg0, %add3A : i32
    %c0_i32 = arith.constant 0 : i32
    %c0_i32_1 = arith.constant 0 : i32
    return %add3A_0, %c0_i32 : i32, i32
  }
  func.func @transform_4(%arg0: i32) -> (i32, i32) {
    %c0_i32 = arith.constant 0 : i32
    %c0_i32_0 = arith.constant 0 : i32
    %c0_i32_1 = arith.constant 0 : i32
    return %c0_i32, %c0_i32_0 : i32, i32
  }
  func.func @transform_5(%arg0: i32) -> (i32, i32) {
    %c0_i32 = arith.constant 0 : i32
    %c0_i32_0 = arith.constant 0 : i32
    %c0_i32_1 = arith.constant 0 : i32
    return %c0_i32, %c0_i32_0 : i32, i32
  }
  func.func @transform_6(%arg0: i32) -> (i32, i32) {
    %c0_i32 = arith.constant 0 : i32
    %c0_i32_0 = arith.constant 0 : i32
    %c0_i32_1 = arith.constant 0 : i32
    return %c0_i32, %c0_i32_0 : i32, i32
  }
  func.func @transform_7(%arg0: i32) -> (i32, i32) {
    %c0_i32 = arith.constant 0 : i32
    %c0_i32_0 = arith.constant 0 : i32
    %c0_i32_1 = arith.constant 0 : i32
    return %c0_i32, %c0_i32_0 : i32, i32
  }
  func.func @transform_8(%arg0: i32) -> (i32, i32) {
    %c0_i32 = arith.constant 0 : i32
    %c0_i32_0 = arith.constant 0 : i32
    %c0_i32_1 = arith.constant 0 : i32
    return %c0_i32, %c0_i32_0 : i32, i32
  }
  func.func @transform_9(%arg0: i32) -> (i32, i32) {
    %c0_i32 = arith.constant 0 : i32
    %c0_i32_0 = arith.constant 0 : i32
    %c0_i32_1 = arith.constant 0 : i32
    return %c0_i32, %c0_i32_0 : i32, i32
  }
  func.func @transform_10(%arg0: i32) -> (i32, i32) {
    %c0_i32 = arith.constant 0 : i32
    %c0_i32_0 = arith.constant 0 : i32
    %c0_i32_1 = arith.constant 0 : i32
    return %c0_i32, %c0_i32_0 : i32, i32
  }
  func.func @transform_11(%arg0: i32) -> (i32, i32) {
    %c0_i32 = arith.constant 0 : i32
    %c0_i32_0 = arith.constant 0 : i32
    %c0_i32_1 = arith.constant 0 : i32
    return %c0_i32, %c0_i32_0 : i32, i32
  }
  func.func @transform_12(%arg0: i32) -> (i32, i32) {
    %c0_i32 = arith.constant 0 : i32
    %c0_i32_0 = arith.constant 0 : i32
    %c0_i32_1 = arith.constant 0 : i32
    return %c0_i32, %c0_i32_0 : i32, i32
  }
  func.func @transform_13(%arg0: i32) -> (i32, i32) {
    %c0_i32 = arith.constant 0 : i32
    %c0_i32_0 = arith.constant 0 : i32
    %c0_i32_1 = arith.constant 0 : i32
    return %c0_i32, %c0_i32_0 : i32, i32
  }
  func.func @transform_14(%arg0: i32) -> (i32, i32) {
    %c0_i32 = arith.constant 0 : i32
    %c0_i32_0 = arith.constant 0 : i32
    %c0_i32_1 = arith.constant 0 : i32
    return %c0_i32, %c0_i32_0 : i32, i32
  }
  func.func @transform_15(%arg0: i32) -> (i32, i32) {
    %c0_i32 = arith.constant 0 : i32
    %c0_i32_0 = arith.constant 0 : i32
    return %arg0, %c0_i32 : i32, i32
  }
}

</mosaic_0001>

<sc_bundles>
// kernel: kernel.21.cloned.1.call-start
scs
__scs_entry_jumppad:
0x0: {  	(pc) =	sbr.rel $0x88, $3  }
0x1: {  	(tag) =	ssettag $0x0;
	lr =	simm.s32 $0x1  }
0x2: {  	[smem:$0x3F3E] =	sst lr;
	_ =	strace $0xD0000000  }
0x3: {  	_ = 	snop  }
0x4: {  	_ = 	snop  }
0x5: {  	_ = 	snop  }
0x6: {  	_ = 	snop  }
0x7: {  	_ = 	snop  }
__scs_overlays_trampoline_lowered:
0x8: {  	[smem:$0x3F4D] =	sst s0  }
0x9: {  	[smem:$0x3F4E] =	sst s1  }
0xa: {  	[smem:$0x3F4F] =	sst s2  }
0xb: {  	[smem:$0x3F50] =	sst s3  }
0xc: {  	[smem:$0x3F51] =	sst s4  }
0xd: {  	[smem:$0x3F52] =	sst s5  }
0xe: {  	[smem:$0x3F53] =	sst s6  }
0xf: {  	[smem:$0x3F54] =	sst s7  }
0x10: {  	[smem:$0x3F55] =	sst s8  }
0x11: {  	[smem:$0x3F56] =	sst s9;
	s0 =	simm.s32 @!p0 $0x0  }
0x12: {  	s1 =	sld [smem:$0x3F3C];
	s0 =	simm.s32 @p0 $0x1  }
0x13: {  	[smem:$0x3F57] =	sst s0;
	s0 =	simm.s32 @!p1 $0x0  }
0x14: {  	s2 =	sld [smem:$0x3F3B];
	s0 =	simm.s32 @p1 $0x1  }
0x15: {  	[smem:$0x3F58] =	sst s0;
	s0 =	simm.s32 @!p2 $0x0  }
0x16: {  	s3 =	sld [smem:$0x3FDB];
	s0 =	simm.s32 @p2 $0x1  }
0x17: {  	s4 =	simm.s32 $0x1BF5;
	[smem:$0x3F5A] =	sst s0  }
0x18: {  	s0 =	sld [smem:$0x3F3D];
	_ =	swait.ge [sflag:s4], $0x0  }
0x19: {  	s7 =	sld [smem:$0x3F3E]  }
0x1a: {  	s8 =	sadd.s32 $0xFFFFE003, lr  }
0x1b: {  	s9 =	sadd.s32 $0xFFFFFEF7, lr;
	s5 =	simm.s32 $0xFFFFFFFF;
	p2 =	slt.u32 s8, $0xFFFFF086  }
0x1c: {  	p1 =	slt.u32 s9, $0xF7A;
	s5 =	simm.s32 @!p2 $0x0  }
0x1d: {  	s5 =	simm.s32 @p1 $0x1;
	p0 =	seq.s32 s7, s2  }
0x1e: {  	s7 =	smul.u32 @!p0 $0xF7A, s2;
	p2 =	seq.s32 @!p0 s5, $0x0  }
0x1f: {  	s9 =	smul.u32 $0xF7A, s1;
	s8 =	simm.s32 @!p0 $0x1BF5;
	p2 =	por !p2, p0  }
0x20: {  	[sflag:s8] =	ssyncset.s32 @!p0 $0xFFFFF086;
	s6 =	sadd.s32 @!p0 s3, s7;
	s7 =	simm.s32 @!p0 $0x108  }
0x21: {  	s3 =	sadd.s32 s3, s9;
	s6 =	sadd.s32 @!p0 $0x88, s6;
	s7 =	simm.s32 @p2 $0x1082  }
0x22: {  	[simem:s7], [sflag:s8] =	dma.local @!p0 [hbm:s6], $0xF7A  }
0x23: {  	s9 =	sor.u32 $0xD0000000, s2;
	s6 =	simm.s32 $0x108;
	_ =	swait.ge @!p0 [sflag:s8], $0x0  }
0x24: {  	s3 =	sadd.s32 $0x88, s3;
	s6 =	simm.s32 @!p1 $0x1082;
	[sflag:s4] =	ssyncset.s32 $0xFFFFF086  }
0x25: {  	[simem:s6], [sflag:s4] =	dma.local [hbm:s3], $0xF7A  }
0x26: {  	[smem:$0x3F3E] =	sst s1;
	(tag) =	ssettag s2;
	_ =	strace s9  }
0x27: {  	s1 =	sld [smem:$0x3F4E]  }
0x28: {  	s2 =	sld [smem:$0x3F4F]  }
0x29: {  	s4 =	sld [smem:$0x3F51]  }
0x2a: {  	p0 =	seq.s32 s5, $0x0;
	s5 =	sld [smem:$0x3F52]  }
0x2b: {  	s6 =	sld [smem:$0x3F53]  }
0x2c: {  	s7 =	sld [smem:$0x3F54]  }
0x2d: {  	s3 =	simm.s32 $0x108;
	s8 =	sld [smem:$0x3F55]  }
0x2e: {  	s3 =	simm.s32 @!p0 $0x1082;
	s9 =	sld [smem:$0x3F56]  }
0x2f: {  	lr =	sadd.s32 s0, s3;
	s0 =	sld [smem:$0x3F4D]  }
0x30: {  	s3 =	sld [smem:$0x3F50]  }
0x31: {  	[smem:$0x3F59] =	sst s10  }
0x32: {  	s10 =	sld [smem:$0x3F57];
	_ =	sdelay $0x3  }
0x33: {  	p0 =	seq.s32 s10, $0x1;
	s10 =	sld [smem:$0x3F59];
	_ =	sdelay $0x3  }
0x34: {  	[smem:$0x3F59] =	sst s10  }
0x35: {  	s10 =	sld [smem:$0x3F58];
	_ =	sdelay $0x3  }
0x36: {  	p1 =	seq.s32 s10, $0x1;
	s10 =	sld [smem:$0x3F59];
	_ =	sdelay $0x3  }
0x37: {  	[smem:$0x3F59] =	sst s10  }
0x38: {  	s10 =	sld [smem:$0x3F5A]  }
0x39: {  	_ = 	snop;
	(pc) =	sbr.ind lr, $3  }
0x3a: {  	_ = 	snop  }
0x3b: {  	_ = 	snop  }
0x3c: {  	p2 =	seq.s32 s10, $0x1;
	s10 =	sld [smem:$0x3F59]  }
0x3d: {  	_ =	shalt  }
0x3e: {  	_ =	shalt  }
0x3f: {  	_ =	shalt  }
0x40: {  	_ =	shalt  }
0x41: {  	_ =	shalt  }
0x42: {  	_ =	shalt  }
0x43: {  	_ =	shalt  }
0x44: {  	_ =	shalt  }
0x45: {  	_ =	shalt  }
0x46: {  	_ =	shalt  }
0x47: {  	_ =	shalt  }
0x48: {  	_ =	shalt  }
0x49: {  	_ =	shalt  }
0x4a: {  	_ =	shalt  }
0x4b: {  	_ =	shalt  }
0x4c: {  	_ =	shalt  }
0x4d: {  	_ =	shalt  }
0x4e: {  	_ =	shalt  }
0x4f: {  	_ =	shalt  }
0x50: {  	_ =	shalt  }
0x51: {  	_ =	shalt  }
0x52: {  	_ =	shalt  }
0x53: {  	_ =	shalt  }
0x54: {  	_ =	shalt  }
0x55: {  	_ =	shalt  }
0x56: {  	_ =	shalt  }
0x57: {  	_ =	shalt  }
0x58: {  	_ =	shalt  }
0x59: {  	_ =	shalt  }
0x5a: {  	_ =	shalt  }
0x5b: {  	_ =	shalt  }
0x5c: {  	_ =	shalt  }
0x5d: {  	_ =	shalt  }
0x5e: {  	_ =	shalt  }
0x5f: {  	_ =	shalt  }
0x60: {  	_ =	shalt  }
0x61: {  	_ =	shalt  }
0x62: {  	_ =	shalt  }
0x63: {  	_ =	shalt  }
0x64: {  	_ =	shalt  }
0x65: {  	_ =	shalt  }
0x66: {  	_ =	shalt  }
0x67: {  	_ =	shalt  }
0x68: {  	_ =	shalt  }
0x69: {  	_ =	shalt  }
0x6a: {  	_ =	shalt  }
0x6b: {  	_ =	shalt  }
0x6c: {  	_ =	shalt  }
0x6d: {  	_ =	shalt  }
0x6e: {  	_ =	shalt  }
0x6f: {  	_ =	shalt  }
0x70: {  	_ =	shalt  }
0x71: {  	_ =	shalt  }
0x72: {  	_ =	shalt  }
0x73: {  	_ =	shalt  }
0x74: {  	_ =	shalt  }
0x75: {  	_ =	shalt  }
0x76: {  	_ =	shalt  }
0x77: {  	_ =	shalt  }
0x78: {  	_ =	shalt  }
0x79: {  	_ =	shalt  }
0x7a: {  	_ =	shalt  }
0x7b: {  	_ =	shalt  }
0x7c: {  	_ =	shalt  }
0x7d: {  	_ =	shalt  }
0x7e: {  	_ =	shalt  }
0x7f: {  	_ =	shalt  }
0x80: {  	_ =	shalt  }
0x81: {  	_ =	shalt  }
0x82: {  	_ =	shalt  }
0x83: {  	_ =	shalt  }
0x84: {  	_ =	shalt  }
0x85: {  	_ =	shalt  }
0x86: {  	_ =	shalt  }
0x87: {  	_ =	shalt  }
.Lfunc_end0:
.L_simem_size_0:
called_computation_lowered:
.L_overlay_start_0:
0x88: {  	s2 =	sld [smem:$0x3FD9]  }
0x89: {  	s3 =	sld [smem:$0x3FFE];
	_ =	sdelay $0x1  }
0x8a: {  	s1 =	srdreg.scid  }
0x8b: {  	s0 =	sand.u32 $0x1, s1  }
0x8c: {  	s16 =	sshll.u32 s0, $0xA;
	s2 =	sadd.s32 s3, s2  }
0x8d: {  	s2 =	sadd.s32 s2, s16  }
0x8e: {  	[smem:$0x3F65] =	sst s2  }
0x8f: {  	_ = 	snop  }
0x90: {  	(tm) =	ssettm $0x1  }
0x91: {  	s17 =	sld [smem:$0x3FFB];
	_ =	sdelay $0x3  }
0x92: {  	_ =	strace s17  }
0x93: {  	s2 =	sld [smem:$0x3FFC];
	_ =	sdelay $0x3  }
0x94: {  	_ =	strace s2  }
0x95: {  	s2 =	sld [smem:$0x3FFD];
	_ =	sdelay $0x3  }
0x96: {  	_ =	strace s2  }
0x97: {  	_ =	strace $0x8FFFFFFF  }
0x98: {  	s18 =	sld [smem:$0x3FDB];
	_ =	sdelay $0x1  }
0x99: {  	s19 =	simm.s32 $_scs_section_size  }
0x9a: {  	s4 =	simm.s32 $_size__tile_overlayer_lowered;
	s5 =	simm.s32 $_tile_overlayer_lowered  }
0x9b: {  	s22 =	simm.s32 $0x1BFF;
	s21 =	sshll.u32 s5, $0x1;
	s2 =	sadd.s32 s19, s18  }
0x9c: {  	s6 =	simm.s32 $0x0;
	s20 =	sshll.u32 s4, $0x1;
	s4 =	sadd.s32 s21, s2  }
0x9d: {  	[timem:s6], [sflag:s22] =	dma.local [hbm:s4], s20  }
0x9e: {  	_ =	swait.ge [sflag:s22], s20  }
0x9f: {  	s3 =	ssub.s32 $0x0, s20;
	[sflag:s22] =	ssyncset.done $0x0  }
0xa0: {  	[sflag:s22] =	ssyncadd.s32 s3;
	_ =	sdelay $0x1  }
0xa1: {  	s23 =	simm.s32 $0x1B8B  }
0xa2: {  	_ =	swait.ge [sflag:s23], $0x1  }
0xa3: {  	[sflag:s23] =	ssyncset.done $0x0  }
0xa4: {  	s25 =	simm.s32 $0x1B8E;
	s24 =	sld [smem:$0x3FFE];
	[sflag:s23] =	ssyncadd.s32 $0xFFFFFFFF  }
0xa5: {  	s26 =	simm.s32 $execute0_lowered;
	[smem:$0x3FD2] =	sst s25  }
0xa6: {  	s4 =	sshll.u32 s26, $0x1;
	_ =	strace $0x80000046;
	[dreg:$0x1] =	wrdreg $0xFFFFFFFF  }
0xa7: {  	s28 =	simm.s32 $_size_execute0_lowered;
	s2 =	sadd.s32 s2, s4;
	[dreg:$0x0] =	wrdreg $0x0  }
0xa8: {  	s4 =	sshll.u32 s28, $0x1;
	[dreg:$0x2] =	wrdreg s2  }
0xa9: {  	[dreg:$0x3] =	wrdreg s4  }
0xaa: {  	[dreg:$0x4] =	wrdreg $0xC0  }
0xab: {  	_ =	task [dreg:s6], $0x5FFFF  }
0xac: {  	[dreg:$0x1] =	wrdreg $0xFFFFFFFF  }
0xad: {  	[dreg:$0x0] =	wrdreg $0x60  }
0xae: {  	[dreg:$0x2] =	wrdreg s24  }
0xaf: {  	[dreg:$0x3] =	wrdreg $0x9  }
0xb0: {  	_ =	task.clear_ibuf [dreg:s6], $0x4FFFF;
	_ =	strace $0x90000046  }
0xb1: {  	s29 =	simm.s32 $0x9;
	_ =	strace $0x80000048  }
0xb2: {  	_ =	swait.ge [sflag:s29], $0x1  }
0xb3: {  	[sflag:s29] =	ssyncadd.s32 $0xFFFFFFFF  }
0xb4: {  	_ =	strace $0x90000048  }
0xb5: {  	_ =	sfence  }
0xb6: {  	s30 =	sld [smem:$0x0];
	_ =	sdelay $0x2  }
0xb7: {  	s31 =	sshll.u32 s1, $0xD;
	s1 =	sshrl.u32 s1, $0x2  }
0xb8: {  	s3 =	sand.u32 $0x4000, s31;
	s1 =	sadd.s32 s1, s30  }
0xb9: {  	s0 =	sor.u32 s3, s0;
	s1 =	sshll.u32 s1, $0x11  }
0xba: {  	s0 =	sor.u32 s1, s0  }
0xbb: {  	s0 =	sadd.s32 $0x8F2B, s0  }
0xbc: {  	[sflag:s0] =	ssyncadd.remote.s32 $0x1  }
0xbd: {  	_ =	sfence.sel $0xFFFF  }
0xbe: {  	[dreg:$0x0] =	wrdreg $0xFFFFFFFF;
	(pc) =	sbr.abs _section_cstart, $3  }
0xbf: {  	[dreg:$0x1] =	wrdreg $0xFFFFFFFF  }
0xc0: {  	_ =	task.clear_ibuf [dreg:s6], $0x2FFFF;
	_ =	strace $0x9FFFFFFF  }
0xc1: {  	(tm) =	ssettm $0x7FFFFFFF  }
tec
execute0_lowered:
.L_overlay_start_1:
0x0: {  	(tag) =	ssettag $0x1  }
0x1: {  	s4 =	rddreg [dreg:$0x0];
	s1 =	srdreg.scid  }
0x2: {  	s0 =	rddreg [dreg:$0x1];
	s5 =	sand.u32 $0x1, s1  }
0x3: {  	s2 =	simm.s32 $0x0;
	s1 =	stileid.u32;
	s6 =	smul.u32 $0xC3500, s5  }
0x4: {  	s10 =	simm.s32 $0x0;
	[smem:$0x7FF] =	sst s2;
	s7 =	smul.u32 $0xC350, s1  }
0x5: {  	s3 =	sadd.s32 $0xD7800, s4;
	s8 =	smul.u32 $0x186A00, s5;
	s5 =	ssub.s32 $0x2, s5  }
0x6: {  	_ =	strace $0x80000047;
	s9 =	smul.u32 $0x186A0, s1;
	s30 =	sshrl.u32 s5, $0x1  }
0x7: {  	s6 =	sadd.s32 s7, s6;
	s8 =	sadd.s32 s8, s4;
	s5 =	ssub.s32 s5, s30  }
0x8: {  	s7 =	simm.s32 $0x2;
	s6 =	sshrl.u32 s6, $0x3;
	s31 =	sadd.s32 s9, s8  }
0x9: {  	s8 =	simm.s32 $0x1388;
	s9 =	simm.s32 $0x1;
	s6 =	sadd.s32 s6, s4  }
0xa: {  	s4 =	smax.u32 s5, $0x1;
	s5 =	sadd.s32 $0x108800, s31;
	s6 =	sadd.s32 $0x415C00, s6  }
.LBB2_1:
0xb: {  	s11 =	sadd.s32 $0x0, s6  }
0xc: {  	[tilespmem:s2], [sflag:$0x2] =	stream.linear.gather [hbm4b:s11+s2], $0x1388, $0x38;
	[tilespmem:$0x14C08] =	vst v63  }
0xd: {  	_ =	swait.ge [sflag:s7], $0x1388  }
0xe: {  	[sflag:s7] =	ssyncset.done $0x0  }
0xf: {  	[sflag:s7] =	ssyncadd.s32 $0xFFFFEC78  }
0x10: {  	[tilespmem:s8], [sflag:$0x1] =	stream.indirect.gather [hbm4b:s3+s8], $0x10, s2, s8, $0xb8;
	[tilespmem:$0x14C08] =	vst v63  }
0x11: {  	_ =	swait.ge [sflag:s9], $0x13880  }
0x12: {  	[sflag:s9] =	ssyncset.done $0x0  }
0x13: {  	[sflag:s9] =	ssyncadd.s32 $0xFFFEC780  }
0x14: {  	[hbm4b:s5+s2] =	stream.linear.scatter [tilespmem:s8], [sflag:$0x2], $0x13880, $0x38;
	[tilespmem:$0x14C08] =	vst v63  }
0x15: {  	s12 =	simm.s32 $0x271;
	_ =	swait.ge [sflag:s7], $0x13880  }
0x16: {  	s13 =	simm.s32 $0x4E2;
	s11 =	sadd.s32 $0x2710, s5;
	[sflag:s7] =	ssyncset.done $0x0  }
.LBB2_2:
0x17: {  	s14 =	sadd.s32 s12, s6  }
0x18: {  	[sflag:s7] =	ssyncadd.s32 $0xFFFEC780;
	s12 =	smov.u32 s13;
	s15 =	sadd.s32 $0x271, s13  }
0x19: {  	[tilespmem:s2], [sflag:$0x2] =	stream.linear.gather [hbm4b:s14+s2], $0x1388, $0x38;
	[tilespmem:$0x14C08] =	vst v63  }
0x1a: {  	p0 =	sne.s32 s13, $0x15F9;
	_ =	swait.ge [sflag:s7], $0x1388  }
0x1b: {  	[sflag:s7] =	ssyncset.done $0x0  }
0x1c: {  	[sflag:s7] =	ssyncadd.s32 $0xFFFFEC78  }
0x1d: {  	[tilespmem:s8], [sflag:$0x1] =	stream.indirect.gather [hbm4b:s3+s8], $0x10, s2, s8, $0xb8;
	[tilespmem:$0x14C08] =	vst v63  }
0x1e: {  	_ =	swait.ge [sflag:s9], $0x13880  }
.Ltmp0:
0x1f: {  	[sflag:s9] =	ssyncset.done $0x0;
	(pc) =	sbr.rel @p0 .LBB2_2-.Ltmp0, $4  }
0x20: {  	[sflag:s9] =	ssyncadd.s32 $0xFFFEC780  }
0x21: {  	[hbm4b:s11+s2] =	stream.linear.scatter [tilespmem:s8], [sflag:$0x2], $0x13880, $0x38;
	[tilespmem:$0x14C08] =	vst v63  }
0x22: {  	_ =	swait.ge [sflag:s7], $0x13880  }
0x23: {  	s13 =	smov.u32 s15;
	s11 =	sadd.s32 $0x2710, s11;
	[sflag:s7] =	ssyncset.done $0x0  }
0x24: {  	s12 =	sadd.s32 s12, s6;
	[sflag:s7] =	ssyncadd.s32 $0xFFFEC780  }
0x25: {  	[tilespmem:s2], [sflag:$0x2] =	stream.linear.gather [hbm4b:s12+s2], $0x1388, $0x38;
	[tilespmem:$0x14C08] =	vst v63  }
0x26: {  	_ =	swait.ge [sflag:s7], $0x1388  }
0x27: {  	[sflag:s7] =	ssyncset.done $0x0  }
0x28: {  	[sflag:s7] =	ssyncadd.s32 $0xFFFFEC78  }
0x29: {  	[tilespmem:s8], [sflag:$0x1] =	stream.indirect.gather [hbm4b:s3+s8], $0x10, s2, s8, $0xb8;
	[tilespmem:$0x14C08] =	vst v63  }
0x2a: {  	s10 =	sadd.s32 $0x1, s10;
	_ =	swait.ge [sflag:s9], $0x13880  }
0x2b: {  	p0 =	sne.s32 s10, s4;
	[sflag:s9] =	ssyncset.done $0x0  }
.Ltmp1:
0x2c: {  	[sflag:s9] =	ssyncadd.s32 $0xFFFEC780;
	(pc) =	sbr.rel @p0 .LBB2_1-.Ltmp1, $4  }
0x2d: {  	[hbm4b:s11+s2] =	stream.linear.scatter [tilespmem:s8], [sflag:$0x2], $0x13880, $0x38;
	[tilespmem:$0x14C08] =	vst v63  }
0x2e: {  	_ =	swait.ge [sflag:s7], $0x13880  }
0x2f: {  	[sflag:s7] =	ssyncset.done $0x0  }
0x30: {  	[sflag:s7] =	ssyncadd.s32 $0xFFFEC780  }
0x31: {  	_ =	sfence.sel $0x180000  }
0x32: {  	[bflag:$0x0] =	sbarrier.arrive $0xFFFF  }
0x33: {  	p0 =	sne.s32 s1, $0x0;
	_ =	strace $0x90000047  }
0x34: {  	s0 =	sadd.s32 @!p0 $0x100000, s0;
	[bflag:$0x2] =	sbarrier.arrive $0xFFFF  }
0x35: {  	[sflag:s0] =	ssyncadd.tile.s32 @!p0 $0x1;
	_ =	shalt  }
.Lfunc_end2:
_tile_overlayer_lowered:
.L_overlay_start_2:
0x36: {  	(tag) =	ssettag $0x2  }
0x37: {  	s0 =	rddreg [dreg:$0x0];
	s2 =	stileid.u32  }
0x38: {  	s1 =	rddreg [dreg:$0x1];
	p0 =	sne.s32 s2, $0x0  }
0x39: {  	s3 =	rddreg [dreg:$0x2];
	[bflag:$0x3] =	sbarrier.arrive $0xFFFF;
	s2 =	simm.s32 @!p0 $0x1C02  }
0x3a: {  	[timem:s3], [sflag:s2] =	dma.local @!p0 [hbm:s0], s1  }
0x3b: {  	s0 =	simm.s32 @!p0 $0x2  }
0x3c: {  	_ =	swait.ge @!p0 [sflag:s0], s1  }
0x3d: {  	s1 =	ssub.s32 @!p0 $0x0, s1;
	[sflag:s0] =	ssyncset.done @!p0 $0x0  }
0x3e: {  	[sflag:s0] =	ssyncadd.s32 @!p0 s1  }
0x3f: {  	[bflag:$0x3] =	sbarrier.arrive $0xFFFF  }
0x40: {  	_ =	shalt  }

// kernel: kernel.24.cloned.1.call-start
scs
__scs_entry_jumppad:
0x0: {  	(pc) =	sbr.rel $0x88, $3  }
0x1: {  	(tag) =	ssettag $0x0;
	lr =	simm.s32 $0x1  }
0x2: {  	[smem:$0x3F3E] =	sst lr;
	_ =	strace $0xD0000000  }
0x3: {  	_ = 	snop  }
0x4: {  	_ = 	snop  }
0x5: {  	_ = 	snop  }
0x6: {  	_ = 	snop  }
0x7: {  	_ = 	snop  }
__scs_overlays_trampoline_lowered:
0x8: {  	[smem:$0x3F4D] =	sst s0  }
0x9: {  	[smem:$0x3F4E] =	sst s1  }
0xa: {  	[smem:$0x3F4F] =	sst s2  }
0xb: {  	[smem:$0x3F50] =	sst s3  }
0xc: {  	[smem:$0x3F51] =	sst s4  }
0xd: {  	[smem:$0x3F52] =	sst s5  }
0xe: {  	[smem:$0x3F53] =	sst s6  }
0xf: {  	[smem:$0x3F54] =	sst s7  }
0x10: {  	[smem:$0x3F55] =	sst s8  }
0x11: {  	[smem:$0x3F56] =	sst s9;
	s0 =	simm.s32 @!p0 $0x0  }
0x12: {  	s1 =	sld [smem:$0x3F3C];
	s0 =	simm.s32 @p0 $0x1  }
0x13: {  	[smem:$0x3F57] =	sst s0;
	s0 =	simm.s32 @!p1 $0x0  }
0x14: {  	s2 =	sld [smem:$0x3F3B];
	s0 =	simm.s32 @p1 $0x1  }
0x15: {  	[smem:$0x3F58] =	sst s0;
	s0 =	simm.s32 @!p2 $0x0  }
0x16: {  	s3 =	sld [smem:$0x3FDB];
	s0 =	simm.s32 @p2 $0x1  }
0x17: {  	s4 =	simm.s32 $0x1BF5;
	[smem:$0x3F5A] =	sst s0  }
0x18: {  	s0 =	sld [smem:$0x3F3D];
	_ =	swait.ge [sflag:s4], $0x0  }
0x19: {  	s7 =	sld [smem:$0x3F3E]  }
0x1a: {  	s8 =	sadd.s32 $0xFFFFE003, lr  }
0x1b: {  	s9 =	sadd.s32 $0xFFFFFEF7, lr;
	s5 =	simm.s32 $0xFFFFFFFF;
	p2 =	slt.u32 s8, $0xFFFFF086  }
0x1c: {  	p1 =	slt.u32 s9, $0xF7A;
	s5 =	simm.s32 @!p2 $0x0  }
0x1d: {  	s5 =	simm.s32 @p1 $0x1;
	p0 =	seq.s32 s7, s2  }
0x1e: {  	s7 =	smul.u32 @!p0 $0xF7A, s2;
	p2 =	seq.s32 @!p0 s5, $0x0  }
0x1f: {  	s9 =	smul.u32 $0xF7A, s1;
	s8 =	simm.s32 @!p0 $0x1BF5;
	p2 =	por !p2, p0  }
0x20: {  	[sflag:s8] =	ssyncset.s32 @!p0 $0xFFFFF086;
	s6 =	sadd.s32 @!p0 s3, s7;
	s7 =	simm.s32 @!p0 $0x108  }
0x21: {  	s3 =	sadd.s32 s3, s9;
	s6 =	sadd.s32 @!p0 $0x88, s6;
	s7 =	simm.s32 @p2 $0x1082  }
0x22: {  	[simem:s7], [sflag:s8] =	dma.local @!p0 [hbm:s6], $0xF7A  }
0x23: {  	s9 =	sor.u32 $0xD0000000, s2;
	s6 =	simm.s32 $0x108;
	_ =	swait.ge @!p0 [sflag:s8], $0x0  }
0x24: {  	s3 =	sadd.s32 $0x88, s3;
	s6 =	simm.s32 @!p1 $0x1082;
	[sflag:s4] =	ssyncset.s32 $0xFFFFF086  }
0x25: {  	[simem:s6], [sflag:s4] =	dma.local [hbm:s3], $0xF7A  }
0x26: {  	[smem:$0x3F3E] =	sst s1;
	(tag) =	ssettag s2;
	_ =	strace s9  }
0x27: {  	s1 =	sld [smem:$0x3F4E]  }
0x28: {  	s2 =	sld [smem:$0x3F4F]  }
0x29: {  	s4 =	sld [smem:$0x3F51]  }
0x2a: {  	p0 =	seq.s32 s5, $0x0;
	s5 =	sld [smem:$0x3F52]  }
0x2b: {  	s6 =	sld [smem:$0x3F53]  }
0x2c: {  	s7 =	sld [smem:$0x3F54]  }
0x2d: {  	s3 =	simm.s32 $0x108;
	s8 =	sld [smem:$0x3F55]  }
0x2e: {  	s3 =	simm.s32 @!p0 $0x1082;
	s9 =	sld [smem:$0x3F56]  }
0x2f: {  	lr =	sadd.s32 s0, s3;
	s0 =	sld [smem:$0x3F4D]  }
0x30: {  	s3 =	sld [smem:$0x3F50]  }
0x31: {  	[smem:$0x3F59] =	sst s10  }
0x32: {  	s10 =	sld [smem:$0x3F57];
	_ =	sdelay $0x3  }
0x33: {  	p0 =	seq.s32 s10, $0x1;
	s10 =	sld [smem:$0x3F59];
	_ =	sdelay $0x3  }
0x34: {  	[smem:$0x3F59] =	sst s10  }
0x35: {  	s10 =	sld [smem:$0x3F58];
	_ =	sdelay $0x3  }
0x36: {  	p1 =	seq.s32 s10, $0x1;
	s10 =	sld [smem:$0x3F59];
	_ =	sdelay $0x3  }
0x37: {  	[smem:$0x3F59] =	sst s10  }
0x38: {  	s10 =	sld [smem:$0x3F5A]  }
0x39: {  	_ = 	snop;
	(pc) =	sbr.ind lr, $3  }
0x3a: {  	_ = 	snop  }
0x3b: {  	_ = 	snop  }
0x3c: {  	p2 =	seq.s32 s10, $0x1;
	s10 =	sld [smem:$0x3F59]  }
0x3d: {  	_ =	shalt  }
0x3e: {  	_ =	shalt  }
0x3f: {  	_ =	shalt  }
0x40: {  	_ =	shalt  }
0x41: {  	_ =	shalt  }
0x42: {  	_ =	shalt  }
0x43: {  	_ =	shalt  }
0x44: {  	_ =	shalt  }
0x45: {  	_ =	shalt  }
0x46: {  	_ =	shalt  }
0x47: {  	_ =	shalt  }
0x48: {  	_ =	shalt  }
0x49: {  	_ =	shalt  }
0x4a: {  	_ =	shalt  }
0x4b: {  	_ =	shalt  }
0x4c: {  	_ =	shalt  }
0x4d: {  	_ =	shalt  }
0x4e: {  	_ =	shalt  }
0x4f: {  	_ =	shalt  }
0x50: {  	_ =	shalt  }
0x51: {  	_ =	shalt  }
0x52: {  	_ =	shalt  }
0x53: {  	_ =	shalt  }
0x54: {  	_ =	shalt  }
0x55: {  	_ =	shalt  }
0x56: {  	_ =	shalt  }
0x57: {  	_ =	shalt  }
0x58: {  	_ =	shalt  }
0x59: {  	_ =	shalt  }
0x5a: {  	_ =	shalt  }
0x5b: {  	_ =	shalt  }
0x5c: {  	_ =	shalt  }
0x5d: {  	_ =	shalt  }
0x5e: {  	_ =	shalt  }
0x5f: {  	_ =	shalt  }
0x60: {  	_ =	shalt  }
0x61: {  	_ =	shalt  }
0x62: {  	_ =	shalt  }
0x63: {  	_ =	shalt  }
0x64: {  	_ =	shalt  }
0x65: {  	_ =	shalt  }
0x66: {  	_ =	shalt  }
0x67: {  	_ =	shalt  }
0x68: {  	_ =	shalt  }
0x69: {  	_ =	shalt  }
0x6a: {  	_ =	shalt  }
0x6b: {  	_ =	shalt  }
0x6c: {  	_ =	shalt  }
0x6d: {  	_ =	shalt  }
0x6e: {  	_ =	shalt  }
0x6f: {  	_ =	shalt  }
0x70: {  	_ =	shalt  }
0x71: {  	_ =	shalt  }
0x72: {  	_ =	shalt  }
0x73: {  	_ =	shalt  }
0x74: {  	_ =	shalt  }
0x75: {  	_ =	shalt  }
0x76: {  	_ =	shalt  }
0x77: {  	_ =	shalt  }
0x78: {  	_ =	shalt  }
0x79: {  	_ =	shalt  }
0x7a: {  	_ =	shalt  }
0x7b: {  	_ =	shalt  }
0x7c: {  	_ =	shalt  }
0x7d: {  	_ =	shalt  }
0x7e: {  	_ =	shalt  }
0x7f: {  	_ =	shalt  }
0x80: {  	_ =	shalt  }
0x81: {  	_ =	shalt  }
0x82: {  	_ =	shalt  }
0x83: {  	_ =	shalt  }
0x84: {  	_ =	shalt  }
0x85: {  	_ =	shalt  }
0x86: {  	_ =	shalt  }
0x87: {  	_ =	shalt  }
.Lfunc_end0:
.L_simem_size_0:
called_computation.1_lowered:
.L_overlay_start_0:
0x88: {  	s2 =	sld [smem:$0x3FD9]  }
0x89: {  	s3 =	sld [smem:$0x3FFE];
	_ =	sdelay $0x1  }
0x8a: {  	s1 =	srdreg.scid  }
0x8b: {  	s0 =	sand.u32 $0x1, s1  }
0x8c: {  	s16 =	sshll.u32 s0, $0xA;
	s2 =	sadd.s32 s3, s2  }
0x8d: {  	s2 =	sadd.s32 s2, s16  }
0x8e: {  	[smem:$0x3F65] =	sst s2  }
0x8f: {  	_ = 	snop  }
0x90: {  	(tm) =	ssettm $0x1  }
0x91: {  	s17 =	sld [smem:$0x3FFB];
	_ =	sdelay $0x3  }
0x92: {  	_ =	strace s17  }
0x93: {  	s2 =	sld [smem:$0x3FFC];
	_ =	sdelay $0x3  }
0x94: {  	_ =	strace s2  }
0x95: {  	s2 =	sld [smem:$0x3FFD];
	_ =	sdelay $0x3  }
0x96: {  	_ =	strace s2  }
0x97: {  	_ =	strace $0x8FFFFFFF  }
0x98: {  	s18 =	sld [smem:$0x3FDB];
	_ =	sdelay $0x1  }
0x99: {  	s19 =	simm.s32 $_scs_section_size  }
0x9a: {  	s4 =	simm.s32 $_size__tile_overlayer_lowered;
	s5 =	simm.s32 $_tile_overlayer_lowered  }
0x9b: {  	s22 =	simm.s32 $0x1BFF;
	s21 =	sshll.u32 s5, $0x1;
	s2 =	sadd.s32 s19, s18  }
0x9c: {  	s6 =	simm.s32 $0x0;
	s20 =	sshll.u32 s4, $0x1;
	s4 =	sadd.s32 s21, s2  }
0x9d: {  	[timem:s6], [sflag:s22] =	dma.local [hbm:s4], s20  }
0x9e: {  	_ =	swait.ge [sflag:s22], s20  }
0x9f: {  	s3 =	ssub.s32 $0x0, s20;
	[sflag:s22] =	ssyncset.done $0x0  }
0xa0: {  	[sflag:s22] =	ssyncadd.s32 s3;
	_ =	sdelay $0x1  }
0xa1: {  	s23 =	simm.s32 $0x1B8B  }
0xa2: {  	_ =	swait.ge [sflag:s23], $0x1  }
0xa3: {  	[sflag:s23] =	ssyncset.done $0x0  }
0xa4: {  	s25 =	simm.s32 $0x1B8E;
	s24 =	sld [smem:$0x3FFE];
	[sflag:s23] =	ssyncadd.s32 $0xFFFFFFFF  }
0xa5: {  	s26 =	simm.s32 $execute0_lowered;
	[smem:$0x3FD2] =	sst s25  }
0xa6: {  	s4 =	sshll.u32 s26, $0x1;
	_ =	strace $0x80000049;
	[dreg:$0x1] =	wrdreg $0xFFFFFFFF  }
0xa7: {  	s28 =	simm.s32 $_size_execute0_lowered;
	s2 =	sadd.s32 s2, s4;
	[dreg:$0x0] =	wrdreg $0x0  }
0xa8: {  	s4 =	sshll.u32 s28, $0x1;
	[dreg:$0x2] =	wrdreg s2  }
0xa9: {  	[dreg:$0x3] =	wrdreg s4  }
0xaa: {  	[dreg:$0x4] =	wrdreg $0xC0  }
0xab: {  	_ =	task [dreg:s6], $0x5FFFF  }
0xac: {  	[dreg:$0x1] =	wrdreg $0xFFFFFFFF  }
0xad: {  	[dreg:$0x0] =	wrdreg $0x60  }
0xae: {  	[dreg:$0x2] =	wrdreg s24  }
0xaf: {  	[dreg:$0x3] =	wrdreg $0x42680  }
0xb0: {  	[dreg:$0x4] =	wrdreg $0x9  }
0xb1: {  	_ =	task.clear_ibuf [dreg:s6], $0x5FFFF;
	_ =	strace $0x90000049  }
0xb2: {  	s29 =	simm.s32 $0x9;
	_ =	strace $0x8000004B  }
0xb3: {  	_ =	swait.ge [sflag:s29], $0x1  }
0xb4: {  	[sflag:s29] =	ssyncadd.s32 $0xFFFFFFFF  }
0xb5: {  	_ =	strace $0x9000004B  }
0xb6: {  	_ =	sfence  }
0xb7: {  	s30 =	sld [smem:$0x0];
	_ =	sdelay $0x2  }
0xb8: {  	s31 =	sshll.u32 s1, $0xD;
	s1 =	sshrl.u32 s1, $0x2  }
0xb9: {  	s3 =	sand.u32 $0x4000, s31;
	s1 =	sadd.s32 s1, s30  }
0xba: {  	s0 =	sor.u32 s3, s0;
	s1 =	sshll.u32 s1, $0x11  }
0xbb: {  	s0 =	sor.u32 s1, s0  }
0xbc: {  	s0 =	sadd.s32 $0x8F2B, s0  }
0xbd: {  	[sflag:s0] =	ssyncadd.remote.s32 $0x1  }
0xbe: {  	_ =	sfence.sel $0xFFFF  }
0xbf: {  	[dreg:$0x0] =	wrdreg $0xFFFFFFFF;
	(pc) =	sbr.abs _section_cstart, $3  }
0xc0: {  	[dreg:$0x1] =	wrdreg $0xFFFFFFFF  }
0xc1: {  	_ =	task.clear_ibuf [dreg:s6], $0x2FFFF;
	_ =	strace $0x9FFFFFFF  }
0xc2: {  	(tm) =	ssettm $0x7FFFFFFF  }
0xc3: {  	_ =	shalt  }
tec
execute0_lowered:
.L_overlay_start_1:
0x0: {  	(tag) =	ssettag $0x1  }
0x1: {  	s0 =	srdreg.scid  }
0x2: {  	s5 =	rddreg [dreg:$0x0];
	s4 =	sand.u32 $0x1, s0  }
0x3: {  	s0 =	stileid.u32;
	s6 =	smul.u32 $0x61A80, s4  }
0x4: {  	s2 =	rddreg [dreg:$0x1];
	s7 =	smul.u32 $0x61A8, s0  }
0x5: {  	s1 =	rddreg [dreg:$0x2];
	s3 =	simm.s32 $0x0;
	s8 =	smul.u32 $0xC3500, s4  }
0x6: {  	[smem:$0x7FF] =	sst s3;
	s26 =	smul.u32 $0x1870, s0  }
0x7: {  	s9 =	smul.u32 $0x18700, s4;
	_ =	strace $0x8000004A;
	s29 =	ssub.s32 $0x2, s4  }
0x8: {  	s30 =	smul.u32 $0x30E00, s0;
	s4 =	sadd.s32 $0xD7800, s5;
	s11 =	sshll.u32 s0, $0x6  }
0x9: {  	s12 =	smul.u32 $0xC350, s0;
	s31 =	sshrl.u32 s29, $0x1;
	s6 =	sadd.s32 s7, s6  }
0xa: {  	s8 =	sadd.s32 s8, s5;
	s28 =	sadd.s32 s26, s9;
	s9 =	sshrl.u32 s30, $0x2  }
0xb: {  	s7 =	ssub.s32 s29, s31;
	s6 =	sshrl.u32 s6, $0x3;
	s13 =	sadd.s32 s9, s2  }
0xc: {  	s7 =	smax.u32 s7, $0x1;
	s8 =	sadd.s32 s12, s8;
	s12 =	simm.s32 $0x3E8  }
0xd: {  	s10 =	sadd.s32 s6, s5;
	s6 =	sadd.s32 s28, s5;
	s5 =	sor.u32 $0x1C01, s11  }
0xe: {  	s8 =	sadd.s32 $0x467600, s8;
	s11 =	simm.s32 $0x1;
	s6 =	sadd.s32 $0x5EE000, s6  }
0xf: {  	s9 =	sadd.s32 $0xF0000, s10;
	s10 =	sshrl.u32 s13, $0x3;
	s13 =	simm.s32 $0x0  }
.LBB2_1:
0x10: {  	[spmem:s10], [sflag:s5] =	dma.local [hbm:s4], $0x1870  }
0x11: {  	_ =	swait.ge [sflag:s11], $0x1870  }
0x12: {  	[sflag:s11] =	ssyncset.done $0x0  }
0x13: {  	[sflag:s11] =	ssyncadd.s32 $0xFFFFE790  }
0x14: {  	s14 =	sadd.s32 $0x0, s9;
	[bflag:$0x0] =	sbarrier.arrive $0xFFFF  }
0x15: {  	[tilespmem:s3], [sflag:$0x1] =	stream.linear.gather [hbm4b:s14+s3], $0x3E8, $0x38;
	[tilespmem:$0x105E8] =	vst v63  }
0x16: {  	_ =	swait.ge [sflag:s11], $0x3E8  }
0x17: {  	[sflag:s11] =	ssyncset.done $0x0  }
0x18: {  	[sflag:s11] =	ssyncadd.s32 $0xFFFFFC18  }
0x19: {  	[tilespmem:s12], [sflag:$0x1] =	stream.linear.gather [hbm4b:s8+s3], $0x3E80, $0x38;
	[tilespmem:$0x105E8] =	vst v63  }
0x1a: {  	_ =	swait.ge [sflag:s11], $0x3E80  }
0x1b: {  	[sflag:s11] =	ssyncset.done $0x0  }
0x1c: {  	[sflag:s11] =	ssyncadd.s32 $0xFFFFC180  }
0x1d: {  	[spmem:s2] =	stream.indirect.scatter.add.f32 [tilespmem:s12], [sflag:$0x1], $0x10, s3, s12, $0xb8;
	[tilespmem:$0x105E8] =	vst v63  }
0x1e: {  	s15 =	simm.s32 $0x7D;
	_ =	swait.ge [sflag:s11], $0x3E80  }
0x1f: {  	s16 =	simm.s32 $0xFA;
	s14 =	sadd.s32 $0x7D0, s8;
	[sflag:s11] =	ssyncset.done $0x0  }
.LBB2_2:
0x20: {  	s17 =	sadd.s32 s15, s9  }
0x21: {  	[sflag:s11] =	ssyncadd.s32 $0xFFFFC180;
	s15 =	smov.u32 s16;
	s18 =	sadd.s32 $0x7D, s16  }
0x22: {  	[tilespmem:s3], [sflag:$0x1] =	stream.linear.gather [hbm4b:s17+s3], $0x3E8, $0x38;
	[tilespmem:$0x105E8] =	vst v63  }
0x23: {  	p0 =	sne.s32 s16, $0xBB8;
	_ =	swait.ge [sflag:s11], $0x3E8  }
0x24: {  	[sflag:s11] =	ssyncset.done $0x0  }
0x25: {  	[sflag:s11] =	ssyncadd.s32 $0xFFFFFC18  }
0x26: {  	[tilespmem:s12], [sflag:$0x1] =	stream.linear.gather [hbm4b:s14+s3], $0x3E80, $0x38;
	[tilespmem:$0x105E8] =	vst v63  }
0x27: {  	_ =	swait.ge [sflag:s11], $0x3E80  }
.Ltmp0:
0x28: {  	[sflag:s11] =	ssyncset.done $0x0;
	(pc) =	sbr.rel @p0 .LBB2_2-.Ltmp0, $4  }
0x29: {  	[sflag:s11] =	ssyncadd.s32 $0xFFFFC180  }
0x2a: {  	[spmem:s2] =	stream.indirect.scatter.add.f32 [tilespmem:s12], [sflag:$0x1], $0x10, s3, s12, $0xb8;
	[tilespmem:$0x105E8] =	vst v63  }
0x2b: {  	_ =	swait.ge [sflag:s11], $0x3E80  }
0x2c: {  	s16 =	smov.u32 s18;
	s14 =	sadd.s32 $0x7D0, s14;
	[sflag:s11] =	ssyncset.done $0x0  }
0x2d: {  	s15 =	sadd.s32 s15, s9;
	[sflag:s11] =	ssyncadd.s32 $0xFFFFC180  }
0x2e: {  	[tilespmem:s3], [sflag:$0x1] =	stream.linear.gather [hbm4b:s15+s3], $0x3E8, $0x38;
	[tilespmem:$0x105E8] =	vst v63  }
0x2f: {  	_ =	swait.ge [sflag:s11], $0x3E8  }
0x30: {  	[sflag:s11] =	ssyncset.done $0x0  }
0x31: {  	[sflag:s11] =	ssyncadd.s32 $0xFFFFFC18  }
0x32: {  	[tilespmem:s12], [sflag:$0x1] =	stream.linear.gather [hbm4b:s14+s3], $0x3E80, $0x38;
	[tilespmem:$0x105E8] =	vst v63  }
0x33: {  	_ =	swait.ge [sflag:s11], $0x3E80  }
0x34: {  	[sflag:s11] =	ssyncset.done $0x0  }
0x35: {  	[sflag:s11] =	ssyncadd.s32 $0xFFFFC180  }
0x36: {  	[spmem:s2] =	stream.indirect.scatter.add.f32 [tilespmem:s12], [sflag:$0x1], $0x10, s3, s12, $0xb8;
	[tilespmem:$0x105E8] =	vst v63  }
0x37: {  	_ =	swait.ge [sflag:s11], $0x3E80  }
0x38: {  	s13 =	sadd.s32 $0x1, s13;
	[sflag:s11] =	ssyncset.done $0x0  }
0x39: {  	p0 =	sne.s32 s13, s7;
	[sflag:s11] =	ssyncadd.s32 $0xFFFFC180  }
.Ltmp1:
0x3a: {  	[bflag:$0x0] =	sbarrier.arrive $0xFFFF;
	(pc) =	sbr.rel @p0 .LBB2_1-.Ltmp1, $4  }
0x3b: {  	[hbm:s6], [sflag:s5] =	dma.local [spmem:s10], $0x1870  }
0x3c: {  	_ =	swait.ge [sflag:s11], $0x1870  }
0x3d: {  	[sflag:s11] =	ssyncset.done $0x0  }
0x3e: {  	[sflag:s11] =	ssyncadd.s32 $0xFFFFE790  }
0x3f: {  	_ =	sfence.sel $0x180000  }
0x40: {  	[bflag:$0x0] =	sbarrier.arrive $0xFFFF  }
0x41: {  	p0 =	sne.s32 s0, $0x0;
	_ =	strace $0x9000004A  }
0x42: {  	s0 =	sadd.s32 @!p0 $0x100000, s1;
	[bflag:$0x2] =	sbarrier.arrive $0xFFFF  }
0x43: {  	[sflag:s0] =	ssyncadd.tile.s32 @!p0 $0x1;
	_ =	shalt  }
.Lfunc_end2:
_tile_overlayer_lowered:
.L_overlay_start_2:
0x44: {  	(tag) =	ssettag $0x2  }
0x45: {  	s0 =	rddreg [dreg:$0x0];
	s2 =	stileid.u32  }
0x46: {  	s1 =	rddreg [dreg:$0x1];
	p0 =	sne.s32 s2, $0x0  }
0x47: {  	s3 =	rddreg [dreg:$0x2];
	[bflag:$0x3] =	sbarrier.arrive $0xFFFF;
	s2 =	simm.s32 @!p0 $0x1C01  }
0x48: {  	[timem:s3], [sflag:s2] =	dma.local @!p0 [hbm:s0], s1  }
0x49: {  	s0 =	simm.s32 @!p0 $0x1  }
0x4a: {  	_ =	swait.ge @!p0 [sflag:s0], s1  }
0x4b: {  	s1 =	ssub.s32 @!p0 $0x0, s1;
	[sflag:s0] =	ssyncset.done @!p0 $0x0  }
0x4c: {  	[sflag:s0] =	ssyncadd.s32 @!p0 s1  }
0x4d: {  	[bflag:$0x3] =	sbarrier.arrive $0xFFFF  }
0x4e: {  	_ =	shalt  }

// kernel: kernel.27.cloned.1.call-start
scs
__scs_entry_jumppad:
0x0: {  	(pc) =	sbr.rel $0x88, $3  }
0x1: {  	(tag) =	ssettag $0x0;
	lr =	simm.s32 $0x1  }
0x2: {  	[smem:$0x3F3E] =	sst lr;
	_ =	strace $0xD0000000  }
0x3: {  	_ = 	snop  }
0x4: {  	_ = 	snop  }
0x5: {  	_ = 	snop  }
0x6: {  	_ = 	snop  }
0x7: {  	_ = 	snop  }
__scs_overlays_trampoline_lowered:
0x8: {  	[smem:$0x3F4D] =	sst s0  }
0x9: {  	[smem:$0x3F4E] =	sst s1  }
0xa: {  	[smem:$0x3F4F] =	sst s2  }
0xb: {  	[smem:$0x3F50] =	sst s3  }
0xc: {  	[smem:$0x3F51] =	sst s4  }
0xd: {  	[smem:$0x3F52] =	sst s5  }
0xe: {  	[smem:$0x3F53] =	sst s6  }
0xf: {  	[smem:$0x3F54] =	sst s7  }
0x10: {  	[smem:$0x3F55] =	sst s8  }
0x11: {  	[smem:$0x3F56] =	sst s9;
	s0 =	simm.s32 @!p0 $0x0  }
0x12: {  	s1 =	sld [smem:$0x3F3C];
	s0 =	simm.s32 @p0 $0x1  }
0x13: {  	[smem:$0x3F57] =	sst s0;
	s0 =	simm.s32 @!p1 $0x0  }
0x14: {  	s2 =	sld [smem:$0x3F3B];
	s0 =	simm.s32 @p1 $0x1  }
0x15: {  	[smem:$0x3F58] =	sst s0;
	s0 =	simm.s32 @!p2 $0x0  }
0x16: {  	s3 =	sld [smem:$0x3FDB];
	s0 =	simm.s32 @p2 $0x1  }
0x17: {  	s4 =	simm.s32 $0x1BF5;
	[smem:$0x3F5A] =	sst s0  }
0x18: {  	s0 =	sld [smem:$0x3F3D];
	_ =	swait.ge [sflag:s4], $0x0  }
0x19: {  	s7 =	sld [smem:$0x3F3E]  }
0x1a: {  	s8 =	sadd.s32 $0xFFFFE003, lr  }
0x1b: {  	s9 =	sadd.s32 $0xFFFFFEF7, lr;
	s5 =	simm.s32 $0xFFFFFFFF;
	p2 =	slt.u32 s8, $0xFFFFF086  }
0x1c: {  	p1 =	slt.u32 s9, $0xF7A;
	s5 =	simm.s32 @!p2 $0x0  }
0x1d: {  	s5 =	simm.s32 @p1 $0x1;
	p0 =	seq.s32 s7, s2  }
0x1e: {  	s7 =	smul.u32 @!p0 $0xF7A, s2;
	p2 =	seq.s32 @!p0 s5, $0x0  }
0x1f: {  	s9 =	smul.u32 $0xF7A, s1;
	s8 =	simm.s32 @!p0 $0x1BF5;
	p2 =	por !p2, p0  }
0x20: {  	[sflag:s8] =	ssyncset.s32 @!p0 $0xFFFFF086;
	s6 =	sadd.s32 @!p0 s3, s7;
	s7 =	simm.s32 @!p0 $0x108  }
0x21: {  	s3 =	sadd.s32 s3, s9;
	s6 =	sadd.s32 @!p0 $0x88, s6;
	s7 =	simm.s32 @p2 $0x1082  }
0x22: {  	[simem:s7], [sflag:s8] =	dma.local @!p0 [hbm:s6], $0xF7A  }
0x23: {  	s9 =	sor.u32 $0xD0000000, s2;
	s6 =	simm.s32 $0x108;
	_ =	swait.ge @!p0 [sflag:s8], $0x0  }
0x24: {  	s3 =	sadd.s32 $0x88, s3;
	s6 =	simm.s32 @!p1 $0x1082;
	[sflag:s4] =	ssyncset.s32 $0xFFFFF086  }
0x25: {  	[simem:s6], [sflag:s4] =	dma.local [hbm:s3], $0xF7A  }
0x26: {  	[smem:$0x3F3E] =	sst s1;
	(tag) =	ssettag s2;
	_ =	strace s9  }
0x27: {  	s1 =	sld [smem:$0x3F4E]  }
0x28: {  	s2 =	sld [smem:$0x3F4F]  }
0x29: {  	s4 =	sld [smem:$0x3F51]  }
0x2a: {  	p0 =	seq.s32 s5, $0x0;
	s5 =	sld [smem:$0x3F52]  }
0x2b: {  	s6 =	sld [smem:$0x3F53]  }
0x2c: {  	s7 =	sld [smem:$0x3F54]  }
0x2d: {  	s3 =	simm.s32 $0x108;
	s8 =	sld [smem:$0x3F55]  }
0x2e: {  	s3 =	simm.s32 @!p0 $0x1082;
	s9 =	sld [smem:$0x3F56]  }
0x2f: {  	lr =	sadd.s32 s0, s3;
	s0 =	sld [smem:$0x3F4D]  }
0x30: {  	s3 =	sld [smem:$0x3F50]  }
0x31: {  	[smem:$0x3F59] =	sst s10  }
0x32: {  	s10 =	sld [smem:$0x3F57];
	_ =	sdelay $0x3  }
0x33: {  	p0 =	seq.s32 s10, $0x1;
	s10 =	sld [smem:$0x3F59];
	_ =	sdelay $0x3  }
0x34: {  	[smem:$0x3F59] =	sst s10  }
0x35: {  	s10 =	sld [smem:$0x3F58];
	_ =	sdelay $0x3  }
0x36: {  	p1 =	seq.s32 s10, $0x1;
	s10 =	sld [smem:$0x3F59];
	_ =	sdelay $0x3  }
0x37: {  	[smem:$0x3F59] =	sst s10  }
0x38: {  	s10 =	sld [smem:$0x3F5A]  }
0x39: {  	_ = 	snop;
	(pc) =	sbr.ind lr, $3  }
0x3a: {  	_ = 	snop  }
0x3b: {  	_ = 	snop  }
0x3c: {  	p2 =	seq.s32 s10, $0x1;
	s10 =	sld [smem:$0x3F59]  }
0x3d: {  	_ =	shalt  }
0x3e: {  	_ =	shalt  }
0x3f: {  	_ =	shalt  }
0x40: {  	_ =	shalt  }
0x41: {  	_ =	shalt  }
0x42: {  	_ =	shalt  }
0x43: {  	_ =	shalt  }
0x44: {  	_ =	shalt  }
0x45: {  	_ =	shalt  }
0x46: {  	_ =	shalt  }
0x47: {  	_ =	shalt  }
0x48: {  	_ =	shalt  }
0x49: {  	_ =	shalt  }
0x4a: {  	_ =	shalt  }
0x4b: {  	_ =	shalt  }
0x4c: {  	_ =	shalt  }
0x4d: {  	_ =	shalt  }
0x4e: {  	_ =	shalt  }
0x4f: {  	_ =	shalt  }
0x50: {  	_ =	shalt  }
0x51: {  	_ =	shalt  }
0x52: {  	_ =	shalt  }
0x53: {  	_ =	shalt  }
0x54: {  	_ =	shalt  }
0x55: {  	_ =	shalt  }
0x56: {  	_ =	shalt  }
0x57: {  	_ =	shalt  }
0x58: {  	_ =	shalt  }
0x59: {  	_ =	shalt  }
0x5a: {  	_ =	shalt  }
0x5b: {  	_ =	shalt  }
0x5c: {  	_ =	shalt  }
0x5d: {  	_ =	shalt  }
0x5e: {  	_ =	shalt  }
0x5f: {  	_ =	shalt  }
0x60: {  	_ =	shalt  }
0x61: {  	_ =	shalt  }
0x62: {  	_ =	shalt  }
0x63: {  	_ =	shalt  }
0x64: {  	_ =	shalt  }
0x65: {  	_ =	shalt  }
0x66: {  	_ =	shalt  }
0x67: {  	_ =	shalt  }
0x68: {  	_ =	shalt  }
0x69: {  	_ =	shalt  }
0x6a: {  	_ =	shalt  }
0x6b: {  	_ =	shalt  }
0x6c: {  	_ =	shalt  }
0x6d: {  	_ =	shalt  }
0x6e: {  	_ =	shalt  }
0x6f: {  	_ =	shalt  }
0x70: {  	_ =	shalt  }
0x71: {  	_ =	shalt  }
0x72: {  	_ =	shalt  }
0x73: {  	_ =	shalt  }
0x74: {  	_ =	shalt  }
0x75: {  	_ =	shalt  }
0x76: {  	_ =	shalt  }
0x77: {  	_ =	shalt  }
0x78: {  	_ =	shalt  }
0x79: {  	_ =	shalt  }
0x7a: {  	_ =	shalt  }
0x7b: {  	_ =	shalt  }
0x7c: {  	_ =	shalt  }
0x7d: {  	_ =	shalt  }
0x7e: {  	_ =	shalt  }
0x7f: {  	_ =	shalt  }
0x80: {  	_ =	shalt  }
0x81: {  	_ =	shalt  }
0x82: {  	_ =	shalt  }
0x83: {  	_ =	shalt  }
0x84: {  	_ =	shalt  }
0x85: {  	_ =	shalt  }
0x86: {  	_ =	shalt  }
0x87: {  	_ =	shalt  }
.Lfunc_end0:
.L_simem_size_0:
called_computation.2_lowered:
.L_overlay_start_0:
0x88: {  	s2 =	sld [smem:$0x3FD9]  }
0x89: {  	s3 =	sld [smem:$0x3FFE];
	_ =	sdelay $0x1  }
0x8a: {  	s1 =	srdreg.scid  }
0x8b: {  	s0 =	sand.u32 $0x1, s1  }
0x8c: {  	s16 =	sshll.u32 s0, $0xA;
	s2 =	sadd.s32 s3, s2  }
0x8d: {  	s2 =	sadd.s32 s2, s16  }
0x8e: {  	[smem:$0x3F65] =	sst s2  }
0x8f: {  	_ = 	snop  }
0x90: {  	(tm) =	ssettm $0x1  }
0x91: {  	s17 =	sld [smem:$0x3FFB];
	_ =	sdelay $0x3  }
0x92: {  	_ =	strace s17  }
0x93: {  	s2 =	sld [smem:$0x3FFC];
	_ =	sdelay $0x3  }
0x94: {  	_ =	strace s2  }
0x95: {  	s2 =	sld [smem:$0x3FFD];
	_ =	sdelay $0x3  }
0x96: {  	_ =	strace s2  }
0x97: {  	_ =	strace $0x8FFFFFFF  }
0x98: {  	s18 =	sld [smem:$0x3FDB];
	_ =	sdelay $0x1  }
0x99: {  	s19 =	simm.s32 $_scs_section_size  }
0x9a: {  	s4 =	simm.s32 $_size__tile_overlayer_lowered;
	s5 =	simm.s32 $_tile_overlayer_lowered  }
0x9b: {  	s22 =	simm.s32 $0x1BFF;
	s21 =	sshll.u32 s5, $0x1;
	s2 =	sadd.s32 s19, s18  }
0x9c: {  	s6 =	simm.s32 $0x0;
	s20 =	sshll.u32 s4, $0x1;
	s4 =	sadd.s32 s21, s2  }
0x9d: {  	[timem:s6], [sflag:s22] =	dma.local [hbm:s4], s20  }
0x9e: {  	_ =	swait.ge [sflag:s22], s20  }
0x9f: {  	s3 =	ssub.s32 $0x0, s20;
	[sflag:s22] =	ssyncset.done $0x0  }
0xa0: {  	[sflag:s22] =	ssyncadd.s32 s3;
	_ =	sdelay $0x1  }
0xa1: {  	s23 =	simm.s32 $0x1B8B  }
0xa2: {  	_ =	swait.ge [sflag:s23], $0x1  }
0xa3: {  	[sflag:s23] =	ssyncset.done $0x0  }
0xa4: {  	s25 =	simm.s32 $0x1B8E;
	s24 =	sld [smem:$0x3FFE];
	[sflag:s23] =	ssyncadd.s32 $0xFFFFFFFF  }
0xa5: {  	s26 =	simm.s32 $execute0_lowered;
	[smem:$0x3FD2] =	sst s25  }
0xa6: {  	s4 =	sshll.u32 s26, $0x1;
	_ =	strace $0x8000004C;
	[dreg:$0x1] =	wrdreg $0xFFFFFFFF  }
0xa7: {  	s28 =	simm.s32 $_size_execute0_lowered;
	s2 =	sadd.s32 s2, s4;
	[dreg:$0x0] =	wrdreg $0x0  }
0xa8: {  	s4 =	sshll.u32 s28, $0x1;
	[dreg:$0x2] =	wrdreg s2  }
0xa9: {  	[dreg:$0x3] =	wrdreg s4  }
0xaa: {  	[dreg:$0x4] =	wrdreg $0xC0  }
0xab: {  	_ =	task [dreg:s6], $0x5FFFF  }
0xac: {  	[dreg:$0x1] =	wrdreg $0xFFFFFFFF  }
0xad: {  	[dreg:$0x0] =	wrdreg $0x60  }
0xae: {  	[dreg:$0x2] =	wrdreg s24  }
0xaf: {  	[dreg:$0x3] =	wrdreg $0x9  }
0xb0: {  	_ =	task.clear_ibuf [dreg:s6], $0x4FFFF;
	_ =	strace $0x9000004C  }
0xb1: {  	s29 =	simm.s32 $0x9;
	_ =	strace $0x8000004E  }
0xb2: {  	_ =	swait.ge [sflag:s29], $0x1  }
0xb3: {  	[sflag:s29] =	ssyncadd.s32 $0xFFFFFFFF  }
0xb4: {  	_ =	strace $0x9000004E  }
0xb5: {  	_ =	sfence  }
0xb6: {  	s30 =	sld [smem:$0x0];
	_ =	sdelay $0x2  }
0xb7: {  	s31 =	sshll.u32 s1, $0xD;
	s1 =	sshrl.u32 s1, $0x2  }
0xb8: {  	s3 =	sand.u32 $0x4000, s31;
	s1 =	sadd.s32 s1, s30  }
0xb9: {  	s0 =	sor.u32 s3, s0;
	s1 =	sshll.u32 s1, $0x11  }
0xba: {  	s0 =	sor.u32 s1, s0  }
0xbb: {  	s0 =	sadd.s32 $0x8F2B, s0  }
0xbc: {  	[sflag:s0] =	ssyncadd.remote.s32 $0x1  }
0xbd: {  	_ =	sfence.sel $0xFFFF  }
0xbe: {  	[dreg:$0x0] =	wrdreg $0xFFFFFFFF;
	(pc) =	sbr.abs _section_cstart, $3  }
0xbf: {  	[dreg:$0x1] =	wrdreg $0xFFFFFFFF  }
0xc0: {  	_ =	task.clear_ibuf [dreg:s6], $0x2FFFF;
	_ =	strace $0x9FFFFFFF  }
0xc1: {  	(tm) =	ssettm $0x7FFFFFFF  }
tec
execute0_lowered:
.L_overlay_start_1:
0x0: {  	(tag) =	ssettag $0x1  }
0x1: {  	s4 =	rddreg [dreg:$0x0];
	s1 =	srdreg.scid  }
0x2: {  	s0 =	rddreg [dreg:$0x1];
	s5 =	sand.u32 $0x1, s1  }
0x3: {  	s2 =	simm.s32 $0x0;
	s1 =	stileid.u32;
	s6 =	smul.u32 $0xC3500, s5  }
0x4: {  	s10 =	simm.s32 $0x0;
	[smem:$0x7FF] =	sst s2;
	s7 =	smul.u32 $0xC350, s1  }
0x5: {  	s3 =	sadd.s32 $0x5EE000, s4;
	s8 =	smul.u32 $0x186A00, s5;
	s5 =	ssub.s32 $0x2, s5  }
0x6: {  	_ =	strace $0x8000004D;
	s9 =	smul.u32 $0x186A0, s1;
	s30 =	sshrl.u32 s5, $0x1  }
0x7: {  	s6 =	sadd.s32 s7, s6;
	s8 =	sadd.s32 s8, s4;
	s5 =	ssub.s32 s5, s30  }
0x8: {  	s7 =	simm.s32 $0x2;
	s6 =	sshrl.u32 s6, $0x3;
	s31 =	sadd.s32 s9, s8  }
0x9: {  	s8 =	simm.s32 $0x1388;
	s9 =	simm.s32 $0x1;
	s6 =	sadd.s32 s6, s4  }
0xa: {  	s4 =	smax.u32 s5, $0x1;
	s5 =	sadd.s32 $0x606800, s31;
	s6 =	sadd.s32 $0x415C00, s6  }
.LBB2_1:
0xb: {  	s11 =	sadd.s32 $0x0, s6  }
0xc: {  	[tilespmem:s2], [sflag:$0x2] =	stream.linear.gather [hbm4b:s11+s2], $0x1388, $0x38;
	[tilespmem:$0x14C08] =	vst v63  }
0xd: {  	_ =	swait.ge [sflag:s7], $0x1388  }
0xe: {  	[sflag:s7] =	ssyncset.done $0x0  }
0xf: {  	[sflag:s7] =	ssyncadd.s32 $0xFFFFEC78  }
0x10: {  	[tilespmem:s8], [sflag:$0x1] =	stream.indirect.gather [hbm4b:s3+s8], $0x10, s2, s8, $0xb8;
	[tilespmem:$0x14C08] =	vst v63  }
0x11: {  	_ =	swait.ge [sflag:s9], $0x13880  }
0x12: {  	[sflag:s9] =	ssyncset.done $0x0  }
0x13: {  	[sflag:s9] =	ssyncadd.s32 $0xFFFEC780  }
0x14: {  	[hbm4b:s5+s2] =	stream.linear.scatter [tilespmem:s8], [sflag:$0x2], $0x13880, $0x38;
	[tilespmem:$0x14C08] =	vst v63  }
0x15: {  	s12 =	simm.s32 $0x271;
	_ =	swait.ge [sflag:s7], $0x13880  }
0x16: {  	s13 =	simm.s32 $0x4E2;
	s11 =	sadd.s32 $0x2710, s5;
	[sflag:s7] =	ssyncset.done $0x0  }
.LBB2_2:
0x17: {  	s14 =	sadd.s32 s12, s6  }
0x18: {  	[sflag:s7] =	ssyncadd.s32 $0xFFFEC780;
	s12 =	smov.u32 s13;
	s15 =	sadd.s32 $0x271, s13  }
0x19: {  	[tilespmem:s2], [sflag:$0x2] =	stream.linear.gather [hbm4b:s14+s2], $0x1388, $0x38;
	[tilespmem:$0x14C08] =	vst v63  }
0x1a: {  	p0 =	sne.s32 s13, $0x15F9;
	_ =	swait.ge [sflag:s7], $0x1388  }
0x1b: {  	[sflag:s7] =	ssyncset.done $0x0  }
0x1c: {  	[sflag:s7] =	ssyncadd.s32 $0xFFFFEC78  }
0x1d: {  	[tilespmem:s8], [sflag:$0x1] =	stream.indirect.gather [hbm4b:s3+s8], $0x10, s2, s8, $0xb8;
	[tilespmem:$0x14C08] =	vst v63  }
0x1e: {  	_ =	swait.ge [sflag:s9], $0x13880  }
.Ltmp0:
0x1f: {  	[sflag:s9] =	ssyncset.done $0x0;
	(pc) =	sbr.rel @p0 .LBB2_2-.Ltmp0, $4  }
0x20: {  	[sflag:s9] =	ssyncadd.s32 $0xFFFEC780  }
0x21: {  	[hbm4b:s11+s2] =	stream.linear.scatter [tilespmem:s8], [sflag:$0x2], $0x13880, $0x38;
	[tilespmem:$0x14C08] =	vst v63  }
0x22: {  	_ =	swait.ge [sflag:s7], $0x13880  }
0x23: {  	s13 =	smov.u32 s15;
	s11 =	sadd.s32 $0x2710, s11;
	[sflag:s7] =	ssyncset.done $0x0  }
0x24: {  	s12 =	sadd.s32 s12, s6;
	[sflag:s7] =	ssyncadd.s32 $0xFFFEC780  }
0x25: {  	[tilespmem:s2], [sflag:$0x2] =	stream.linear.gather [hbm4b:s12+s2], $0x1388, $0x38;
	[tilespmem:$0x14C08] =	vst v63  }
0x26: {  	_ =	swait.ge [sflag:s7], $0x1388  }
0x27: {  	[sflag:s7] =	ssyncset.done $0x0  }
0x28: {  	[sflag:s7] =	ssyncadd.s32 $0xFFFFEC78  }
0x29: {  	[tilespmem:s8], [sflag:$0x1] =	stream.indirect.gather [hbm4b:s3+s8], $0x10, s2, s8, $0xb8;
	[tilespmem:$0x14C08] =	vst v63  }
0x2a: {  	s10 =	sadd.s32 $0x1, s10;
	_ =	swait.ge [sflag:s9], $0x13880  }
0x2b: {  	p0 =	sne.s32 s10, s4;
	[sflag:s9] =	ssyncset.done $0x0  }
.Ltmp1:
0x2c: {  	[sflag:s9] =	ssyncadd.s32 $0xFFFEC780;
	(pc) =	sbr.rel @p0 .LBB2_1-.Ltmp1, $4  }
0x2d: {  	[hbm4b:s11+s2] =	stream.linear.scatter [tilespmem:s8], [sflag:$0x2], $0x13880, $0x38;
	[tilespmem:$0x14C08] =	vst v63  }
0x2e: {  	_ =	swait.ge [sflag:s7], $0x13880  }
0x2f: {  	[sflag:s7] =	ssyncset.done $0x0  }
0x30: {  	[sflag:s7] =	ssyncadd.s32 $0xFFFEC780  }
0x31: {  	_ =	sfence.sel $0x180000  }
0x32: {  	[bflag:$0x0] =	sbarrier.arrive $0xFFFF  }
0x33: {  	p0 =	sne.s32 s1, $0x0;
	_ =	strace $0x9000004D  }
0x34: {  	s0 =	sadd.s32 @!p0 $0x100000, s0;
	[bflag:$0x2] =	sbarrier.arrive $0xFFFF  }
0x35: {  	[sflag:s0] =	ssyncadd.tile.s32 @!p0 $0x1;
	_ =	shalt  }
.Lfunc_end2:
_tile_overlayer_lowered:
.L_overlay_start_2:
0x36: {  	(tag) =	ssettag $0x2  }
0x37: {  	s0 =	rddreg [dreg:$0x0];
	s2 =	stileid.u32  }
0x38: {  	s1 =	rddreg [dreg:$0x1];
	p0 =	sne.s32 s2, $0x0  }
0x39: {  	s3 =	rddreg [dreg:$0x2];
	[bflag:$0x3] =	sbarrier.arrive $0xFFFF;
	s2 =	simm.s32 @!p0 $0x1C02  }
0x3a: {  	[timem:s3], [sflag:s2] =	dma.local @!p0 [hbm:s0], s1  }
0x3b: {  	s0 =	simm.s32 @!p0 $0x2  }
0x3c: {  	_ =	swait.ge @!p0 [sflag:s0], s1  }
0x3d: {  	s1 =	ssub.s32 @!p0 $0x0, s1;
	[sflag:s0] =	ssyncset.done @!p0 $0x0  }
0x3e: {  	[sflag:s0] =	ssyncadd.s32 @!p0 s1  }
0x3f: {  	[bflag:$0x3] =	sbarrier.arrive $0xFFFF  }
0x40: {  	_ =	shalt  }

// kernel: kernel.30.cloned.1.call-start
scs
__scs_entry_jumppad:
0x0: {  	(pc) =	sbr.rel $0x88, $3  }
0x1: {  	(tag) =	ssettag $0x0;
	lr =	simm.s32 $0x1  }
0x2: {  	[smem:$0x3F3E] =	sst lr;
	_ =	strace $0xD0000000  }
0x3: {  	_ = 	snop  }
0x4: {  	_ = 	snop  }
0x5: {  	_ = 	snop  }
0x6: {  	_ = 	snop  }
0x7: {  	_ = 	snop  }
__scs_overlays_trampoline_lowered:
0x8: {  	[smem:$0x3F4D] =	sst s0  }
0x9: {  	[smem:$0x3F4E] =	sst s1  }
0xa: {  	[smem:$0x3F4F] =	sst s2  }
0xb: {  	[smem:$0x3F50] =	sst s3  }
0xc: {  	[smem:$0x3F51] =	sst s4  }
0xd: {  	[smem:$0x3F52] =	sst s5  }
0xe: {  	[smem:$0x3F53] =	sst s6  }
0xf: {  	[smem:$0x3F54] =	sst s7  }
0x10: {  	[smem:$0x3F55] =	sst s8  }
0x11: {  	[smem:$0x3F56] =	sst s9;
	s0 =	simm.s32 @!p0 $0x0  }
0x12: {  	s1 =	sld [smem:$0x3F3C];
	s0 =	simm.s32 @p0 $0x1  }
0x13: {  	[smem:$0x3F57] =	sst s0;
	s0 =	simm.s32 @!p1 $0x0  }
0x14: {  	s2 =	sld [smem:$0x3F3B];
	s0 =	simm.s32 @p1 $0x1  }
0x15: {  	[smem:$0x3F58] =	sst s0;
	s0 =	simm.s32 @!p2 $0x0  }
0x16: {  	s3 =	sld [smem:$0x3FDB];
	s0 =	simm.s32 @p2 $0x1  }
0x17: {  	s4 =	simm.s32 $0x1BF5;
	[smem:$0x3F5A] =	sst s0  }
0x18: {  	s0 =	sld [smem:$0x3F3D];
	_ =	swait.ge [sflag:s4], $0x0  }
0x19: {  	s7 =	sld [smem:$0x3F3E]  }
0x1a: {  	s8 =	sadd.s32 $0xFFFFE003, lr  }
0x1b: {  	s9 =	sadd.s32 $0xFFFFFEF7, lr;
	s5 =	simm.s32 $0xFFFFFFFF;
	p2 =	slt.u32 s8, $0xFFFFF086  }
0x1c: {  	p1 =	slt.u32 s9, $0xF7A;
	s5 =	simm.s32 @!p2 $0x0  }
0x1d: {  	s5 =	simm.s32 @p1 $0x1;
	p0 =	seq.s32 s7, s2  }
0x1e: {  	s7 =	smul.u32 @!p0 $0xF7A, s2;
	p2 =	seq.s32 @!p0 s5, $0x0  }
0x1f: {  	s9 =	smul.u32 $0xF7A, s1;
	s8 =	simm.s32 @!p0 $0x1BF5;
	p2 =	por !p2, p0  }
0x20: {  	[sflag:s8] =	ssyncset.s32 @!p0 $0xFFFFF086;
	s6 =	sadd.s32 @!p0 s3, s7;
	s7 =	simm.s32 @!p0 $0x108  }
0x21: {  	s3 =	sadd.s32 s3, s9;
	s6 =	sadd.s32 @!p0 $0x88, s6;
	s7 =	simm.s32 @p2 $0x1082  }
0x22: {  	[simem:s7], [sflag:s8] =	dma.local @!p0 [hbm:s6], $0xF7A  }
0x23: {  	s9 =	sor.u32 $0xD0000000, s2;
	s6 =	simm.s32 $0x108;
	_ =	swait.ge @!p0 [sflag:s8], $0x0  }
0x24: {  	s3 =	sadd.s32 $0x88, s3;
	s6 =	simm.s32 @!p1 $0x1082;
	[sflag:s4] =	ssyncset.s32 $0xFFFFF086  }
0x25: {  	[simem:s6], [sflag:s4] =	dma.local [hbm:s3], $0xF7A  }
0x26: {  	[smem:$0x3F3E] =	sst s1;
	(tag) =	ssettag s2;
	_ =	strace s9  }
0x27: {  	s1 =	sld [smem:$0x3F4E]  }
0x28: {  	s2 =	sld [smem:$0x3F4F]  }
0x29: {  	s4 =	sld [smem:$0x3F51]  }
0x2a: {  	p0 =	seq.s32 s5, $0x0;
	s5 =	sld [smem:$0x3F52]  }
0x2b: {  	s6 =	sld [smem:$0x3F53]  }
0x2c: {  	s7 =	sld [smem:$0x3F54]  }
0x2d: {  	s3 =	simm.s32 $0x108;
	s8 =	sld [smem:$0x3F55]  }
0x2e: {  	s3 =	simm.s32 @!p0 $0x1082;
	s9 =	sld [smem:$0x3F56]  }
0x2f: {  	lr =	sadd.s32 s0, s3;
	s0 =	sld [smem:$0x3F4D]  }
0x30: {  	s3 =	sld [smem:$0x3F50]  }
0x31: {  	[smem:$0x3F59] =	sst s10  }
0x32: {  	s10 =	sld [smem:$0x3F57];
	_ =	sdelay $0x3  }
0x33: {  	p0 =	seq.s32 s10, $0x1;
	s10 =	sld [smem:$0x3F59];
	_ =	sdelay $0x3  }
0x34: {  	[smem:$0x3F59] =	sst s10  }
0x35: {  	s10 =	sld [smem:$0x3F58];
	_ =	sdelay $0x3  }
0x36: {  	p1 =	seq.s32 s10, $0x1;
	s10 =	sld [smem:$0x3F59];
	_ =	sdelay $0x3  }
0x37: {  	[smem:$0x3F59] =	sst s10  }
0x38: {  	s10 =	sld [smem:$0x3F5A]  }
0x39: {  	_ = 	snop;
	(pc) =	sbr.ind lr, $3  }
0x3a: {  	_ = 	snop  }
0x3b: {  	_ = 	snop  }
0x3c: {  	p2 =	seq.s32 s10, $0x1;
	s10 =	sld [smem:$0x3F59]  }
0x3d: {  	_ =	shalt  }
0x3e: {  	_ =	shalt  }
0x3f: {  	_ =	shalt  }
0x40: {  	_ =	shalt  }
0x41: {  	_ =	shalt  }
0x42: {  	_ =	shalt  }
0x43: {  	_ =	shalt  }
0x44: {  	_ =	shalt  }
0x45: {  	_ =	shalt  }
0x46: {  	_ =	shalt  }
0x47: {  	_ =	shalt  }
0x48: {  	_ =	shalt  }
0x49: {  	_ =	shalt  }
0x4a: {  	_ =	shalt  }
0x4b: {  	_ =	shalt  }
0x4c: {  	_ =	shalt  }
0x4d: {  	_ =	shalt  }
0x4e: {  	_ =	shalt  }
0x4f: {  	_ =	shalt  }
0x50: {  	_ =	shalt  }
0x51: {  	_ =	shalt  }
0x52: {  	_ =	shalt  }
0x53: {  	_ =	shalt  }
0x54: {  	_ =	shalt  }
0x55: {  	_ =	shalt  }
0x56: {  	_ =	shalt  }
0x57: {  	_ =	shalt  }
0x58: {  	_ =	shalt  }
0x59: {  	_ =	shalt  }
0x5a: {  	_ =	shalt  }
0x5b: {  	_ =	shalt  }
0x5c: {  	_ =	shalt  }
0x5d: {  	_ =	shalt  }
0x5e: {  	_ =	shalt  }
0x5f: {  	_ =	shalt  }
0x60: {  	_ =	shalt  }
0x61: {  	_ =	shalt  }
0x62: {  	_ =	shalt  }
0x63: {  	_ =	shalt  }
0x64: {  	_ =	shalt  }
0x65: {  	_ =	shalt  }
0x66: {  	_ =	shalt  }
0x67: {  	_ =	shalt  }
0x68: {  	_ =	shalt  }
0x69: {  	_ =	shalt  }
0x6a: {  	_ =	shalt  }
0x6b: {  	_ =	shalt  }
0x6c: {  	_ =	shalt  }
0x6d: {  	_ =	shalt  }
0x6e: {  	_ =	shalt  }
0x6f: {  	_ =	shalt  }
0x70: {  	_ =	shalt  }
0x71: {  	_ =	shalt  }
0x72: {  	_ =	shalt  }
0x73: {  	_ =	shalt  }
0x74: {  	_ =	shalt  }
0x75: {  	_ =	shalt  }
0x76: {  	_ =	shalt  }
0x77: {  	_ =	shalt  }
0x78: {  	_ =	shalt  }
0x79: {  	_ =	shalt  }
0x7a: {  	_ =	shalt  }
0x7b: {  	_ =	shalt  }
0x7c: {  	_ =	shalt  }
0x7d: {  	_ =	shalt  }
0x7e: {  	_ =	shalt  }
0x7f: {  	_ =	shalt  }
0x80: {  	_ =	shalt  }
0x81: {  	_ =	shalt  }
0x82: {  	_ =	shalt  }
0x83: {  	_ =	shalt  }
0x84: {  	_ =	shalt  }
0x85: {  	_ =	shalt  }
0x86: {  	_ =	shalt  }
0x87: {  	_ =	shalt  }
.Lfunc_end0:
.L_simem_size_0:
called_computation.3_lowered:
.L_overlay_start_0:
0x88: {  	s2 =	sld [smem:$0x3FD9]  }
0x89: {  	s3 =	sld [smem:$0x3FFE];
	_ =	sdelay $0x1  }
0x8a: {  	s1 =	srdreg.scid  }
0x8b: {  	s0 =	sand.u32 $0x1, s1  }
0x8c: {  	s16 =	sshll.u32 s0, $0xA;
	s2 =	sadd.s32 s3, s2  }
0x8d: {  	s2 =	sadd.s32 s2, s16  }
0x8e: {  	[smem:$0x3F65] =	sst s2  }
0x8f: {  	_ = 	snop  }
0x90: {  	(tm) =	ssettm $0x1  }
0x91: {  	s17 =	sld [smem:$0x3FFB];
	_ =	sdelay $0x3  }
0x92: {  	_ =	strace s17  }
0x93: {  	s2 =	sld [smem:$0x3FFC];
	_ =	sdelay $0x3  }
0x94: {  	_ =	strace s2  }
0x95: {  	s2 =	sld [smem:$0x3FFD];
	_ =	sdelay $0x3  }
0x96: {  	_ =	strace s2  }
0x97: {  	_ =	strace $0x8FFFFFFF  }
0x98: {  	s18 =	sld [smem:$0x3FDB];
	_ =	sdelay $0x1  }
0x99: {  	s19 =	simm.s32 $_scs_section_size  }
0x9a: {  	s4 =	simm.s32 $_size__tile_overlayer_lowered;
	s5 =	simm.s32 $_tile_overlayer_lowered  }
0x9b: {  	s22 =	simm.s32 $0x1BFF;
	s21 =	sshll.u32 s5, $0x1;
	s2 =	sadd.s32 s19, s18  }
0x9c: {  	s6 =	simm.s32 $0x0;
	s20 =	sshll.u32 s4, $0x1;
	s4 =	sadd.s32 s21, s2  }
0x9d: {  	[timem:s6], [sflag:s22] =	dma.local [hbm:s4], s20  }
0x9e: {  	_ =	swait.ge [sflag:s22], s20  }
0x9f: {  	s3 =	ssub.s32 $0x0, s20;
	[sflag:s22] =	ssyncset.done $0x0  }
0xa0: {  	[sflag:s22] =	ssyncadd.s32 s3;
	_ =	sdelay $0x1  }
0xa1: {  	s23 =	simm.s32 $0x1B8B  }
0xa2: {  	_ =	swait.ge [sflag:s23], $0x1  }
0xa3: {  	[sflag:s23] =	ssyncset.done $0x0  }
0xa4: {  	s25 =	simm.s32 $0x1B8E;
	s24 =	sld [smem:$0x3FFE];
	[sflag:s23] =	ssyncadd.s32 $0xFFFFFFFF  }
0xa5: {  	s26 =	simm.s32 $execute0_lowered;
	[smem:$0x3FD2] =	sst s25  }
0xa6: {  	s4 =	sshll.u32 s26, $0x1;
	_ =	strace $0x8000004F;
	[dreg:$0x1] =	wrdreg $0xFFFFFFFF  }
0xa7: {  	s28 =	simm.s32 $_size_execute0_lowered;
	s2 =	sadd.s32 s2, s4;
	[dreg:$0x0] =	wrdreg $0x0  }
0xa8: {  	s4 =	sshll.u32 s28, $0x1;
	[dreg:$0x2] =	wrdreg s2  }
0xa9: {  	[dreg:$0x3] =	wrdreg s4  }
0xaa: {  	[dreg:$0x4] =	wrdreg $0xC0  }
0xab: {  	_ =	task [dreg:s6], $0x5FFFF  }
0xac: {  	[dreg:$0x1] =	wrdreg $0xFFFFFFFF  }
0xad: {  	[dreg:$0x0] =	wrdreg $0x60  }
0xae: {  	[dreg:$0x2] =	wrdreg s24  }
0xaf: {  	[dreg:$0x3] =	wrdreg $0x42680  }
0xb0: {  	[dreg:$0x4] =	wrdreg $0x9  }
0xb1: {  	_ =	task.clear_ibuf [dreg:s6], $0x5FFFF;
	_ =	strace $0x9000004F  }
0xb2: {  	s29 =	simm.s32 $0x9;
	_ =	strace $0x80000051  }
0xb3: {  	_ =	swait.ge [sflag:s29], $0x1  }
0xb4: {  	[sflag:s29] =	ssyncadd.s32 $0xFFFFFFFF  }
0xb5: {  	_ =	strace $0x90000051  }
0xb6: {  	_ =	sfence  }
0xb7: {  	s30 =	sld [smem:$0x0];
	_ =	sdelay $0x2  }
0xb8: {  	s31 =	sshll.u32 s1, $0xD;
	s1 =	sshrl.u32 s1, $0x2  }
0xb9: {  	s3 =	sand.u32 $0x4000, s31;
	s1 =	sadd.s32 s1, s30  }
0xba: {  	s0 =	sor.u32 s3, s0;
	s1 =	sshll.u32 s1, $0x11  }
0xbb: {  	s0 =	sor.u32 s1, s0  }
0xbc: {  	s0 =	sadd.s32 $0x8F2B, s0  }
0xbd: {  	[sflag:s0] =	ssyncadd.remote.s32 $0x1  }
0xbe: {  	_ =	sfence.sel $0xFFFF  }
0xbf: {  	[dreg:$0x0] =	wrdreg $0xFFFFFFFF;
	(pc) =	sbr.abs _section_cstart, $3  }
0xc0: {  	[dreg:$0x1] =	wrdreg $0xFFFFFFFF  }
0xc1: {  	_ =	task.clear_ibuf [dreg:s6], $0x2FFFF;
	_ =	strace $0x9FFFFFFF  }
0xc2: {  	(tm) =	ssettm $0x7FFFFFFF  }
0xc3: {  	_ =	shalt  }
tec
execute0_lowered:
.L_overlay_start_1:
0x0: {  	(tag) =	ssettag $0x1  }
0x1: {  	s0 =	srdreg.scid  }
0x2: {  	s5 =	rddreg [dreg:$0x0];
	s4 =	sand.u32 $0x1, s0  }
0x3: {  	s0 =	stileid.u32;
	s6 =	smul.u32 $0x61A80, s4  }
0x4: {  	s2 =	rddreg [dreg:$0x1];
	s7 =	smul.u32 $0x61A8, s0  }
0x5: {  	s1 =	rddreg [dreg:$0x2];
	s3 =	simm.s32 $0x0;
	s8 =	smul.u32 $0xC3500, s4  }
0x6: {  	[smem:$0x7FF] =	sst s3;
	s26 =	smul.u32 $0x1870, s0  }
0x7: {  	s9 =	smul.u32 $0x18700, s4;
	_ =	strace $0x80000050;
	s29 =	ssub.s32 $0x2, s4  }
0x8: {  	s30 =	smul.u32 $0x30E00, s0;
	s4 =	sadd.s32 $0xD7800, s5;
	s11 =	sshll.u32 s0, $0x6  }
0x9: {  	s12 =	smul.u32 $0xC350, s0;
	s31 =	sshrl.u32 s29, $0x1;
	s6 =	sadd.s32 s7, s6  }
0xa: {  	s8 =	sadd.s32 s8, s5;
	s28 =	sadd.s32 s26, s9;
	s9 =	sshrl.u32 s30, $0x2  }
0xb: {  	s7 =	ssub.s32 s29, s31;
	s6 =	sshrl.u32 s6, $0x3;
	s13 =	sadd.s32 s9, s2  }
0xc: {  	s7 =	smax.u32 s7, $0x1;
	s8 =	sadd.s32 s12, s8;
	s12 =	simm.s32 $0x3E8  }
0xd: {  	s10 =	sadd.s32 s6, s5;
	s6 =	sadd.s32 s28, s5;
	s5 =	sor.u32 $0x1C01, s11  }
0xe: {  	s8 =	sadd.s32 $0x913C00, s8;
	s11 =	simm.s32 $0x1;
	s6 =	sadd.s32 $0x108800, s6  }
0xf: {  	s9 =	sadd.s32 $0xF0000, s10;
	s10 =	sshrl.u32 s13, $0x3;
	s13 =	simm.s32 $0x0  }
.LBB2_1:
0x10: {  	[spmem:s10], [sflag:s5] =	dma.local [hbm:s4], $0x1870  }
0x11: {  	_ =	swait.ge [sflag:s11], $0x1870  }
0x12: {  	[sflag:s11] =	ssyncset.done $0x0  }
0x13: {  	[sflag:s11] =	ssyncadd.s32 $0xFFFFE790  }
0x14: {  	s14 =	sadd.s32 $0x0, s9;
	[bflag:$0x0] =	sbarrier.arrive $0xFFFF  }
0x15: {  	[tilespmem:s3], [sflag:$0x1] =	stream.linear.gather [hbm4b:s14+s3], $0x3E8, $0x38;
	[tilespmem:$0x105E8] =	vst v63  }
0x16: {  	_ =	swait.ge [sflag:s11], $0x3E8  }
0x17: {  	[sflag:s11] =	ssyncset.done $0x0  }
0x18: {  	[sflag:s11] =	ssyncadd.s32 $0xFFFFFC18  }
0x19: {  	[tilespmem:s12], [sflag:$0x1] =	stream.linear.gather [hbm4b:s8+s3], $0x3E80, $0x38;
	[tilespmem:$0x105E8] =	vst v63  }
0x1a: {  	_ =	swait.ge [sflag:s11], $0x3E80  }
0x1b: {  	[sflag:s11] =	ssyncset.done $0x0  }
0x1c: {  	[sflag:s11] =	ssyncadd.s32 $0xFFFFC180  }
0x1d: {  	[spmem:s2] =	stream.indirect.scatter.add.f32 [tilespmem:s12], [sflag:$0x1], $0x10, s3, s12, $0xb8;
	[tilespmem:$0x105E8] =	vst v63  }
0x1e: {  	s15 =	simm.s32 $0x7D;
	_ =	swait.ge [sflag:s11], $0x3E80  }
0x1f: {  	s16 =	simm.s32 $0xFA;
	s14 =	sadd.s32 $0x7D0, s8;
	[sflag:s11] =	ssyncset.done $0x0  }
.LBB2_2:
0x20: {  	s17 =	sadd.s32 s15, s9  }
0x21: {  	[sflag:s11] =	ssyncadd.s32 $0xFFFFC180;
	s15 =	smov.u32 s16;
	s18 =	sadd.s32 $0x7D, s16  }
0x22: {  	[tilespmem:s3], [sflag:$0x1] =	stream.linear.gather [hbm4b:s17+s3], $0x3E8, $0x38;
	[tilespmem:$0x105E8] =	vst v63  }
0x23: {  	p0 =	sne.s32 s16, $0xBB8;
	_ =	swait.ge [sflag:s11], $0x3E8  }
0x24: {  	[sflag:s11] =	ssyncset.done $0x0  }
0x25: {  	[sflag:s11] =	ssyncadd.s32 $0xFFFFFC18  }
0x26: {  	[tilespmem:s12], [sflag:$0x1] =	stream.linear.gather [hbm4b:s14+s3], $0x3E80, $0x38;
	[tilespmem:$0x105E8] =	vst v63  }
0x27: {  	_ =	swait.ge [sflag:s11], $0x3E80  }
.Ltmp0:
0x28: {  	[sflag:s11] =	ssyncset.done $0x0;
	(pc) =	sbr.rel @p0 .LBB2_2-.Ltmp0, $4  }
0x29: {  	[sflag:s11] =	ssyncadd.s32 $0xFFFFC180  }
0x2a: {  	[spmem:s2] =	stream.indirect.scatter.add.f32 [tilespmem:s12], [sflag:$0x1], $0x10, s3, s12, $0xb8;
	[tilespmem:$0x105E8] =	vst v63  }
0x2b: {  	_ =	swait.ge [sflag:s11], $0x3E80  }
0x2c: {  	s16 =	smov.u32 s18;
	s14 =	sadd.s32 $0x7D0, s14;
	[sflag:s11] =	ssyncset.done $0x0  }
0x2d: {  	s15 =	sadd.s32 s15, s9;
	[sflag:s11] =	ssyncadd.s32 $0xFFFFC180  }
0x2e: {  	[tilespmem:s3], [sflag:$0x1] =	stream.linear.gather [hbm4b:s15+s3], $0x3E8, $0x38;
	[tilespmem:$0x105E8] =	vst v63  }
0x2f: {  	_ =	swait.ge [sflag:s11], $0x3E8  }
0x30: {  	[sflag:s11] =	ssyncset.done $0x0  }
0x31: {  	[sflag:s11] =	ssyncadd.s32 $0xFFFFFC18  }
0x32: {  	[tilespmem:s12], [sflag:$0x1] =	stream.linear.gather [hbm4b:s14+s3], $0x3E80, $0x38;
	[tilespmem:$0x105E8] =	vst v63  }
0x33: {  	_ =	swait.ge [sflag:s11], $0x3E80  }
0x34: {  	[sflag:s11] =	ssyncset.done $0x0  }
0x35: {  	[sflag:s11] =	ssyncadd.s32 $0xFFFFC180  }
0x36: {  	[spmem:s2] =	stream.indirect.scatter.add.f32 [tilespmem:s12], [sflag:$0x1], $0x10, s3, s12, $0xb8;
	[tilespmem:$0x105E8] =	vst v63  }
0x37: {  	_ =	swait.ge [sflag:s11], $0x3E80  }
0x38: {  	s13 =	sadd.s32 $0x1, s13;
	[sflag:s11] =	ssyncset.done $0x0  }
0x39: {  	p0 =	sne.s32 s13, s7;
	[sflag:s11] =	ssyncadd.s32 $0xFFFFC180  }
.Ltmp1:
0x3a: {  	[bflag:$0x0] =	sbarrier.arrive $0xFFFF;
	(pc) =	sbr.rel @p0 .LBB2_1-.Ltmp1, $4  }
0x3b: {  	[hbm:s6], [sflag:s5] =	dma.local [spmem:s10], $0x1870  }
0x3c: {  	_ =	swait.ge [sflag:s11], $0x1870  }
0x3d: {  	[sflag:s11] =	ssyncset.done $0x0  }
0x3e: {  	[sflag:s11] =	ssyncadd.s32 $0xFFFFE790  }
0x3f: {  	_ =	sfence.sel $0x180000  }
0x40: {  	[bflag:$0x0] =	sbarrier.arrive $0xFFFF  }
0x41: {  	p0 =	sne.s32 s0, $0x0;
	_ =	strace $0x90000050  }
0x42: {  	s0 =	sadd.s32 @!p0 $0x100000, s1;
	[bflag:$0x2] =	sbarrier.arrive $0xFFFF  }
0x43: {  	[sflag:s0] =	ssyncadd.tile.s32 @!p0 $0x1;
	_ =	shalt  }
.Lfunc_end2:
_tile_overlayer_lowered:
.L_overlay_start_2:
0x44: {  	(tag) =	ssettag $0x2  }
0x45: {  	s0 =	rddreg [dreg:$0x0];
	s2 =	stileid.u32  }
0x46: {  	s1 =	rddreg [dreg:$0x1];
	p0 =	sne.s32 s2, $0x0  }
0x47: {  	s3 =	rddreg [dreg:$0x2];
	[bflag:$0x3] =	sbarrier.arrive $0xFFFF;
	s2 =	simm.s32 @!p0 $0x1C01  }
0x48: {  	[timem:s3], [sflag:s2] =	dma.local @!p0 [hbm:s0], s1  }
0x49: {  	s0 =	simm.s32 @!p0 $0x1  }
0x4a: {  	_ =	swait.ge @!p0 [sflag:s0], s1  }
0x4b: {  	s1 =	ssub.s32 @!p0 $0x0, s1;
	[sflag:s0] =	ssyncset.done @!p0 $0x0  }
0x4c: {  	[sflag:s0] =	ssyncadd.s32 @!p0 s1  }
0x4d: {  	[bflag:$0x3] =	sbarrier.arrive $0xFFFF  }
0x4e: {  	_ =	shalt  }

// kernel: kernel.33.cloned.1.call-start
scs
__scs_entry_jumppad:
0x0: {  	(pc) =	sbr.rel $0x88, $3  }
0x1: {  	(tag) =	ssettag $0x0;
	lr =	simm.s32 $0x1  }
0x2: {  	[smem:$0x3F3E] =	sst lr;
	_ =	strace $0xD0000000  }
0x3: {  	_ = 	snop  }
0x4: {  	_ = 	snop  }
0x5: {  	_ = 	snop  }
0x6: {  	_ = 	snop  }
0x7: {  	_ = 	snop  }
__scs_overlays_trampoline_lowered:
0x8: {  	[smem:$0x3F4D] =	sst s0  }
0x9: {  	[smem:$0x3F4E] =	sst s1  }
0xa: {  	[smem:$0x3F4F] =	sst s2  }
0xb: {  	[smem:$0x3F50] =	sst s3  }
0xc: {  	[smem:$0x3F51] =	sst s4  }
0xd: {  	[smem:$0x3F52] =	sst s5  }
0xe: {  	[smem:$0x3F53] =	sst s6  }
0xf: {  	[smem:$0x3F54] =	sst s7  }
0x10: {  	[smem:$0x3F55] =	sst s8  }
0x11: {  	[smem:$0x3F56] =	sst s9;
	s0 =	simm.s32 @!p0 $0x0  }
0x12: {  	s1 =	sld [smem:$0x3F3C];
	s0 =	simm.s32 @p0 $0x1  }
0x13: {  	[smem:$0x3F57] =	sst s0;
	s0 =	simm.s32 @!p1 $0x0  }
0x14: {  	s2 =	sld [smem:$0x3F3B];
	s0 =	simm.s32 @p1 $0x1  }
0x15: {  	[smem:$0x3F58] =	sst s0;
	s0 =	simm.s32 @!p2 $0x0  }
0x16: {  	s3 =	sld [smem:$0x3FDB];
	s0 =	simm.s32 @p2 $0x1  }
0x17: {  	s4 =	simm.s32 $0x1BF5;
	[smem:$0x3F5A] =	sst s0  }
0x18: {  	s0 =	sld [smem:$0x3F3D];
	_ =	swait.ge [sflag:s4], $0x0  }
0x19: {  	s7 =	sld [smem:$0x3F3E]  }
0x1a: {  	s8 =	sadd.s32 $0xFFFFE003, lr  }
0x1b: {  	s9 =	sadd.s32 $0xFFFFFEF7, lr;
	s5 =	simm.s32 $0xFFFFFFFF;
	p2 =	slt.u32 s8, $0xFFFFF086  }
0x1c: {  	p1 =	slt.u32 s9, $0xF7A;
	s5 =	simm.s32 @!p2 $0x0  }
0x1d: {  	s5 =	simm.s32 @p1 $0x1;
	p0 =	seq.s32 s7, s2  }
0x1e: {  	s7 =	smul.u32 @!p0 $0xF7A, s2;
	p2 =	seq.s32 @!p0 s5, $0x0  }
0x1f: {  	s9 =	smul.u32 $0xF7A, s1;
	s8 =	simm.s32 @!p0 $0x1BF5;
	p2 =	por !p2, p0  }
0x20: {  	[sflag:s8] =	ssyncset.s32 @!p0 $0xFFFFF086;
	s6 =	sadd.s32 @!p0 s3, s7;
	s7 =	simm.s32 @!p0 $0x108  }
0x21: {  	s3 =	sadd.s32 s3, s9;
	s6 =	sadd.s32 @!p0 $0x88, s6;
	s7 =	simm.s32 @p2 $0x1082  }
0x22: {  	[simem:s7], [sflag:s8] =	dma.local @!p0 [hbm:s6], $0xF7A  }
0x23: {  	s9 =	sor.u32 $0xD0000000, s2;
	s6 =	simm.s32 $0x108;
	_ =	swait.ge @!p0 [sflag:s8], $0x0  }
0x24: {  	s3 =	sadd.s32 $0x88, s3;
	s6 =	simm.s32 @!p1 $0x1082;
	[sflag:s4] =	ssyncset.s32 $0xFFFFF086  }
0x25: {  	[simem:s6], [sflag:s4] =	dma.local [hbm:s3], $0xF7A  }
0x26: {  	[smem:$0x3F3E] =	sst s1;
	(tag) =	ssettag s2;
	_ =	strace s9  }
0x27: {  	s1 =	sld [smem:$0x3F4E]  }
0x28: {  	s2 =	sld [smem:$0x3F4F]  }
0x29: {  	s4 =	sld [smem:$0x3F51]  }
0x2a: {  	p0 =	seq.s32 s5, $0x0;
	s5 =	sld [smem:$0x3F52]  }
0x2b: {  	s6 =	sld [smem:$0x3F53]  }
0x2c: {  	s7 =	sld [smem:$0x3F54]  }
0x2d: {  	s3 =	simm.s32 $0x108;
	s8 =	sld [smem:$0x3F55]  }
0x2e: {  	s3 =	simm.s32 @!p0 $0x1082;
	s9 =	sld [smem:$0x3F56]  }
0x2f: {  	lr =	sadd.s32 s0, s3;
	s0 =	sld [smem:$0x3F4D]  }
0x30: {  	s3 =	sld [smem:$0x3F50]  }
0x31: {  	[smem:$0x3F59] =	sst s10  }
0x32: {  	s10 =	sld [smem:$0x3F57];
	_ =	sdelay $0x3  }
0x33: {  	p0 =	seq.s32 s10, $0x1;
	s10 =	sld [smem:$0x3F59];
	_ =	sdelay $0x3  }
0x34: {  	[smem:$0x3F59] =	sst s10  }
0x35: {  	s10 =	sld [smem:$0x3F58];
	_ =	sdelay $0x3  }
0x36: {  	p1 =	seq.s32 s10, $0x1;
	s10 =	sld [smem:$0x3F59];
	_ =	sdelay $0x3  }
0x37: {  	[smem:$0x3F59] =	sst s10  }
0x38: {  	s10 =	sld [smem:$0x3F5A]  }
0x39: {  	_ = 	snop;
	(pc) =	sbr.ind lr, $3  }
0x3a: {  	_ = 	snop  }
0x3b: {  	_ = 	snop  }
0x3c: {  	p2 =	seq.s32 s10, $0x1;
	s10 =	sld [smem:$0x3F59]  }
0x3d: {  	_ =	shalt  }
0x3e: {  	_ =	shalt  }
0x3f: {  	_ =	shalt  }
0x40: {  	_ =	shalt  }
0x41: {  	_ =	shalt  }
0x42: {  	_ =	shalt  }
0x43: {  	_ =	shalt  }
0x44: {  	_ =	shalt  }
0x45: {  	_ =	shalt  }
0x46: {  	_ =	shalt  }
0x47: {  	_ =	shalt  }
0x48: {  	_ =	shalt  }
0x49: {  	_ =	shalt  }
0x4a: {  	_ =	shalt  }
0x4b: {  	_ =	shalt  }
0x4c: {  	_ =	shalt  }
0x4d: {  	_ =	shalt  }
0x4e: {  	_ =	shalt  }
0x4f: {  	_ =	shalt  }
0x50: {  	_ =	shalt  }
0x51: {  	_ =	shalt  }
0x52: {  	_ =	shalt  }
0x53: {  	_ =	shalt  }
0x54: {  	_ =	shalt  }
0x55: {  	_ =	shalt  }
0x56: {  	_ =	shalt  }
0x57: {  	_ =	shalt  }
0x58: {  	_ =	shalt  }
0x59: {  	_ =	shalt  }
0x5a: {  	_ =	shalt  }
0x5b: {  	_ =	shalt  }
0x5c: {  	_ =	shalt  }
0x5d: {  	_ =	shalt  }
0x5e: {  	_ =	shalt  }
0x5f: {  	_ =	shalt  }
0x60: {  	_ =	shalt  }
0x61: {  	_ =	shalt  }
0x62: {  	_ =	shalt  }
0x63: {  	_ =	shalt  }
0x64: {  	_ =	shalt  }
0x65: {  	_ =	shalt  }
0x66: {  	_ =	shalt  }
0x67: {  	_ =	shalt  }
0x68: {  	_ =	shalt  }
0x69: {  	_ =	shalt  }
0x6a: {  	_ =	shalt  }
0x6b: {  	_ =	shalt  }
0x6c: {  	_ =	shalt  }
0x6d: {  	_ =	shalt  }
0x6e: {  	_ =	shalt  }
0x6f: {  	_ =	shalt  }
0x70: {  	_ =	shalt  }
0x71: {  	_ =	shalt  }
0x72: {  	_ =	shalt  }
0x73: {  	_ =	shalt  }
0x74: {  	_ =	shalt  }
0x75: {  	_ =	shalt  }
0x76: {  	_ =	shalt  }
0x77: {  	_ =	shalt  }
0x78: {  	_ =	shalt  }
0x79: {  	_ =	shalt  }
0x7a: {  	_ =	shalt  }
0x7b: {  	_ =	shalt  }
0x7c: {  	_ =	shalt  }
0x7d: {  	_ =	shalt  }
0x7e: {  	_ =	shalt  }
0x7f: {  	_ =	shalt  }
0x80: {  	_ =	shalt  }
0x81: {  	_ =	shalt  }
0x82: {  	_ =	shalt  }
0x83: {  	_ =	shalt  }
0x84: {  	_ =	shalt  }
0x85: {  	_ =	shalt  }
0x86: {  	_ =	shalt  }
0x87: {  	_ =	shalt  }
.Lfunc_end0:
.L_simem_size_0:
called_computation.4_lowered:
.L_overlay_start_0:
0x88: {  	s2 =	sld [smem:$0x3FD9]  }
0x89: {  	s3 =	sld [smem:$0x3FFE];
	_ =	sdelay $0x1  }
0x8a: {  	s1 =	srdreg.scid  }
0x8b: {  	s0 =	sand.u32 $0x1, s1  }
0x8c: {  	s16 =	sshll.u32 s0, $0xA;
	s2 =	sadd.s32 s3, s2  }
0x8d: {  	s2 =	sadd.s32 s2, s16  }
0x8e: {  	[smem:$0x3F65] =	sst s2  }
0x8f: {  	_ = 	snop  }
0x90: {  	(tm) =	ssettm $0x1  }
0x91: {  	s17 =	sld [smem:$0x3FFB];
	_ =	sdelay $0x3  }
0x92: {  	_ =	strace s17  }
0x93: {  	s2 =	sld [smem:$0x3FFC];
	_ =	sdelay $0x3  }
0x94: {  	_ =	strace s2  }
0x95: {  	s2 =	sld [smem:$0x3FFD];
	_ =	sdelay $0x3  }
0x96: {  	_ =	strace s2  }
0x97: {  	_ =	strace $0x8FFFFFFF  }
0x98: {  	s18 =	sld [smem:$0x3FDB];
	_ =	sdelay $0x1  }
0x99: {  	s19 =	simm.s32 $_scs_section_size  }
0x9a: {  	s4 =	simm.s32 $_size__tile_overlayer_lowered;
	s5 =	simm.s32 $_tile_overlayer_lowered  }
0x9b: {  	s22 =	simm.s32 $0x1BFF;
	s21 =	sshll.u32 s5, $0x1;
	s2 =	sadd.s32 s19, s18  }
0x9c: {  	s6 =	simm.s32 $0x0;
	s20 =	sshll.u32 s4, $0x1;
	s4 =	sadd.s32 s21, s2  }
0x9d: {  	[timem:s6], [sflag:s22] =	dma.local [hbm:s4], s20  }
0x9e: {  	_ =	swait.ge [sflag:s22], s20  }
0x9f: {  	s3 =	ssub.s32 $0x0, s20;
	[sflag:s22] =	ssyncset.done $0x0  }
0xa0: {  	[sflag:s22] =	ssyncadd.s32 s3;
	_ =	sdelay $0x1  }
0xa1: {  	s23 =	simm.s32 $0x1B8B  }
0xa2: {  	_ =	swait.ge [sflag:s23], $0x1  }
0xa3: {  	[sflag:s23] =	ssyncset.done $0x0  }
0xa4: {  	s25 =	simm.s32 $0x1B8E;
	s24 =	sld [smem:$0x3FFE];
	[sflag:s23] =	ssyncadd.s32 $0xFFFFFFFF  }
0xa5: {  	s26 =	simm.s32 $execute0_lowered;
	[smem:$0x3FD2] =	sst s25  }
0xa6: {  	s4 =	sshll.u32 s26, $0x1;
	_ =	strace $0x80000052;
	[dreg:$0x1] =	wrdreg $0xFFFFFFFF  }
0xa7: {  	s28 =	simm.s32 $_size_execute0_lowered;
	s2 =	sadd.s32 s2, s4;
	[dreg:$0x0] =	wrdreg $0x0  }
0xa8: {  	s4 =	sshll.u32 s28, $0x1;
	[dreg:$0x2] =	wrdreg s2  }
0xa9: {  	[dreg:$0x3] =	wrdreg s4  }
0xaa: {  	[dreg:$0x4] =	wrdreg $0xC0  }
0xab: {  	_ =	task [dreg:s6], $0x5FFFF  }
0xac: {  	[dreg:$0x1] =	wrdreg $0xFFFFFFFF  }
0xad: {  	[dreg:$0x0] =	wrdreg $0x60  }
0xae: {  	[dreg:$0x2] =	wrdreg s24  }
0xaf: {  	[dreg:$0x3] =	wrdreg $0x9  }
0xb0: {  	_ =	task.clear_ibuf [dreg:s6], $0x4FFFF;
	_ =	strace $0x90000052  }
0xb1: {  	s29 =	simm.s32 $0x9;
	_ =	strace $0x80000054  }
0xb2: {  	_ =	swait.ge [sflag:s29], $0x1  }
0xb3: {  	[sflag:s29] =	ssyncadd.s32 $0xFFFFFFFF  }
0xb4: {  	_ =	strace $0x90000054  }
0xb5: {  	_ =	sfence  }
0xb6: {  	s30 =	sld [smem:$0x0];
	_ =	sdelay $0x2  }
0xb7: {  	s31 =	sshll.u32 s1, $0xD;
	s1 =	sshrl.u32 s1, $0x2  }
0xb8: {  	s3 =	sand.u32 $0x4000, s31;
	s1 =	sadd.s32 s1, s30  }
0xb9: {  	s0 =	sor.u32 s3, s0;
	s1 =	sshll.u32 s1, $0x11  }
0xba: {  	s0 =	sor.u32 s1, s0  }
0xbb: {  	s0 =	sadd.s32 $0x8F2B, s0  }
0xbc: {  	[sflag:s0] =	ssyncadd.remote.s32 $0x1  }
0xbd: {  	_ =	sfence.sel $0xFFFF  }
0xbe: {  	[dreg:$0x0] =	wrdreg $0xFFFFFFFF;
	(pc) =	sbr.abs _section_cstart, $3  }
0xbf: {  	[dreg:$0x1] =	wrdreg $0xFFFFFFFF  }
0xc0: {  	_ =	task.clear_ibuf [dreg:s6], $0x2FFFF;
	_ =	strace $0x9FFFFFFF  }
0xc1: {  	(tm) =	ssettm $0x7FFFFFFF  }
tec
execute0_lowered:
.L_overlay_start_1:
0x0: {  	(tag) =	ssettag $0x1  }
0x1: {  	s4 =	rddreg [dreg:$0x0];
	s1 =	srdreg.scid  }
0x2: {  	s0 =	rddreg [dreg:$0x1];
	s5 =	sand.u32 $0x1, s1  }
0x3: {  	s2 =	simm.s32 $0x0;
	s1 =	stileid.u32;
	s6 =	smul.u32 $0xC3500, s5  }
0x4: {  	s10 =	simm.s32 $0x0;
	[smem:$0x7FF] =	sst s2;
	s7 =	smul.u32 $0xC350, s1  }
0x5: {  	s3 =	sadd.s32 $0x383E00, s4;
	s8 =	smul.u32 $0x186A00, s5;
	s5 =	ssub.s32 $0x2, s5  }
0x6: {  	_ =	strace $0x80000053;
	s9 =	smul.u32 $0x186A0, s1;
	s30 =	sshrl.u32 s5, $0x1  }
0x7: {  	s6 =	sadd.s32 s7, s6;
	s8 =	sadd.s32 s8, s4;
	s5 =	ssub.s32 s5, s30  }
0x8: {  	s7 =	simm.s32 $0x2;
	s6 =	sshrl.u32 s6, $0x3;
	s31 =	sadd.s32 s9, s8  }
0x9: {  	s8 =	simm.s32 $0x1388;
	s9 =	simm.s32 $0x1;
	s6 =	sadd.s32 s6, s4  }
0xa: {  	s4 =	smax.u32 s5, $0x1;
	s5 =	sadd.s32 $0x447000, s31;
	s6 =	sadd.s32 $0x415C00, s6  }
.LBB2_1:
0xb: {  	s11 =	sadd.s32 $0x0, s6  }
0xc: {  	[tilespmem:s2], [sflag:$0x2] =	stream.linear.gather [hbm4b:s11+s2], $0x1388, $0x38;
	[tilespmem:$0x14C08] =	vst v63  }
0xd: {  	_ =	swait.ge [sflag:s7], $0x1388  }
0xe: {  	[sflag:s7] =	ssyncset.done $0x0  }
0xf: {  	[sflag:s7] =	ssyncadd.s32 $0xFFFFEC78  }
0x10: {  	[tilespmem:s8], [sflag:$0x1] =	stream.indirect.gather [hbm4b:s3+s8], $0x10, s2, s8, $0xb8;
	[tilespmem:$0x14C08] =	vst v63  }
0x11: {  	_ =	swait.ge [sflag:s9], $0x13880  }
0x12: {  	[sflag:s9] =	ssyncset.done $0x0  }
0x13: {  	[sflag:s9] =	ssyncadd.s32 $0xFFFEC780  }
0x14: {  	[hbm4b:s5+s2] =	stream.linear.scatter [tilespmem:s8], [sflag:$0x2], $0x13880, $0x38;
	[tilespmem:$0x14C08] =	vst v63  }
0x15: {  	s12 =	simm.s32 $0x271;
	_ =	swait.ge [sflag:s7], $0x13880  }
0x16: {  	s13 =	simm.s32 $0x4E2;
	s11 =	sadd.s32 $0x2710, s5;
	[sflag:s7] =	ssyncset.done $0x0  }
.LBB2_2:
0x17: {  	s14 =	sadd.s32 s12, s6  }
0x18: {  	[sflag:s7] =	ssyncadd.s32 $0xFFFEC780;
	s12 =	smov.u32 s13;
	s15 =	sadd.s32 $0x271, s13  }
0x19: {  	[tilespmem:s2], [sflag:$0x2] =	stream.linear.gather [hbm4b:s14+s2], $0x1388, $0x38;
	[tilespmem:$0x14C08] =	vst v63  }
0x1a: {  	p0 =	sne.s32 s13, $0x15F9;
	_ =	swait.ge [sflag:s7], $0x1388  }
0x1b: {  	[sflag:s7] =	ssyncset.done $0x0  }
0x1c: {  	[sflag:s7] =	ssyncadd.s32 $0xFFFFEC78  }
0x1d: {  	[tilespmem:s8], [sflag:$0x1] =	stream.indirect.gather [hbm4b:s3+s8], $0x10, s2, s8, $0xb8;
	[tilespmem:$0x14C08] =	vst v63  }
0x1e: {  	_ =	swait.ge [sflag:s9], $0x13880  }
.Ltmp0:
0x1f: {  	[sflag:s9] =	ssyncset.done $0x0;
	(pc) =	sbr.rel @p0 .LBB2_2-.Ltmp0, $4  }
0x20: {  	[sflag:s9] =	ssyncadd.s32 $0xFFFEC780  }
0x21: {  	[hbm4b:s11+s2] =	stream.linear.scatter [tilespmem:s8], [sflag:$0x2], $0x13880, $0x38;
	[tilespmem:$0x14C08] =	vst v63  }
0x22: {  	_ =	swait.ge [sflag:s7], $0x13880  }
0x23: {  	s13 =	smov.u32 s15;
	s11 =	sadd.s32 $0x2710, s11;
	[sflag:s7] =	ssyncset.done $0x0  }
0x24: {  	s12 =	sadd.s32 s12, s6;
	[sflag:s7] =	ssyncadd.s32 $0xFFFEC780  }
0x25: {  	[tilespmem:s2], [sflag:$0x2] =	stream.linear.gather [hbm4b:s12+s2], $0x1388, $0x38;
	[tilespmem:$0x14C08] =	vst v63  }
0x26: {  	_ =	swait.ge [sflag:s7], $0x1388  }
0x27: {  	[sflag:s7] =	ssyncset.done $0x0  }
0x28: {  	[sflag:s7] =	ssyncadd.s32 $0xFFFFEC78  }
0x29: {  	[tilespmem:s8], [sflag:$0x1] =	stream.indirect.gather [hbm4b:s3+s8], $0x10, s2, s8, $0xb8;
	[tilespmem:$0x14C08] =	vst v63  }
0x2a: {  	s10 =	sadd.s32 $0x1, s10;
	_ =	swait.ge [sflag:s9], $0x13880  }
0x2b: {  	p0 =	sne.s32 s10, s4;
	[sflag:s9] =	ssyncset.done $0x0  }
.Ltmp1:
0x2c: {  	[sflag:s9] =	ssyncadd.s32 $0xFFFEC780;
	(pc) =	sbr.rel @p0 .LBB2_1-.Ltmp1, $4  }
0x2d: {  	[hbm4b:s11+s2] =	stream.linear.scatter [tilespmem:s8], [sflag:$0x2], $0x13880, $0x38;
	[tilespmem:$0x14C08] =	vst v63  }
0x2e: {  	_ =	swait.ge [sflag:s7], $0x13880  }
0x2f: {  	[sflag:s7] =	ssyncset.done $0x0  }
0x30: {  	[sflag:s7] =	ssyncadd.s32 $0xFFFEC780  }
0x31: {  	_ =	sfence.sel $0x180000  }
0x32: {  	[bflag:$0x0] =	sbarrier.arrive $0xFFFF  }
0x33: {  	p0 =	sne.s32 s1, $0x0;
	_ =	strace $0x90000053  }
0x34: {  	s0 =	sadd.s32 @!p0 $0x100000, s0;
	[bflag:$0x2] =	sbarrier.arrive $0xFFFF  }
0x35: {  	[sflag:s0] =	ssyncadd.tile.s32 @!p0 $0x1;
	_ =	shalt  }
.Lfunc_end2:
_tile_overlayer_lowered:
.L_overlay_start_2:
0x36: {  	(tag) =	ssettag $0x2  }
0x37: {  	s0 =	rddreg [dreg:$0x0];
	s2 =	stileid.u32  }
0x38: {  	s1 =	rddreg [dreg:$0x1];
	p0 =	sne.s32 s2, $0x0  }
0x39: {  	s3 =	rddreg [dreg:$0x2];
	[bflag:$0x3] =	sbarrier.arrive $0xFFFF;
	s2 =	simm.s32 @!p0 $0x1C02  }
0x3a: {  	[timem:s3], [sflag:s2] =	dma.local @!p0 [hbm:s0], s1  }
0x3b: {  	s0 =	simm.s32 @!p0 $0x2  }
0x3c: {  	_ =	swait.ge @!p0 [sflag:s0], s1  }
0x3d: {  	s1 =	ssub.s32 @!p0 $0x0, s1;
	[sflag:s0] =	ssyncset.done @!p0 $0x0  }
0x3e: {  	[sflag:s0] =	ssyncadd.s32 @!p0 s1  }
0x3f: {  	[bflag:$0x3] =	sbarrier.arrive $0xFFFF  }
0x40: {  	_ =	shalt  }

// kernel: kernel.36.cloned.1.call-start
scs
__scs_entry_jumppad:
0x0: {  	(pc) =	sbr.rel $0x88, $3  }
0x1: {  	(tag) =	ssettag $0x0;
	lr =	simm.s32 $0x1  }
0x2: {  	[smem:$0x3F3E] =	sst lr;
	_ =	strace $0xD0000000  }
0x3: {  	_ = 	snop  }
0x4: {  	_ = 	snop  }
0x5: {  	_ = 	snop  }
0x6: {  	_ = 	snop  }
0x7: {  	_ = 	snop  }
__scs_overlays_trampoline_lowered:
0x8: {  	[smem:$0x3F4D] =	sst s0  }
0x9: {  	[smem:$0x3F4E] =	sst s1  }
0xa: {  	[smem:$0x3F4F] =	sst s2  }
0xb: {  	[smem:$0x3F50] =	sst s3  }
0xc: {  	[smem:$0x3F51] =	sst s4  }
0xd: {  	[smem:$0x3F52] =	sst s5  }
0xe: {  	[smem:$0x3F53] =	sst s6  }
0xf: {  	[smem:$0x3F54] =	sst s7  }
0x10: {  	[smem:$0x3F55] =	sst s8  }
0x11: {  	[smem:$0x3F56] =	sst s9;
	s0 =	simm.s32 @!p0 $0x0  }
0x12: {  	s1 =	sld [smem:$0x3F3C];
	s0 =	simm.s32 @p0 $0x1  }
0x13: {  	[smem:$0x3F57] =	sst s0;
	s0 =	simm.s32 @!p1 $0x0  }
0x14: {  	s2 =	sld [smem:$0x3F3B];
	s0 =	simm.s32 @p1 $0x1  }
0x15: {  	[smem:$0x3F58] =	sst s0;
	s0 =	simm.s32 @!p2 $0x0  }
0x16: {  	s3 =	sld [smem:$0x3FDB];
	s0 =	simm.s32 @p2 $0x1  }
0x17: {  	s4 =	simm.s32 $0x1BF5;
	[smem:$0x3F5A] =	sst s0  }
0x18: {  	s0 =	sld [smem:$0x3F3D];
	_ =	swait.ge [sflag:s4], $0x0  }
0x19: {  	s7 =	sld [smem:$0x3F3E]  }
0x1a: {  	s8 =	sadd.s32 $0xFFFFE003, lr  }
0x1b: {  	s9 =	sadd.s32 $0xFFFFFEF7, lr;
	s5 =	simm.s32 $0xFFFFFFFF;
	p2 =	slt.u32 s8, $0xFFFFF086  }
0x1c: {  	p1 =	slt.u32 s9, $0xF7A;
	s5 =	simm.s32 @!p2 $0x0  }
0x1d: {  	s5 =	simm.s32 @p1 $0x1;
	p0 =	seq.s32 s7, s2  }
0x1e: {  	s7 =	smul.u32 @!p0 $0xF7A, s2;
	p2 =	seq.s32 @!p0 s5, $0x0  }
0x1f: {  	s9 =	smul.u32 $0xF7A, s1;
	s8 =	simm.s32 @!p0 $0x1BF5;
	p2 =	por !p2, p0  }
0x20: {  	[sflag:s8] =	ssyncset.s32 @!p0 $0xFFFFF086;
	s6 =	sadd.s32 @!p0 s3, s7;
	s7 =	simm.s32 @!p0 $0x108  }
0x21: {  	s3 =	sadd.s32 s3, s9;
	s6 =	sadd.s32 @!p0 $0x88, s6;
	s7 =	simm.s32 @p2 $0x1082  }
0x22: {  	[simem:s7], [sflag:s8] =	dma.local @!p0 [hbm:s6], $0xF7A  }
0x23: {  	s9 =	sor.u32 $0xD0000000, s2;
	s6 =	simm.s32 $0x108;
	_ =	swait.ge @!p0 [sflag:s8], $0x0  }
0x24: {  	s3 =	sadd.s32 $0x88, s3;
	s6 =	simm.s32 @!p1 $0x1082;
	[sflag:s4] =	ssyncset.s32 $0xFFFFF086  }
0x25: {  	[simem:s6], [sflag:s4] =	dma.local [hbm:s3], $0xF7A  }
0x26: {  	[smem:$0x3F3E] =	sst s1;
	(tag) =	ssettag s2;
	_ =	strace s9  }
0x27: {  	s1 =	sld [smem:$0x3F4E]  }
0x28: {  	s2 =	sld [smem:$0x3F4F]  }
0x29: {  	s4 =	sld [smem:$0x3F51]  }
0x2a: {  	p0 =	seq.s32 s5, $0x0;
	s5 =	sld [smem:$0x3F52]  }
0x2b: {  	s6 =	sld [smem:$0x3F53]  }
0x2c: {  	s7 =	sld [smem:$0x3F54]  }
0x2d: {  	s3 =	simm.s32 $0x108;
	s8 =	sld [smem:$0x3F55]  }
0x2e: {  	s3 =	simm.s32 @!p0 $0x1082;
	s9 =	sld [smem:$0x3F56]  }
0x2f: {  	lr =	sadd.s32 s0, s3;
	s0 =	sld [smem:$0x3F4D]  }
0x30: {  	s3 =	sld [smem:$0x3F50]  }
0x31: {  	[smem:$0x3F59] =	sst s10  }
0x32: {  	s10 =	sld [smem:$0x3F57];
	_ =	sdelay $0x3  }
0x33: {  	p0 =	seq.s32 s10, $0x1;
	s10 =	sld [smem:$0x3F59];
	_ =	sdelay $0x3  }
0x34: {  	[smem:$0x3F59] =	sst s10  }
0x35: {  	s10 =	sld [smem:$0x3F58];
	_ =	sdelay $0x3  }
0x36: {  	p1 =	seq.s32 s10, $0x1;
	s10 =	sld [smem:$0x3F59];
	_ =	sdelay $0x3  }
0x37: {  	[smem:$0x3F59] =	sst s10  }
0x38: {  	s10 =	sld [smem:$0x3F5A]  }
0x39: {  	_ = 	snop;
	(pc) =	sbr.ind lr, $3  }
0x3a: {  	_ = 	snop  }
0x3b: {  	_ = 	snop  }
0x3c: {  	p2 =	seq.s32 s10, $0x1;
	s10 =	sld [smem:$0x3F59]  }
0x3d: {  	_ =	shalt  }
0x3e: {  	_ =	shalt  }
0x3f: {  	_ =	shalt  }
0x40: {  	_ =	shalt  }
0x41: {  	_ =	shalt  }
0x42: {  	_ =	shalt  }
0x43: {  	_ =	shalt  }
0x44: {  	_ =	shalt  }
0x45: {  	_ =	shalt  }
0x46: {  	_ =	shalt  }
0x47: {  	_ =	shalt  }
0x48: {  	_ =	shalt  }
0x49: {  	_ =	shalt  }
0x4a: {  	_ =	shalt  }
0x4b: {  	_ =	shalt  }
0x4c: {  	_ =	shalt  }
0x4d: {  	_ =	shalt  }
0x4e: {  	_ =	shalt  }
0x4f: {  	_ =	shalt  }
0x50: {  	_ =	shalt  }
0x51: {  	_ =	shalt  }
0x52: {  	_ =	shalt  }
0x53: {  	_ =	shalt  }
0x54: {  	_ =	shalt  }
0x55: {  	_ =	shalt  }
0x56: {  	_ =	shalt  }
0x57: {  	_ =	shalt  }
0x58: {  	_ =	shalt  }
0x59: {  	_ =	shalt  }
0x5a: {  	_ =	shalt  }
0x5b: {  	_ =	shalt  }
0x5c: {  	_ =	shalt  }
0x5d: {  	_ =	shalt  }
0x5e: {  	_ =	shalt  }
0x5f: {  	_ =	shalt  }
0x60: {  	_ =	shalt  }
0x61: {  	_ =	shalt  }
0x62: {  	_ =	shalt  }
0x63: {  	_ =	shalt  }
0x64: {  	_ =	shalt  }
0x65: {  	_ =	shalt  }
0x66: {  	_ =	shalt  }
0x67: {  	_ =	shalt  }
0x68: {  	_ =	shalt  }
0x69: {  	_ =	shalt  }
0x6a: {  	_ =	shalt  }
0x6b: {  	_ =	shalt  }
0x6c: {  	_ =	shalt  }
0x6d: {  	_ =	shalt  }
0x6e: {  	_ =	shalt  }
0x6f: {  	_ =	shalt  }
0x70: {  	_ =	shalt  }
0x71: {  	_ =	shalt  }
0x72: {  	_ =	shalt  }
0x73: {  	_ =	shalt  }
0x74: {  	_ =	shalt  }
0x75: {  	_ =	shalt  }
0x76: {  	_ =	shalt  }
0x77: {  	_ =	shalt  }
0x78: {  	_ =	shalt  }
0x79: {  	_ =	shalt  }
0x7a: {  	_ =	shalt  }
0x7b: {  	_ =	shalt  }
0x7c: {  	_ =	shalt  }
0x7d: {  	_ =	shalt  }
0x7e: {  	_ =	shalt  }
0x7f: {  	_ =	shalt  }
0x80: {  	_ =	shalt  }
0x81: {  	_ =	shalt  }
0x82: {  	_ =	shalt  }
0x83: {  	_ =	shalt  }
0x84: {  	_ =	shalt  }
0x85: {  	_ =	shalt  }
0x86: {  	_ =	shalt  }
0x87: {  	_ =	shalt  }
.Lfunc_end0:
.L_simem_size_0:
called_computation.5_lowered:
.L_overlay_start_0:
0x88: {  	s2 =	sld [smem:$0x3FD9]  }
0x89: {  	s3 =	sld [smem:$0x3FFE];
	_ =	sdelay $0x1  }
0x8a: {  	s1 =	srdreg.scid  }
0x8b: {  	s0 =	sand.u32 $0x1, s1  }
0x8c: {  	s16 =	sshll.u32 s0, $0xA;
	s2 =	sadd.s32 s3, s2  }
0x8d: {  	s2 =	sadd.s32 s2, s16  }
0x8e: {  	[smem:$0x3F65] =	sst s2  }
0x8f: {  	_ = 	snop  }
0x90: {  	(tm) =	ssettm $0x1  }
0x91: {  	s17 =	sld [smem:$0x3FFB];
	_ =	sdelay $0x3  }
0x92: {  	_ =	strace s17  }
0x93: {  	s2 =	sld [smem:$0x3FFC];
	_ =	sdelay $0x3  }
0x94: {  	_ =	strace s2  }
0x95: {  	s2 =	sld [smem:$0x3FFD];
	_ =	sdelay $0x3  }
0x96: {  	_ =	strace s2  }
0x97: {  	_ =	strace $0x8FFFFFFF  }
0x98: {  	s18 =	sld [smem:$0x3FDB];
	_ =	sdelay $0x1  }
0x99: {  	s19 =	simm.s32 $_scs_section_size  }
0x9a: {  	s4 =	simm.s32 $_size__tile_overlayer_lowered;
	s5 =	simm.s32 $_tile_overlayer_lowered  }
0x9b: {  	s22 =	simm.s32 $0x1BFF;
	s21 =	sshll.u32 s5, $0x1;
	s2 =	sadd.s32 s19, s18  }
0x9c: {  	s6 =	simm.s32 $0x0;
	s20 =	sshll.u32 s4, $0x1;
	s4 =	sadd.s32 s21, s2  }
0x9d: {  	[timem:s6], [sflag:s22] =	dma.local [hbm:s4], s20  }
0x9e: {  	_ =	swait.ge [sflag:s22], s20  }
0x9f: {  	s3 =	ssub.s32 $0x0, s20;
	[sflag:s22] =	ssyncset.done $0x0  }
0xa0: {  	[sflag:s22] =	ssyncadd.s32 s3;
	_ =	sdelay $0x1  }
0xa1: {  	s23 =	simm.s32 $0x1B8B  }
0xa2: {  	_ =	swait.ge [sflag:s23], $0x1  }
0xa3: {  	[sflag:s23] =	ssyncset.done $0x0  }
0xa4: {  	s25 =	simm.s32 $0x1B8E;
	s24 =	sld [smem:$0x3FFE];
	[sflag:s23] =	ssyncadd.s32 $0xFFFFFFFF  }
0xa5: {  	s26 =	simm.s32 $execute0_lowered;
	[smem:$0x3FD2] =	sst s25  }
0xa6: {  	s4 =	sshll.u32 s26, $0x1;
	_ =	strace $0x80000055;
	[dreg:$0x1] =	wrdreg $0xFFFFFFFF  }
0xa7: {  	s28 =	simm.s32 $_size_execute0_lowered;
	s2 =	sadd.s32 s2, s4;
	[dreg:$0x0] =	wrdreg $0x0  }
0xa8: {  	s4 =	sshll.u32 s28, $0x1;
	[dreg:$0x2] =	wrdreg s2  }
0xa9: {  	[dreg:$0x3] =	wrdreg s4  }
0xaa: {  	[dreg:$0x4] =	wrdreg $0xC0  }
0xab: {  	_ =	task [dreg:s6], $0x5FFFF  }
0xac: {  	[dreg:$0x1] =	wrdreg $0xFFFFFFFF  }
0xad: {  	[dreg:$0x0] =	wrdreg $0x60  }
0xae: {  	[dreg:$0x2] =	wrdreg s24  }
0xaf: {  	[dreg:$0x3] =	wrdreg $0x42680  }
0xb0: {  	[dreg:$0x4] =	wrdreg $0x9  }
0xb1: {  	_ =	task.clear_ibuf [dreg:s6], $0x5FFFF;
	_ =	strace $0x90000055  }
0xb2: {  	s29 =	simm.s32 $0x9;
	_ =	strace $0x80000057  }
0xb3: {  	_ =	swait.ge [sflag:s29], $0x1  }
0xb4: {  	[sflag:s29] =	ssyncadd.s32 $0xFFFFFFFF  }
0xb5: {  	_ =	strace $0x90000057  }
0xb6: {  	_ =	sfence  }
0xb7: {  	s30 =	sld [smem:$0x0];
	_ =	sdelay $0x2  }
0xb8: {  	s31 =	sshll.u32 s1, $0xD;
	s1 =	sshrl.u32 s1, $0x2  }
0xb9: {  	s3 =	sand.u32 $0x4000, s31;
	s1 =	sadd.s32 s1, s30  }
0xba: {  	s0 =	sor.u32 s3, s0;
	s1 =	sshll.u32 s1, $0x11  }
0xbb: {  	s0 =	sor.u32 s1, s0  }
0xbc: {  	s0 =	sadd.s32 $0x8F2B, s0  }
0xbd: {  	[sflag:s0] =	ssyncadd.remote.s32 $0x1  }
0xbe: {  	_ =	sfence.sel $0xFFFF  }
0xbf: {  	[dreg:$0x0] =	wrdreg $0xFFFFFFFF;
	(pc) =	sbr.abs _section_cstart, $3  }
0xc0: {  	[dreg:$0x1] =	wrdreg $0xFFFFFFFF  }
0xc1: {  	_ =	task.clear_ibuf [dreg:s6], $0x2FFFF;
	_ =	strace $0x9FFFFFFF  }
0xc2: {  	(tm) =	ssettm $0x7FFFFFFF  }
0xc3: {  	_ =	shalt  }
tec
execute0_lowered:
.L_overlay_start_1:
0x0: {  	(tag) =	ssettag $0x1  }
0x1: {  	s0 =	srdreg.scid  }
0x2: {  	s5 =	rddreg [dreg:$0x0];
	s4 =	sand.u32 $0x1, s0  }
0x3: {  	s0 =	stileid.u32;
	s6 =	smul.u32 $0x61A80, s4  }
0x4: {  	s2 =	rddreg [dreg:$0x1];
	s7 =	smul.u32 $0x61A8, s0  }
0x5: {  	s1 =	rddreg [dreg:$0x2];
	s3 =	simm.s32 $0x0;
	s8 =	smul.u32 $0xC3500, s4  }
0x6: {  	[smem:$0x7FF] =	sst s3;
	s26 =	smul.u32 $0x1870, s0  }
0x7: {  	s9 =	smul.u32 $0x18700, s4;
	_ =	strace $0x80000056;
	s29 =	ssub.s32 $0x2, s4  }
0x8: {  	s30 =	smul.u32 $0x30E00, s0;
	s4 =	sadd.s32 $0xD7800, s5;
	s11 =	sshll.u32 s0, $0x6  }
0x9: {  	s12 =	smul.u32 $0xC350, s0;
	s31 =	sshrl.u32 s29, $0x1;
	s6 =	sadd.s32 s7, s6  }
0xa: {  	s8 =	sadd.s32 s8, s5;
	s28 =	sadd.s32 s26, s9;
	s9 =	sshrl.u32 s30, $0x2  }
0xb: {  	s7 =	ssub.s32 s29, s31;
	s6 =	sshrl.u32 s6, $0x3;
	s13 =	sadd.s32 s9, s2  }
0xc: {  	s7 =	smax.u32 s7, $0x1;
	s8 =	sadd.s32 s12, s8;
	s12 =	simm.s32 $0x3E8  }
0xd: {  	s10 =	sadd.s32 s6, s5;
	s6 =	sadd.s32 s28, s5;
	s5 =	sor.u32 $0x1C01, s11  }
0xe: {  	s8 =	sadd.s32 $0x108800, s8;
	s11 =	simm.s32 $0x1;
	s6 =	sadd.s32 $0x28F200, s6  }
0xf: {  	s9 =	sadd.s32 $0xF0000, s10;
	s10 =	sshrl.u32 s13, $0x3;
	s13 =	simm.s32 $0x0  }
.LBB2_1:
0x10: {  	[spmem:s10], [sflag:s5] =	dma.local [hbm:s4], $0x1870  }
0x11: {  	_ =	swait.ge [sflag:s11], $0x1870  }
0x12: {  	[sflag:s11] =	ssyncset.done $0x0  }
0x13: {  	[sflag:s11] =	ssyncadd.s32 $0xFFFFE790  }
0x14: {  	s14 =	sadd.s32 $0x0, s9;
	[bflag:$0x0] =	sbarrier.arrive $0xFFFF  }
0x15: {  	[tilespmem:s3], [sflag:$0x1] =	stream.linear.gather [hbm4b:s14+s3], $0x3E8, $0x38;
	[tilespmem:$0x105E8] =	vst v63  }
0x16: {  	_ =	swait.ge [sflag:s11], $0x3E8  }
0x17: {  	[sflag:s11] =	ssyncset.done $0x0  }
0x18: {  	[sflag:s11] =	ssyncadd.s32 $0xFFFFFC18  }
0x19: {  	[tilespmem:s12], [sflag:$0x1] =	stream.linear.gather [hbm4b:s8+s3], $0x3E80, $0x38;
	[tilespmem:$0x105E8] =	vst v63  }
0x1a: {  	_ =	swait.ge [sflag:s11], $0x3E80  }
0x1b: {  	[sflag:s11] =	ssyncset.done $0x0  }
0x1c: {  	[sflag:s11] =	ssyncadd.s32 $0xFFFFC180  }
0x1d: {  	[spmem:s2] =	stream.indirect.scatter.add.f32 [tilespmem:s12], [sflag:$0x1], $0x10, s3, s12, $0xb8;
	[tilespmem:$0x105E8] =	vst v63  }
0x1e: {  	s15 =	simm.s32 $0x7D;
	_ =	swait.ge [sflag:s11], $0x3E80  }
0x1f: {  	s16 =	simm.s32 $0xFA;
	s14 =	sadd.s32 $0x7D0, s8;
	[sflag:s11] =	ssyncset.done $0x0  }
.LBB2_2:
0x20: {  	s17 =	sadd.s32 s15, s9  }
0x21: {  	[sflag:s11] =	ssyncadd.s32 $0xFFFFC180;
	s15 =	smov.u32 s16;
	s18 =	sadd.s32 $0x7D, s16  }
0x22: {  	[tilespmem:s3], [sflag:$0x1] =	stream.linear.gather [hbm4b:s17+s3], $0x3E8, $0x38;
	[tilespmem:$0x105E8] =	vst v63  }
0x23: {  	p0 =	sne.s32 s16, $0xBB8;
	_ =	swait.ge [sflag:s11], $0x3E8  }
0x24: {  	[sflag:s11] =	ssyncset.done $0x0  }
0x25: {  	[sflag:s11] =	ssyncadd.s32 $0xFFFFFC18  }
0x26: {  	[tilespmem:s12], [sflag:$0x1] =	stream.linear.gather [hbm4b:s14+s3], $0x3E80, $0x38;
	[tilespmem:$0x105E8] =	vst v63  }
0x27: {  	_ =	swait.ge [sflag:s11], $0x3E80  }
.Ltmp0:
0x28: {  	[sflag:s11] =	ssyncset.done $0x0;
	(pc) =	sbr.rel @p0 .LBB2_2-.Ltmp0, $4  }
0x29: {  	[sflag:s11] =	ssyncadd.s32 $0xFFFFC180  }
0x2a: {  	[spmem:s2] =	stream.indirect.scatter.add.f32 [tilespmem:s12], [sflag:$0x1], $0x10, s3, s12, $0xb8;
	[tilespmem:$0x105E8] =	vst v63  }
0x2b: {  	_ =	swait.ge [sflag:s11], $0x3E80  }
0x2c: {  	s16 =	smov.u32 s18;
	s14 =	sadd.s32 $0x7D0, s14;
	[sflag:s11] =	ssyncset.done $0x0  }
0x2d: {  	s15 =	sadd.s32 s15, s9;
	[sflag:s11] =	ssyncadd.s32 $0xFFFFC180  }
0x2e: {  	[tilespmem:s3], [sflag:$0x1] =	stream.linear.gather [hbm4b:s15+s3], $0x3E8, $0x38;
	[tilespmem:$0x105E8] =	vst v63  }
0x2f: {  	_ =	swait.ge [sflag:s11], $0x3E8  }
0x30: {  	[sflag:s11] =	ssyncset.done $0x0  }
0x31: {  	[sflag:s11] =	ssyncadd.s32 $0xFFFFFC18  }
0x32: {  	[tilespmem:s12], [sflag:$0x1] =	stream.linear.gather [hbm4b:s14+s3], $0x3E80, $0x38;
	[tilespmem:$0x105E8] =	vst v63  }
0x33: {  	_ =	swait.ge [sflag:s11], $0x3E80  }
0x34: {  	[sflag:s11] =	ssyncset.done $0x0  }
0x35: {  	[sflag:s11] =	ssyncadd.s32 $0xFFFFC180  }
0x36: {  	[spmem:s2] =	stream.indirect.scatter.add.f32 [tilespmem:s12], [sflag:$0x1], $0x10, s3, s12, $0xb8;
	[tilespmem:$0x105E8] =	vst v63  }
0x37: {  	_ =	swait.ge [sflag:s11], $0x3E80  }
0x38: {  	s13 =	sadd.s32 $0x1, s13;
	[sflag:s11] =	ssyncset.done $0x0  }
0x39: {  	p0 =	sne.s32 s13, s7;
	[sflag:s11] =	ssyncadd.s32 $0xFFFFC180  }
.Ltmp1:
0x3a: {  	[bflag:$0x0] =	sbarrier.arrive $0xFFFF;
	(pc) =	sbr.rel @p0 .LBB2_1-.Ltmp1, $4  }
0x3b: {  	[hbm:s6], [sflag:s5] =	dma.local [spmem:s10], $0x1870  }
0x3c: {  	_ =	swait.ge [sflag:s11], $0x1870  }
0x3d: {  	[sflag:s11] =	ssyncset.done $0x0  }
0x3e: {  	[sflag:s11] =	ssyncadd.s32 $0xFFFFE790  }
0x3f: {  	_ =	sfence.sel $0x180000  }
0x40: {  	[bflag:$0x0] =	sbarrier.arrive $0xFFFF  }
0x41: {  	p0 =	sne.s32 s0, $0x0;
	_ =	strace $0x90000056  }
0x42: {  	s0 =	sadd.s32 @!p0 $0x100000, s1;
	[bflag:$0x2] =	sbarrier.arrive $0xFFFF  }
0x43: {  	[sflag:s0] =	ssyncadd.tile.s32 @!p0 $0x1;
	_ =	shalt  }
.Lfunc_end2:
_tile_overlayer_lowered:
.L_overlay_start_2:
0x44: {  	(tag) =	ssettag $0x2  }
0x45: {  	s0 =	rddreg [dreg:$0x0];
	s2 =	stileid.u32  }
0x46: {  	s1 =	rddreg [dreg:$0x1];
	p0 =	sne.s32 s2, $0x0  }
0x47: {  	s3 =	rddreg [dreg:$0x2];
	[bflag:$0x3] =	sbarrier.arrive $0xFFFF;
	s2 =	simm.s32 @!p0 $0x1C01  }
0x48: {  	[timem:s3], [sflag:s2] =	dma.local @!p0 [hbm:s0], s1  }
0x49: {  	s0 =	simm.s32 @!p0 $0x1  }
0x4a: {  	_ =	swait.ge @!p0 [sflag:s0], s1  }
0x4b: {  	s1 =	ssub.s32 @!p0 $0x0, s1;
	[sflag:s0] =	ssyncset.done @!p0 $0x0  }
0x4c: {  	[sflag:s0] =	ssyncadd.s32 @!p0 s1  }
0x4d: {  	[bflag:$0x3] =	sbarrier.arrive $0xFFFF  }
0x4e: {  	_ =	shalt  }

// kernel: kernel.39.cloned.1.call-start
scs
__scs_entry_jumppad:
0x0: {  	(pc) =	sbr.rel $0x88, $3  }
0x1: {  	(tag) =	ssettag $0x0;
	lr =	simm.s32 $0x1  }
0x2: {  	[smem:$0x3F3E] =	sst lr;
	_ =	strace $0xD0000000  }
0x3: {  	_ = 	snop  }
0x4: {  	_ = 	snop  }
0x5: {  	_ = 	snop  }
0x6: {  	_ = 	snop  }
0x7: {  	_ = 	snop  }
__scs_overlays_trampoline_lowered:
0x8: {  	[smem:$0x3F4D] =	sst s0  }
0x9: {  	[smem:$0x3F4E] =	sst s1  }
0xa: {  	[smem:$0x3F4F] =	sst s2  }
0xb: {  	[smem:$0x3F50] =	sst s3  }
0xc: {  	[smem:$0x3F51] =	sst s4  }
0xd: {  	[smem:$0x3F52] =	sst s5  }
0xe: {  	[smem:$0x3F53] =	sst s6  }
0xf: {  	[smem:$0x3F54] =	sst s7  }
0x10: {  	[smem:$0x3F55] =	sst s8  }
0x11: {  	[smem:$0x3F56] =	sst s9;
	s0 =	simm.s32 @!p0 $0x0  }
0x12: {  	s1 =	sld [smem:$0x3F3C];
	s0 =	simm.s32 @p0 $0x1  }
0x13: {  	[smem:$0x3F57] =	sst s0;
	s0 =	simm.s32 @!p1 $0x0  }
0x14: {  	s2 =	sld [smem:$0x3F3B];
	s0 =	simm.s32 @p1 $0x1  }
0x15: {  	[smem:$0x3F58] =	sst s0;
	s0 =	simm.s32 @!p2 $0x0  }
0x16: {  	s3 =	sld [smem:$0x3FDB];
	s0 =	simm.s32 @p2 $0x1  }
0x17: {  	s4 =	simm.s32 $0x1BF5;
	[smem:$0x3F5A] =	sst s0  }
0x18: {  	s0 =	sld [smem:$0x3F3D];
	_ =	swait.ge [sflag:s4], $0x0  }
0x19: {  	s7 =	sld [smem:$0x3F3E]  }
0x1a: {  	s8 =	sadd.s32 $0xFFFFE003, lr  }
0x1b: {  	s9 =	sadd.s32 $0xFFFFFEF7, lr;
	s5 =	simm.s32 $0xFFFFFFFF;
	p2 =	slt.u32 s8, $0xFFFFF086  }
0x1c: {  	p1 =	slt.u32 s9, $0xF7A;
	s5 =	simm.s32 @!p2 $0x0  }
0x1d: {  	s5 =	simm.s32 @p1 $0x1;
	p0 =	seq.s32 s7, s2  }
0x1e: {  	s7 =	smul.u32 @!p0 $0xF7A, s2;
	p2 =	seq.s32 @!p0 s5, $0x0  }
0x1f: {  	s9 =	smul.u32 $0xF7A, s1;
	s8 =	simm.s32 @!p0 $0x1BF5;
	p2 =	por !p2, p0  }
0x20: {  	[sflag:s8] =	ssyncset.s32 @!p0 $0xFFFFF086;
	s6 =	sadd.s32 @!p0 s3, s7;
	s7 =	simm.s32 @!p0 $0x108  }
0x21: {  	s3 =	sadd.s32 s3, s9;
	s6 =	sadd.s32 @!p0 $0x88, s6;
	s7 =	simm.s32 @p2 $0x1082  }
0x22: {  	[simem:s7], [sflag:s8] =	dma.local @!p0 [hbm:s6], $0xF7A  }
0x23: {  	s9 =	sor.u32 $0xD0000000, s2;
	s6 =	simm.s32 $0x108;
	_ =	swait.ge @!p0 [sflag:s8], $0x0  }
0x24: {  	s3 =	sadd.s32 $0x88, s3;
	s6 =	simm.s32 @!p1 $0x1082;
	[sflag:s4] =	ssyncset.s32 $0xFFFFF086  }
0x25: {  	[simem:s6], [sflag:s4] =	dma.local [hbm:s3], $0xF7A  }
0x26: {  	[smem:$0x3F3E] =	sst s1;
	(tag) =	ssettag s2;
	_ =	strace s9  }
0x27: {  	s1 =	sld [smem:$0x3F4E]  }
0x28: {  	s2 =	sld [smem:$0x3F4F]  }
0x29: {  	s4 =	sld [smem:$0x3F51]  }
0x2a: {  	p0 =	seq.s32 s5, $0x0;
	s5 =	sld [smem:$0x3F52]  }
0x2b: {  	s6 =	sld [smem:$0x3F53]  }
0x2c: {  	s7 =	sld [smem:$0x3F54]  }
0x2d: {  	s3 =	simm.s32 $0x108;
	s8 =	sld [smem:$0x3F55]  }
0x2e: {  	s3 =	simm.s32 @!p0 $0x1082;
	s9 =	sld [smem:$0x3F56]  }
0x2f: {  	lr =	sadd.s32 s0, s3;
	s0 =	sld [smem:$0x3F4D]  }
0x30: {  	s3 =	sld [smem:$0x3F50]  }
0x31: {  	[smem:$0x3F59] =	sst s10  }
0x32: {  	s10 =	sld [smem:$0x3F57];
	_ =	sdelay $0x3  }
0x33: {  	p0 =	seq.s32 s10, $0x1;
	s10 =	sld [smem:$0x3F59];
	_ =	sdelay $0x3  }
0x34: {  	[smem:$0x3F59] =	sst s10  }
0x35: {  	s10 =	sld [smem:$0x3F58];
	_ =	sdelay $0x3  }
0x36: {  	p1 =	seq.s32 s10, $0x1;
	s10 =	sld [smem:$0x3F59];
	_ =	sdelay $0x3  }
0x37: {  	[smem:$0x3F59] =	sst s10  }
0x38: {  	s10 =	sld [smem:$0x3F5A]  }
0x39: {  	_ = 	snop;
	(pc) =	sbr.ind lr, $3  }
0x3a: {  	_ = 	snop  }
0x3b: {  	_ = 	snop  }
0x3c: {  	p2 =	seq.s32 s10, $0x1;
	s10 =	sld [smem:$0x3F59]  }
0x3d: {  	_ =	shalt  }
0x3e: {  	_ =	shalt  }
0x3f: {  	_ =	shalt  }
0x40: {  	_ =	shalt  }
0x41: {  	_ =	shalt  }
0x42: {  	_ =	shalt  }
0x43: {  	_ =	shalt  }
0x44: {  	_ =	shalt  }
0x45: {  	_ =	shalt  }
0x46: {  	_ =	shalt  }
0x47: {  	_ =	shalt  }
0x48: {  	_ =	shalt  }
0x49: {  	_ =	shalt  }
0x4a: {  	_ =	shalt  }
0x4b: {  	_ =	shalt  }
0x4c: {  	_ =	shalt  }
0x4d: {  	_ =	shalt  }
0x4e: {  	_ =	shalt  }
0x4f: {  	_ =	shalt  }
0x50: {  	_ =	shalt  }
0x51: {  	_ =	shalt  }
0x52: {  	_ =	shalt  }
0x53: {  	_ =	shalt  }
0x54: {  	_ =	shalt  }
0x55: {  	_ =	shalt  }
0x56: {  	_ =	shalt  }
0x57: {  	_ =	shalt  }
0x58: {  	_ =	shalt  }
0x59: {  	_ =	shalt  }
0x5a: {  	_ =	shalt  }
0x5b: {  	_ =	shalt  }
0x5c: {  	_ =	shalt  }
0x5d: {  	_ =	shalt  }
0x5e: {  	_ =	shalt  }
0x5f: {  	_ =	shalt  }
0x60: {  	_ =	shalt  }
0x61: {  	_ =	shalt  }
0x62: {  	_ =	shalt  }
0x63: {  	_ =	shalt  }
0x64: {  	_ =	shalt  }
0x65: {  	_ =	shalt  }
0x66: {  	_ =	shalt  }
0x67: {  	_ =	shalt  }
0x68: {  	_ =	shalt  }
0x69: {  	_ =	shalt  }
0x6a: {  	_ =	shalt  }
0x6b: {  	_ =	shalt  }
0x6c: {  	_ =	shalt  }
0x6d: {  	_ =	shalt  }
0x6e: {  	_ =	shalt  }
0x6f: {  	_ =	shalt  }
0x70: {  	_ =	shalt  }
0x71: {  	_ =	shalt  }
0x72: {  	_ =	shalt  }
0x73: {  	_ =	shalt  }
0x74: {  	_ =	shalt  }
0x75: {  	_ =	shalt  }
0x76: {  	_ =	shalt  }
0x77: {  	_ =	shalt  }
0x78: {  	_ =	shalt  }
0x79: {  	_ =	shalt  }
0x7a: {  	_ =	shalt  }
0x7b: {  	_ =	shalt  }
0x7c: {  	_ =	shalt  }
0x7d: {  	_ =	shalt  }
0x7e: {  	_ =	shalt  }
0x7f: {  	_ =	shalt  }
0x80: {  	_ =	shalt  }
0x81: {  	_ =	shalt  }
0x82: {  	_ =	shalt  }
0x83: {  	_ =	shalt  }
0x84: {  	_ =	shalt  }
0x85: {  	_ =	shalt  }
0x86: {  	_ =	shalt  }
0x87: {  	_ =	shalt  }
.Lfunc_end0:
.L_simem_size_0:
called_computation.6_lowered:
.L_overlay_start_0:
0x88: {  	s2 =	sld [smem:$0x3FD9]  }
0x89: {  	s3 =	sld [smem:$0x3FFE];
	_ =	sdelay $0x1  }
0x8a: {  	s1 =	srdreg.scid  }
0x8b: {  	s0 =	sand.u32 $0x1, s1  }
0x8c: {  	s16 =	sshll.u32 s0, $0xA;
	s2 =	sadd.s32 s3, s2  }
0x8d: {  	s2 =	sadd.s32 s2, s16  }
0x8e: {  	[smem:$0x3F65] =	sst s2  }
0x8f: {  	_ = 	snop  }
0x90: {  	(tm) =	ssettm $0x1  }
0x91: {  	s17 =	sld [smem:$0x3FFB];
	_ =	sdelay $0x3  }
0x92: {  	_ =	strace s17  }
0x93: {  	s2 =	sld [smem:$0x3FFC];
	_ =	sdelay $0x3  }
0x94: {  	_ =	strace s2  }
0x95: {  	s2 =	sld [smem:$0x3FFD];
	_ =	sdelay $0x3  }
0x96: {  	_ =	strace s2  }
0x97: {  	_ =	strace $0x8FFFFFFF  }
0x98: {  	s18 =	sld [smem:$0x3FDB];
	_ =	sdelay $0x1  }
0x99: {  	s19 =	simm.s32 $_scs_section_size  }
0x9a: {  	s4 =	simm.s32 $_size__tile_overlayer_lowered;
	s5 =	simm.s32 $_tile_overlayer_lowered  }
0x9b: {  	s22 =	simm.s32 $0x1BFF;
	s21 =	sshll.u32 s5, $0x1;
	s2 =	sadd.s32 s19, s18  }
0x9c: {  	s6 =	simm.s32 $0x0;
	s20 =	sshll.u32 s4, $0x1;
	s4 =	sadd.s32 s21, s2  }
0x9d: {  	[timem:s6], [sflag:s22] =	dma.local [hbm:s4], s20  }
0x9e: {  	_ =	swait.ge [sflag:s22], s20  }
0x9f: {  	s3 =	ssub.s32 $0x0, s20;
	[sflag:s22] =	ssyncset.done $0x0  }
0xa0: {  	[sflag:s22] =	ssyncadd.s32 s3;
	_ =	sdelay $0x1  }
0xa1: {  	s23 =	simm.s32 $0x1B8B  }
0xa2: {  	_ =	swait.ge [sflag:s23], $0x1  }
0xa3: {  	[sflag:s23] =	ssyncset.done $0x0  }
0xa4: {  	s25 =	simm.s32 $0x1B8E;
	s24 =	sld [smem:$0x3FFE];
	[sflag:s23] =	ssyncadd.s32 $0xFFFFFFFF  }
0xa5: {  	s26 =	simm.s32 $execute0_lowered;
	[smem:$0x3FD2] =	sst s25  }
0xa6: {  	s4 =	sshll.u32 s26, $0x1;
	_ =	strace $0x80000058;
	[dreg:$0x1] =	wrdreg $0xFFFFFFFF  }
0xa7: {  	s28 =	simm.s32 $_size_execute0_lowered;
	s2 =	sadd.s32 s2, s4;
	[dreg:$0x0] =	wrdreg $0x0  }
0xa8: {  	s4 =	sshll.u32 s28, $0x1;
	[dreg:$0x2] =	wrdreg s2  }
0xa9: {  	[dreg:$0x3] =	wrdreg s4  }
0xaa: {  	[dreg:$0x4] =	wrdreg $0xC0  }
0xab: {  	_ =	task [dreg:s6], $0x5FFFF  }
0xac: {  	[dreg:$0x1] =	wrdreg $0xFFFFFFFF  }
0xad: {  	[dreg:$0x0] =	wrdreg $0x60  }
0xae: {  	[dreg:$0x2] =	wrdreg s24  }
0xaf: {  	[dreg:$0x3] =	wrdreg $0x9  }
0xb0: {  	_ =	task.clear_ibuf [dreg:s6], $0x4FFFF;
	_ =	strace $0x90000058  }
0xb1: {  	s29 =	simm.s32 $0x9;
	_ =	strace $0x8000005A  }
0xb2: {  	_ =	swait.ge [sflag:s29], $0x1  }
0xb3: {  	[sflag:s29] =	ssyncadd.s32 $0xFFFFFFFF  }
0xb4: {  	_ =	strace $0x9000005A  }
0xb5: {  	_ =	sfence  }
0xb6: {  	s30 =	sld [smem:$0x0];
	_ =	sdelay $0x2  }
0xb7: {  	s31 =	sshll.u32 s1, $0xD;
	s1 =	sshrl.u32 s1, $0x2  }
0xb8: {  	s3 =	sand.u32 $0x4000, s31;
	s1 =	sadd.s32 s1, s30  }
0xb9: {  	s0 =	sor.u32 s3, s0;
	s1 =	sshll.u32 s1, $0x11  }
0xba: {  	s0 =	sor.u32 s1, s0  }
0xbb: {  	s0 =	sadd.s32 $0x8F2B, s0  }
0xbc: {  	[sflag:s0] =	ssyncadd.remote.s32 $0x1  }
0xbd: {  	_ =	sfence.sel $0xFFFF  }
0xbe: {  	[dreg:$0x0] =	wrdreg $0xFFFFFFFF;
	(pc) =	sbr.abs _section_cstart, $3  }
0xbf: {  	[dreg:$0x1] =	wrdreg $0xFFFFFFFF  }
0xc0: {  	_ =	task.clear_ibuf [dreg:s6], $0x2FFFF;
	_ =	strace $0x9FFFFFFF  }
0xc1: {  	(tm) =	ssettm $0x7FFFFFFF  }
tec
execute0_lowered:
.L_overlay_start_1:
0x0: {  	(tag) =	ssettag $0x1  }
0x1: {  	s4 =	rddreg [dreg:$0x0];
	s1 =	srdreg.scid  }
0x2: {  	s0 =	rddreg [dreg:$0x1];
	s5 =	sand.u32 $0x1, s1  }
0x3: {  	s2 =	simm.s32 $0x0;
	s1 =	stileid.u32;
	s6 =	smul.u32 $0xC3500, s5  }
0x4: {  	s10 =	simm.s32 $0x0;
	[smem:$0x7FF] =	sst s2;
	s7 =	smul.u32 $0xC350, s1  }
0x5: {  	s3 =	sadd.s32 $0x28F200, s4;
	s8 =	smul.u32 $0x186A00, s5;
	s5 =	ssub.s32 $0x2, s5  }
0x6: {  	_ =	strace $0x80000059;
	s9 =	smul.u32 $0x186A0, s1;
	s30 =	sshrl.u32 s5, $0x1  }
0x7: {  	s6 =	sadd.s32 s7, s6;
	s8 =	sadd.s32 s8, s4;
	s5 =	ssub.s32 s5, s30  }
0x8: {  	s7 =	simm.s32 $0x2;
	s6 =	sshrl.u32 s6, $0x3;
	s31 =	sadd.s32 s9, s8  }
0x9: {  	s8 =	simm.s32 $0x1388;
	s9 =	simm.s32 $0x1;
	s6 =	sadd.s32 s6, s4  }
0xa: {  	s4 =	smax.u32 s5, $0x1;
	s5 =	sadd.s32 $0x691800, s31;
	s6 =	sadd.s32 $0x415C00, s6  }
.LBB2_1:
0xb: {  	s11 =	sadd.s32 $0x0, s6  }
0xc: {  	[tilespmem:s2], [sflag:$0x2] =	stream.linear.gather [hbm4b:s11+s2], $0x1388, $0x38;
	[tilespmem:$0x14C08] =	vst v63  }
0xd: {  	_ =	swait.ge [sflag:s7], $0x1388  }
0xe: {  	[sflag:s7] =	ssyncset.done $0x0  }
0xf: {  	[sflag:s7] =	ssyncadd.s32 $0xFFFFEC78  }
0x10: {  	[tilespmem:s8], [sflag:$0x1] =	stream.indirect.gather [hbm4b:s3+s8], $0x10, s2, s8, $0xb8;
	[tilespmem:$0x14C08] =	vst v63  }
0x11: {  	_ =	swait.ge [sflag:s9], $0x13880  }
0x12: {  	[sflag:s9] =	ssyncset.done $0x0  }
0x13: {  	[sflag:s9] =	ssyncadd.s32 $0xFFFEC780  }
0x14: {  	[hbm4b:s5+s2] =	stream.linear.scatter [tilespmem:s8], [sflag:$0x2], $0x13880, $0x38;
	[tilespmem:$0x14C08] =	vst v63  }
0x15: {  	s12 =	simm.s32 $0x271;
	_ =	swait.ge [sflag:s7], $0x13880  }
0x16: {  	s13 =	simm.s32 $0x4E2;
	s11 =	sadd.s32 $0x2710, s5;
	[sflag:s7] =	ssyncset.done $0x0  }
.LBB2_2:
0x17: {  	s14 =	sadd.s32 s12, s6  }
0x18: {  	[sflag:s7] =	ssyncadd.s32 $0xFFFEC780;
	s12 =	smov.u32 s13;
	s15 =	sadd.s32 $0x271, s13  }
0x19: {  	[tilespmem:s2], [sflag:$0x2] =	stream.linear.gather [hbm4b:s14+s2], $0x1388, $0x38;
	[tilespmem:$0x14C08] =	vst v63  }
0x1a: {  	p0 =	sne.s32 s13, $0x15F9;
	_ =	swait.ge [sflag:s7], $0x1388  }
0x1b: {  	[sflag:s7] =	ssyncset.done $0x0  }
0x1c: {  	[sflag:s7] =	ssyncadd.s32 $0xFFFFEC78  }
0x1d: {  	[tilespmem:s8], [sflag:$0x1] =	stream.indirect.gather [hbm4b:s3+s8], $0x10, s2, s8, $0xb8;
	[tilespmem:$0x14C08] =	vst v63  }
0x1e: {  	_ =	swait.ge [sflag:s9], $0x13880  }
.Ltmp0:
0x1f: {  	[sflag:s9] =	ssyncset.done $0x0;
	(pc) =	sbr.rel @p0 .LBB2_2-.Ltmp0, $4  }
0x20: {  	[sflag:s9] =	ssyncadd.s32 $0xFFFEC780  }
0x21: {  	[hbm4b:s11+s2] =	stream.linear.scatter [tilespmem:s8], [sflag:$0x2], $0x13880, $0x38;
	[tilespmem:$0x14C08] =	vst v63  }
0x22: {  	_ =	swait.ge [sflag:s7], $0x13880  }
0x23: {  	s13 =	smov.u32 s15;
	s11 =	sadd.s32 $0x2710, s11;
	[sflag:s7] =	ssyncset.done $0x0  }
0x24: {  	s12 =	sadd.s32 s12, s6;
	[sflag:s7] =	ssyncadd.s32 $0xFFFEC780  }
0x25: {  	[tilespmem:s2], [sflag:$0x2] =	stream.linear.gather [hbm4b:s12+s2], $0x1388, $0x38;
	[tilespmem:$0x14C08] =	vst v63  }
0x26: {  	_ =	swait.ge [sflag:s7], $0x1388  }
0x27: {  	[sflag:s7] =	ssyncset.done $0x0  }
0x28: {  	[sflag:s7] =	ssyncadd.s32 $0xFFFFEC78  }
0x29: {  	[tilespmem:s8], [sflag:$0x1] =	stream.indirect.gather [hbm4b:s3+s8], $0x10, s2, s8, $0xb8;
	[tilespmem:$0x14C08] =	vst v63  }
0x2a: {  	s10 =	sadd.s32 $0x1, s10;
	_ =	swait.ge [sflag:s9], $0x13880  }
0x2b: {  	p0 =	sne.s32 s10, s4;
	[sflag:s9] =	ssyncset.done $0x0  }
.Ltmp1:
0x2c: {  	[sflag:s9] =	ssyncadd.s32 $0xFFFEC780;
	(pc) =	sbr.rel @p0 .LBB2_1-.Ltmp1, $4  }
0x2d: {  	[hbm4b:s11+s2] =	stream.linear.scatter [tilespmem:s8], [sflag:$0x2], $0x13880, $0x38;
	[tilespmem:$0x14C08] =	vst v63  }
0x2e: {  	_ =	swait.ge [sflag:s7], $0x13880  }
0x2f: {  	[sflag:s7] =	ssyncset.done $0x0  }
0x30: {  	[sflag:s7] =	ssyncadd.s32 $0xFFFEC780  }
0x31: {  	_ =	sfence.sel $0x180000  }
0x32: {  	[bflag:$0x0] =	sbarrier.arrive $0xFFFF  }
0x33: {  	p0 =	sne.s32 s1, $0x0;
	_ =	strace $0x90000059  }
0x34: {  	s0 =	sadd.s32 @!p0 $0x100000, s0;
	[bflag:$0x2] =	sbarrier.arrive $0xFFFF  }
0x35: {  	[sflag:s0] =	ssyncadd.tile.s32 @!p0 $0x1;
	_ =	shalt  }
.Lfunc_end2:
_tile_overlayer_lowered:
.L_overlay_start_2:
0x36: {  	(tag) =	ssettag $0x2  }
0x37: {  	s0 =	rddreg [dreg:$0x0];
	s2 =	stileid.u32  }
0x38: {  	s1 =	rddreg [dreg:$0x1];
	p0 =	sne.s32 s2, $0x0  }
0x39: {  	s3 =	rddreg [dreg:$0x2];
	[bflag:$0x3] =	sbarrier.arrive $0xFFFF;
	s2 =	simm.s32 @!p0 $0x1C02  }
0x3a: {  	[timem:s3], [sflag:s2] =	dma.local @!p0 [hbm:s0], s1  }
0x3b: {  	s0 =	simm.s32 @!p0 $0x2  }
0x3c: {  	_ =	swait.ge @!p0 [sflag:s0], s1  }
0x3d: {  	s1 =	ssub.s32 @!p0 $0x0, s1;
	[sflag:s0] =	ssyncset.done @!p0 $0x0  }
0x3e: {  	[sflag:s0] =	ssyncadd.s32 @!p0 s1  }
0x3f: {  	[bflag:$0x3] =	sbarrier.arrive $0xFFFF  }
0x40: {  	_ =	shalt  }

// kernel: kernel.42.cloned.1.call-start
scs
__scs_entry_jumppad:
0x0: {  	(pc) =	sbr.rel $0x88, $3  }
0x1: {  	(tag) =	ssettag $0x0;
	lr =	simm.s32 $0x1  }
0x2: {  	[smem:$0x3F3E] =	sst lr;
	_ =	strace $0xD0000000  }
0x3: {  	_ = 	snop  }
0x4: {  	_ = 	snop  }
0x5: {  	_ = 	snop  }
0x6: {  	_ = 	snop  }
0x7: {  	_ = 	snop  }
__scs_overlays_trampoline_lowered:
0x8: {  	[smem:$0x3F4D] =	sst s0  }
0x9: {  	[smem:$0x3F4E] =	sst s1  }
0xa: {  	[smem:$0x3F4F] =	sst s2  }
0xb: {  	[smem:$0x3F50] =	sst s3  }
0xc: {  	[smem:$0x3F51] =	sst s4  }
0xd: {  	[smem:$0x3F52] =	sst s5  }
0xe: {  	[smem:$0x3F53] =	sst s6  }
0xf: {  	[smem:$0x3F54] =	sst s7  }
0x10: {  	[smem:$0x3F55] =	sst s8  }
0x11: {  	[smem:$0x3F56] =	sst s9;
	s0 =	simm.s32 @!p0 $0x0  }
0x12: {  	s1 =	sld [smem:$0x3F3C];
	s0 =	simm.s32 @p0 $0x1  }
0x13: {  	[smem:$0x3F57] =	sst s0;
	s0 =	simm.s32 @!p1 $0x0  }
0x14: {  	s2 =	sld [smem:$0x3F3B];
	s0 =	simm.s32 @p1 $0x1  }
0x15: {  	[smem:$0x3F58] =	sst s0;
	s0 =	simm.s32 @!p2 $0x0  }
0x16: {  	s3 =	sld [smem:$0x3FDB];
	s0 =	simm.s32 @p2 $0x1  }
0x17: {  	s4 =	simm.s32 $0x1BF5;
	[smem:$0x3F5A] =	sst s0  }
0x18: {  	s0 =	sld [smem:$0x3F3D];
	_ =	swait.ge [sflag:s4], $0x0  }
0x19: {  	s7 =	sld [smem:$0x3F3E]  }
0x1a: {  	s8 =	sadd.s32 $0xFFFFE003, lr  }
0x1b: {  	s9 =	sadd.s32 $0xFFFFFEF7, lr;
	s5 =	simm.s32 $0xFFFFFFFF;
	p2 =	slt.u32 s8, $0xFFFFF086  }
0x1c: {  	p1 =	slt.u32 s9, $0xF7A;
	s5 =	simm.s32 @!p2 $0x0  }
0x1d: {  	s5 =	simm.s32 @p1 $0x1;
	p0 =	seq.s32 s7, s2  }
0x1e: {  	s7 =	smul.u32 @!p0 $0xF7A, s2;
	p2 =	seq.s32 @!p0 s5, $0x0  }
0x1f: {  	s9 =	smul.u32 $0xF7A, s1;
	s8 =	simm.s32 @!p0 $0x1BF5;
	p2 =	por !p2, p0  }
0x20: {  	[sflag:s8] =	ssyncset.s32 @!p0 $0xFFFFF086;
	s6 =	sadd.s32 @!p0 s3, s7;
	s7 =	simm.s32 @!p0 $0x108  }
0x21: {  	s3 =	sadd.s32 s3, s9;
	s6 =	sadd.s32 @!p0 $0x88, s6;
	s7 =	simm.s32 @p2 $0x1082  }
0x22: {  	[simem:s7], [sflag:s8] =	dma.local @!p0 [hbm:s6], $0xF7A  }
0x23: {  	s9 =	sor.u32 $0xD0000000, s2;
	s6 =	simm.s32 $0x108;
	_ =	swait.ge @!p0 [sflag:s8], $0x0  }
0x24: {  	s3 =	sadd.s32 $0x88, s3;
	s6 =	simm.s32 @!p1 $0x1082;
	[sflag:s4] =	ssyncset.s32 $0xFFFFF086  }
0x25: {  	[simem:s6], [sflag:s4] =	dma.local [hbm:s3], $0xF7A  }
0x26: {  	[smem:$0x3F3E] =	sst s1;
	(tag) =	ssettag s2;
	_ =	strace s9  }
0x27: {  	s1 =	sld [smem:$0x3F4E]  }
0x28: {  	s2 =	sld [smem:$0x3F4F]  }
0x29: {  	s4 =	sld [smem:$0x3F51]  }
0x2a: {  	p0 =	seq.s32 s5, $0x0;
	s5 =	sld [smem:$0x3F52]  }
0x2b: {  	s6 =	sld [smem:$0x3F53]  }
0x2c: {  	s7 =	sld [smem:$0x3F54]  }
0x2d: {  	s3 =	simm.s32 $0x108;
	s8 =	sld [smem:$0x3F55]  }
0x2e: {  	s3 =	simm.s32 @!p0 $0x1082;
	s9 =	sld [smem:$0x3F56]  }
0x2f: {  	lr =	sadd.s32 s0, s3;
	s0 =	sld [smem:$0x3F4D]  }
0x30: {  	s3 =	sld [smem:$0x3F50]  }
0x31: {  	[smem:$0x3F59] =	sst s10  }
0x32: {  	s10 =	sld [smem:$0x3F57];
	_ =	sdelay $0x3  }
0x33: {  	p0 =	seq.s32 s10, $0x1;
	s10 =	sld [smem:$0x3F59];
	_ =	sdelay $0x3  }
0x34: {  	[smem:$0x3F59] =	sst s10  }
0x35: {  	s10 =	sld [smem:$0x3F58];
	_ =	sdelay $0x3  }
0x36: {  	p1 =	seq.s32 s10, $0x1;
	s10 =	sld [smem:$0x3F59];
	_ =	sdelay $0x3  }
0x37: {  	[smem:$0x3F59] =	sst s10  }
0x38: {  	s10 =	sld [smem:$0x3F5A]  }
0x39: {  	_ = 	snop;
	(pc) =	sbr.ind lr, $3  }
0x3a: {  	_ = 	snop  }
0x3b: {  	_ = 	snop  }
0x3c: {  	p2 =	seq.s32 s10, $0x1;
	s10 =	sld [smem:$0x3F59]  }
0x3d: {  	_ =	shalt  }
0x3e: {  	_ =	shalt  }
0x3f: {  	_ =	shalt  }
0x40: {  	_ =	shalt  }
0x41: {  	_ =	shalt  }
0x42: {  	_ =	shalt  }
0x43: {  	_ =	shalt  }
0x44: {  	_ =	shalt  }
0x45: {  	_ =	shalt  }
0x46: {  	_ =	shalt  }
0x47: {  	_ =	shalt  }
0x48: {  	_ =	shalt  }
0x49: {  	_ =	shalt  }
0x4a: {  	_ =	shalt  }
0x4b: {  	_ =	shalt  }
0x4c: {  	_ =	shalt  }
0x4d: {  	_ =	shalt  }
0x4e: {  	_ =	shalt  }
0x4f: {  	_ =	shalt  }
0x50: {  	_ =	shalt  }
0x51: {  	_ =	shalt  }
0x52: {  	_ =	shalt  }
0x53: {  	_ =	shalt  }
0x54: {  	_ =	shalt  }
0x55: {  	_ =	shalt  }
0x56: {  	_ =	shalt  }
0x57: {  	_ =	shalt  }
0x58: {  	_ =	shalt  }
0x59: {  	_ =	shalt  }
0x5a: {  	_ =	shalt  }
0x5b: {  	_ =	shalt  }
0x5c: {  	_ =	shalt  }
0x5d: {  	_ =	shalt  }
0x5e: {  	_ =	shalt  }
0x5f: {  	_ =	shalt  }
0x60: {  	_ =	shalt  }
0x61: {  	_ =	shalt  }
0x62: {  	_ =	shalt  }
0x63: {  	_ =	shalt  }
0x64: {  	_ =	shalt  }
0x65: {  	_ =	shalt  }
0x66: {  	_ =	shalt  }
0x67: {  	_ =	shalt  }
0x68: {  	_ =	shalt  }
0x69: {  	_ =	shalt  }
0x6a: {  	_ =	shalt  }
0x6b: {  	_ =	shalt  }
0x6c: {  	_ =	shalt  }
0x6d: {  	_ =	shalt  }
0x6e: {  	_ =	shalt  }
0x6f: {  	_ =	shalt  }
0x70: {  	_ =	shalt  }
0x71: {  	_ =	shalt  }
0x72: {  	_ =	shalt  }
0x73: {  	_ =	shalt  }
0x74: {  	_ =	shalt  }
0x75: {  	_ =	shalt  }
0x76: {  	_ =	shalt  }
0x77: {  	_ =	shalt  }
0x78: {  	_ =	shalt  }
0x79: {  	_ =	shalt  }
0x7a: {  	_ =	shalt  }
0x7b: {  	_ =	shalt  }
0x7c: {  	_ =	shalt  }
0x7d: {  	_ =	shalt  }
0x7e: {  	_ =	shalt  }
0x7f: {  	_ =	shalt  }
0x80: {  	_ =	shalt  }
0x81: {  	_ =	shalt  }
0x82: {  	_ =	shalt  }
0x83: {  	_ =	shalt  }
0x84: {  	_ =	shalt  }
0x85: {  	_ =	shalt  }
0x86: {  	_ =	shalt  }
0x87: {  	_ =	shalt  }
.Lfunc_end0:
.L_simem_size_0:
called_computation.7_lowered:
.L_overlay_start_0:
0x88: {  	s2 =	sld [smem:$0x3FD9]  }
0x89: {  	s3 =	sld [smem:$0x3FFE];
	_ =	sdelay $0x1  }
0x8a: {  	s1 =	srdreg.scid  }
0x8b: {  	s0 =	sand.u32 $0x1, s1  }
0x8c: {  	s16 =	sshll.u32 s0, $0xA;
	s2 =	sadd.s32 s3, s2  }
0x8d: {  	s2 =	sadd.s32 s2, s16  }
0x8e: {  	[smem:$0x3F65] =	sst s2  }
0x8f: {  	_ = 	snop  }
0x90: {  	(tm) =	ssettm $0x1  }
0x91: {  	s17 =	sld [smem:$0x3FFB];
	_ =	sdelay $0x3  }
0x92: {  	_ =	strace s17  }
0x93: {  	s2 =	sld [smem:$0x3FFC];
	_ =	sdelay $0x3  }
0x94: {  	_ =	strace s2  }
0x95: {  	s2 =	sld [smem:$0x3FFD];
	_ =	sdelay $0x3  }
0x96: {  	_ =	strace s2  }
0x97: {  	_ =	strace $0x8FFFFFFF  }
0x98: {  	s18 =	sld [smem:$0x3FDB];
	_ =	sdelay $0x1  }
0x99: {  	s19 =	simm.s32 $_scs_section_size  }
0x9a: {  	s4 =	simm.s32 $_size__tile_overlayer_lowered;
	s5 =	simm.s32 $_tile_overlayer_lowered  }
0x9b: {  	s22 =	simm.s32 $0x1BFF;
	s21 =	sshll.u32 s5, $0x1;
	s2 =	sadd.s32 s19, s18  }
0x9c: {  	s6 =	simm.s32 $0x0;
	s20 =	sshll.u32 s4, $0x1;
	s4 =	sadd.s32 s21, s2  }
0x9d: {  	[timem:s6], [sflag:s22] =	dma.local [hbm:s4], s20  }
0x9e: {  	_ =	swait.ge [sflag:s22], s20  }
0x9f: {  	s3 =	ssub.s32 $0x0, s20;
	[sflag:s22] =	ssyncset.done $0x0  }
0xa0: {  	[sflag:s22] =	ssyncadd.s32 s3;
	_ =	sdelay $0x1  }
0xa1: {  	s23 =	simm.s32 $0x1B8B  }
0xa2: {  	_ =	swait.ge [sflag:s23], $0x1  }
0xa3: {  	[sflag:s23] =	ssyncset.done $0x0  }
0xa4: {  	s25 =	simm.s32 $0x1B8E;
	s24 =	sld [smem:$0x3FFE];
	[sflag:s23] =	ssyncadd.s32 $0xFFFFFFFF  }
0xa5: {  	s26 =	simm.s32 $execute0_lowered;
	[smem:$0x3FD2] =	sst s25  }
0xa6: {  	s4 =	sshll.u32 s26, $0x1;
	_ =	strace $0x8000005B;
	[dreg:$0x1] =	wrdreg $0xFFFFFFFF  }
0xa7: {  	s28 =	simm.s32 $_size_execute0_lowered;
	s2 =	sadd.s32 s2, s4;
	[dreg:$0x0] =	wrdreg $0x0  }
0xa8: {  	s4 =	sshll.u32 s28, $0x1;
	[dreg:$0x2] =	wrdreg s2  }
0xa9: {  	[dreg:$0x3] =	wrdreg s4  }
0xaa: {  	[dreg:$0x4] =	wrdreg $0xC0  }
0xab: {  	_ =	task [dreg:s6], $0x5FFFF  }
0xac: {  	[dreg:$0x1] =	wrdreg $0xFFFFFFFF  }
0xad: {  	[dreg:$0x0] =	wrdreg $0x60  }
0xae: {  	[dreg:$0x2] =	wrdreg s24  }
0xaf: {  	[dreg:$0x3] =	wrdreg $0x42680  }
0xb0: {  	[dreg:$0x4] =	wrdreg $0x9  }
0xb1: {  	_ =	task.clear_ibuf [dreg:s6], $0x5FFFF;
	_ =	strace $0x9000005B  }
0xb2: {  	s29 =	simm.s32 $0x9;
	_ =	strace $0x8000005D  }
0xb3: {  	_ =	swait.ge [sflag:s29], $0x1  }
0xb4: {  	[sflag:s29] =	ssyncadd.s32 $0xFFFFFFFF  }
0xb5: {  	_ =	strace $0x9000005D  }
0xb6: {  	_ =	sfence  }
0xb7: {  	s30 =	sld [smem:$0x0];
	_ =	sdelay $0x2  }
0xb8: {  	s31 =	sshll.u32 s1, $0xD;
	s1 =	sshrl.u32 s1, $0x2  }
0xb9: {  	s3 =	sand.u32 $0x4000, s31;
	s1 =	sadd.s32 s1, s30  }
0xba: {  	s0 =	sor.u32 s3, s0;
	s1 =	sshll.u32 s1, $0x11  }
0xbb: {  	s0 =	sor.u32 s1, s0  }
0xbc: {  	s0 =	sadd.s32 $0x8F2B, s0  }
0xbd: {  	[sflag:s0] =	ssyncadd.remote.s32 $0x1  }
0xbe: {  	_ =	sfence.sel $0xFFFF  }
0xbf: {  	[dreg:$0x0] =	wrdreg $0xFFFFFFFF;
	(pc) =	sbr.abs _section_cstart, $3  }
0xc0: {  	[dreg:$0x1] =	wrdreg $0xFFFFFFFF  }
0xc1: {  	_ =	task.clear_ibuf [dreg:s6], $0x2FFFF;
	_ =	strace $0x9FFFFFFF  }
0xc2: {  	(tm) =	ssettm $0x7FFFFFFF  }
0xc3: {  	_ =	shalt  }
tec
execute0_lowered:
.L_overlay_start_1:
0x0: {  	(tag) =	ssettag $0x1  }
0x1: {  	s0 =	srdreg.scid  }
0x2: {  	s5 =	rddreg [dreg:$0x0];
	s4 =	sand.u32 $0x1, s0  }
0x3: {  	s0 =	stileid.u32;
	s6 =	smul.u32 $0x61A80, s4  }
0x4: {  	s2 =	rddreg [dreg:$0x1];
	s7 =	smul.u32 $0x61A8, s0  }
0x5: {  	s1 =	rddreg [dreg:$0x2];
	s3 =	simm.s32 $0x0;
	s8 =	smul.u32 $0xC3500, s4  }
0x6: {  	[smem:$0x7FF] =	sst s3;
	s26 =	smul.u32 $0x1870, s0  }
0x7: {  	s9 =	smul.u32 $0x18700, s4;
	_ =	strace $0x8000005C;
	s29 =	ssub.s32 $0x2, s4  }
0x8: {  	s30 =	smul.u32 $0x30E00, s0;
	s4 =	sadd.s32 $0xD7800, s5;
	s11 =	sshll.u32 s0, $0x6  }
0x9: {  	s12 =	smul.u32 $0xC350, s0;
	s31 =	sshrl.u32 s29, $0x1;
	s6 =	sadd.s32 s7, s6  }
0xa: {  	s8 =	sadd.s32 s8, s5;
	s28 =	sadd.s32 s26, s9;
	s9 =	sshrl.u32 s30, $0x2  }
0xb: {  	s7 =	ssub.s32 s29, s31;
	s6 =	sshrl.u32 s6, $0x3;
	s13 =	sadd.s32 s9, s2  }
0xc: {  	s7 =	smax.u32 s7, $0x1;
	s8 =	sadd.s32 s12, s8;
	s12 =	simm.s32 $0x3E8  }
0xd: {  	s10 =	sadd.s32 s6, s5;
	s6 =	sadd.s32 s28, s5;
	s5 =	sor.u32 $0x1C01, s11  }
0xe: {  	s8 =	sadd.s32 $0x383E00, s8;
	s11 =	simm.s32 $0x1;
	s6 =	sadd.s32 $0x50A800, s6  }
0xf: {  	s9 =	sadd.s32 $0xF0000, s10;
	s10 =	sshrl.u32 s13, $0x3;
	s13 =	simm.s32 $0x0  }
.LBB2_1:
0x10: {  	[spmem:s10], [sflag:s5] =	dma.local [hbm:s4], $0x1870  }
0x11: {  	_ =	swait.ge [sflag:s11], $0x1870  }
0x12: {  	[sflag:s11] =	ssyncset.done $0x0  }
0x13: {  	[sflag:s11] =	ssyncadd.s32 $0xFFFFE790  }
0x14: {  	s14 =	sadd.s32 $0x0, s9;
	[bflag:$0x0] =	sbarrier.arrive $0xFFFF  }
0x15: {  	[tilespmem:s3], [sflag:$0x1] =	stream.linear.gather [hbm4b:s14+s3], $0x3E8, $0x38;
	[tilespmem:$0x105E8] =	vst v63  }
0x16: {  	_ =	swait.ge [sflag:s11], $0x3E8  }
0x17: {  	[sflag:s11] =	ssyncset.done $0x0  }
0x18: {  	[sflag:s11] =	ssyncadd.s32 $0xFFFFFC18  }
0x19: {  	[tilespmem:s12], [sflag:$0x1] =	stream.linear.gather [hbm4b:s8+s3], $0x3E80, $0x38;
	[tilespmem:$0x105E8] =	vst v63  }
0x1a: {  	_ =	swait.ge [sflag:s11], $0x3E80  }
0x1b: {  	[sflag:s11] =	ssyncset.done $0x0  }
0x1c: {  	[sflag:s11] =	ssyncadd.s32 $0xFFFFC180  }
0x1d: {  	[spmem:s2] =	stream.indirect.scatter.add.f32 [tilespmem:s12], [sflag:$0x1], $0x10, s3, s12, $0xb8;
	[tilespmem:$0x105E8] =	vst v63  }
0x1e: {  	s15 =	simm.s32 $0x7D;
	_ =	swait.ge [sflag:s11], $0x3E80  }
0x1f: {  	s16 =	simm.s32 $0xFA;
	s14 =	sadd.s32 $0x7D0, s8;
	[sflag:s11] =	ssyncset.done $0x0  }
.LBB2_2:
0x20: {  	s17 =	sadd.s32 s15, s9  }
0x21: {  	[sflag:s11] =	ssyncadd.s32 $0xFFFFC180;
	s15 =	smov.u32 s16;
	s18 =	sadd.s32 $0x7D, s16  }
0x22: {  	[tilespmem:s3], [sflag:$0x1] =	stream.linear.gather [hbm4b:s17+s3], $0x3E8, $0x38;
	[tilespmem:$0x105E8] =	vst v63  }
0x23: {  	p0 =	sne.s32 s16, $0xBB8;
	_ =	swait.ge [sflag:s11], $0x3E8  }
0x24: {  	[sflag:s11] =	ssyncset.done $0x0  }
0x25: {  	[sflag:s11] =	ssyncadd.s32 $0xFFFFFC18  }
0x26: {  	[tilespmem:s12], [sflag:$0x1] =	stream.linear.gather [hbm4b:s14+s3], $0x3E80, $0x38;
	[tilespmem:$0x105E8] =	vst v63  }
0x27: {  	_ =	swait.ge [sflag:s11], $0x3E80  }
.Ltmp0:
0x28: {  	[sflag:s11] =	ssyncset.done $0x0;
	(pc) =	sbr.rel @p0 .LBB2_2-.Ltmp0, $4  }
0x29: {  	[sflag:s11] =	ssyncadd.s32 $0xFFFFC180  }
0x2a: {  	[spmem:s2] =	stream.indirect.scatter.add.f32 [tilespmem:s12], [sflag:$0x1], $0x10, s3, s12, $0xb8;
	[tilespmem:$0x105E8] =	vst v63  }
0x2b: {  	_ =	swait.ge [sflag:s11], $0x3E80  }
0x2c: {  	s16 =	smov.u32 s18;
	s14 =	sadd.s32 $0x7D0, s14;
	[sflag:s11] =	ssyncset.done $0x0  }
0x2d: {  	s15 =	sadd.s32 s15, s9;
	[sflag:s11] =	ssyncadd.s32 $0xFFFFC180  }
0x2e: {  	[tilespmem:s3], [sflag:$0x1] =	stream.linear.gather [hbm4b:s15+s3], $0x3E8, $0x38;
	[tilespmem:$0x105E8] =	vst v63  }
0x2f: {  	_ =	swait.ge [sflag:s11], $0x3E8  }
0x30: {  	[sflag:s11] =	ssyncset.done $0x0  }
0x31: {  	[sflag:s11] =	ssyncadd.s32 $0xFFFFFC18  }
0x32: {  	[tilespmem:s12], [sflag:$0x1] =	stream.linear.gather [hbm4b:s14+s3], $0x3E80, $0x38;
	[tilespmem:$0x105E8] =	vst v63  }
0x33: {  	_ =	swait.ge [sflag:s11], $0x3E80  }
0x34: {  	[sflag:s11] =	ssyncset.done $0x0  }
0x35: {  	[sflag:s11] =	ssyncadd.s32 $0xFFFFC180  }
0x36: {  	[spmem:s2] =	stream.indirect.scatter.add.f32 [tilespmem:s12], [sflag:$0x1], $0x10, s3, s12, $0xb8;
	[tilespmem:$0x105E8] =	vst v63  }
0x37: {  	_ =	swait.ge [sflag:s11], $0x3E80  }
0x38: {  	s13 =	sadd.s32 $0x1, s13;
	[sflag:s11] =	ssyncset.done $0x0  }
0x39: {  	p0 =	sne.s32 s13, s7;
	[sflag:s11] =	ssyncadd.s32 $0xFFFFC180  }
.Ltmp1:
0x3a: {  	[bflag:$0x0] =	sbarrier.arrive $0xFFFF;
	(pc) =	sbr.rel @p0 .LBB2_1-.Ltmp1, $4  }
0x3b: {  	[hbm:s6], [sflag:s5] =	dma.local [spmem:s10], $0x1870  }
0x3c: {  	_ =	swait.ge [sflag:s11], $0x1870  }
0x3d: {  	[sflag:s11] =	ssyncset.done $0x0  }
0x3e: {  	[sflag:s11] =	ssyncadd.s32 $0xFFFFE790  }
0x3f: {  	_ =	sfence.sel $0x180000  }
0x40: {  	[bflag:$0x0] =	sbarrier.arrive $0xFFFF  }
0x41: {  	p0 =	sne.s32 s0, $0x0;
	_ =	strace $0x9000005C  }
0x42: {  	s0 =	sadd.s32 @!p0 $0x100000, s1;
	[bflag:$0x2] =	sbarrier.arrive $0xFFFF  }
0x43: {  	[sflag:s0] =	ssyncadd.tile.s32 @!p0 $0x1;
	_ =	shalt  }
.Lfunc_end2:
_tile_overlayer_lowered:
.L_overlay_start_2:
0x44: {  	(tag) =	ssettag $0x2  }
0x45: {  	s0 =	rddreg [dreg:$0x0];
	s2 =	stileid.u32  }
0x46: {  	s1 =	rddreg [dreg:$0x1];
	p0 =	sne.s32 s2, $0x0  }
0x47: {  	s3 =	rddreg [dreg:$0x2];
	[bflag:$0x3] =	sbarrier.arrive $0xFFFF;
	s2 =	simm.s32 @!p0 $0x1C01  }
0x48: {  	[timem:s3], [sflag:s2] =	dma.local @!p0 [hbm:s0], s1  }
0x49: {  	s0 =	simm.s32 @!p0 $0x1  }
0x4a: {  	_ =	swait.ge @!p0 [sflag:s0], s1  }
0x4b: {  	s1 =	ssub.s32 @!p0 $0x0, s1;
	[sflag:s0] =	ssyncset.done @!p0 $0x0  }
0x4c: {  	[sflag:s0] =	ssyncadd.s32 @!p0 s1  }
0x4d: {  	[bflag:$0x3] =	sbarrier.arrive $0xFFFF  }
0x4e: {  	_ =	shalt  }

</sc_bundles>
